<compile_context>
chip_gen: v7x
topology: tpu7x:2x2x1
jax: 0.10.2.dev20260603
libtpu: 0.0.44.dev20260713+nightly
codegen_flags: <defaults>
</compile_context>

<pallas_src>
import functools

import jax
import jax.numpy as jnp
from jax import lax
from jax.experimental import pallas as pl
from jax.experimental.pallas import tpu as pltpu
from jax.experimental.pallas import tpu_sc as plsc

N_NODES = 10000
N_EDGES = 320000
D_IN = 128
D_HID = 128
D_OUT = 64

NP = 10240
NC = 2
NS = 16
NW = NC * NS
K = 128
CH = 80
CHP = CH + 2
EP = NW * CHP * K
ROWS_PER_TILE = NP // NS

_mesh = functools.partial(
    plsc.VectorSubcoreMesh,
    core_axis_name="c", subcore_axis_name="s",
    num_cores=NC, num_subcores=NS)


def _make_deg_kernel():
    ZR = 64
    DW = 16

    @functools.partial(
        pl.kernel,
        out_type=jax.ShapeDtypeStruct((NC, NP, DW), jnp.float32),
        mesh=_mesh(),
        compiler_params=pltpu.CompilerParams(use_tc_tiling_on_sc=False),
        scratch_types=[
            pltpu.VMEM((CHP, K), jnp.int32),
            pltpu.VMEM((K, DW), jnp.float32),
            pltpu.VMEM((ZR, DW), jnp.float32),
            pltpu.VMEM_SHARED((NP, DW), jnp.float32),
            pltpu.SemaphoreType.DMA,
        ],
    )
    def deg_kernel(dst_hbm, out_hbm, dst_v, ones_v, zb_v, acc_s, ssem):
        cid = lax.axis_index("c")
        sid = lax.axis_index("s")
        wid = sid * NC + cid
        pltpu.sync_copy(dst_hbm.at[wid], dst_v)
        one = jnp.ones((16,), jnp.float32)
        zero = jnp.zeros((16,), jnp.float32)
        for r in range(K):
            for c in range(DW // 16):
                ones_v[r, pl.ds(c * 16, 16)] = one
        for r in range(ZR):
            for c in range(DW // 16):
                zb_v[r, pl.ds(c * 16, 16)] = zero
        row0 = sid * ROWS_PER_TILE

        def zloop(t, carry):
            pltpu.sync_copy(zb_v, acc_s.at[pl.ds(row0 + t * ZR, ZR)])
            return carry

        lax.fori_loop(jnp.int32(0), jnp.int32(ROWS_PER_TILE // ZR), zloop,
                      jnp.int32(0))
        plsc.subcore_barrier()

        pltpu.async_copy(ones_v, acc_s.at[dst_v.at[jnp.int32(0)]], ssem,
                         add=True)

        def chunk(j, carry):
            pltpu.async_copy(ones_v, acc_s.at[dst_v.at[j + 1]], ssem,
                             add=True)
            pltpu.make_async_copy(ones_v, acc_s.at[dst_v.at[j]], ssem).wait()
            return carry

        lax.fori_loop(jnp.int32(0), jnp.int32(CH - 1), chunk, jnp.int32(0))
        pltpu.make_async_copy(ones_v, acc_s.at[dst_v.at[jnp.int32(CH - 1)]],
                              ssem).wait()
        plsc.subcore_barrier()
        pltpu.sync_copy(acc_s.at[pl.ds(row0, ROWS_PER_TILE)],
                        out_hbm.at[cid, pl.ds(row0, ROWS_PER_TILE)])

    return deg_kernel


def _make_agg_kernel(D, tc_tiling=True):

    @functools.partial(
        pl.kernel,
        out_type=jax.ShapeDtypeStruct((NC, NP, D), jnp.float32),
        mesh=_mesh(),
        compiler_params=pltpu.CompilerParams(use_tc_tiling_on_sc=tc_tiling),
        scratch_types=[
            pltpu.VMEM((CHP, K), jnp.int32),
            pltpu.VMEM((K,), jnp.int32),
            pltpu.VMEM((K,), jnp.int32),
            pltpu.VMEM((K,), jnp.int32),
            pltpu.VMEM((K,), jnp.int32),
            pltpu.VMEM((K, D), jnp.float32),
            pltpu.VMEM((K, D), jnp.float32),
            pltpu.VMEM_SHARED((NP, D), jnp.float32),
            pltpu.SemaphoreType.DMA,
            pltpu.SemaphoreType.DMA,
            pltpu.SemaphoreType.DMA,
        ],
    )
    def agg_kernel(g_hbm, pk_hbm, out_hbm,
                   pk_v, sidx0, sidx1, didx0, didx1, rows0, rows1, acc_s,
                   gsem, ssem0, ssem1):
        cid = lax.axis_index("c")
        sid = lax.axis_index("s")
        wid = sid * NC + cid
        sidx = (sidx0, sidx1)
        didx = (didx0, didx1)
        rows = (rows0, rows1)
        ssem = (ssem0, ssem1)
        pltpu.sync_copy(pk_hbm.at[wid], pk_v)
        zero = jnp.zeros((16,), jnp.float32)

        def zrow(r, carry):
            for c in range(D // 16):
                rows0[r, pl.ds(c * 16, 16)] = zero
            return carry

        lax.fori_loop(jnp.int32(0), jnp.int32(K), zrow, jnp.int32(0))
        row0 = sid * ROWS_PER_TILE

        def zloop(t, carry):
            pltpu.sync_copy(rows0, acc_s.at[pl.ds(row0 + t * K, K)])
            return carry

        lax.fori_loop(jnp.int32(0), jnp.int32(ROWS_PER_TILE // K), zloop,
                      jnp.int32(0))
        plsc.subcore_barrier()

        mask = jnp.full((16,), 16383, jnp.int32)
        sh = jnp.full((16,), 14, jnp.int32)

        def unpack(j, e):
            for c in range(K // 16):
                v = pk_v[j, pl.ds(c * 16, 16)]
                sidx[e][pl.ds(c * 16, 16)] = jnp.bitwise_and(v, mask)
                didx[e][pl.ds(c * 16, 16)] = jnp.right_shift(v, sh)

        unpack(jnp.int32(0), 0)
        pltpu.async_copy(g_hbm.at[sidx[0]], rows[0], gsem)
        unpack(jnp.int32(1), 1)
        pltpu.make_async_copy(g_hbm.at[sidx[0]], rows[0], gsem).wait()

        def pipestep(u, carry):
            for e in range(2):
                t = u * 2 + e
                o = 1 - e
                pltpu.async_copy(rows[e], acc_s.at[didx[e]], ssem[e],
                                 add=True)
                pltpu.async_copy(g_hbm.at[sidx[o]], rows[o], gsem)
                pltpu.make_async_copy(rows[e], acc_s.at[didx[e]],
                                      ssem[e]).wait()
                unpack(t + 2, e)
                pltpu.make_async_copy(g_hbm.at[sidx[o]], rows[o],
                                      gsem).wait()
            return carry

        lax.fori_loop(jnp.int32(0), jnp.int32(CH // 2), pipestep,
                      jnp.int32(0))
        plsc.subcore_barrier()
        pltpu.sync_copy(acc_s.at[pl.ds(row0, ROWS_PER_TILE)],
                        out_hbm.at[cid, pl.ds(row0, ROWS_PER_TILE)])

    return agg_kernel


_deg_kernel = _make_deg_kernel()
_agg128 = _make_agg_kernel(D_HID)
_agg64 = _make_agg_kernel(D_OUT, tc_tiling=False)


def _tc_scale_in(x_pad, W1, degp):
    def body(x_ref, w_ref, degp_ref, g_ref, dis_ref):
        deg = degp_ref[0, :, 0:1] + degp_ref[1, :, 0:1] + 1.0
        dis = lax.rsqrt(deg)
        h = jnp.dot(x_ref[...], w_ref[...],
                    preferred_element_type=jnp.float32)
        g_ref[...] = h * dis
        dis_ref[...] = dis

    return pl.pallas_call(
        body,
        out_shape=(jax.ShapeDtypeStruct((NP, D_HID), jnp.float32),
                   jax.ShapeDtypeStruct((NP, 1), jnp.float32)),
    )(x_pad, W1, degp)


def _tc_mid(p1, g1, dis, b1, W2):
    def body(p_ref, g1_ref, dis_ref, b1_ref, w2_ref, g2_ref):
        dis = dis_ref[...]
        s = dis * (p_ref[0] + p_ref[1] + g1_ref[...]) + b1_ref[...]
        h = jnp.maximum(s, 0.0)
        g2_ref[...] = dis * jnp.dot(h, w2_ref[...],
                                    preferred_element_type=jnp.float32)

    return pl.pallas_call(
        body,
        out_shape=jax.ShapeDtypeStruct((NP, D_OUT), jnp.float32),
    )(p1, g1, dis, b1, W2)


def _tc_out(p2, g2, dis, b2):
    def body(p_ref, g2_ref, dis_ref, b2_ref, z_ref):
        z_ref[...] = dis_ref[...] * (
            p_ref[0] + p_ref[1] + g2_ref[...]
        ) + b2_ref[...]

    return pl.pallas_call(
        body,
        out_shape=jax.ShapeDtypeStruct((NP, D_OUT), jnp.float32),
    )(p2, g2, dis, b2)


def kernel(x, edge_index, W1, b1, W2, b2):
    ei = edge_index.astype(jnp.int32)
    pad = N_NODES + jnp.arange(EP - N_EDGES, dtype=jnp.int32) % (NP - N_NODES)
    src3 = jnp.concatenate([ei[0], pad]).reshape(CHP, NW, K).transpose(1, 0, 2)
    dst3 = jnp.concatenate([ei[1], pad]).reshape(CHP, NW, K).transpose(1, 0, 2)
    x_pad = jnp.zeros((NP, D_IN), jnp.float32).at[:N_NODES].set(
        x.astype(jnp.float32))
    b1r = b1.astype(jnp.float32).reshape(1, D_HID)
    b2r = b2.astype(jnp.float32).reshape(1, D_OUT)

    pk3 = src3 | (dst3 << 14)

    degp = _deg_kernel(dst3)
    g1, dis = _tc_scale_in(x_pad, W1.astype(jnp.float32), degp)
    p1 = _agg128(g1, pk3)
    g2 = _tc_mid(p1, g1, dis, b1r, W2.astype(jnp.float32))
    p2 = _agg64(g2, pk3)
    z = _tc_out(p2, g2, dis, b2r)
    return z[:N_NODES].astype(jnp.float64)

# --- scband reference (transcript-rebuilt; emitter-appended) ---
"""Pipeline reference for scband-gaewrapper-27642409517111 (READ-ONLY COPY).

The authoritative reference and input builder live on the scoring server;
editing this copy changes nothing except your own understanding.
"""

import jax
jax.config.update('jax_enable_x64', True)
import jax.numpy as jnp
import numpy as np

N_NODES = 10000
N_EDGES = 320000
D_IN = 128
D_HID = 128  # 2 * out_channels
D_OUT = 64


def gcn_conv(x, edge_index, W, b):
    # PyG GCNConv: add self-loops, symmetric normalization D^-1/2 (A+I) D^-1/2, then linear.
    num_nodes = x.shape[0]
    loop = jnp.arange(num_nodes, dtype=edge_index.dtype)
    src = jnp.concatenate([edge_index[0], loop])
    dst = jnp.concatenate([edge_index[1], loop])
    ones = jnp.ones(src.shape[0], dtype=x.dtype)
    deg = jax.ops.segment_sum(ones, dst, num_segments=num_nodes)
    deg_inv_sqrt = jnp.where(deg > 0, 1.0 / jnp.sqrt(deg), 0.0)
    norm = deg_inv_sqrt[src] * deg_inv_sqrt[dst]
    h = x @ W  # [N, out]
    msg = h[src] * norm[:, None]  # gather + scale
    out = jax.ops.segment_sum(msg, dst, num_segments=num_nodes)  # scatter-add
    return out + b


def setup_inputs(seed: int = 0) -> dict:
    key = jax.random.key(seed)
    k1, k2, k3, k4, k5, k6 = jax.random.split(key, 6)
    x = jax.random.normal(k1, (N_NODES, D_IN), dtype=jnp.float32)
    edge_index = jax.random.randint(k2, (2, N_EDGES), 0, N_NODES, dtype=jnp.int64)
    # learned parameters (GCNEncoder: conv1 in->2*out, conv2 2*out->out)
    W1 = jax.random.normal(k3, (D_IN, D_HID), dtype=jnp.float32) * (1.0 / np.sqrt(D_IN))
    b1 = jnp.zeros((D_HID,), dtype=jnp.float32)
    W2 = jax.random.normal(k4, (D_HID, D_OUT), dtype=jnp.float32) * (1.0 / np.sqrt(D_HID))
    b2 = jnp.zeros((D_OUT,), dtype=jnp.float32)
    return {"x": x, "edge_index": edge_index, "W1": W1, "b1": b1, "W2": W2, "b2": b2}


def reference(x, edge_index, W1, b1, W2, b2):
    # GAE forward == encoder forward: z = conv2(relu(conv1(x, ei)), ei)
    h = gcn_conv(x, edge_index, W1, b1)
    h = jax.nn.relu(h)
    z = gcn_conv(h, edge_index, W2, b2)
    return z


if False:  # reference __main__ guard neutralized (emitter)
    inp = setup_inputs()
    out = reference(**inp)
    print(out.shape)

if __name__ == "__main__":
    import jax
    _d = setup_inputs()
    print(jax.jit(kernel)(*tuple(_d.values())))

</pallas_src>

<mosaic_0001>
#map = affine_map<(d0, d1) -> (0, 0)>
#map1 = affine_map<(d0, d1) -> (0, 0, 0)>
module attributes {stable_mosaic.version = 14 : i64} {
  func.func @agg_kernel(%arg0: i32, %arg1: i32, %arg2: memref<10240x64xf32, #tpu.memory_space<hbm>>, %arg3: memref<32x82x128xi32, #tpu.memory_space<hbm>>, %arg4: memref<2x10240x64xf32, #tpu.memory_space<hbm>>, %arg5: memref<82x128xi32, #tpu.memory_space<vmem>>, %arg6: memref<128xi32, #tpu.memory_space<vmem>>, %arg7: memref<128xi32, #tpu.memory_space<vmem>>, %arg8: memref<128xi32, #tpu.memory_space<vmem>>, %arg9: memref<128xi32, #tpu.memory_space<vmem>>, %arg10: memref<128x64xf32, #tpu.memory_space<vmem>>, %arg11: memref<128x64xf32, #tpu.memory_space<vmem>>, %arg12: memref<10240x64xf32, #tpu.memory_space<vmem_shared>>, %arg13: memref<!tpu.dma_semaphore, #tpu.memory_space<semaphore_mem>>, %arg14: memref<!tpu.dma_semaphore, #tpu.memory_space<semaphore_mem>>, %arg15: memref<!tpu.dma_semaphore, #tpu.memory_space<semaphore_mem>>) attributes {dimension_semantics = [#tpu.dimension_semantics<core_parallel>, #tpu.dimension_semantics<subcore_parallel>], iteration_bounds = array<i64: 2, 16>, scalar_prefetch = 0 : i64, scratch_operands = 11 : i64, tpu.core_type = #tpu.core_type<sc_vector_subcore>, window_params = [{transform_indices = #map}, {transform_indices = #map1}, {transform_indices = #map1}]} {
    %mul3A = arith.constant 2 : i32
    %mul3A_0 = arith.muli %arg1, %mul3A : i32
    %add3A = arith.addi %mul3A_0, %arg0 : i32
    "tpu.region"() ({
      %run_scoped3A = tpu.sem_alloc : memref<!tpu.dma_semaphore, #tpu.memory_space<semaphore_mem>>
      %dma_start3A_281 = arith.constant 0 : i32
      %dma_start3A_282 = arith.constant 0 : i32
      %dma_start3A_283 = tpu.memref_slice %arg3[%add3A, %dma_start3A_281, %dma_start3A_282] : memref<32x82x128xi32, #tpu.memory_space<hbm>> -> memref<1x82x128xi32, #tpu.memory_space<hbm>>
      %dma_start3A_284 = tpu.memref_squeeze %dma_start3A_283 : memref<1x82x128xi32, #tpu.memory_space<hbm>> -> memref<82x128xi32, #tpu.memory_space<hbm>>
      %dma_start3A_285 = arith.constant 0 : i32
      %dma_start3A_286 = arith.constant 0 : i32
      %dma_start3A_287 = tpu.memref_slice %arg3[%add3A, %dma_start3A_285, %dma_start3A_286] : memref<32x82x128xi32, #tpu.memory_space<hbm>> -> memref<1x82x128xi32, #tpu.memory_space<hbm>>
      %dma_start3A_288 = tpu.memref_squeeze %dma_start3A_287 : memref<1x82x128xi32, #tpu.memory_space<hbm>> -> memref<82x128xi32, #tpu.memory_space<hbm>>
      tpu.enqueue_dma source(%dma_start3A_288 : memref<82x128xi32, #tpu.memory_space<hbm>>) target(%arg5 : memref<82x128xi32, #tpu.memory_space<vmem>>) target_semaphore(%run_scoped3A : memref<!tpu.dma_semaphore, #tpu.memory_space<semaphore_mem>>)
      %dma_wait3A_289 = arith.constant 0 : i32
      %dma_wait3A_290 = arith.constant 0 : i32
      %dma_wait3A_291 = tpu.memref_slice %arg3[%add3A, %dma_wait3A_289, %dma_wait3A_290] : memref<32x82x128xi32, #tpu.memory_space<hbm>> -> memref<1x82x128xi32, #tpu.memory_space<hbm>>
      %dma_wait3A_292 = tpu.memref_squeeze %dma_wait3A_291 : memref<1x82x128xi32, #tpu.memory_space<hbm>> -> memref<82x128xi32, #tpu.memory_space<hbm>>
      %dma_wait3A_293 = arith.constant 0 : i32
      %dma_wait3A_294 = arith.constant 0 : i32
      %dma_wait3A_295 = tpu.memref_slice %arg3[%add3A, %dma_wait3A_293, %dma_wait3A_294] : memref<32x82x128xi32, #tpu.memory_space<hbm>> -> memref<1x82x128xi32, #tpu.memory_space<hbm>>
      %dma_wait3A_296 = tpu.memref_squeeze %dma_wait3A_295 : memref<1x82x128xi32, #tpu.memory_space<hbm>> -> memref<82x128xi32, #tpu.memory_space<hbm>>
      tpu.wait_dma2 semaphore(%run_scoped3A : memref<!tpu.dma_semaphore, #tpu.memory_space<semaphore_mem>>) src(%dma_wait3A_296 : memref<82x128xi32, #tpu.memory_space<hbm>>) dst(%arg5 : memref<82x128xi32, #tpu.memory_space<vmem>>)
      tpu.yield
    }) : () -> ()
    %broadcast_in_dim3A = arith.constant 0.000000e+00 : f32
    %broadcast_in_dim3A_1 = vector.broadcast %broadcast_in_dim3A : f32 to vector<16xf32>
    %while3A = arith.constant 0 : i32
    %while3A_2 = arith.constant 0 : i32
    %while3A_3 = arith.constant 128 : i32
    %while3A_4 = arith.subi %while3A_3, %while3A_2 : i32
    %while3A_5 = arith.addi %while3A_2, %while3A_4 : i32
    %while3A_6 = arith.constant 1 : i32
    %while3A_7 = arith.divsi %while3A_4, %while3A_6 : i32
    %while3A_8 = arith.muli %while3A_7, %while3A_6 : i32
    %while3A_9 = arith.addi %while3A_2, %while3A_8 : i32
    %while3A_10 = arith.constant 1 : i32
    scf.for %while3A_281 = %while3A_2 to %while3A_9 step %while3A_10  : i32 {
      %swap3A_282 = arith.index_cast %while3A_281 : i32 to index
      %swap3A_283 = arith.constant 0 : index
      %swap3A_284 = tpu.vector_load %arg10[%swap3A_282, %swap3A_283] {strides = array<i32>} : memref<128x64xf32, #tpu.memory_space<vmem>>, vector<1x16xf32>,
      %swap3A_285 = vector.shape_cast %swap3A_284 : vector<1x16xf32> to vector<16xf32>
      %swap3A_286 = vector.shape_cast %broadcast_in_dim3A_1 : vector<16xf32> to vector<1x16xf32>
      tpu.vector_store %arg10[%swap3A_282, %swap3A_283], %swap3A_286 {strides = array<i32>} : memref<128x64xf32, #tpu.memory_space<vmem>>, vector<1x16xf32>,
      %swap3A_287 = arith.index_cast %while3A_281 : i32 to index
      %swap3A_288 = arith.constant 16 : index
      %swap3A_289 = tpu.vector_load %arg10[%swap3A_287, %swap3A_288] {strides = array<i32>} : memref<128x64xf32, #tpu.memory_space<vmem>>, vector<1x16xf32>,
      %swap3A_290 = vector.shape_cast %swap3A_289 : vector<1x16xf32> to vector<16xf32>
      %swap3A_291 = vector.shape_cast %broadcast_in_dim3A_1 : vector<16xf32> to vector<1x16xf32>
      tpu.vector_store %arg10[%swap3A_287, %swap3A_288], %swap3A_291 {strides = array<i32>} : memref<128x64xf32, #tpu.memory_space<vmem>>, vector<1x16xf32>,
      %swap3A_292 = arith.index_cast %while3A_281 : i32 to index
      %swap3A_293 = arith.constant 32 : index
      %swap3A_294 = tpu.vector_load %arg10[%swap3A_292, %swap3A_293] {strides = array<i32>} : memref<128x64xf32, #tpu.memory_space<vmem>>, vector<1x16xf32>,
      %swap3A_295 = vector.shape_cast %swap3A_294 : vector<1x16xf32> to vector<16xf32>
      %swap3A_296 = vector.shape_cast %broadcast_in_dim3A_1 : vector<16xf32> to vector<1x16xf32>
      tpu.vector_store %arg10[%swap3A_292, %swap3A_293], %swap3A_296 {strides = array<i32>} : memref<128x64xf32, #tpu.memory_space<vmem>>, vector<1x16xf32>,
      %swap3A_297 = arith.index_cast %while3A_281 : i32 to index
      %swap3A_298 = arith.constant 48 : index
      %swap3A_299 = tpu.vector_load %arg10[%swap3A_297, %swap3A_298] {strides = array<i32>} : memref<128x64xf32, #tpu.memory_space<vmem>>, vector<1x16xf32>,
      %swap3A_300 = vector.shape_cast %swap3A_299 : vector<1x16xf32> to vector<16xf32>
      %swap3A_301 = vector.shape_cast %broadcast_in_dim3A_1 : vector<16xf32> to vector<1x16xf32>
      tpu.vector_store %arg10[%swap3A_297, %swap3A_298], %swap3A_301 {strides = array<i32>} : memref<128x64xf32, #tpu.memory_space<vmem>>, vector<1x16xf32>,
    }
    %while3A_11 = arith.constant 1 : i32
    scf.for %while3A_281 = %while3A_9 to %while3A_5 step %while3A_11  : i32 {
      %swap3A_282 = arith.index_cast %while3A_281 : i32 to index
      %swap3A_283 = arith.constant 0 : index
      %swap3A_284 = tpu.vector_load %arg10[%swap3A_282, %swap3A_283] {strides = array<i32>} : memref<128x64xf32, #tpu.memory_space<vmem>>, vector<1x16xf32>,
      %swap3A_285 = vector.shape_cast %swap3A_284 : vector<1x16xf32> to vector<16xf32>
      %swap3A_286 = vector.shape_cast %broadcast_in_dim3A_1 : vector<16xf32> to vector<1x16xf32>
      tpu.vector_store %arg10[%swap3A_282, %swap3A_283], %swap3A_286 {strides = array<i32>} : memref<128x64xf32, #tpu.memory_space<vmem>>, vector<1x16xf32>,
      %swap3A_287 = arith.index_cast %while3A_281 : i32 to index
      %swap3A_288 = arith.constant 16 : index
      %swap3A_289 = tpu.vector_load %arg10[%swap3A_287, %swap3A_288] {strides = array<i32>} : memref<128x64xf32, #tpu.memory_space<vmem>>, vector<1x16xf32>,
      %swap3A_290 = vector.shape_cast %swap3A_289 : vector<1x16xf32> to vector<16xf32>
      %swap3A_291 = vector.shape_cast %broadcast_in_dim3A_1 : vector<16xf32> to vector<1x16xf32>
      tpu.vector_store %arg10[%swap3A_287, %swap3A_288], %swap3A_291 {strides = array<i32>} : memref<128x64xf32, #tpu.memory_space<vmem>>, vector<1x16xf32>,
      %swap3A_292 = arith.index_cast %while3A_281 : i32 to index
      %swap3A_293 = arith.constant 32 : index
      %swap3A_294 = tpu.vector_load %arg10[%swap3A_292, %swap3A_293] {strides = array<i32>} : memref<128x64xf32, #tpu.memory_space<vmem>>, vector<1x16xf32>,
      %swap3A_295 = vector.shape_cast %swap3A_294 : vector<1x16xf32> to vector<16xf32>
      %swap3A_296 = vector.shape_cast %broadcast_in_dim3A_1 : vector<16xf32> to vector<1x16xf32>
      tpu.vector_store %arg10[%swap3A_292, %swap3A_293], %swap3A_296 {strides = array<i32>} : memref<128x64xf32, #tpu.memory_space<vmem>>, vector<1x16xf32>,
      %swap3A_297 = arith.index_cast %while3A_281 : i32 to index
      %swap3A_298 = arith.constant 48 : index
      %swap3A_299 = tpu.vector_load %arg10[%swap3A_297, %swap3A_298] {strides = array<i32>} : memref<128x64xf32, #tpu.memory_space<vmem>>, vector<1x16xf32>,
      %swap3A_300 = vector.shape_cast %swap3A_299 : vector<1x16xf32> to vector<16xf32>
      %swap3A_301 = vector.shape_cast %broadcast_in_dim3A_1 : vector<16xf32> to vector<1x16xf32>
      tpu.vector_store %arg10[%swap3A_297, %swap3A_298], %swap3A_301 {strides = array<i32>} : memref<128x64xf32, #tpu.memory_space<vmem>>, vector<1x16xf32>,
    }
    %mul3A_12 = arith.constant 640 : i32
    %mul3A_13 = arith.muli %arg1, %mul3A_12 : i32
    %while3A_14 = arith.constant 0 : i32
    %while3A_15 = arith.constant 0 : i32
    %while3A_16 = arith.constant 5 : i32
    %while3A_17 = arith.subi %while3A_16, %while3A_15 : i32
    %while3A_18 = arith.addi %while3A_15, %while3A_17 : i32
    %while3A_19 = arith.constant 1 : i32
    %while3A_20 = arith.divsi %while3A_17, %while3A_19 : i32
    %while3A_21 = arith.muli %while3A_20, %while3A_19 : i32
    %while3A_22 = arith.addi %while3A_15, %while3A_21 : i32
    %while3A_23 = arith.constant 1 : i32
    scf.for %while3A_281 = %while3A_15 to %while3A_22 step %while3A_23  : i32 {
      %mul3A_282 = arith.constant 128 : i32
      %mul3A_283 = arith.muli %while3A_281, %mul3A_282 : i32
      %add3A_284 = arith.addi %mul3A_13, %mul3A_283 : i32
      "tpu.region"() ({
        %run_scoped3A = tpu.sem_alloc : memref<!tpu.dma_semaphore, #tpu.memory_space<semaphore_mem>>
        %dma_start3A_285 = arith.constant 0 : i32
        %dma_start3A_286 = tpu.memref_slice %arg12[%add3A_284, %dma_start3A_285] : memref<10240x64xf32, #tpu.memory_space<vmem_shared>> -> memref<128x64xf32, #tpu.memory_space<vmem_shared>>
        %dma_start3A_287 = arith.constant 0 : i32
        %dma_start3A_288 = tpu.memref_slice %arg12[%add3A_284, %dma_start3A_287] : memref<10240x64xf32, #tpu.memory_space<vmem_shared>> -> memref<128x64xf32, #tpu.memory_space<vmem_shared>>
        tpu.enqueue_dma source(%arg10 : memref<128x64xf32, #tpu.memory_space<vmem>>) target(%dma_start3A_288 : memref<128x64xf32, #tpu.memory_space<vmem_shared>>) target_semaphore(%run_scoped3A : memref<!tpu.dma_semaphore, #tpu.memory_space<semaphore_mem>>)
        %dma_wait3A_289 = arith.constant 0 : i32
        %dma_wait3A_290 = tpu.memref_slice %arg12[%add3A_284, %dma_wait3A_289] : memref<10240x64xf32, #tpu.memory_space<vmem_shared>> -> memref<128x64xf32, #tpu.memory_space<vmem_shared>>
        %dma_wait3A_291 = arith.constant 0 : i32
        %dma_wait3A_292 = tpu.memref_slice %arg12[%add3A_284, %dma_wait3A_291] : memref<10240x64xf32, #tpu.memory_space<vmem_shared>> -> memref<128x64xf32, #tpu.memory_space<vmem_shared>>
        tpu.wait_dma2 semaphore(%run_scoped3A : memref<!tpu.dma_semaphore, #tpu.memory_space<semaphore_mem>>) src(%arg10 : memref<128x64xf32, #tpu.memory_space<vmem>>) dst(%dma_wait3A_292 : memref<128x64xf32, #tpu.memory_space<vmem_shared>>)
        tpu.yield
      }) : () -> ()
    }
    %while3A_24 = arith.constant 1 : i32
    scf.for %while3A_281 = %while3A_22 to %while3A_18 step %while3A_24  : i32 {
      %mul3A_282 = arith.constant 128 : i32
      %mul3A_283 = arith.muli %while3A_281, %mul3A_282 : i32
      %add3A_284 = arith.addi %mul3A_13, %mul3A_283 : i32
      "tpu.region"() ({
        %run_scoped3A = tpu.sem_alloc : memref<!tpu.dma_semaphore, #tpu.memory_space<semaphore_mem>>
        %dma_start3A_285 = arith.constant 0 : i32
        %dma_start3A_286 = tpu.memref_slice %arg12[%add3A_284, %dma_start3A_285] : memref<10240x64xf32, #tpu.memory_space<vmem_shared>> -> memref<128x64xf32, #tpu.memory_space<vmem_shared>>
        %dma_start3A_287 = arith.constant 0 : i32
        %dma_start3A_288 = tpu.memref_slice %arg12[%add3A_284, %dma_start3A_287] : memref<10240x64xf32, #tpu.memory_space<vmem_shared>> -> memref<128x64xf32, #tpu.memory_space<vmem_shared>>
        tpu.enqueue_dma source(%arg10 : memref<128x64xf32, #tpu.memory_space<vmem>>) target(%dma_start3A_288 : memref<128x64xf32, #tpu.memory_space<vmem_shared>>) target_semaphore(%run_scoped3A : memref<!tpu.dma_semaphore, #tpu.memory_space<semaphore_mem>>)
        %dma_wait3A_289 = arith.constant 0 : i32
        %dma_wait3A_290 = tpu.memref_slice %arg12[%add3A_284, %dma_wait3A_289] : memref<10240x64xf32, #tpu.memory_space<vmem_shared>> -> memref<128x64xf32, #tpu.memory_space<vmem_shared>>
        %dma_wait3A_291 = arith.constant 0 : i32
        %dma_wait3A_292 = tpu.memref_slice %arg12[%add3A_284, %dma_wait3A_291] : memref<10240x64xf32, #tpu.memory_space<vmem_shared>> -> memref<128x64xf32, #tpu.memory_space<vmem_shared>>
        tpu.wait_dma2 semaphore(%run_scoped3A : memref<!tpu.dma_semaphore, #tpu.memory_space<semaphore_mem>>) src(%arg10 : memref<128x64xf32, #tpu.memory_space<vmem>>) dst(%dma_wait3A_292 : memref<128x64xf32, #tpu.memory_space<vmem_shared>>)
        tpu.yield
      }) : () -> ()
    }
    %barrier3A = arith.constant 0 : index
    tpu.barrier barrier_id(%barrier3A)
    %broadcast_in_dim3A_25 = arith.constant 16383 : i32
    %broadcast_in_dim3A_26 = vector.broadcast %broadcast_in_dim3A_25 : i32 to vector<16xi32>
    %broadcast_in_dim3A_27 = arith.constant 14 : i32
    %broadcast_in_dim3A_28 = vector.broadcast %broadcast_in_dim3A_27 : i32 to vector<16xi32>
    %get3A = arith.constant 0 : i32
    %get3A_29 = arith.index_cast %get3A : i32 to index
    %get3A_30 = arith.constant 0 : index
    %get3A_31 = tpu.vector_load %arg5[%get3A_29, %get3A_30] {strides = array<i32>} : memref<82x128xi32, #tpu.memory_space<vmem>>, vector<1x16xi32>,
    %get3A_32 = vector.shape_cast %get3A_31 : vector<1x16xi32> to vector<16xi32>
    %and3A = arith.andi %get3A_32, %broadcast_in_dim3A_26 : vector<16xi32>
    %swap3A = arith.constant 0 : index
    %swap3A_33 = tpu.vector_load %arg6[%swap3A] {strides = array<i32>} : memref<128xi32, #tpu.memory_space<vmem>>, vector<16xi32>,
    %swap3A_34 = vector.shape_cast %swap3A_33 : vector<16xi32> to vector<16xi32>
    %swap3A_35 = vector.shape_cast %and3A : vector<16xi32> to vector<16xi32>
    tpu.vector_store %arg6[%swap3A], %swap3A_35 {strides = array<i32>} : memref<128xi32, #tpu.memory_space<vmem>>, vector<16xi32>,
    %shift_right_arithmetic3A = arith.shrsi %get3A_32, %broadcast_in_dim3A_28 : vector<16xi32>
    %swap3A_36 = arith.constant 0 : index
    %swap3A_37 = tpu.vector_load %arg8[%swap3A_36] {strides = array<i32>} : memref<128xi32, #tpu.memory_space<vmem>>, vector<16xi32>,
    %swap3A_38 = vector.shape_cast %swap3A_37 : vector<16xi32> to vector<16xi32>
    %swap3A_39 = vector.shape_cast %shift_right_arithmetic3A : vector<16xi32> to vector<16xi32>
    tpu.vector_store %arg8[%swap3A_36], %swap3A_39 {strides = array<i32>} : memref<128xi32, #tpu.memory_space<vmem>>, vector<16xi32>,
    %get3A_40 = arith.constant 0 : i32
    %get3A_41 = arith.index_cast %get3A_40 : i32 to index
    %get3A_42 = arith.constant 16 : index
    %get3A_43 = tpu.vector_load %arg5[%get3A_41, %get3A_42] {strides = array<i32>} : memref<82x128xi32, #tpu.memory_space<vmem>>, vector<1x16xi32>,
    %get3A_44 = vector.shape_cast %get3A_43 : vector<1x16xi32> to vector<16xi32>
    %and3A_45 = arith.andi %get3A_44, %broadcast_in_dim3A_26 : vector<16xi32>
    %swap3A_46 = arith.constant 16 : index
    %swap3A_47 = tpu.vector_load %arg6[%swap3A_46] {strides = array<i32>} : memref<128xi32, #tpu.memory_space<vmem>>, vector<16xi32>,
    %swap3A_48 = vector.shape_cast %swap3A_47 : vector<16xi32> to vector<16xi32>
    %swap3A_49 = vector.shape_cast %and3A_45 : vector<16xi32> to vector<16xi32>
    tpu.vector_store %arg6[%swap3A_46], %swap3A_49 {strides = array<i32>} : memref<128xi32, #tpu.memory_space<vmem>>, vector<16xi32>,
    %shift_right_arithmetic3A_50 = arith.shrsi %get3A_44, %broadcast_in_dim3A_28 : vector<16xi32>
    %swap3A_51 = arith.constant 16 : index
    %swap3A_52 = tpu.vector_load %arg8[%swap3A_51] {strides = array<i32>} : memref<128xi32, #tpu.memory_space<vmem>>, vector<16xi32>,
    %swap3A_53 = vector.shape_cast %swap3A_52 : vector<16xi32> to vector<16xi32>
    %swap3A_54 = vector.shape_cast %shift_right_arithmetic3A_50 : vector<16xi32> to vector<16xi32>
    tpu.vector_store %arg8[%swap3A_51], %swap3A_54 {strides = array<i32>} : memref<128xi32, #tpu.memory_space<vmem>>, vector<16xi32>,
    %get3A_55 = arith.constant 0 : i32
    %get3A_56 = arith.index_cast %get3A_55 : i32 to index
    %get3A_57 = arith.constant 32 : index
    %get3A_58 = tpu.vector_load %arg5[%get3A_56, %get3A_57] {strides = array<i32>} : memref<82x128xi32, #tpu.memory_space<vmem>>, vector<1x16xi32>,
    %get3A_59 = vector.shape_cast %get3A_58 : vector<1x16xi32> to vector<16xi32>
    %and3A_60 = arith.andi %get3A_59, %broadcast_in_dim3A_26 : vector<16xi32>
    %swap3A_61 = arith.constant 32 : index
    %swap3A_62 = tpu.vector_load %arg6[%swap3A_61] {strides = array<i32>} : memref<128xi32, #tpu.memory_space<vmem>>, vector<16xi32>,
    %swap3A_63 = vector.shape_cast %swap3A_62 : vector<16xi32> to vector<16xi32>
    %swap3A_64 = vector.shape_cast %and3A_60 : vector<16xi32> to vector<16xi32>
    tpu.vector_store %arg6[%swap3A_61], %swap3A_64 {strides = array<i32>} : memref<128xi32, #tpu.memory_space<vmem>>, vector<16xi32>,
    %shift_right_arithmetic3A_65 = arith.shrsi %get3A_59, %broadcast_in_dim3A_28 : vector<16xi32>
    %swap3A_66 = arith.constant 32 : index
    %swap3A_67 = tpu.vector_load %arg8[%swap3A_66] {strides = array<i32>} : memref<128xi32, #tpu.memory_space<vmem>>, vector<16xi32>,
    %swap3A_68 = vector.shape_cast %swap3A_67 : vector<16xi32> to vector<16xi32>
    %swap3A_69 = vector.shape_cast %shift_right_arithmetic3A_65 : vector<16xi32> to vector<16xi32>
    tpu.vector_store %arg8[%swap3A_66], %swap3A_69 {strides = array<i32>} : memref<128xi32, #tpu.memory_space<vmem>>, vector<16xi32>,
    %get3A_70 = arith.constant 0 : i32
    %get3A_71 = arith.index_cast %get3A_70 : i32 to index
    %get3A_72 = arith.constant 48 : index
    %get3A_73 = tpu.vector_load %arg5[%get3A_71, %get3A_72] {strides = array<i32>} : memref<82x128xi32, #tpu.memory_space<vmem>>, vector<1x16xi32>,
    %get3A_74 = vector.shape_cast %get3A_73 : vector<1x16xi32> to vector<16xi32>
    %and3A_75 = arith.andi %get3A_74, %broadcast_in_dim3A_26 : vector<16xi32>
    %swap3A_76 = arith.constant 48 : index
    %swap3A_77 = tpu.vector_load %arg6[%swap3A_76] {strides = array<i32>} : memref<128xi32, #tpu.memory_space<vmem>>, vector<16xi32>,
    %swap3A_78 = vector.shape_cast %swap3A_77 : vector<16xi32> to vector<16xi32>
    %swap3A_79 = vector.shape_cast %and3A_75 : vector<16xi32> to vector<16xi32>
    tpu.vector_store %arg6[%swap3A_76], %swap3A_79 {strides = array<i32>} : memref<128xi32, #tpu.memory_space<vmem>>, vector<16xi32>,
    %shift_right_arithmetic3A_80 = arith.shrsi %get3A_74, %broadcast_in_dim3A_28 : vector<16xi32>
    %swap3A_81 = arith.constant 48 : index
    %swap3A_82 = tpu.vector_load %arg8[%swap3A_81] {strides = array<i32>} : memref<128xi32, #tpu.memory_space<vmem>>, vector<16xi32>,
    %swap3A_83 = vector.shape_cast %swap3A_82 : vector<16xi32> to vector<16xi32>
    %swap3A_84 = vector.shape_cast %shift_right_arithmetic3A_80 : vector<16xi32> to vector<16xi32>
    tpu.vector_store %arg8[%swap3A_81], %swap3A_84 {strides = array<i32>} : memref<128xi32, #tpu.memory_space<vmem>>, vector<16xi32>,
    %get3A_85 = arith.constant 0 : i32
    %get3A_86 = arith.index_cast %get3A_85 : i32 to index
    %get3A_87 = arith.constant 64 : index
    %get3A_88 = tpu.vector_load %arg5[%get3A_86, %get3A_87] {strides = array<i32>} : memref<82x128xi32, #tpu.memory_space<vmem>>, vector<1x16xi32>,
    %get3A_89 = vector.shape_cast %get3A_88 : vector<1x16xi32> to vector<16xi32>
    %and3A_90 = arith.andi %get3A_89, %broadcast_in_dim3A_26 : vector<16xi32>
    %swap3A_91 = arith.constant 64 : index
    %swap3A_92 = tpu.vector_load %arg6[%swap3A_91] {strides = array<i32>} : memref<128xi32, #tpu.memory_space<vmem>>, vector<16xi32>,
    %swap3A_93 = vector.shape_cast %swap3A_92 : vector<16xi32> to vector<16xi32>
    %swap3A_94 = vector.shape_cast %and3A_90 : vector<16xi32> to vector<16xi32>
    tpu.vector_store %arg6[%swap3A_91], %swap3A_94 {strides = array<i32>} : memref<128xi32, #tpu.memory_space<vmem>>, vector<16xi32>,
    %shift_right_arithmetic3A_95 = arith.shrsi %get3A_89, %broadcast_in_dim3A_28 : vector<16xi32>
    %swap3A_96 = arith.constant 64 : index
    %swap3A_97 = tpu.vector_load %arg8[%swap3A_96] {strides = array<i32>} : memref<128xi32, #tpu.memory_space<vmem>>, vector<16xi32>,
    %swap3A_98 = vector.shape_cast %swap3A_97 : vector<16xi32> to vector<16xi32>
    %swap3A_99 = vector.shape_cast %shift_right_arithmetic3A_95 : vector<16xi32> to vector<16xi32>
    tpu.vector_store %arg8[%swap3A_96], %swap3A_99 {strides = array<i32>} : memref<128xi32, #tpu.memory_space<vmem>>, vector<16xi32>,
    %get3A_100 = arith.constant 0 : i32
    %get3A_101 = arith.index_cast %get3A_100 : i32 to index
    %get3A_102 = arith.constant 80 : index
    %get3A_103 = tpu.vector_load %arg5[%get3A_101, %get3A_102] {strides = array<i32>} : memref<82x128xi32, #tpu.memory_space<vmem>>, vector<1x16xi32>,
    %get3A_104 = vector.shape_cast %get3A_103 : vector<1x16xi32> to vector<16xi32>
    %and3A_105 = arith.andi %get3A_104, %broadcast_in_dim3A_26 : vector<16xi32>
    %swap3A_106 = arith.constant 80 : index
    %swap3A_107 = tpu.vector_load %arg6[%swap3A_106] {strides = array<i32>} : memref<128xi32, #tpu.memory_space<vmem>>, vector<16xi32>,
    %swap3A_108 = vector.shape_cast %swap3A_107 : vector<16xi32> to vector<16xi32>
    %swap3A_109 = vector.shape_cast %and3A_105 : vector<16xi32> to vector<16xi32>
    tpu.vector_store %arg6[%swap3A_106], %swap3A_109 {strides = array<i32>} : memref<128xi32, #tpu.memory_space<vmem>>, vector<16xi32>,
    %shift_right_arithmetic3A_110 = arith.shrsi %get3A_104, %broadcast_in_dim3A_28 : vector<16xi32>
    %swap3A_111 = arith.constant 80 : index
    %swap3A_112 = tpu.vector_load %arg8[%swap3A_111] {strides = array<i32>} : memref<128xi32, #tpu.memory_space<vmem>>, vector<16xi32>,
    %swap3A_113 = vector.shape_cast %swap3A_112 : vector<16xi32> to vector<16xi32>
    %swap3A_114 = vector.shape_cast %shift_right_arithmetic3A_110 : vector<16xi32> to vector<16xi32>
    tpu.vector_store %arg8[%swap3A_111], %swap3A_114 {strides = array<i32>} : memref<128xi32, #tpu.memory_space<vmem>>, vector<16xi32>,
    %get3A_115 = arith.constant 0 : i32
    %get3A_116 = arith.index_cast %get3A_115 : i32 to index
    %get3A_117 = arith.constant 96 : index
    %get3A_118 = tpu.vector_load %arg5[%get3A_116, %get3A_117] {strides = array<i32>} : memref<82x128xi32, #tpu.memory_space<vmem>>, vector<1x16xi32>,
    %get3A_119 = vector.shape_cast %get3A_118 : vector<1x16xi32> to vector<16xi32>
    %and3A_120 = arith.andi %get3A_119, %broadcast_in_dim3A_26 : vector<16xi32>
    %swap3A_121 = arith.constant 96 : index
    %swap3A_122 = tpu.vector_load %arg6[%swap3A_121] {strides = array<i32>} : memref<128xi32, #tpu.memory_space<vmem>>, vector<16xi32>,
    %swap3A_123 = vector.shape_cast %swap3A_122 : vector<16xi32> to vector<16xi32>
    %swap3A_124 = vector.shape_cast %and3A_120 : vector<16xi32> to vector<16xi32>
    tpu.vector_store %arg6[%swap3A_121], %swap3A_124 {strides = array<i32>} : memref<128xi32, #tpu.memory_space<vmem>>, vector<16xi32>,
    %shift_right_arithmetic3A_125 = arith.shrsi %get3A_119, %broadcast_in_dim3A_28 : vector<16xi32>
    %swap3A_126 = arith.constant 96 : index
    %swap3A_127 = tpu.vector_load %arg8[%swap3A_126] {strides = array<i32>} : memref<128xi32, #tpu.memory_space<vmem>>, vector<16xi32>,
    %swap3A_128 = vector.shape_cast %swap3A_127 : vector<16xi32> to vector<16xi32>
    %swap3A_129 = vector.shape_cast %shift_right_arithmetic3A_125 : vector<16xi32> to vector<16xi32>
    tpu.vector_store %arg8[%swap3A_126], %swap3A_129 {strides = array<i32>} : memref<128xi32, #tpu.memory_space<vmem>>, vector<16xi32>,
    %get3A_130 = arith.constant 0 : i32
    %get3A_131 = arith.index_cast %get3A_130 : i32 to index
    %get3A_132 = arith.constant 112 : index
    %get3A_133 = tpu.vector_load %arg5[%get3A_131, %get3A_132] {strides = array<i32>} : memref<82x128xi32, #tpu.memory_space<vmem>>, vector<1x16xi32>,
    %get3A_134 = vector.shape_cast %get3A_133 : vector<1x16xi32> to vector<16xi32>
    %and3A_135 = arith.andi %get3A_134, %broadcast_in_dim3A_26 : vector<16xi32>
    %swap3A_136 = arith.constant 112 : index
    %swap3A_137 = tpu.vector_load %arg6[%swap3A_136] {strides = array<i32>} : memref<128xi32, #tpu.memory_space<vmem>>, vector<16xi32>,
    %swap3A_138 = vector.shape_cast %swap3A_137 : vector<16xi32> to vector<16xi32>
    %swap3A_139 = vector.shape_cast %and3A_135 : vector<16xi32> to vector<16xi32>
    tpu.vector_store %arg6[%swap3A_136], %swap3A_139 {strides = array<i32>} : memref<128xi32, #tpu.memory_space<vmem>>, vector<16xi32>,
    %shift_right_arithmetic3A_140 = arith.shrsi %get3A_134, %broadcast_in_dim3A_28 : vector<16xi32>
    %swap3A_141 = arith.constant 112 : index
    %swap3A_142 = tpu.vector_load %arg8[%swap3A_141] {strides = array<i32>} : memref<128xi32, #tpu.memory_space<vmem>>, vector<16xi32>,
    %swap3A_143 = vector.shape_cast %swap3A_142 : vector<16xi32> to vector<16xi32>
    %swap3A_144 = vector.shape_cast %shift_right_arithmetic3A_140 : vector<16xi32> to vector<16xi32>
    tpu.vector_store %arg8[%swap3A_141], %swap3A_144 {strides = array<i32>} : memref<128xi32, #tpu.memory_space<vmem>>, vector<16xi32>,
    %dma_start3A = arith.constant 0 : i32
    %dma_start3A_145 = arith.constant 0 : i32
    %dma_start3A_146 = tpu.memref_slice %arg2[%dma_start3A, %dma_start3A_145] : memref<10240x64xf32, #tpu.memory_space<hbm>> -> memref<10240x64xf32, #tpu.memory_space<hbm>>
    tpu.enqueue_indirect_dma source(%dma_start3A_146 : memref<10240x64xf32, #tpu.memory_space<hbm>>) target(%arg10 : memref<128x64xf32, #tpu.memory_space<vmem>>) offsets(%arg6 : memref<128xi32, #tpu.memory_space<vmem>>) semaphore(%arg13 : memref<!tpu.dma_semaphore, #tpu.memory_space<semaphore_mem>>)
    %get3A_147 = arith.constant 1 : i32
    %get3A_148 = arith.index_cast %get3A_147 : i32 to index
    %get3A_149 = arith.constant 0 : index
    %get3A_150 = tpu.vector_load %arg5[%get3A_148, %get3A_149] {strides = array<i32>} : memref<82x128xi32, #tpu.memory_space<vmem>>, vector<1x16xi32>,
    %get3A_151 = vector.shape_cast %get3A_150 : vector<1x16xi32> to vector<16xi32>
    %and3A_152 = arith.andi %get3A_151, %broadcast_in_dim3A_26 : vector<16xi32>
    %swap3A_153 = arith.constant 0 : index
    %swap3A_154 = tpu.vector_load %arg7[%swap3A_153] {strides = array<i32>} : memref<128xi32, #tpu.memory_space<vmem>>, vector<16xi32>,
    %swap3A_155 = vector.shape_cast %swap3A_154 : vector<16xi32> to vector<16xi32>
    %swap3A_156 = vector.shape_cast %and3A_152 : vector<16xi32> to vector<16xi32>
    tpu.vector_store %arg7[%swap3A_153], %swap3A_156 {strides = array<i32>} : memref<128xi32, #tpu.memory_space<vmem>>, vector<16xi32>,
    %shift_right_arithmetic3A_157 = arith.shrsi %get3A_151, %broadcast_in_dim3A_28 : vector<16xi32>
    %swap3A_158 = arith.constant 0 : index
    %swap3A_159 = tpu.vector_load %arg9[%swap3A_158] {strides = array<i32>} : memref<128xi32, #tpu.memory_space<vmem>>, vector<16xi32>,
    %swap3A_160 = vector.shape_cast %swap3A_159 : vector<16xi32> to vector<16xi32>
    %swap3A_161 = vector.shape_cast %shift_right_arithmetic3A_157 : vector<16xi32> to vector<16xi32>
    tpu.vector_store %arg9[%swap3A_158], %swap3A_161 {strides = array<i32>} : memref<128xi32, #tpu.memory_space<vmem>>, vector<16xi32>,
    %get3A_162 = arith.constant 1 : i32
    %get3A_163 = arith.index_cast %get3A_162 : i32 to index
    %get3A_164 = arith.constant 16 : index
    %get3A_165 = tpu.vector_load %arg5[%get3A_163, %get3A_164] {strides = array<i32>} : memref<82x128xi32, #tpu.memory_space<vmem>>, vector<1x16xi32>,
    %get3A_166 = vector.shape_cast %get3A_165 : vector<1x16xi32> to vector<16xi32>
    %and3A_167 = arith.andi %get3A_166, %broadcast_in_dim3A_26 : vector<16xi32>
    %swap3A_168 = arith.constant 16 : index
    %swap3A_169 = tpu.vector_load %arg7[%swap3A_168] {strides = array<i32>} : memref<128xi32, #tpu.memory_space<vmem>>, vector<16xi32>,
    %swap3A_170 = vector.shape_cast %swap3A_169 : vector<16xi32> to vector<16xi32>
    %swap3A_171 = vector.shape_cast %and3A_167 : vector<16xi32> to vector<16xi32>
    tpu.vector_store %arg7[%swap3A_168], %swap3A_171 {strides = array<i32>} : memref<128xi32, #tpu.memory_space<vmem>>, vector<16xi32>,
    %shift_right_arithmetic3A_172 = arith.shrsi %get3A_166, %broadcast_in_dim3A_28 : vector<16xi32>
    %swap3A_173 = arith.constant 16 : index
    %swap3A_174 = tpu.vector_load %arg9[%swap3A_173] {strides = array<i32>} : memref<128xi32, #tpu.memory_space<vmem>>, vector<16xi32>,
    %swap3A_175 = vector.shape_cast %swap3A_174 : vector<16xi32> to vector<16xi32>
    %swap3A_176 = vector.shape_cast %shift_right_arithmetic3A_172 : vector<16xi32> to vector<16xi32>
    tpu.vector_store %arg9[%swap3A_173], %swap3A_176 {strides = array<i32>} : memref<128xi32, #tpu.memory_space<vmem>>, vector<16xi32>,
    %get3A_177 = arith.constant 1 : i32
    %get3A_178 = arith.index_cast %get3A_177 : i32 to index
    %get3A_179 = arith.constant 32 : index
    %get3A_180 = tpu.vector_load %arg5[%get3A_178, %get3A_179] {strides = array<i32>} : memref<82x128xi32, #tpu.memory_space<vmem>>, vector<1x16xi32>,
    %get3A_181 = vector.shape_cast %get3A_180 : vector<1x16xi32> to vector<16xi32>
    %and3A_182 = arith.andi %get3A_181, %broadcast_in_dim3A_26 : vector<16xi32>
    %swap3A_183 = arith.constant 32 : index
    %swap3A_184 = tpu.vector_load %arg7[%swap3A_183] {strides = array<i32>} : memref<128xi32, #tpu.memory_space<vmem>>, vector<16xi32>,
    %swap3A_185 = vector.shape_cast %swap3A_184 : vector<16xi32> to vector<16xi32>
    %swap3A_186 = vector.shape_cast %and3A_182 : vector<16xi32> to vector<16xi32>
    tpu.vector_store %arg7[%swap3A_183], %swap3A_186 {strides = array<i32>} : memref<128xi32, #tpu.memory_space<vmem>>, vector<16xi32>,
    %shift_right_arithmetic3A_187 = arith.shrsi %get3A_181, %broadcast_in_dim3A_28 : vector<16xi32>
    %swap3A_188 = arith.constant 32 : index
    %swap3A_189 = tpu.vector_load %arg9[%swap3A_188] {strides = array<i32>} : memref<128xi32, #tpu.memory_space<vmem>>, vector<16xi32>,
    %swap3A_190 = vector.shape_cast %swap3A_189 : vector<16xi32> to vector<16xi32>
    %swap3A_191 = vector.shape_cast %shift_right_arithmetic3A_187 : vector<16xi32> to vector<16xi32>
    tpu.vector_store %arg9[%swap3A_188], %swap3A_191 {strides = array<i32>} : memref<128xi32, #tpu.memory_space<vmem>>, vector<16xi32>,
    %get3A_192 = arith.constant 1 : i32
    %get3A_193 = arith.index_cast %get3A_192 : i32 to index
    %get3A_194 = arith.constant 48 : index
    %get3A_195 = tpu.vector_load %arg5[%get3A_193, %get3A_194] {strides = array<i32>} : memref<82x128xi32, #tpu.memory_space<vmem>>, vector<1x16xi32>,
    %get3A_196 = vector.shape_cast %get3A_195 : vector<1x16xi32> to vector<16xi32>
    %and3A_197 = arith.andi %get3A_196, %broadcast_in_dim3A_26 : vector<16xi32>
    %swap3A_198 = arith.constant 48 : index
    %swap3A_199 = tpu.vector_load %arg7[%swap3A_198] {strides = array<i32>} : memref<128xi32, #tpu.memory_space<vmem>>, vector<16xi32>,
    %swap3A_200 = vector.shape_cast %swap3A_199 : vector<16xi32> to vector<16xi32>
    %swap3A_201 = vector.shape_cast %and3A_197 : vector<16xi32> to vector<16xi32>
    tpu.vector_store %arg7[%swap3A_198], %swap3A_201 {strides = array<i32>} : memref<128xi32, #tpu.memory_space<vmem>>, vector<16xi32>,
    %shift_right_arithmetic3A_202 = arith.shrsi %get3A_196, %broadcast_in_dim3A_28 : vector<16xi32>
    %swap3A_203 = arith.constant 48 : index
    %swap3A_204 = tpu.vector_load %arg9[%swap3A_203] {strides = array<i32>} : memref<128xi32, #tpu.memory_space<vmem>>, vector<16xi32>,
    %swap3A_205 = vector.shape_cast %swap3A_204 : vector<16xi32> to vector<16xi32>
    %swap3A_206 = vector.shape_cast %shift_right_arithmetic3A_202 : vector<16xi32> to vector<16xi32>
    tpu.vector_store %arg9[%swap3A_203], %swap3A_206 {strides = array<i32>} : memref<128xi32, #tpu.memory_space<vmem>>, vector<16xi32>,
    %get3A_207 = arith.constant 1 : i32
    %get3A_208 = arith.index_cast %get3A_207 : i32 to index
    %get3A_209 = arith.constant 64 : index
    %get3A_210 = tpu.vector_load %arg5[%get3A_208, %get3A_209] {strides = array<i32>} : memref<82x128xi32, #tpu.memory_space<vmem>>, vector<1x16xi32>,
    %get3A_211 = vector.shape_cast %get3A_210 : vector<1x16xi32> to vector<16xi32>
    %and3A_212 = arith.andi %get3A_211, %broadcast_in_dim3A_26 : vector<16xi32>
    %swap3A_213 = arith.constant 64 : index
    %swap3A_214 = tpu.vector_load %arg7[%swap3A_213] {strides = array<i32>} : memref<128xi32, #tpu.memory_space<vmem>>, vector<16xi32>,
    %swap3A_215 = vector.shape_cast %swap3A_214 : vector<16xi32> to vector<16xi32>
    %swap3A_216 = vector.shape_cast %and3A_212 : vector<16xi32> to vector<16xi32>
    tpu.vector_store %arg7[%swap3A_213], %swap3A_216 {strides = array<i32>} : memref<128xi32, #tpu.memory_space<vmem>>, vector<16xi32>,
    %shift_right_arithmetic3A_217 = arith.shrsi %get3A_211, %broadcast_in_dim3A_28 : vector<16xi32>
    %swap3A_218 = arith.constant 64 : index
    %swap3A_219 = tpu.vector_load %arg9[%swap3A_218] {strides = array<i32>} : memref<128xi32, #tpu.memory_space<vmem>>, vector<16xi32>,
    %swap3A_220 = vector.shape_cast %swap3A_219 : vector<16xi32> to vector<16xi32>
    %swap3A_221 = vector.shape_cast %shift_right_arithmetic3A_217 : vector<16xi32> to vector<16xi32>
    tpu.vector_store %arg9[%swap3A_218], %swap3A_221 {strides = array<i32>} : memref<128xi32, #tpu.memory_space<vmem>>, vector<16xi32>,
    %get3A_222 = arith.constant 1 : i32
    %get3A_223 = arith.index_cast %get3A_222 : i32 to index
    %get3A_224 = arith.constant 80 : index
    %get3A_225 = tpu.vector_load %arg5[%get3A_223, %get3A_224] {strides = array<i32>} : memref<82x128xi32, #tpu.memory_space<vmem>>, vector<1x16xi32>,
    %get3A_226 = vector.shape_cast %get3A_225 : vector<1x16xi32> to vector<16xi32>
    %and3A_227 = arith.andi %get3A_226, %broadcast_in_dim3A_26 : vector<16xi32>
    %swap3A_228 = arith.constant 80 : index
    %swap3A_229 = tpu.vector_load %arg7[%swap3A_228] {strides = array<i32>} : memref<128xi32, #tpu.memory_space<vmem>>, vector<16xi32>,
    %swap3A_230 = vector.shape_cast %swap3A_229 : vector<16xi32> to vector<16xi32>
    %swap3A_231 = vector.shape_cast %and3A_227 : vector<16xi32> to vector<16xi32>
    tpu.vector_store %arg7[%swap3A_228], %swap3A_231 {strides = array<i32>} : memref<128xi32, #tpu.memory_space<vmem>>, vector<16xi32>,
    %shift_right_arithmetic3A_232 = arith.shrsi %get3A_226, %broadcast_in_dim3A_28 : vector<16xi32>
    %swap3A_233 = arith.constant 80 : index
    %swap3A_234 = tpu.vector_load %arg9[%swap3A_233] {strides = array<i32>} : memref<128xi32, #tpu.memory_space<vmem>>, vector<16xi32>,
    %swap3A_235 = vector.shape_cast %swap3A_234 : vector<16xi32> to vector<16xi32>
    %swap3A_236 = vector.shape_cast %shift_right_arithmetic3A_232 : vector<16xi32> to vector<16xi32>
    tpu.vector_store %arg9[%swap3A_233], %swap3A_236 {strides = array<i32>} : memref<128xi32, #tpu.memory_space<vmem>>, vector<16xi32>,
    %get3A_237 = arith.constant 1 : i32
    %get3A_238 = arith.index_cast %get3A_237 : i32 to index
    %get3A_239 = arith.constant 96 : index
    %get3A_240 = tpu.vector_load %arg5[%get3A_238, %get3A_239] {strides = array<i32>} : memref<82x128xi32, #tpu.memory_space<vmem>>, vector<1x16xi32>,
    %get3A_241 = vector.shape_cast %get3A_240 : vector<1x16xi32> to vector<16xi32>
    %and3A_242 = arith.andi %get3A_241, %broadcast_in_dim3A_26 : vector<16xi32>
    %swap3A_243 = arith.constant 96 : index
    %swap3A_244 = tpu.vector_load %arg7[%swap3A_243] {strides = array<i32>} : memref<128xi32, #tpu.memory_space<vmem>>, vector<16xi32>,
    %swap3A_245 = vector.shape_cast %swap3A_244 : vector<16xi32> to vector<16xi32>
    %swap3A_246 = vector.shape_cast %and3A_242 : vector<16xi32> to vector<16xi32>
    tpu.vector_store %arg7[%swap3A_243], %swap3A_246 {strides = array<i32>} : memref<128xi32, #tpu.memory_space<vmem>>, vector<16xi32>,
    %shift_right_arithmetic3A_247 = arith.shrsi %get3A_241, %broadcast_in_dim3A_28 : vector<16xi32>
    %swap3A_248 = arith.constant 96 : index
    %swap3A_249 = tpu.vector_load %arg9[%swap3A_248] {strides = array<i32>} : memref<128xi32, #tpu.memory_space<vmem>>, vector<16xi32>,
    %swap3A_250 = vector.shape_cast %swap3A_249 : vector<16xi32> to vector<16xi32>
    %swap3A_251 = vector.shape_cast %shift_right_arithmetic3A_247 : vector<16xi32> to vector<16xi32>
    tpu.vector_store %arg9[%swap3A_248], %swap3A_251 {strides = array<i32>} : memref<128xi32, #tpu.memory_space<vmem>>, vector<16xi32>,
    %get3A_252 = arith.constant 1 : i32
    %get3A_253 = arith.index_cast %get3A_252 : i32 to index
    %get3A_254 = arith.constant 112 : index
    %get3A_255 = tpu.vector_load %arg5[%get3A_253, %get3A_254] {strides = array<i32>} : memref<82x128xi32, #tpu.memory_space<vmem>>, vector<1x16xi32>,
    %get3A_256 = vector.shape_cast %get3A_255 : vector<1x16xi32> to vector<16xi32>
    %and3A_257 = arith.andi %get3A_256, %broadcast_in_dim3A_26 : vector<16xi32>
    %swap3A_258 = arith.constant 112 : index
    %swap3A_259 = tpu.vector_load %arg7[%swap3A_258] {strides = array<i32>} : memref<128xi32, #tpu.memory_space<vmem>>, vector<16xi32>,
    %swap3A_260 = vector.shape_cast %swap3A_259 : vector<16xi32> to vector<16xi32>
    %swap3A_261 = vector.shape_cast %and3A_257 : vector<16xi32> to vector<16xi32>
    tpu.vector_store %arg7[%swap3A_258], %swap3A_261 {strides = array<i32>} : memref<128xi32, #tpu.memory_space<vmem>>, vector<16xi32>,
    %shift_right_arithmetic3A_262 = arith.shrsi %get3A_256, %broadcast_in_dim3A_28 : vector<16xi32>
    %swap3A_263 = arith.constant 112 : index
    %swap3A_264 = tpu.vector_load %arg9[%swap3A_263] {strides = array<i32>} : memref<128xi32, #tpu.memory_space<vmem>>, vector<16xi32>,
    %swap3A_265 = vector.shape_cast %swap3A_264 : vector<16xi32> to vector<16xi32>
    %swap3A_266 = vector.shape_cast %shift_right_arithmetic3A_262 : vector<16xi32> to vector<16xi32>
    tpu.vector_store %arg9[%swap3A_263], %swap3A_266 {strides = array<i32>} : memref<128xi32, #tpu.memory_space<vmem>>, vector<16xi32>,
    %dma_wait3A = arith.constant 0 : i32
    %dma_wait3A_267 = arith.constant 0 : i32
    %dma_wait3A_268 = tpu.memref_slice %arg2[%dma_wait3A, %dma_wait3A_267] : memref<10240x64xf32, #tpu.memory_space<hbm>> -> memref<10240x64xf32, #tpu.memory_space<hbm>>
    tpu.wait_indirect_dma semaphore(%arg13 : memref<!tpu.dma_semaphore, #tpu.memory_space<semaphore_mem>>) src(%dma_wait3A_268 : memref<10240x64xf32, #tpu.memory_space<hbm>>) dst(%arg10 : memref<128x64xf32, #tpu.memory_space<vmem>>)
    %while3A_269 = arith.constant 0 : i32
    %while3A_270 = arith.constant 0 : i32
    %while3A_271 = arith.constant 40 : i32
    %while3A_272 = arith.subi %while3A_271, %while3A_270 : i32
    %while3A_273 = arith.addi %while3A_270, %while3A_272 : i32
    %while3A_274 = arith.constant 1 : i32
    %while3A_275 = arith.divsi %while3A_272, %while3A_274 : i32
    %while3A_276 = arith.muli %while3A_275, %while3A_274 : i32
    %while3A_277 = arith.addi %while3A_270, %while3A_276 : i32
    %while3A_278 = arith.constant 1 : i32
    scf.for %while3A_281 = %while3A_270 to %while3A_277 step %while3A_278  : i32 {
      %mul3A_282 = arith.constant 2 : i32
      %mul3A_283 = arith.muli %while3A_281, %mul3A_282 : i32
      %add3A_284 = arith.constant 0 : i32
      %add3A_285 = arith.addi %mul3A_283, %add3A_284 : i32
      %dma_start3A_286 = arith.constant 0 : i32
      %dma_start3A_287 = arith.constant 0 : i32
      %dma_start3A_288 = tpu.memref_slice %arg12[%dma_start3A_286, %dma_start3A_287] : memref<10240x64xf32, #tpu.memory_space<vmem_shared>> -> memref<10240x64xf32, #tpu.memory_space<vmem_shared>>
      tpu.enqueue_indirect_dma source(%arg10 : memref<128x64xf32, #tpu.memory_space<vmem>>) target(%dma_start3A_288 : memref<10240x64xf32, #tpu.memory_space<vmem_shared>>) offsets(%arg8 : memref<128xi32, #tpu.memory_space<vmem>>) semaphore(%arg14 : memref<!tpu.dma_semaphore, #tpu.memory_space<semaphore_mem>>) {add = true}
      %dma_start3A_289 = arith.constant 0 : i32
      %dma_start3A_290 = arith.constant 0 : i32
      %dma_start3A_291 = tpu.memref_slice %arg2[%dma_start3A_289, %dma_start3A_290] : memref<10240x64xf32, #tpu.memory_space<hbm>> -> memref<10240x64xf32, #tpu.memory_space<hbm>>
      tpu.enqueue_indirect_dma source(%dma_start3A_291 : memref<10240x64xf32, #tpu.memory_space<hbm>>) target(%arg11 : memref<128x64xf32, #tpu.memory_space<vmem>>) offsets(%arg7 : memref<128xi32, #tpu.memory_space<vmem>>) semaphore(%arg13 : memref<!tpu.dma_semaphore, #tpu.memory_space<semaphore_mem>>)
      %dma_wait3A_292 = arith.constant 0 : i32
      %dma_wait3A_293 = arith.constant 0 : i32
      %dma_wait3A_294 = tpu.memref_slice %arg12[%dma_wait3A_292, %dma_wait3A_293] : memref<10240x64xf32, #tpu.memory_space<vmem_shared>> -> memref<10240x64xf32, #tpu.memory_space<vmem_shared>>
      tpu.wait_indirect_dma semaphore(%arg14 : memref<!tpu.dma_semaphore, #tpu.memory_space<semaphore_mem>>) src(%arg10 : memref<128x64xf32, #tpu.memory_space<vmem>>) dst(%dma_wait3A_294 : memref<10240x64xf32, #tpu.memory_space<vmem_shared>>)
      %add3A_295 = arith.constant 2 : i32
      %add3A_296 = arith.addi %add3A_285, %add3A_295 : i32
      %get3A_297 = arith.index_cast %add3A_296 : i32 to index
      %get3A_298 = arith.constant 0 : index
      %get3A_299 = tpu.vector_load %arg5[%get3A_297, %get3A_298] {strides = array<i32>} : memref<82x128xi32, #tpu.memory_space<vmem>>, vector<1x16xi32>,
      %get3A_300 = vector.shape_cast %get3A_299 : vector<1x16xi32> to vector<16xi32>
      %and3A_301 = arith.andi %get3A_300, %broadcast_in_dim3A_26 : vector<16xi32>
      %swap3A_302 = arith.constant 0 : index
      %swap3A_303 = tpu.vector_load %arg6[%swap3A_302] {strides = array<i32>} : memref<128xi32, #tpu.memory_space<vmem>>, vector<16xi32>,
      %swap3A_304 = vector.shape_cast %swap3A_303 : vector<16xi32> to vector<16xi32>
      %swap3A_305 = vector.shape_cast %and3A_301 : vector<16xi32> to vector<16xi32>
      tpu.vector_store %arg6[%swap3A_302], %swap3A_305 {strides = array<i32>} : memref<128xi32, #tpu.memory_space<vmem>>, vector<16xi32>,
      %shift_right_arithmetic3A_306 = arith.shrsi %get3A_300, %broadcast_in_dim3A_28 : vector<16xi32>
      %swap3A_307 = arith.constant 0 : index
      %swap3A_308 = tpu.vector_load %arg8[%swap3A_307] {strides = array<i32>} : memref<128xi32, #tpu.memory_space<vmem>>, vector<16xi32>,
      %swap3A_309 = vector.shape_cast %swap3A_308 : vector<16xi32> to vector<16xi32>
      %swap3A_310 = vector.shape_cast %shift_right_arithmetic3A_306 : vector<16xi32> to vector<16xi32>
      tpu.vector_store %arg8[%swap3A_307], %swap3A_310 {strides = array<i32>} : memref<128xi32, #tpu.memory_space<vmem>>, vector<16xi32>,
      %get3A_311 = arith.index_cast %add3A_296 : i32 to index
      %get3A_312 = arith.constant 16 : index
      %get3A_313 = tpu.vector_load %arg5[%get3A_311, %get3A_312] {strides = array<i32>} : memref<82x128xi32, #tpu.memory_space<vmem>>, vector<1x16xi32>,
      %get3A_314 = vector.shape_cast %get3A_313 : vector<1x16xi32> to vector<16xi32>
      %and3A_315 = arith.andi %get3A_314, %broadcast_in_dim3A_26 : vector<16xi32>
      %swap3A_316 = arith.constant 16 : index
      %swap3A_317 = tpu.vector_load %arg6[%swap3A_316] {strides = array<i32>} : memref<128xi32, #tpu.memory_space<vmem>>, vector<16xi32>,
      %swap3A_318 = vector.shape_cast %swap3A_317 : vector<16xi32> to vector<16xi32>
      %swap3A_319 = vector.shape_cast %and3A_315 : vector<16xi32> to vector<16xi32>
      tpu.vector_store %arg6[%swap3A_316], %swap3A_319 {strides = array<i32>} : memref<128xi32, #tpu.memory_space<vmem>>, vector<16xi32>,
      %shift_right_arithmetic3A_320 = arith.shrsi %get3A_314, %broadcast_in_dim3A_28 : vector<16xi32>
      %swap3A_321 = arith.constant 16 : index
      %swap3A_322 = tpu.vector_load %arg8[%swap3A_321] {strides = array<i32>} : memref<128xi32, #tpu.memory_space<vmem>>, vector<16xi32>,
      %swap3A_323 = vector.shape_cast %swap3A_322 : vector<16xi32> to vector<16xi32>
      %swap3A_324 = vector.shape_cast %shift_right_arithmetic3A_320 : vector<16xi32> to vector<16xi32>
      tpu.vector_store %arg8[%swap3A_321], %swap3A_324 {strides = array<i32>} : memref<128xi32, #tpu.memory_space<vmem>>, vector<16xi32>,
      %get3A_325 = arith.index_cast %add3A_296 : i32 to index
      %get3A_326 = arith.constant 32 : index
      %get3A_327 = tpu.vector_load %arg5[%get3A_325, %get3A_326] {strides = array<i32>} : memref<82x128xi32, #tpu.memory_space<vmem>>, vector<1x16xi32>,
      %get3A_328 = vector.shape_cast %get3A_327 : vector<1x16xi32> to vector<16xi32>
      %and3A_329 = arith.andi %get3A_328, %broadcast_in_dim3A_26 : vector<16xi32>
      %swap3A_330 = arith.constant 32 : index
      %swap3A_331 = tpu.vector_load %arg6[%swap3A_330] {strides = array<i32>} : memref<128xi32, #tpu.memory_space<vmem>>, vector<16xi32>,
      %swap3A_332 = vector.shape_cast %swap3A_331 : vector<16xi32> to vector<16xi32>
      %swap3A_333 = vector.shape_cast %and3A_329 : vector<16xi32> to vector<16xi32>
      tpu.vector_store %arg6[%swap3A_330], %swap3A_333 {strides = array<i32>} : memref<128xi32, #tpu.memory_space<vmem>>, vector<16xi32>,
      %shift_right_arithmetic3A_334 = arith.shrsi %get3A_328, %broadcast_in_dim3A_28 : vector<16xi32>
      %swap3A_335 = arith.constant 32 : index
      %swap3A_336 = tpu.vector_load %arg8[%swap3A_335] {strides = array<i32>} : memref<128xi32, #tpu.memory_space<vmem>>, vector<16xi32>,
      %swap3A_337 = vector.shape_cast %swap3A_336 : vector<16xi32> to vector<16xi32>
      %swap3A_338 = vector.shape_cast %shift_right_arithmetic3A_334 : vector<16xi32> to vector<16xi32>
      tpu.vector_store %arg8[%swap3A_335], %swap3A_338 {strides = array<i32>} : memref<128xi32, #tpu.memory_space<vmem>>, vector<16xi32>,
      %get3A_339 = arith.index_cast %add3A_296 : i32 to index
      %get3A_340 = arith.constant 48 : index
      %get3A_341 = tpu.vector_load %arg5[%get3A_339, %get3A_340] {strides = array<i32>} : memref<82x128xi32, #tpu.memory_space<vmem>>, vector<1x16xi32>,
      %get3A_342 = vector.shape_cast %get3A_341 : vector<1x16xi32> to vector<16xi32>
      %and3A_343 = arith.andi %get3A_342, %broadcast_in_dim3A_26 : vector<16xi32>
      %swap3A_344 = arith.constant 48 : index
      %swap3A_345 = tpu.vector_load %arg6[%swap3A_344] {strides = array<i32>} : memref<128xi32, #tpu.memory_space<vmem>>, vector<16xi32>,
      %swap3A_346 = vector.shape_cast %swap3A_345 : vector<16xi32> to vector<16xi32>
      %swap3A_347 = vector.shape_cast %and3A_343 : vector<16xi32> to vector<16xi32>
      tpu.vector_store %arg6[%swap3A_344], %swap3A_347 {strides = array<i32>} : memref<128xi32, #tpu.memory_space<vmem>>, vector<16xi32>,
      %shift_right_arithmetic3A_348 = arith.shrsi %get3A_342, %broadcast_in_dim3A_28 : vector<16xi32>
      %swap3A_349 = arith.constant 48 : index
      %swap3A_350 = tpu.vector_load %arg8[%swap3A_349] {strides = array<i32>} : memref<128xi32, #tpu.memory_space<vmem>>, vector<16xi32>,
      %swap3A_351 = vector.shape_cast %swap3A_350 : vector<16xi32> to vector<16xi32>
      %swap3A_352 = vector.shape_cast %shift_right_arithmetic3A_348 : vector<16xi32> to vector<16xi32>
      tpu.vector_store %arg8[%swap3A_349], %swap3A_352 {strides = array<i32>} : memref<128xi32, #tpu.memory_space<vmem>>, vector<16xi32>,
      %get3A_353 = arith.index_cast %add3A_296 : i32 to index
      %get3A_354 = arith.constant 64 : index
      %get3A_355 = tpu.vector_load %arg5[%get3A_353, %get3A_354] {strides = array<i32>} : memref<82x128xi32, #tpu.memory_space<vmem>>, vector<1x16xi32>,
      %get3A_356 = vector.shape_cast %get3A_355 : vector<1x16xi32> to vector<16xi32>
      %and3A_357 = arith.andi %get3A_356, %broadcast_in_dim3A_26 : vector<16xi32>
      %swap3A_358 = arith.constant 64 : index
      %swap3A_359 = tpu.vector_load %arg6[%swap3A_358] {strides = array<i32>} : memref<128xi32, #tpu.memory_space<vmem>>, vector<16xi32>,
      %swap3A_360 = vector.shape_cast %swap3A_359 : vector<16xi32> to vector<16xi32>
      %swap3A_361 = vector.shape_cast %and3A_357 : vector<16xi32> to vector<16xi32>
      tpu.vector_store %arg6[%swap3A_358], %swap3A_361 {strides = array<i32>} : memref<128xi32, #tpu.memory_space<vmem>>, vector<16xi32>,
      %shift_right_arithmetic3A_362 = arith.shrsi %get3A_356, %broadcast_in_dim3A_28 : vector<16xi32>
      %swap3A_363 = arith.constant 64 : index
      %swap3A_364 = tpu.vector_load %arg8[%swap3A_363] {strides = array<i32>} : memref<128xi32, #tpu.memory_space<vmem>>, vector<16xi32>,
      %swap3A_365 = vector.shape_cast %swap3A_364 : vector<16xi32> to vector<16xi32>
      %swap3A_366 = vector.shape_cast %shift_right_arithmetic3A_362 : vector<16xi32> to vector<16xi32>
      tpu.vector_store %arg8[%swap3A_363], %swap3A_366 {strides = array<i32>} : memref<128xi32, #tpu.memory_space<vmem>>, vector<16xi32>,
      %get3A_367 = arith.index_cast %add3A_296 : i32 to index
      %get3A_368 = arith.constant 80 : index
      %get3A_369 = tpu.vector_load %arg5[%get3A_367, %get3A_368] {strides = array<i32>} : memref<82x128xi32, #tpu.memory_space<vmem>>, vector<1x16xi32>,
      %get3A_370 = vector.shape_cast %get3A_369 : vector<1x16xi32> to vector<16xi32>
      %and3A_371 = arith.andi %get3A_370, %broadcast_in_dim3A_26 : vector<16xi32>
      %swap3A_372 = arith.constant 80 : index
      %swap3A_373 = tpu.vector_load %arg6[%swap3A_372] {strides = array<i32>} : memref<128xi32, #tpu.memory_space<vmem>>, vector<16xi32>,
      %swap3A_374 = vector.shape_cast %swap3A_373 : vector<16xi32> to vector<16xi32>
      %swap3A_375 = vector.shape_cast %and3A_371 : vector<16xi32> to vector<16xi32>
      tpu.vector_store %arg6[%swap3A_372], %swap3A_375 {strides = array<i32>} : memref<128xi32, #tpu.memory_space<vmem>>, vector<16xi32>,
      %shift_right_arithmetic3A_376 = arith.shrsi %get3A_370, %broadcast_in_dim3A_28 : vector<16xi32>
      %swap3A_377 = arith.constant 80 : index
      %swap3A_378 = tpu.vector_load %arg8[%swap3A_377] {strides = array<i32>} : memref<128xi32, #tpu.memory_space<vmem>>, vector<16xi32>,
      %swap3A_379 = vector.shape_cast %swap3A_378 : vector<16xi32> to vector<16xi32>
      %swap3A_380 = vector.shape_cast %shift_right_arithmetic3A_376 : vector<16xi32> to vector<16xi32>
      tpu.vector_store %arg8[%swap3A_377], %swap3A_380 {strides = array<i32>} : memref<128xi32, #tpu.memory_space<vmem>>, vector<16xi32>,
      %get3A_381 = arith.index_cast %add3A_296 : i32 to index
      %get3A_382 = arith.constant 96 : index
      %get3A_383 = tpu.vector_load %arg5[%get3A_381, %get3A_382] {strides = array<i32>} : memref<82x128xi32, #tpu.memory_space<vmem>>, vector<1x16xi32>,
      %get3A_384 = vector.shape_cast %get3A_383 : vector<1x16xi32> to vector<16xi32>
      %and3A_385 = arith.andi %get3A_384, %broadcast_in_dim3A_26 : vector<16xi32>
      %swap3A_386 = arith.constant 96 : index
      %swap3A_387 = tpu.vector_load %arg6[%swap3A_386] {strides = array<i32>} : memref<128xi32, #tpu.memory_space<vmem>>, vector<16xi32>,
      %swap3A_388 = vector.shape_cast %swap3A_387 : vector<16xi32> to vector<16xi32>
      %swap3A_389 = vector.shape_cast %and3A_385 : vector<16xi32> to vector<16xi32>
      tpu.vector_store %arg6[%swap3A_386], %swap3A_389 {strides = array<i32>} : memref<128xi32, #tpu.memory_space<vmem>>, vector<16xi32>,
      %shift_right_arithmetic3A_390 = arith.shrsi %get3A_384, %broadcast_in_dim3A_28 : vector<16xi32>
      %swap3A_391 = arith.constant 96 : index
      %swap3A_392 = tpu.vector_load %arg8[%swap3A_391] {strides = array<i32>} : memref<128xi32, #tpu.memory_space<vmem>>, vector<16xi32>,
      %swap3A_393 = vector.shape_cast %swap3A_392 : vector<16xi32> to vector<16xi32>
      %swap3A_394 = vector.shape_cast %shift_right_arithmetic3A_390 : vector<16xi32> to vector<16xi32>
      tpu.vector_store %arg8[%swap3A_391], %swap3A_394 {strides = array<i32>} : memref<128xi32, #tpu.memory_space<vmem>>, vector<16xi32>,
      %get3A_395 = arith.index_cast %add3A_296 : i32 to index
      %get3A_396 = arith.constant 112 : index
      %get3A_397 = tpu.vector_load %arg5[%get3A_395, %get3A_396] {strides = array<i32>} : memref<82x128xi32, #tpu.memory_space<vmem>>, vector<1x16xi32>,
      %get3A_398 = vector.shape_cast %get3A_397 : vector<1x16xi32> to vector<16xi32>
      %and3A_399 = arith.andi %get3A_398, %broadcast_in_dim3A_26 : vector<16xi32>
      %swap3A_400 = arith.constant 112 : index
      %swap3A_401 = tpu.vector_load %arg6[%swap3A_400] {strides = array<i32>} : memref<128xi32, #tpu.memory_space<vmem>>, vector<16xi32>,
      %swap3A_402 = vector.shape_cast %swap3A_401 : vector<16xi32> to vector<16xi32>
      %swap3A_403 = vector.shape_cast %and3A_399 : vector<16xi32> to vector<16xi32>
      tpu.vector_store %arg6[%swap3A_400], %swap3A_403 {strides = array<i32>} : memref<128xi32, #tpu.memory_space<vmem>>, vector<16xi32>,
      %shift_right_arithmetic3A_404 = arith.shrsi %get3A_398, %broadcast_in_dim3A_28 : vector<16xi32>
      %swap3A_405 = arith.constant 112 : index
      %swap3A_406 = tpu.vector_load %arg8[%swap3A_405] {strides = array<i32>} : memref<128xi32, #tpu.memory_space<vmem>>, vector<16xi32>,
      %swap3A_407 = vector.shape_cast %swap3A_406 : vector<16xi32> to vector<16xi32>
      %swap3A_408 = vector.shape_cast %shift_right_arithmetic3A_404 : vector<16xi32> to vector<16xi32>
      tpu.vector_store %arg8[%swap3A_405], %swap3A_408 {strides = array<i32>} : memref<128xi32, #tpu.memory_space<vmem>>, vector<16xi32>,
      %dma_wait3A_409 = arith.constant 0 : i32
      %dma_wait3A_410 = arith.constant 0 : i32
      %dma_wait3A_411 = tpu.memref_slice %arg2[%dma_wait3A_409, %dma_wait3A_410] : memref<10240x64xf32, #tpu.memory_space<hbm>> -> memref<10240x64xf32, #tpu.memory_space<hbm>>
      tpu.wait_indirect_dma semaphore(%arg13 : memref<!tpu.dma_semaphore, #tpu.memory_space<semaphore_mem>>) src(%dma_wait3A_411 : memref<10240x64xf32, #tpu.memory_space<hbm>>) dst(%arg11 : memref<128x64xf32, #tpu.memory_space<vmem>>)
      %mul3A_412 = arith.constant 2 : i32
      %mul3A_413 = arith.muli %while3A_281, %mul3A_412 : i32
      %add3A_414 = arith.constant 1 : i32
      %add3A_415 = arith.addi %mul3A_413, %add3A_414 : i32
      %dma_start3A_416 = arith.constant 0 : i32
      %dma_start3A_417 = arith.constant 0 : i32
      %dma_start3A_418 = tpu.memref_slice %arg12[%dma_start3A_416, %dma_start3A_417] : memref<10240x64xf32, #tpu.memory_space<vmem_shared>> -> memref<10240x64xf32, #tpu.memory_space<vmem_shared>>
      tpu.enqueue_indirect_dma source(%arg11 : memref<128x64xf32, #tpu.memory_space<vmem>>) target(%dma_start3A_418 : memref<10240x64xf32, #tpu.memory_space<vmem_shared>>) offsets(%arg9 : memref<128xi32, #tpu.memory_space<vmem>>) semaphore(%arg15 : memref<!tpu.dma_semaphore, #tpu.memory_space<semaphore_mem>>) {add = true}
      %dma_start3A_419 = arith.constant 0 : i32
      %dma_start3A_420 = arith.constant 0 : i32
      %dma_start3A_421 = tpu.memref_slice %arg2[%dma_start3A_419, %dma_start3A_420] : memref<10240x64xf32, #tpu.memory_space<hbm>> -> memref<10240x64xf32, #tpu.memory_space<hbm>>
      tpu.enqueue_indirect_dma source(%dma_start3A_421 : memref<10240x64xf32, #tpu.memory_space<hbm>>) target(%arg10 : memref<128x64xf32, #tpu.memory_space<vmem>>) offsets(%arg6 : memref<128xi32, #tpu.memory_space<vmem>>) semaphore(%arg13 : memref<!tpu.dma_semaphore, #tpu.memory_space<semaphore_mem>>)
      %dma_wait3A_422 = arith.constant 0 : i32
      %dma_wait3A_423 = arith.constant 0 : i32
      %dma_wait3A_424 = tpu.memref_slice %arg12[%dma_wait3A_422, %dma_wait3A_423] : memref<10240x64xf32, #tpu.memory_space<vmem_shared>> -> memref<10240x64xf32, #tpu.memory_space<vmem_shared>>
      tpu.wait_indirect_dma semaphore(%arg15 : memref<!tpu.dma_semaphore, #tpu.memory_space<semaphore_mem>>) src(%arg11 : memref<128x64xf32, #tpu.memory_space<vmem>>) dst(%dma_wait3A_424 : memref<10240x64xf32, #tpu.memory_space<vmem_shared>>)
      %add3A_425 = arith.constant 2 : i32
      %add3A_426 = arith.addi %add3A_415, %add3A_425 : i32
      %get3A_427 = arith.index_cast %add3A_426 : i32 to index
      %get3A_428 = arith.constant 0 : index
      %get3A_429 = tpu.vector_load %arg5[%get3A_427, %get3A_428] {strides = array<i32>} : memref<82x128xi32, #tpu.memory_space<vmem>>, vector<1x16xi32>,
      %get3A_430 = vector.shape_cast %get3A_429 : vector<1x16xi32> to vector<16xi32>
      %and3A_431 = arith.andi %get3A_430, %broadcast_in_dim3A_26 : vector<16xi32>
      %swap3A_432 = arith.constant 0 : index
      %swap3A_433 = tpu.vector_load %arg7[%swap3A_432] {strides = array<i32>} : memref<128xi32, #tpu.memory_space<vmem>>, vector<16xi32>,
      %swap3A_434 = vector.shape_cast %swap3A_433 : vector<16xi32> to vector<16xi32>
      %swap3A_435 = vector.shape_cast %and3A_431 : vector<16xi32> to vector<16xi32>
      tpu.vector_store %arg7[%swap3A_432], %swap3A_435 {strides = array<i32>} : memref<128xi32, #tpu.memory_space<vmem>>, vector<16xi32>,
      %shift_right_arithmetic3A_436 = arith.shrsi %get3A_430, %broadcast_in_dim3A_28 : vector<16xi32>
      %swap3A_437 = arith.constant 0 : index
      %swap3A_438 = tpu.vector_load %arg9[%swap3A_437] {strides = array<i32>} : memref<128xi32, #tpu.memory_space<vmem>>, vector<16xi32>,
      %swap3A_439 = vector.shape_cast %swap3A_438 : vector<16xi32> to vector<16xi32>
      %swap3A_440 = vector.shape_cast %shift_right_arithmetic3A_436 : vector<16xi32> to vector<16xi32>
      tpu.vector_store %arg9[%swap3A_437], %swap3A_440 {strides = array<i32>} : memref<128xi32, #tpu.memory_space<vmem>>, vector<16xi32>,
      %get3A_441 = arith.index_cast %add3A_426 : i32 to index
      %get3A_442 = arith.constant 16 : index
      %get3A_443 = tpu.vector_load %arg5[%get3A_441, %get3A_442] {strides = array<i32>} : memref<82x128xi32, #tpu.memory_space<vmem>>, vector<1x16xi32>,
      %get3A_444 = vector.shape_cast %get3A_443 : vector<1x16xi32> to vector<16xi32>
      %and3A_445 = arith.andi %get3A_444, %broadcast_in_dim3A_26 : vector<16xi32>
      %swap3A_446 = arith.constant 16 : index
      %swap3A_447 = tpu.vector_load %arg7[%swap3A_446] {strides = array<i32>} : memref<128xi32, #tpu.memory_space<vmem>>, vector<16xi32>,
      %swap3A_448 = vector.shape_cast %swap3A_447 : vector<16xi32> to vector<16xi32>
      %swap3A_449 = vector.shape_cast %and3A_445 : vector<16xi32> to vector<16xi32>
      tpu.vector_store %arg7[%swap3A_446], %swap3A_449 {strides = array<i32>} : memref<128xi32, #tpu.memory_space<vmem>>, vector<16xi32>,
      %shift_right_arithmetic3A_450 = arith.shrsi %get3A_444, %broadcast_in_dim3A_28 : vector<16xi32>
      %swap3A_451 = arith.constant 16 : index
      %swap3A_452 = tpu.vector_load %arg9[%swap3A_451] {strides = array<i32>} : memref<128xi32, #tpu.memory_space<vmem>>, vector<16xi32>,
      %swap3A_453 = vector.shape_cast %swap3A_452 : vector<16xi32> to vector<16xi32>
      %swap3A_454 = vector.shape_cast %shift_right_arithmetic3A_450 : vector<16xi32> to vector<16xi32>
      tpu.vector_store %arg9[%swap3A_451], %swap3A_454 {strides = array<i32>} : memref<128xi32, #tpu.memory_space<vmem>>, vector<16xi32>,
      %get3A_455 = arith.index_cast %add3A_426 : i32 to index
      %get3A_456 = arith.constant 32 : index
      %get3A_457 = tpu.vector_load %arg5[%get3A_455, %get3A_456] {strides = array<i32>} : memref<82x128xi32, #tpu.memory_space<vmem>>, vector<1x16xi32>,
      %get3A_458 = vector.shape_cast %get3A_457 : vector<1x16xi32> to vector<16xi32>
      %and3A_459 = arith.andi %get3A_458, %broadcast_in_dim3A_26 : vector<16xi32>
      %swap3A_460 = arith.constant 32 : index
      %swap3A_461 = tpu.vector_load %arg7[%swap3A_460] {strides = array<i32>} : memref<128xi32, #tpu.memory_space<vmem>>, vector<16xi32>,
      %swap3A_462 = vector.shape_cast %swap3A_461 : vector<16xi32> to vector<16xi32>
      %swap3A_463 = vector.shape_cast %and3A_459 : vector<16xi32> to vector<16xi32>
      tpu.vector_store %arg7[%swap3A_460], %swap3A_463 {strides = array<i32>} : memref<128xi32, #tpu.memory_space<vmem>>, vector<16xi32>,
      %shift_right_arithmetic3A_464 = arith.shrsi %get3A_458, %broadcast_in_dim3A_28 : vector<16xi32>
      %swap3A_465 = arith.constant 32 : index
      %swap3A_466 = tpu.vector_load %arg9[%swap3A_465] {strides = array<i32>} : memref<128xi32, #tpu.memory_space<vmem>>, vector<16xi32>,
      %swap3A_467 = vector.shape_cast %swap3A_466 : vector<16xi32> to vector<16xi32>
      %swap3A_468 = vector.shape_cast %shift_right_arithmetic3A_464 : vector<16xi32> to vector<16xi32>
      tpu.vector_store %arg9[%swap3A_465], %swap3A_468 {strides = array<i32>} : memref<128xi32, #tpu.memory_space<vmem>>, vector<16xi32>,
      %get3A_469 = arith.index_cast %add3A_426 : i32 to index
      %get3A_470 = arith.constant 48 : index
      %get3A_471 = tpu.vector_load %arg5[%get3A_469, %get3A_470] {strides = array<i32>} : memref<82x128xi32, #tpu.memory_space<vmem>>, vector<1x16xi32>,
      %get3A_472 = vector.shape_cast %get3A_471 : vector<1x16xi32> to vector<16xi32>
      %and3A_473 = arith.andi %get3A_472, %broadcast_in_dim3A_26 : vector<16xi32>
      %swap3A_474 = arith.constant 48 : index
      %swap3A_475 = tpu.vector_load %arg7[%swap3A_474] {strides = array<i32>} : memref<128xi32, #tpu.memory_space<vmem>>, vector<16xi32>,
      %swap3A_476 = vector.shape_cast %swap3A_475 : vector<16xi32> to vector<16xi32>
      %swap3A_477 = vector.shape_cast %and3A_473 : vector<16xi32> to vector<16xi32>
      tpu.vector_store %arg7[%swap3A_474], %swap3A_477 {strides = array<i32>} : memref<128xi32, #tpu.memory_space<vmem>>, vector<16xi32>,
      %shift_right_arithmetic3A_478 = arith.shrsi %get3A_472, %broadcast_in_dim3A_28 : vector<16xi32>
      %swap3A_479 = arith.constant 48 : index
      %swap3A_480 = tpu.vector_load %arg9[%swap3A_479] {strides = array<i32>} : memref<128xi32, #tpu.memory_space<vmem>>, vector<16xi32>,
      %swap3A_481 = vector.shape_cast %swap3A_480 : vector<16xi32> to vector<16xi32>
      %swap3A_482 = vector.shape_cast %shift_right_arithmetic3A_478 : vector<16xi32> to vector<16xi32>
      tpu.vector_store %arg9[%swap3A_479], %swap3A_482 {strides = array<i32>} : memref<128xi32, #tpu.memory_space<vmem>>, vector<16xi32>,
      %get3A_483 = arith.index_cast %add3A_426 : i32 to index
      %get3A_484 = arith.constant 64 : index
      %get3A_485 = tpu.vector_load %arg5[%get3A_483, %get3A_484] {strides = array<i32>} : memref<82x128xi32, #tpu.memory_space<vmem>>, vector<1x16xi32>,
      %get3A_486 = vector.shape_cast %get3A_485 : vector<1x16xi32> to vector<16xi32>
      %and3A_487 = arith.andi %get3A_486, %broadcast_in_dim3A_26 : vector<16xi32>
      %swap3A_488 = arith.constant 64 : index
      %swap3A_489 = tpu.vector_load %arg7[%swap3A_488] {strides = array<i32>} : memref<128xi32, #tpu.memory_space<vmem>>, vector<16xi32>,
      %swap3A_490 = vector.shape_cast %swap3A_489 : vector<16xi32> to vector<16xi32>
      %swap3A_491 = vector.shape_cast %and3A_487 : vector<16xi32> to vector<16xi32>
      tpu.vector_store %arg7[%swap3A_488], %swap3A_491 {strides = array<i32>} : memref<128xi32, #tpu.memory_space<vmem>>, vector<16xi32>,
      %shift_right_arithmetic3A_492 = arith.shrsi %get3A_486, %broadcast_in_dim3A_28 : vector<16xi32>
      %swap3A_493 = arith.constant 64 : index
      %swap3A_494 = tpu.vector_load %arg9[%swap3A_493] {strides = array<i32>} : memref<128xi32, #tpu.memory_space<vmem>>, vector<16xi32>,
      %swap3A_495 = vector.shape_cast %swap3A_494 : vector<16xi32> to vector<16xi32>
      %swap3A_496 = vector.shape_cast %shift_right_arithmetic3A_492 : vector<16xi32> to vector<16xi32>
      tpu.vector_store %arg9[%swap3A_493], %swap3A_496 {strides = array<i32>} : memref<128xi32, #tpu.memory_space<vmem>>, vector<16xi32>,
      %get3A_497 = arith.index_cast %add3A_426 : i32 to index
      %get3A_498 = arith.constant 80 : index
      %get3A_499 = tpu.vector_load %arg5[%get3A_497, %get3A_498] {strides = array<i32>} : memref<82x128xi32, #tpu.memory_space<vmem>>, vector<1x16xi32>,
      %get3A_500 = vector.shape_cast %get3A_499 : vector<1x16xi32> to vector<16xi32>
      %and3A_501 = arith.andi %get3A_500, %broadcast_in_dim3A_26 : vector<16xi32>
      %swap3A_502 = arith.constant 80 : index
      %swap3A_503 = tpu.vector_load %arg7[%swap3A_502] {strides = array<i32>} : memref<128xi32, #tpu.memory_space<vmem>>, vector<16xi32>,
      %swap3A_504 = vector.shape_cast %swap3A_503 : vector<16xi32> to vector<16xi32>
      %swap3A_505 = vector.shape_cast %and3A_501 : vector<16xi32> to vector<16xi32>
      tpu.vector_store %arg7[%swap3A_502], %swap3A_505 {strides = array<i32>} : memref<128xi32, #tpu.memory_space<vmem>>, vector<16xi32>,
      %shift_right_arithmetic3A_506 = arith.shrsi %get3A_500, %broadcast_in_dim3A_28 : vector<16xi32>
      %swap3A_507 = arith.constant 80 : index
      %swap3A_508 = tpu.vector_load %arg9[%swap3A_507] {strides = array<i32>} : memref<128xi32, #tpu.memory_space<vmem>>, vector<16xi32>,
      %swap3A_509 = vector.shape_cast %swap3A_508 : vector<16xi32> to vector<16xi32>
      %swap3A_510 = vector.shape_cast %shift_right_arithmetic3A_506 : vector<16xi32> to vector<16xi32>
      tpu.vector_store %arg9[%swap3A_507], %swap3A_510 {strides = array<i32>} : memref<128xi32, #tpu.memory_space<vmem>>, vector<16xi32>,
      %get3A_511 = arith.index_cast %add3A_426 : i32 to index
      %get3A_512 = arith.constant 96 : index
      %get3A_513 = tpu.vector_load %arg5[%get3A_511, %get3A_512] {strides = array<i32>} : memref<82x128xi32, #tpu.memory_space<vmem>>, vector<1x16xi32>,
      %get3A_514 = vector.shape_cast %get3A_513 : vector<1x16xi32> to vector<16xi32>
      %and3A_515 = arith.andi %get3A_514, %broadcast_in_dim3A_26 : vector<16xi32>
      %swap3A_516 = arith.constant 96 : index
      %swap3A_517 = tpu.vector_load %arg7[%swap3A_516] {strides = array<i32>} : memref<128xi32, #tpu.memory_space<vmem>>, vector<16xi32>,
      %swap3A_518 = vector.shape_cast %swap3A_517 : vector<16xi32> to vector<16xi32>
      %swap3A_519 = vector.shape_cast %and3A_515 : vector<16xi32> to vector<16xi32>
      tpu.vector_store %arg7[%swap3A_516], %swap3A_519 {strides = array<i32>} : memref<128xi32, #tpu.memory_space<vmem>>, vector<16xi32>,
      %shift_right_arithmetic3A_520 = arith.shrsi %get3A_514, %broadcast_in_dim3A_28 : vector<16xi32>
      %swap3A_521 = arith.constant 96 : index
      %swap3A_522 = tpu.vector_load %arg9[%swap3A_521] {strides = array<i32>} : memref<128xi32, #tpu.memory_space<vmem>>, vector<16xi32>,
      %swap3A_523 = vector.shape_cast %swap3A_522 : vector<16xi32> to vector<16xi32>
      %swap3A_524 = vector.shape_cast %shift_right_arithmetic3A_520 : vector<16xi32> to vector<16xi32>
      tpu.vector_store %arg9[%swap3A_521], %swap3A_524 {strides = array<i32>} : memref<128xi32, #tpu.memory_space<vmem>>, vector<16xi32>,
      %get3A_525 = arith.index_cast %add3A_426 : i32 to index
      %get3A_526 = arith.constant 112 : index
      %get3A_527 = tpu.vector_load %arg5[%get3A_525, %get3A_526] {strides = array<i32>} : memref<82x128xi32, #tpu.memory_space<vmem>>, vector<1x16xi32>,
      %get3A_528 = vector.shape_cast %get3A_527 : vector<1x16xi32> to vector<16xi32>
      %and3A_529 = arith.andi %get3A_528, %broadcast_in_dim3A_26 : vector<16xi32>
      %swap3A_530 = arith.constant 112 : index
      %swap3A_531 = tpu.vector_load %arg7[%swap3A_530] {strides = array<i32>} : memref<128xi32, #tpu.memory_space<vmem>>, vector<16xi32>,
      %swap3A_532 = vector.shape_cast %swap3A_531 : vector<16xi32> to vector<16xi32>
      %swap3A_533 = vector.shape_cast %and3A_529 : vector<16xi32> to vector<16xi32>
      tpu.vector_store %arg7[%swap3A_530], %swap3A_533 {strides = array<i32>} : memref<128xi32, #tpu.memory_space<vmem>>, vector<16xi32>,
      %shift_right_arithmetic3A_534 = arith.shrsi %get3A_528, %broadcast_in_dim3A_28 : vector<16xi32>
      %swap3A_535 = arith.constant 112 : index
      %swap3A_536 = tpu.vector_load %arg9[%swap3A_535] {strides = array<i32>} : memref<128xi32, #tpu.memory_space<vmem>>, vector<16xi32>,
      %swap3A_537 = vector.shape_cast %swap3A_536 : vector<16xi32> to vector<16xi32>
      %swap3A_538 = vector.shape_cast %shift_right_arithmetic3A_534 : vector<16xi32> to vector<16xi32>
      tpu.vector_store %arg9[%swap3A_535], %swap3A_538 {strides = array<i32>} : memref<128xi32, #tpu.memory_space<vmem>>, vector<16xi32>,
      %dma_wait3A_539 = arith.constant 0 : i32
      %dma_wait3A_540 = arith.constant 0 : i32
      %dma_wait3A_541 = tpu.memref_slice %arg2[%dma_wait3A_539, %dma_wait3A_540] : memref<10240x64xf32, #tpu.memory_space<hbm>> -> memref<10240x64xf32, #tpu.memory_space<hbm>>
      tpu.wait_indirect_dma semaphore(%arg13 : memref<!tpu.dma_semaphore, #tpu.memory_space<semaphore_mem>>) src(%dma_wait3A_541 : memref<10240x64xf32, #tpu.memory_space<hbm>>) dst(%arg10 : memref<128x64xf32, #tpu.memory_space<vmem>>)
    }
    %while3A_279 = arith.constant 1 : i32
    scf.for %while3A_281 = %while3A_277 to %while3A_273 step %while3A_279  : i32 {
      %mul3A_282 = arith.constant 2 : i32
      %mul3A_283 = arith.muli %while3A_281, %mul3A_282 : i32
      %add3A_284 = arith.constant 0 : i32
      %add3A_285 = arith.addi %mul3A_283, %add3A_284 : i32
      %dma_start3A_286 = arith.constant 0 : i32
      %dma_start3A_287 = arith.constant 0 : i32
      %dma_start3A_288 = tpu.memref_slice %arg12[%dma_start3A_286, %dma_start3A_287] : memref<10240x64xf32, #tpu.memory_space<vmem_shared>> -> memref<10240x64xf32, #tpu.memory_space<vmem_shared>>
      tpu.enqueue_indirect_dma source(%arg10 : memref<128x64xf32, #tpu.memory_space<vmem>>) target(%dma_start3A_288 : memref<10240x64xf32, #tpu.memory_space<vmem_shared>>) offsets(%arg8 : memref<128xi32, #tpu.memory_space<vmem>>) semaphore(%arg14 : memref<!tpu.dma_semaphore, #tpu.memory_space<semaphore_mem>>) {add = true}
      %dma_start3A_289 = arith.constant 0 : i32
      %dma_start3A_290 = arith.constant 0 : i32
      %dma_start3A_291 = tpu.memref_slice %arg2[%dma_start3A_289, %dma_start3A_290] : memref<10240x64xf32, #tpu.memory_space<hbm>> -> memref<10240x64xf32, #tpu.memory_space<hbm>>
      tpu.enqueue_indirect_dma source(%dma_start3A_291 : memref<10240x64xf32, #tpu.memory_space<hbm>>) target(%arg11 : memref<128x64xf32, #tpu.memory_space<vmem>>) offsets(%arg7 : memref<128xi32, #tpu.memory_space<vmem>>) semaphore(%arg13 : memref<!tpu.dma_semaphore, #tpu.memory_space<semaphore_mem>>)
      %dma_wait3A_292 = arith.constant 0 : i32
      %dma_wait3A_293 = arith.constant 0 : i32
      %dma_wait3A_294 = tpu.memref_slice %arg12[%dma_wait3A_292, %dma_wait3A_293] : memref<10240x64xf32, #tpu.memory_space<vmem_shared>> -> memref<10240x64xf32, #tpu.memory_space<vmem_shared>>
      tpu.wait_indirect_dma semaphore(%arg14 : memref<!tpu.dma_semaphore, #tpu.memory_space<semaphore_mem>>) src(%arg10 : memref<128x64xf32, #tpu.memory_space<vmem>>) dst(%dma_wait3A_294 : memref<10240x64xf32, #tpu.memory_space<vmem_shared>>)
      %add3A_295 = arith.constant 2 : i32
      %add3A_296 = arith.addi %add3A_285, %add3A_295 : i32
      %get3A_297 = arith.index_cast %add3A_296 : i32 to index
      %get3A_298 = arith.constant 0 : index
      %get3A_299 = tpu.vector_load %arg5[%get3A_297, %get3A_298] {strides = array<i32>} : memref<82x128xi32, #tpu.memory_space<vmem>>, vector<1x16xi32>,
      %get3A_300 = vector.shape_cast %get3A_299 : vector<1x16xi32> to vector<16xi32>
      %and3A_301 = arith.andi %get3A_300, %broadcast_in_dim3A_26 : vector<16xi32>
      %swap3A_302 = arith.constant 0 : index
      %swap3A_303 = tpu.vector_load %arg6[%swap3A_302] {strides = array<i32>} : memref<128xi32, #tpu.memory_space<vmem>>, vector<16xi32>,
      %swap3A_304 = vector.shape_cast %swap3A_303 : vector<16xi32> to vector<16xi32>
      %swap3A_305 = vector.shape_cast %and3A_301 : vector<16xi32> to vector<16xi32>
      tpu.vector_store %arg6[%swap3A_302], %swap3A_305 {strides = array<i32>} : memref<128xi32, #tpu.memory_space<vmem>>, vector<16xi32>,
      %shift_right_arithmetic3A_306 = arith.shrsi %get3A_300, %broadcast_in_dim3A_28 : vector<16xi32>
      %swap3A_307 = arith.constant 0 : index
      %swap3A_308 = tpu.vector_load %arg8[%swap3A_307] {strides = array<i32>} : memref<128xi32, #tpu.memory_space<vmem>>, vector<16xi32>,
      %swap3A_309 = vector.shape_cast %swap3A_308 : vector<16xi32> to vector<16xi32>
      %swap3A_310 = vector.shape_cast %shift_right_arithmetic3A_306 : vector<16xi32> to vector<16xi32>
      tpu.vector_store %arg8[%swap3A_307], %swap3A_310 {strides = array<i32>} : memref<128xi32, #tpu.memory_space<vmem>>, vector<16xi32>,
      %get3A_311 = arith.index_cast %add3A_296 : i32 to index
      %get3A_312 = arith.constant 16 : index
      %get3A_313 = tpu.vector_load %arg5[%get3A_311, %get3A_312] {strides = array<i32>} : memref<82x128xi32, #tpu.memory_space<vmem>>, vector<1x16xi32>,
      %get3A_314 = vector.shape_cast %get3A_313 : vector<1x16xi32> to vector<16xi32>
      %and3A_315 = arith.andi %get3A_314, %broadcast_in_dim3A_26 : vector<16xi32>
      %swap3A_316 = arith.constant 16 : index
      %swap3A_317 = tpu.vector_load %arg6[%swap3A_316] {strides = array<i32>} : memref<128xi32, #tpu.memory_space<vmem>>, vector<16xi32>,
      %swap3A_318 = vector.shape_cast %swap3A_317 : vector<16xi32> to vector<16xi32>
      %swap3A_319 = vector.shape_cast %and3A_315 : vector<16xi32> to vector<16xi32>
      tpu.vector_store %arg6[%swap3A_316], %swap3A_319 {strides = array<i32>} : memref<128xi32, #tpu.memory_space<vmem>>, vector<16xi32>,
      %shift_right_arithmetic3A_320 = arith.shrsi %get3A_314, %broadcast_in_dim3A_28 : vector<16xi32>
      %swap3A_321 = arith.constant 16 : index
      %swap3A_322 = tpu.vector_load %arg8[%swap3A_321] {strides = array<i32>} : memref<128xi32, #tpu.memory_space<vmem>>, vector<16xi32>,
      %swap3A_323 = vector.shape_cast %swap3A_322 : vector<16xi32> to vector<16xi32>
      %swap3A_324 = vector.shape_cast %shift_right_arithmetic3A_320 : vector<16xi32> to vector<16xi32>
      tpu.vector_store %arg8[%swap3A_321], %swap3A_324 {strides = array<i32>} : memref<128xi32, #tpu.memory_space<vmem>>, vector<16xi32>,
      %get3A_325 = arith.index_cast %add3A_296 : i32 to index
      %get3A_326 = arith.constant 32 : index
      %get3A_327 = tpu.vector_load %arg5[%get3A_325, %get3A_326] {strides = array<i32>} : memref<82x128xi32, #tpu.memory_space<vmem>>, vector<1x16xi32>,
      %get3A_328 = vector.shape_cast %get3A_327 : vector<1x16xi32> to vector<16xi32>
      %and3A_329 = arith.andi %get3A_328, %broadcast_in_dim3A_26 : vector<16xi32>
      %swap3A_330 = arith.constant 32 : index
      %swap3A_331 = tpu.vector_load %arg6[%swap3A_330] {strides = array<i32>} : memref<128xi32, #tpu.memory_space<vmem>>, vector<16xi32>,
      %swap3A_332 = vector.shape_cast %swap3A_331 : vector<16xi32> to vector<16xi32>
      %swap3A_333 = vector.shape_cast %and3A_329 : vector<16xi32> to vector<16xi32>
      tpu.vector_store %arg6[%swap3A_330], %swap3A_333 {strides = array<i32>} : memref<128xi32, #tpu.memory_space<vmem>>, vector<16xi32>,
      %shift_right_arithmetic3A_334 = arith.shrsi %get3A_328, %broadcast_in_dim3A_28 : vector<16xi32>
      %swap3A_335 = arith.constant 32 : index
      %swap3A_336 = tpu.vector_load %arg8[%swap3A_335] {strides = array<i32>} : memref<128xi32, #tpu.memory_space<vmem>>, vector<16xi32>,
      %swap3A_337 = vector.shape_cast %swap3A_336 : vector<16xi32> to vector<16xi32>
      %swap3A_338 = vector.shape_cast %shift_right_arithmetic3A_334 : vector<16xi32> to vector<16xi32>
      tpu.vector_store %arg8[%swap3A_335], %swap3A_338 {strides = array<i32>} : memref<128xi32, #tpu.memory_space<vmem>>, vector<16xi32>,
      %get3A_339 = arith.index_cast %add3A_296 : i32 to index
      %get3A_340 = arith.constant 48 : index
      %get3A_341 = tpu.vector_load %arg5[%get3A_339, %get3A_340] {strides = array<i32>} : memref<82x128xi32, #tpu.memory_space<vmem>>, vector<1x16xi32>,
      %get3A_342 = vector.shape_cast %get3A_341 : vector<1x16xi32> to vector<16xi32>
      %and3A_343 = arith.andi %get3A_342, %broadcast_in_dim3A_26 : vector<16xi32>
      %swap3A_344 = arith.constant 48 : index
      %swap3A_345 = tpu.vector_load %arg6[%swap3A_344] {strides = array<i32>} : memref<128xi32, #tpu.memory_space<vmem>>, vector<16xi32>,
      %swap3A_346 = vector.shape_cast %swap3A_345 : vector<16xi32> to vector<16xi32>
      %swap3A_347 = vector.shape_cast %and3A_343 : vector<16xi32> to vector<16xi32>
      tpu.vector_store %arg6[%swap3A_344], %swap3A_347 {strides = array<i32>} : memref<128xi32, #tpu.memory_space<vmem>>, vector<16xi32>,
      %shift_right_arithmetic3A_348 = arith.shrsi %get3A_342, %broadcast_in_dim3A_28 : vector<16xi32>
      %swap3A_349 = arith.constant 48 : index
      %swap3A_350 = tpu.vector_load %arg8[%swap3A_349] {strides = array<i32>} : memref<128xi32, #tpu.memory_space<vmem>>, vector<16xi32>,
      %swap3A_351 = vector.shape_cast %swap3A_350 : vector<16xi32> to vector<16xi32>
      %swap3A_352 = vector.shape_cast %shift_right_arithmetic3A_348 : vector<16xi32> to vector<16xi32>
      tpu.vector_store %arg8[%swap3A_349], %swap3A_352 {strides = array<i32>} : memref<128xi32, #tpu.memory_space<vmem>>, vector<16xi32>,
      %get3A_353 = arith.index_cast %add3A_296 : i32 to index
      %get3A_354 = arith.constant 64 : index
      %get3A_355 = tpu.vector_load %arg5[%get3A_353, %get3A_354] {strides = array<i32>} : memref<82x128xi32, #tpu.memory_space<vmem>>, vector<1x16xi32>,
      %get3A_356 = vector.shape_cast %get3A_355 : vector<1x16xi32> to vector<16xi32>
      %and3A_357 = arith.andi %get3A_356, %broadcast_in_dim3A_26 : vector<16xi32>
      %swap3A_358 = arith.constant 64 : index
      %swap3A_359 = tpu.vector_load %arg6[%swap3A_358] {strides = array<i32>} : memref<128xi32, #tpu.memory_space<vmem>>, vector<16xi32>,
      %swap3A_360 = vector.shape_cast %swap3A_359 : vector<16xi32> to vector<16xi32>
      %swap3A_361 = vector.shape_cast %and3A_357 : vector<16xi32> to vector<16xi32>
      tpu.vector_store %arg6[%swap3A_358], %swap3A_361 {strides = array<i32>} : memref<128xi32, #tpu.memory_space<vmem>>, vector<16xi32>,
      %shift_right_arithmetic3A_362 = arith.shrsi %get3A_356, %broadcast_in_dim3A_28 : vector<16xi32>
      %swap3A_363 = arith.constant 64 : index
      %swap3A_364 = tpu.vector_load %arg8[%swap3A_363] {strides = array<i32>} : memref<128xi32, #tpu.memory_space<vmem>>, vector<16xi32>,
      %swap3A_365 = vector.shape_cast %swap3A_364 : vector<16xi32> to vector<16xi32>
      %swap3A_366 = vector.shape_cast %shift_right_arithmetic3A_362 : vector<16xi32> to vector<16xi32>
      tpu.vector_store %arg8[%swap3A_363], %swap3A_366 {strides = array<i32>} : memref<128xi32, #tpu.memory_space<vmem>>, vector<16xi32>,
      %get3A_367 = arith.index_cast %add3A_296 : i32 to index
      %get3A_368 = arith.constant 80 : index
      %get3A_369 = tpu.vector_load %arg5[%get3A_367, %get3A_368] {strides = array<i32>} : memref<82x128xi32, #tpu.memory_space<vmem>>, vector<1x16xi32>,
      %get3A_370 = vector.shape_cast %get3A_369 : vector<1x16xi32> to vector<16xi32>
      %and3A_371 = arith.andi %get3A_370, %broadcast_in_dim3A_26 : vector<16xi32>
      %swap3A_372 = arith.constant 80 : index
      %swap3A_373 = tpu.vector_load %arg6[%swap3A_372] {strides = array<i32>} : memref<128xi32, #tpu.memory_space<vmem>>, vector<16xi32>,
      %swap3A_374 = vector.shape_cast %swap3A_373 : vector<16xi32> to vector<16xi32>
      %swap3A_375 = vector.shape_cast %and3A_371 : vector<16xi32> to vector<16xi32>
      tpu.vector_store %arg6[%swap3A_372], %swap3A_375 {strides = array<i32>} : memref<128xi32, #tpu.memory_space<vmem>>, vector<16xi32>,
      %shift_right_arithmetic3A_376 = arith.shrsi %get3A_370, %broadcast_in_dim3A_28 : vector<16xi32>
      %swap3A_377 = arith.constant 80 : index
      %swap3A_378 = tpu.vector_load %arg8[%swap3A_377] {strides = array<i32>} : memref<128xi32, #tpu.memory_space<vmem>>, vector<16xi32>,
      %swap3A_379 = vector.shape_cast %swap3A_378 : vector<16xi32> to vector<16xi32>
      %swap3A_380 = vector.shape_cast %shift_right_arithmetic3A_376 : vector<16xi32> to vector<16xi32>
      tpu.vector_store %arg8[%swap3A_377], %swap3A_380 {strides = array<i32>} : memref<128xi32, #tpu.memory_space<vmem>>, vector<16xi32>,
      %get3A_381 = arith.index_cast %add3A_296 : i32 to index
      %get3A_382 = arith.constant 96 : index
      %get3A_383 = tpu.vector_load %arg5[%get3A_381, %get3A_382] {strides = array<i32>} : memref<82x128xi32, #tpu.memory_space<vmem>>, vector<1x16xi32>,
      %get3A_384 = vector.shape_cast %get3A_383 : vector<1x16xi32> to vector<16xi32>
      %and3A_385 = arith.andi %get3A_384, %broadcast_in_dim3A_26 : vector<16xi32>
      %swap3A_386 = arith.constant 96 : index
      %swap3A_387 = tpu.vector_load %arg6[%swap3A_386] {strides = array<i32>} : memref<128xi32, #tpu.memory_space<vmem>>, vector<16xi32>,
      %swap3A_388 = vector.shape_cast %swap3A_387 : vector<16xi32> to vector<16xi32>
      %swap3A_389 = vector.shape_cast %and3A_385 : vector<16xi32> to vector<16xi32>
      tpu.vector_store %arg6[%swap3A_386], %swap3A_389 {strides = array<i32>} : memref<128xi32, #tpu.memory_space<vmem>>, vector<16xi32>,
      %shift_right_arithmetic3A_390 = arith.shrsi %get3A_384, %broadcast_in_dim3A_28 : vector<16xi32>
      %swap3A_391 = arith.constant 96 : index
      %swap3A_392 = tpu.vector_load %arg8[%swap3A_391] {strides = array<i32>} : memref<128xi32, #tpu.memory_space<vmem>>, vector<16xi32>,
      %swap3A_393 = vector.shape_cast %swap3A_392 : vector<16xi32> to vector<16xi32>
      %swap3A_394 = vector.shape_cast %shift_right_arithmetic3A_390 : vector<16xi32> to vector<16xi32>
      tpu.vector_store %arg8[%swap3A_391], %swap3A_394 {strides = array<i32>} : memref<128xi32, #tpu.memory_space<vmem>>, vector<16xi32>,
      %get3A_395 = arith.index_cast %add3A_296 : i32 to index
      %get3A_396 = arith.constant 112 : index
      %get3A_397 = tpu.vector_load %arg5[%get3A_395, %get3A_396] {strides = array<i32>} : memref<82x128xi32, #tpu.memory_space<vmem>>, vector<1x16xi32>,
      %get3A_398 = vector.shape_cast %get3A_397 : vector<1x16xi32> to vector<16xi32>
      %and3A_399 = arith.andi %get3A_398, %broadcast_in_dim3A_26 : vector<16xi32>
      %swap3A_400 = arith.constant 112 : index
      %swap3A_401 = tpu.vector_load %arg6[%swap3A_400] {strides = array<i32>} : memref<128xi32, #tpu.memory_space<vmem>>, vector<16xi32>,
      %swap3A_402 = vector.shape_cast %swap3A_401 : vector<16xi32> to vector<16xi32>
      %swap3A_403 = vector.shape_cast %and3A_399 : vector<16xi32> to vector<16xi32>
      tpu.vector_store %arg6[%swap3A_400], %swap3A_403 {strides = array<i32>} : memref<128xi32, #tpu.memory_space<vmem>>, vector<16xi32>,
      %shift_right_arithmetic3A_404 = arith.shrsi %get3A_398, %broadcast_in_dim3A_28 : vector<16xi32>
      %swap3A_405 = arith.constant 112 : index
      %swap3A_406 = tpu.vector_load %arg8[%swap3A_405] {strides = array<i32>} : memref<128xi32, #tpu.memory_space<vmem>>, vector<16xi32>,
      %swap3A_407 = vector.shape_cast %swap3A_406 : vector<16xi32> to vector<16xi32>
      %swap3A_408 = vector.shape_cast %shift_right_arithmetic3A_404 : vector<16xi32> to vector<16xi32>
      tpu.vector_store %arg8[%swap3A_405], %swap3A_408 {strides = array<i32>} : memref<128xi32, #tpu.memory_space<vmem>>, vector<16xi32>,
      %dma_wait3A_409 = arith.constant 0 : i32
      %dma_wait3A_410 = arith.constant 0 : i32
      %dma_wait3A_411 = tpu.memref_slice %arg2[%dma_wait3A_409, %dma_wait3A_410] : memref<10240x64xf32, #tpu.memory_space<hbm>> -> memref<10240x64xf32, #tpu.memory_space<hbm>>
      tpu.wait_indirect_dma semaphore(%arg13 : memref<!tpu.dma_semaphore, #tpu.memory_space<semaphore_mem>>) src(%dma_wait3A_411 : memref<10240x64xf32, #tpu.memory_space<hbm>>) dst(%arg11 : memref<128x64xf32, #tpu.memory_space<vmem>>)
      %mul3A_412 = arith.constant 2 : i32
      %mul3A_413 = arith.muli %while3A_281, %mul3A_412 : i32
      %add3A_414 = arith.constant 1 : i32
      %add3A_415 = arith.addi %mul3A_413, %add3A_414 : i32
      %dma_start3A_416 = arith.constant 0 : i32
      %dma_start3A_417 = arith.constant 0 : i32
      %dma_start3A_418 = tpu.memref_slice %arg12[%dma_start3A_416, %dma_start3A_417] : memref<10240x64xf32, #tpu.memory_space<vmem_shared>> -> memref<10240x64xf32, #tpu.memory_space<vmem_shared>>
      tpu.enqueue_indirect_dma source(%arg11 : memref<128x64xf32, #tpu.memory_space<vmem>>) target(%dma_start3A_418 : memref<10240x64xf32, #tpu.memory_space<vmem_shared>>) offsets(%arg9 : memref<128xi32, #tpu.memory_space<vmem>>) semaphore(%arg15 : memref<!tpu.dma_semaphore, #tpu.memory_space<semaphore_mem>>) {add = true}
      %dma_start3A_419 = arith.constant 0 : i32
      %dma_start3A_420 = arith.constant 0 : i32
      %dma_start3A_421 = tpu.memref_slice %arg2[%dma_start3A_419, %dma_start3A_420] : memref<10240x64xf32, #tpu.memory_space<hbm>> -> memref<10240x64xf32, #tpu.memory_space<hbm>>
      tpu.enqueue_indirect_dma source(%dma_start3A_421 : memref<10240x64xf32, #tpu.memory_space<hbm>>) target(%arg10 : memref<128x64xf32, #tpu.memory_space<vmem>>) offsets(%arg6 : memref<128xi32, #tpu.memory_space<vmem>>) semaphore(%arg13 : memref<!tpu.dma_semaphore, #tpu.memory_space<semaphore_mem>>)
      %dma_wait3A_422 = arith.constant 0 : i32
      %dma_wait3A_423 = arith.constant 0 : i32
      %dma_wait3A_424 = tpu.memref_slice %arg12[%dma_wait3A_422, %dma_wait3A_423] : memref<10240x64xf32, #tpu.memory_space<vmem_shared>> -> memref<10240x64xf32, #tpu.memory_space<vmem_shared>>
      tpu.wait_indirect_dma semaphore(%arg15 : memref<!tpu.dma_semaphore, #tpu.memory_space<semaphore_mem>>) src(%arg11 : memref<128x64xf32, #tpu.memory_space<vmem>>) dst(%dma_wait3A_424 : memref<10240x64xf32, #tpu.memory_space<vmem_shared>>)
      %add3A_425 = arith.constant 2 : i32
      %add3A_426 = arith.addi %add3A_415, %add3A_425 : i32
      %get3A_427 = arith.index_cast %add3A_426 : i32 to index
      %get3A_428 = arith.constant 0 : index
      %get3A_429 = tpu.vector_load %arg5[%get3A_427, %get3A_428] {strides = array<i32>} : memref<82x128xi32, #tpu.memory_space<vmem>>, vector<1x16xi32>,
      %get3A_430 = vector.shape_cast %get3A_429 : vector<1x16xi32> to vector<16xi32>
      %and3A_431 = arith.andi %get3A_430, %broadcast_in_dim3A_26 : vector<16xi32>
      %swap3A_432 = arith.constant 0 : index
      %swap3A_433 = tpu.vector_load %arg7[%swap3A_432] {strides = array<i32>} : memref<128xi32, #tpu.memory_space<vmem>>, vector<16xi32>,
      %swap3A_434 = vector.shape_cast %swap3A_433 : vector<16xi32> to vector<16xi32>
      %swap3A_435 = vector.shape_cast %and3A_431 : vector<16xi32> to vector<16xi32>
      tpu.vector_store %arg7[%swap3A_432], %swap3A_435 {strides = array<i32>} : memref<128xi32, #tpu.memory_space<vmem>>, vector<16xi32>,
      %shift_right_arithmetic3A_436 = arith.shrsi %get3A_430, %broadcast_in_dim3A_28 : vector<16xi32>
      %swap3A_437 = arith.constant 0 : index
      %swap3A_438 = tpu.vector_load %arg9[%swap3A_437] {strides = array<i32>} : memref<128xi32, #tpu.memory_space<vmem>>, vector<16xi32>,
      %swap3A_439 = vector.shape_cast %swap3A_438 : vector<16xi32> to vector<16xi32>
      %swap3A_440 = vector.shape_cast %shift_right_arithmetic3A_436 : vector<16xi32> to vector<16xi32>
      tpu.vector_store %arg9[%swap3A_437], %swap3A_440 {strides = array<i32>} : memref<128xi32, #tpu.memory_space<vmem>>, vector<16xi32>,
      %get3A_441 = arith.index_cast %add3A_426 : i32 to index
      %get3A_442 = arith.constant 16 : index
      %get3A_443 = tpu.vector_load %arg5[%get3A_441, %get3A_442] {strides = array<i32>} : memref<82x128xi32, #tpu.memory_space<vmem>>, vector<1x16xi32>,
      %get3A_444 = vector.shape_cast %get3A_443 : vector<1x16xi32> to vector<16xi32>
      %and3A_445 = arith.andi %get3A_444, %broadcast_in_dim3A_26 : vector<16xi32>
      %swap3A_446 = arith.constant 16 : index
      %swap3A_447 = tpu.vector_load %arg7[%swap3A_446] {strides = array<i32>} : memref<128xi32, #tpu.memory_space<vmem>>, vector<16xi32>,
      %swap3A_448 = vector.shape_cast %swap3A_447 : vector<16xi32> to vector<16xi32>
      %swap3A_449 = vector.shape_cast %and3A_445 : vector<16xi32> to vector<16xi32>
      tpu.vector_store %arg7[%swap3A_446], %swap3A_449 {strides = array<i32>} : memref<128xi32, #tpu.memory_space<vmem>>, vector<16xi32>,
      %shift_right_arithmetic3A_450 = arith.shrsi %get3A_444, %broadcast_in_dim3A_28 : vector<16xi32>
      %swap3A_451 = arith.constant 16 : index
      %swap3A_452 = tpu.vector_load %arg9[%swap3A_451] {strides = array<i32>} : memref<128xi32, #tpu.memory_space<vmem>>, vector<16xi32>,
      %swap3A_453 = vector.shape_cast %swap3A_452 : vector<16xi32> to vector<16xi32>
      %swap3A_454 = vector.shape_cast %shift_right_arithmetic3A_450 : vector<16xi32> to vector<16xi32>
      tpu.vector_store %arg9[%swap3A_451], %swap3A_454 {strides = array<i32>} : memref<128xi32, #tpu.memory_space<vmem>>, vector<16xi32>,
      %get3A_455 = arith.index_cast %add3A_426 : i32 to index
      %get3A_456 = arith.constant 32 : index
      %get3A_457 = tpu.vector_load %arg5[%get3A_455, %get3A_456] {strides = array<i32>} : memref<82x128xi32, #tpu.memory_space<vmem>>, vector<1x16xi32>,
      %get3A_458 = vector.shape_cast %get3A_457 : vector<1x16xi32> to vector<16xi32>
      %and3A_459 = arith.andi %get3A_458, %broadcast_in_dim3A_26 : vector<16xi32>
      %swap3A_460 = arith.constant 32 : index
      %swap3A_461 = tpu.vector_load %arg7[%swap3A_460] {strides = array<i32>} : memref<128xi32, #tpu.memory_space<vmem>>, vector<16xi32>,
      %swap3A_462 = vector.shape_cast %swap3A_461 : vector<16xi32> to vector<16xi32>
      %swap3A_463 = vector.shape_cast %and3A_459 : vector<16xi32> to vector<16xi32>
      tpu.vector_store %arg7[%swap3A_460], %swap3A_463 {strides = array<i32>} : memref<128xi32, #tpu.memory_space<vmem>>, vector<16xi32>,
      %shift_right_arithmetic3A_464 = arith.shrsi %get3A_458, %broadcast_in_dim3A_28 : vector<16xi32>
      %swap3A_465 = arith.constant 32 : index
      %swap3A_466 = tpu.vector_load %arg9[%swap3A_465] {strides = array<i32>} : memref<128xi32, #tpu.memory_space<vmem>>, vector<16xi32>,
      %swap3A_467 = vector.shape_cast %swap3A_466 : vector<16xi32> to vector<16xi32>
      %swap3A_468 = vector.shape_cast %shift_right_arithmetic3A_464 : vector<16xi32> to vector<16xi32>
      tpu.vector_store %arg9[%swap3A_465], %swap3A_468 {strides = array<i32>} : memref<128xi32, #tpu.memory_space<vmem>>, vector<16xi32>,
      %get3A_469 = arith.index_cast %add3A_426 : i32 to index
      %get3A_470 = arith.constant 48 : index
      %get3A_471 = tpu.vector_load %arg5[%get3A_469, %get3A_470] {strides = array<i32>} : memref<82x128xi32, #tpu.memory_space<vmem>>, vector<1x16xi32>,
      %get3A_472 = vector.shape_cast %get3A_471 : vector<1x16xi32> to vector<16xi32>
      %and3A_473 = arith.andi %get3A_472, %broadcast_in_dim3A_26 : vector<16xi32>
      %swap3A_474 = arith.constant 48 : index
      %swap3A_475 = tpu.vector_load %arg7[%swap3A_474] {strides = array<i32>} : memref<128xi32, #tpu.memory_space<vmem>>, vector<16xi32>,
      %swap3A_476 = vector.shape_cast %swap3A_475 : vector<16xi32> to vector<16xi32>
      %swap3A_477 = vector.shape_cast %and3A_473 : vector<16xi32> to vector<16xi32>
      tpu.vector_store %arg7[%swap3A_474], %swap3A_477 {strides = array<i32>} : memref<128xi32, #tpu.memory_space<vmem>>, vector<16xi32>,
      %shift_right_arithmetic3A_478 = arith.shrsi %get3A_472, %broadcast_in_dim3A_28 : vector<16xi32>
      %swap3A_479 = arith.constant 48 : index
      %swap3A_480 = tpu.vector_load %arg9[%swap3A_479] {strides = array<i32>} : memref<128xi32, #tpu.memory_space<vmem>>, vector<16xi32>,
      %swap3A_481 = vector.shape_cast %swap3A_480 : vector<16xi32> to vector<16xi32>
      %swap3A_482 = vector.shape_cast %shift_right_arithmetic3A_478 : vector<16xi32> to vector<16xi32>
      tpu.vector_store %arg9[%swap3A_479], %swap3A_482 {strides = array<i32>} : memref<128xi32, #tpu.memory_space<vmem>>, vector<16xi32>,
      %get3A_483 = arith.index_cast %add3A_426 : i32 to index
      %get3A_484 = arith.constant 64 : index
      %get3A_485 = tpu.vector_load %arg5[%get3A_483, %get3A_484] {strides = array<i32>} : memref<82x128xi32, #tpu.memory_space<vmem>>, vector<1x16xi32>,
      %get3A_486 = vector.shape_cast %get3A_485 : vector<1x16xi32> to vector<16xi32>
      %and3A_487 = arith.andi %get3A_486, %broadcast_in_dim3A_26 : vector<16xi32>
      %swap3A_488 = arith.constant 64 : index
      %swap3A_489 = tpu.vector_load %arg7[%swap3A_488] {strides = array<i32>} : memref<128xi32, #tpu.memory_space<vmem>>, vector<16xi32>,
      %swap3A_490 = vector.shape_cast %swap3A_489 : vector<16xi32> to vector<16xi32>
      %swap3A_491 = vector.shape_cast %and3A_487 : vector<16xi32> to vector<16xi32>
      tpu.vector_store %arg7[%swap3A_488], %swap3A_491 {strides = array<i32>} : memref<128xi32, #tpu.memory_space<vmem>>, vector<16xi32>,
      %shift_right_arithmetic3A_492 = arith.shrsi %get3A_486, %broadcast_in_dim3A_28 : vector<16xi32>
      %swap3A_493 = arith.constant 64 : index
      %swap3A_494 = tpu.vector_load %arg9[%swap3A_493] {strides = array<i32>} : memref<128xi32, #tpu.memory_space<vmem>>, vector<16xi32>,
      %swap3A_495 = vector.shape_cast %swap3A_494 : vector<16xi32> to vector<16xi32>
      %swap3A_496 = vector.shape_cast %shift_right_arithmetic3A_492 : vector<16xi32> to vector<16xi32>
      tpu.vector_store %arg9[%swap3A_493], %swap3A_496 {strides = array<i32>} : memref<128xi32, #tpu.memory_space<vmem>>, vector<16xi32>,
      %get3A_497 = arith.index_cast %add3A_426 : i32 to index
      %get3A_498 = arith.constant 80 : index
      %get3A_499 = tpu.vector_load %arg5[%get3A_497, %get3A_498] {strides = array<i32>} : memref<82x128xi32, #tpu.memory_space<vmem>>, vector<1x16xi32>,
      %get3A_500 = vector.shape_cast %get3A_499 : vector<1x16xi32> to vector<16xi32>
      %and3A_501 = arith.andi %get3A_500, %broadcast_in_dim3A_26 : vector<16xi32>
      %swap3A_502 = arith.constant 80 : index
      %swap3A_503 = tpu.vector_load %arg7[%swap3A_502] {strides = array<i32>} : memref<128xi32, #tpu.memory_space<vmem>>, vector<16xi32>,
      %swap3A_504 = vector.shape_cast %swap3A_503 : vector<16xi32> to vector<16xi32>
      %swap3A_505 = vector.shape_cast %and3A_501 : vector<16xi32> to vector<16xi32>
      tpu.vector_store %arg7[%swap3A_502], %swap3A_505 {strides = array<i32>} : memref<128xi32, #tpu.memory_space<vmem>>, vector<16xi32>,
      %shift_right_arithmetic3A_506 = arith.shrsi %get3A_500, %broadcast_in_dim3A_28 : vector<16xi32>
      %swap3A_507 = arith.constant 80 : index
      %swap3A_508 = tpu.vector_load %arg9[%swap3A_507] {strides = array<i32>} : memref<128xi32, #tpu.memory_space<vmem>>, vector<16xi32>,
      %swap3A_509 = vector.shape_cast %swap3A_508 : vector<16xi32> to vector<16xi32>
      %swap3A_510 = vector.shape_cast %shift_right_arithmetic3A_506 : vector<16xi32> to vector<16xi32>
      tpu.vector_store %arg9[%swap3A_507], %swap3A_510 {strides = array<i32>} : memref<128xi32, #tpu.memory_space<vmem>>, vector<16xi32>,
      %get3A_511 = arith.index_cast %add3A_426 : i32 to index
      %get3A_512 = arith.constant 96 : index
      %get3A_513 = tpu.vector_load %arg5[%get3A_511, %get3A_512] {strides = array<i32>} : memref<82x128xi32, #tpu.memory_space<vmem>>, vector<1x16xi32>,
      %get3A_514 = vector.shape_cast %get3A_513 : vector<1x16xi32> to vector<16xi32>
      %and3A_515 = arith.andi %get3A_514, %broadcast_in_dim3A_26 : vector<16xi32>
      %swap3A_516 = arith.constant 96 : index
      %swap3A_517 = tpu.vector_load %arg7[%swap3A_516] {strides = array<i32>} : memref<128xi32, #tpu.memory_space<vmem>>, vector<16xi32>,
      %swap3A_518 = vector.shape_cast %swap3A_517 : vector<16xi32> to vector<16xi32>
      %swap3A_519 = vector.shape_cast %and3A_515 : vector<16xi32> to vector<16xi32>
      tpu.vector_store %arg7[%swap3A_516], %swap3A_519 {strides = array<i32>} : memref<128xi32, #tpu.memory_space<vmem>>, vector<16xi32>,
      %shift_right_arithmetic3A_520 = arith.shrsi %get3A_514, %broadcast_in_dim3A_28 : vector<16xi32>
      %swap3A_521 = arith.constant 96 : index
      %swap3A_522 = tpu.vector_load %arg9[%swap3A_521] {strides = array<i32>} : memref<128xi32, #tpu.memory_space<vmem>>, vector<16xi32>,
      %swap3A_523 = vector.shape_cast %swap3A_522 : vector<16xi32> to vector<16xi32>
      %swap3A_524 = vector.shape_cast %shift_right_arithmetic3A_520 : vector<16xi32> to vector<16xi32>
      tpu.vector_store %arg9[%swap3A_521], %swap3A_524 {strides = array<i32>} : memref<128xi32, #tpu.memory_space<vmem>>, vector<16xi32>,
      %get3A_525 = arith.index_cast %add3A_426 : i32 to index
      %get3A_526 = arith.constant 112 : index
      %get3A_527 = tpu.vector_load %arg5[%get3A_525, %get3A_526] {strides = array<i32>} : memref<82x128xi32, #tpu.memory_space<vmem>>, vector<1x16xi32>,
      %get3A_528 = vector.shape_cast %get3A_527 : vector<1x16xi32> to vector<16xi32>
      %and3A_529 = arith.andi %get3A_528, %broadcast_in_dim3A_26 : vector<16xi32>
      %swap3A_530 = arith.constant 112 : index
      %swap3A_531 = tpu.vector_load %arg7[%swap3A_530] {strides = array<i32>} : memref<128xi32, #tpu.memory_space<vmem>>, vector<16xi32>,
      %swap3A_532 = vector.shape_cast %swap3A_531 : vector<16xi32> to vector<16xi32>
      %swap3A_533 = vector.shape_cast %and3A_529 : vector<16xi32> to vector<16xi32>
      tpu.vector_store %arg7[%swap3A_530], %swap3A_533 {strides = array<i32>} : memref<128xi32, #tpu.memory_space<vmem>>, vector<16xi32>,
      %shift_right_arithmetic3A_534 = arith.shrsi %get3A_528, %broadcast_in_dim3A_28 : vector<16xi32>
      %swap3A_535 = arith.constant 112 : index
      %swap3A_536 = tpu.vector_load %arg9[%swap3A_535] {strides = array<i32>} : memref<128xi32, #tpu.memory_space<vmem>>, vector<16xi32>,
      %swap3A_537 = vector.shape_cast %swap3A_536 : vector<16xi32> to vector<16xi32>
      %swap3A_538 = vector.shape_cast %shift_right_arithmetic3A_534 : vector<16xi32> to vector<16xi32>
      tpu.vector_store %arg9[%swap3A_535], %swap3A_538 {strides = array<i32>} : memref<128xi32, #tpu.memory_space<vmem>>, vector<16xi32>,
      %dma_wait3A_539 = arith.constant 0 : i32
      %dma_wait3A_540 = arith.constant 0 : i32
      %dma_wait3A_541 = tpu.memref_slice %arg2[%dma_wait3A_539, %dma_wait3A_540] : memref<10240x64xf32, #tpu.memory_space<hbm>> -> memref<10240x64xf32, #tpu.memory_space<hbm>>
      tpu.wait_indirect_dma semaphore(%arg13 : memref<!tpu.dma_semaphore, #tpu.memory_space<semaphore_mem>>) src(%dma_wait3A_541 : memref<10240x64xf32, #tpu.memory_space<hbm>>) dst(%arg10 : memref<128x64xf32, #tpu.memory_space<vmem>>)
    }
    %barrier3A_280 = arith.constant 0 : index
    tpu.barrier barrier_id(%barrier3A_280)
    "tpu.region"() ({
      %run_scoped3A = tpu.sem_alloc : memref<!tpu.dma_semaphore, #tpu.memory_space<semaphore_mem>>
      %dma_start3A_281 = arith.constant 0 : i32
      %dma_start3A_282 = tpu.memref_slice %arg4[%arg0, %mul3A_13, %dma_start3A_281] : memref<2x10240x64xf32, #tpu.memory_space<hbm>> -> memref<1x640x64xf32, #tpu.memory_space<hbm>>
      %dma_start3A_283 = tpu.memref_squeeze %dma_start3A_282 : memref<1x640x64xf32, #tpu.memory_space<hbm>> -> memref<640x64xf32, #tpu.memory_space<hbm>>
      %dma_start3A_284 = arith.constant 0 : i32
      %dma_start3A_285 = tpu.memref_slice %arg12[%mul3A_13, %dma_start3A_284] : memref<10240x64xf32, #tpu.memory_space<vmem_shared>> -> memref<640x64xf32, #tpu.memory_space<vmem_shared>>
      tpu.enqueue_dma source(%dma_start3A_285 : memref<640x64xf32, #tpu.memory_space<vmem_shared>>) target(%dma_start3A_283 : memref<640x64xf32, #tpu.memory_space<hbm>>) target_semaphore(%run_scoped3A : memref<!tpu.dma_semaphore, #tpu.memory_space<semaphore_mem>>)
      %dma_wait3A_286 = arith.constant 0 : i32
      %dma_wait3A_287 = tpu.memref_slice %arg4[%arg0, %mul3A_13, %dma_wait3A_286] : memref<2x10240x64xf32, #tpu.memory_space<hbm>> -> memref<1x640x64xf32, #tpu.memory_space<hbm>>
      %dma_wait3A_288 = tpu.memref_squeeze %dma_wait3A_287 : memref<1x640x64xf32, #tpu.memory_space<hbm>> -> memref<640x64xf32, #tpu.memory_space<hbm>>
      %dma_wait3A_289 = arith.constant 0 : i32
      %dma_wait3A_290 = tpu.memref_slice %arg12[%mul3A_13, %dma_wait3A_289] : memref<10240x64xf32, #tpu.memory_space<vmem_shared>> -> memref<640x64xf32, #tpu.memory_space<vmem_shared>>
      tpu.wait_dma2 semaphore(%run_scoped3A : memref<!tpu.dma_semaphore, #tpu.memory_space<semaphore_mem>>) src(%dma_wait3A_290 : memref<640x64xf32, #tpu.memory_space<vmem_shared>>) dst(%dma_wait3A_288 : memref<640x64xf32, #tpu.memory_space<hbm>>)
      tpu.yield
    }) : () -> ()
    return
  }
}

#map = affine_map<(d0, d1) -> (0, 0, 0)>
module attributes {stable_mosaic.version = 14 : i64} {
  func.func @deg_kernel(%arg0: i32, %arg1: i32, %arg2: memref<32x82x128xi32, #tpu.memory_space<hbm>>, %arg3: memref<2x10240x16xf32, #tpu.memory_space<hbm>>, %arg4: memref<82x128xi32, #tpu.memory_space<vmem>>, %arg5: memref<128x16xf32, #tpu.memory_space<vmem>>, %arg6: memref<64x16xf32, #tpu.memory_space<vmem>>, %arg7: memref<10240x16xf32, #tpu.memory_space<vmem_shared>>, %arg8: memref<!tpu.dma_semaphore, #tpu.memory_space<semaphore_mem>>) attributes {dimension_semantics = [#tpu.dimension_semantics<core_parallel>, #tpu.dimension_semantics<subcore_parallel>], iteration_bounds = array<i64: 2, 16>, scalar_prefetch = 0 : i64, scratch_operands = 5 : i64, tpu.core_type = #tpu.core_type<sc_vector_subcore>, window_params = [{transform_indices = #map}, {transform_indices = #map}]} {
    %mul3A = arith.constant 2 : i32
    %mul3A_0 = arith.muli %arg1, %mul3A : i32
    %add3A = arith.addi %mul3A_0, %arg0 : i32
    "tpu.region"() ({
      %run_scoped3A = tpu.sem_alloc : memref<!tpu.dma_semaphore, #tpu.memory_space<semaphore_mem>>
      %dma_start3A_1191 = arith.constant 0 : i32
      %dma_start3A_1192 = arith.constant 0 : i32
      %dma_start3A_1193 = tpu.memref_slice %arg2[%add3A, %dma_start3A_1191, %dma_start3A_1192] : memref<32x82x128xi32, #tpu.memory_space<hbm>> -> memref<1x82x128xi32, #tpu.memory_space<hbm>>
      %dma_start3A_1194 = tpu.memref_squeeze %dma_start3A_1193 : memref<1x82x128xi32, #tpu.memory_space<hbm>> -> memref<82x128xi32, #tpu.memory_space<hbm>>
      %dma_start3A_1195 = arith.constant 0 : i32
      %dma_start3A_1196 = arith.constant 0 : i32
      %dma_start3A_1197 = tpu.memref_slice %arg2[%add3A, %dma_start3A_1195, %dma_start3A_1196] : memref<32x82x128xi32, #tpu.memory_space<hbm>> -> memref<1x82x128xi32, #tpu.memory_space<hbm>>
      %dma_start3A_1198 = tpu.memref_squeeze %dma_start3A_1197 : memref<1x82x128xi32, #tpu.memory_space<hbm>> -> memref<82x128xi32, #tpu.memory_space<hbm>>
      tpu.enqueue_dma source(%dma_start3A_1198 : memref<82x128xi32, #tpu.memory_space<hbm>>) target(%arg4 : memref<82x128xi32, #tpu.memory_space<vmem>>) target_semaphore(%run_scoped3A : memref<!tpu.dma_semaphore, #tpu.memory_space<semaphore_mem>>)
      %dma_wait3A_1199 = arith.constant 0 : i32
      %dma_wait3A_1200 = arith.constant 0 : i32
      %dma_wait3A_1201 = tpu.memref_slice %arg2[%add3A, %dma_wait3A_1199, %dma_wait3A_1200] : memref<32x82x128xi32, #tpu.memory_space<hbm>> -> memref<1x82x128xi32, #tpu.memory_space<hbm>>
      %dma_wait3A_1202 = tpu.memref_squeeze %dma_wait3A_1201 : memref<1x82x128xi32, #tpu.memory_space<hbm>> -> memref<82x128xi32, #tpu.memory_space<hbm>>
      %dma_wait3A_1203 = arith.constant 0 : i32
      %dma_wait3A_1204 = arith.constant 0 : i32
      %dma_wait3A_1205 = tpu.memref_slice %arg2[%add3A, %dma_wait3A_1203, %dma_wait3A_1204] : memref<32x82x128xi32, #tpu.memory_space<hbm>> -> memref<1x82x128xi32, #tpu.memory_space<hbm>>
      %dma_wait3A_1206 = tpu.memref_squeeze %dma_wait3A_1205 : memref<1x82x128xi32, #tpu.memory_space<hbm>> -> memref<82x128xi32, #tpu.memory_space<hbm>>
      tpu.wait_dma2 semaphore(%run_scoped3A : memref<!tpu.dma_semaphore, #tpu.memory_space<semaphore_mem>>) src(%dma_wait3A_1206 : memref<82x128xi32, #tpu.memory_space<hbm>>) dst(%arg4 : memref<82x128xi32, #tpu.memory_space<vmem>>)
      tpu.yield
    }) : () -> ()
    %broadcast_in_dim3A = arith.constant 1.000000e+00 : f32
    %broadcast_in_dim3A_1 = vector.broadcast %broadcast_in_dim3A : f32 to vector<16xf32>
    %broadcast_in_dim3A_2 = arith.constant 0.000000e+00 : f32
    %broadcast_in_dim3A_3 = vector.broadcast %broadcast_in_dim3A_2 : f32 to vector<16xf32>
    %swap3A = arith.constant 0 : i64
    %swap3A_4 = arith.index_cast %swap3A : i64 to index
    %swap3A_5 = arith.constant 0 : index
    %swap3A_6 = tpu.vector_load %arg5[%swap3A_4, %swap3A_5] {strides = array<i32>} : memref<128x16xf32, #tpu.memory_space<vmem>>, vector<1x16xf32>,
    %swap3A_7 = vector.shape_cast %swap3A_6 : vector<1x16xf32> to vector<16xf32>
    %swap3A_8 = vector.shape_cast %broadcast_in_dim3A_1 : vector<16xf32> to vector<1x16xf32>
    tpu.vector_store %arg5[%swap3A_4, %swap3A_5], %swap3A_8 {strides = array<i32>} : memref<128x16xf32, #tpu.memory_space<vmem>>, vector<1x16xf32>,
    %swap3A_9 = arith.constant 1 : i64
    %swap3A_10 = arith.index_cast %swap3A_9 : i64 to index
    %swap3A_11 = arith.constant 0 : index
    %swap3A_12 = tpu.vector_load %arg5[%swap3A_10, %swap3A_11] {strides = array<i32>} : memref<128x16xf32, #tpu.memory_space<vmem>>, vector<1x16xf32>,
    %swap3A_13 = vector.shape_cast %swap3A_12 : vector<1x16xf32> to vector<16xf32>
    %swap3A_14 = vector.shape_cast %broadcast_in_dim3A_1 : vector<16xf32> to vector<1x16xf32>
    tpu.vector_store %arg5[%swap3A_10, %swap3A_11], %swap3A_14 {strides = array<i32>} : memref<128x16xf32, #tpu.memory_space<vmem>>, vector<1x16xf32>,
    %swap3A_15 = arith.constant 2 : i64
    %swap3A_16 = arith.index_cast %swap3A_15 : i64 to index
    %swap3A_17 = arith.constant 0 : index
    %swap3A_18 = tpu.vector_load %arg5[%swap3A_16, %swap3A_17] {strides = array<i32>} : memref<128x16xf32, #tpu.memory_space<vmem>>, vector<1x16xf32>,
    %swap3A_19 = vector.shape_cast %swap3A_18 : vector<1x16xf32> to vector<16xf32>
    %swap3A_20 = vector.shape_cast %broadcast_in_dim3A_1 : vector<16xf32> to vector<1x16xf32>
    tpu.vector_store %arg5[%swap3A_16, %swap3A_17], %swap3A_20 {strides = array<i32>} : memref<128x16xf32, #tpu.memory_space<vmem>>, vector<1x16xf32>,
    %swap3A_21 = arith.constant 3 : i64
    %swap3A_22 = arith.index_cast %swap3A_21 : i64 to index
    %swap3A_23 = arith.constant 0 : index
    %swap3A_24 = tpu.vector_load %arg5[%swap3A_22, %swap3A_23] {strides = array<i32>} : memref<128x16xf32, #tpu.memory_space<vmem>>, vector<1x16xf32>,
    %swap3A_25 = vector.shape_cast %swap3A_24 : vector<1x16xf32> to vector<16xf32>
    %swap3A_26 = vector.shape_cast %broadcast_in_dim3A_1 : vector<16xf32> to vector<1x16xf32>
    tpu.vector_store %arg5[%swap3A_22, %swap3A_23], %swap3A_26 {strides = array<i32>} : memref<128x16xf32, #tpu.memory_space<vmem>>, vector<1x16xf32>,
    %swap3A_27 = arith.constant 4 : i64
    %swap3A_28 = arith.index_cast %swap3A_27 : i64 to index
    %swap3A_29 = arith.constant 0 : index
    %swap3A_30 = tpu.vector_load %arg5[%swap3A_28, %swap3A_29] {strides = array<i32>} : memref<128x16xf32, #tpu.memory_space<vmem>>, vector<1x16xf32>,
    %swap3A_31 = vector.shape_cast %swap3A_30 : vector<1x16xf32> to vector<16xf32>
    %swap3A_32 = vector.shape_cast %broadcast_in_dim3A_1 : vector<16xf32> to vector<1x16xf32>
    tpu.vector_store %arg5[%swap3A_28, %swap3A_29], %swap3A_32 {strides = array<i32>} : memref<128x16xf32, #tpu.memory_space<vmem>>, vector<1x16xf32>,
    %swap3A_33 = arith.constant 5 : i64
    %swap3A_34 = arith.index_cast %swap3A_33 : i64 to index
    %swap3A_35 = arith.constant 0 : index
    %swap3A_36 = tpu.vector_load %arg5[%swap3A_34, %swap3A_35] {strides = array<i32>} : memref<128x16xf32, #tpu.memory_space<vmem>>, vector<1x16xf32>,
    %swap3A_37 = vector.shape_cast %swap3A_36 : vector<1x16xf32> to vector<16xf32>
    %swap3A_38 = vector.shape_cast %broadcast_in_dim3A_1 : vector<16xf32> to vector<1x16xf32>
    tpu.vector_store %arg5[%swap3A_34, %swap3A_35], %swap3A_38 {strides = array<i32>} : memref<128x16xf32, #tpu.memory_space<vmem>>, vector<1x16xf32>,
    %swap3A_39 = arith.constant 6 : i64
    %swap3A_40 = arith.index_cast %swap3A_39 : i64 to index
    %swap3A_41 = arith.constant 0 : index
    %swap3A_42 = tpu.vector_load %arg5[%swap3A_40, %swap3A_41] {strides = array<i32>} : memref<128x16xf32, #tpu.memory_space<vmem>>, vector<1x16xf32>,
    %swap3A_43 = vector.shape_cast %swap3A_42 : vector<1x16xf32> to vector<16xf32>
    %swap3A_44 = vector.shape_cast %broadcast_in_dim3A_1 : vector<16xf32> to vector<1x16xf32>
    tpu.vector_store %arg5[%swap3A_40, %swap3A_41], %swap3A_44 {strides = array<i32>} : memref<128x16xf32, #tpu.memory_space<vmem>>, vector<1x16xf32>,
    %swap3A_45 = arith.constant 7 : i64
    %swap3A_46 = arith.index_cast %swap3A_45 : i64 to index
    %swap3A_47 = arith.constant 0 : index
    %swap3A_48 = tpu.vector_load %arg5[%swap3A_46, %swap3A_47] {strides = array<i32>} : memref<128x16xf32, #tpu.memory_space<vmem>>, vector<1x16xf32>,
    %swap3A_49 = vector.shape_cast %swap3A_48 : vector<1x16xf32> to vector<16xf32>
    %swap3A_50 = vector.shape_cast %broadcast_in_dim3A_1 : vector<16xf32> to vector<1x16xf32>
    tpu.vector_store %arg5[%swap3A_46, %swap3A_47], %swap3A_50 {strides = array<i32>} : memref<128x16xf32, #tpu.memory_space<vmem>>, vector<1x16xf32>,
    %swap3A_51 = arith.constant 8 : i64
    %swap3A_52 = arith.index_cast %swap3A_51 : i64 to index
    %swap3A_53 = arith.constant 0 : index
    %swap3A_54 = tpu.vector_load %arg5[%swap3A_52, %swap3A_53] {strides = array<i32>} : memref<128x16xf32, #tpu.memory_space<vmem>>, vector<1x16xf32>,
    %swap3A_55 = vector.shape_cast %swap3A_54 : vector<1x16xf32> to vector<16xf32>
    %swap3A_56 = vector.shape_cast %broadcast_in_dim3A_1 : vector<16xf32> to vector<1x16xf32>
    tpu.vector_store %arg5[%swap3A_52, %swap3A_53], %swap3A_56 {strides = array<i32>} : memref<128x16xf32, #tpu.memory_space<vmem>>, vector<1x16xf32>,
    %swap3A_57 = arith.constant 9 : i64
    %swap3A_58 = arith.index_cast %swap3A_57 : i64 to index
    %swap3A_59 = arith.constant 0 : index
    %swap3A_60 = tpu.vector_load %arg5[%swap3A_58, %swap3A_59] {strides = array<i32>} : memref<128x16xf32, #tpu.memory_space<vmem>>, vector<1x16xf32>,
    %swap3A_61 = vector.shape_cast %swap3A_60 : vector<1x16xf32> to vector<16xf32>
    %swap3A_62 = vector.shape_cast %broadcast_in_dim3A_1 : vector<16xf32> to vector<1x16xf32>
    tpu.vector_store %arg5[%swap3A_58, %swap3A_59], %swap3A_62 {strides = array<i32>} : memref<128x16xf32, #tpu.memory_space<vmem>>, vector<1x16xf32>,
    %swap3A_63 = arith.constant 10 : i64
    %swap3A_64 = arith.index_cast %swap3A_63 : i64 to index
    %swap3A_65 = arith.constant 0 : index
    %swap3A_66 = tpu.vector_load %arg5[%swap3A_64, %swap3A_65] {strides = array<i32>} : memref<128x16xf32, #tpu.memory_space<vmem>>, vector<1x16xf32>,
    %swap3A_67 = vector.shape_cast %swap3A_66 : vector<1x16xf32> to vector<16xf32>
    %swap3A_68 = vector.shape_cast %broadcast_in_dim3A_1 : vector<16xf32> to vector<1x16xf32>
    tpu.vector_store %arg5[%swap3A_64, %swap3A_65], %swap3A_68 {strides = array<i32>} : memref<128x16xf32, #tpu.memory_space<vmem>>, vector<1x16xf32>,
    %swap3A_69 = arith.constant 11 : i64
    %swap3A_70 = arith.index_cast %swap3A_69 : i64 to index
    %swap3A_71 = arith.constant 0 : index
    %swap3A_72 = tpu.vector_load %arg5[%swap3A_70, %swap3A_71] {strides = array<i32>} : memref<128x16xf32, #tpu.memory_space<vmem>>, vector<1x16xf32>,
    %swap3A_73 = vector.shape_cast %swap3A_72 : vector<1x16xf32> to vector<16xf32>
    %swap3A_74 = vector.shape_cast %broadcast_in_dim3A_1 : vector<16xf32> to vector<1x16xf32>
    tpu.vector_store %arg5[%swap3A_70, %swap3A_71], %swap3A_74 {strides = array<i32>} : memref<128x16xf32, #tpu.memory_space<vmem>>, vector<1x16xf32>,
    %swap3A_75 = arith.constant 12 : i64
    %swap3A_76 = arith.index_cast %swap3A_75 : i64 to index
    %swap3A_77 = arith.constant 0 : index
    %swap3A_78 = tpu.vector_load %arg5[%swap3A_76, %swap3A_77] {strides = array<i32>} : memref<128x16xf32, #tpu.memory_space<vmem>>, vector<1x16xf32>,
    %swap3A_79 = vector.shape_cast %swap3A_78 : vector<1x16xf32> to vector<16xf32>
    %swap3A_80 = vector.shape_cast %broadcast_in_dim3A_1 : vector<16xf32> to vector<1x16xf32>
    tpu.vector_store %arg5[%swap3A_76, %swap3A_77], %swap3A_80 {strides = array<i32>} : memref<128x16xf32, #tpu.memory_space<vmem>>, vector<1x16xf32>,
    %swap3A_81 = arith.constant 13 : i64
    %swap3A_82 = arith.index_cast %swap3A_81 : i64 to index
    %swap3A_83 = arith.constant 0 : index
    %swap3A_84 = tpu.vector_load %arg5[%swap3A_82, %swap3A_83] {strides = array<i32>} : memref<128x16xf32, #tpu.memory_space<vmem>>, vector<1x16xf32>,
    %swap3A_85 = vector.shape_cast %swap3A_84 : vector<1x16xf32> to vector<16xf32>
    %swap3A_86 = vector.shape_cast %broadcast_in_dim3A_1 : vector<16xf32> to vector<1x16xf32>
    tpu.vector_store %arg5[%swap3A_82, %swap3A_83], %swap3A_86 {strides = array<i32>} : memref<128x16xf32, #tpu.memory_space<vmem>>, vector<1x16xf32>,
    %swap3A_87 = arith.constant 14 : i64
    %swap3A_88 = arith.index_cast %swap3A_87 : i64 to index
    %swap3A_89 = arith.constant 0 : index
    %swap3A_90 = tpu.vector_load %arg5[%swap3A_88, %swap3A_89] {strides = array<i32>} : memref<128x16xf32, #tpu.memory_space<vmem>>, vector<1x16xf32>,
    %swap3A_91 = vector.shape_cast %swap3A_90 : vector<1x16xf32> to vector<16xf32>
    %swap3A_92 = vector.shape_cast %broadcast_in_dim3A_1 : vector<16xf32> to vector<1x16xf32>
    tpu.vector_store %arg5[%swap3A_88, %swap3A_89], %swap3A_92 {strides = array<i32>} : memref<128x16xf32, #tpu.memory_space<vmem>>, vector<1x16xf32>,
    %swap3A_93 = arith.constant 15 : i64
    %swap3A_94 = arith.index_cast %swap3A_93 : i64 to index
    %swap3A_95 = arith.constant 0 : index
    %swap3A_96 = tpu.vector_load %arg5[%swap3A_94, %swap3A_95] {strides = array<i32>} : memref<128x16xf32, #tpu.memory_space<vmem>>, vector<1x16xf32>,
    %swap3A_97 = vector.shape_cast %swap3A_96 : vector<1x16xf32> to vector<16xf32>
    %swap3A_98 = vector.shape_cast %broadcast_in_dim3A_1 : vector<16xf32> to vector<1x16xf32>
    tpu.vector_store %arg5[%swap3A_94, %swap3A_95], %swap3A_98 {strides = array<i32>} : memref<128x16xf32, #tpu.memory_space<vmem>>, vector<1x16xf32>,
    %swap3A_99 = arith.constant 16 : i64
    %swap3A_100 = arith.index_cast %swap3A_99 : i64 to index
    %swap3A_101 = arith.constant 0 : index
    %swap3A_102 = tpu.vector_load %arg5[%swap3A_100, %swap3A_101] {strides = array<i32>} : memref<128x16xf32, #tpu.memory_space<vmem>>, vector<1x16xf32>,
    %swap3A_103 = vector.shape_cast %swap3A_102 : vector<1x16xf32> to vector<16xf32>
    %swap3A_104 = vector.shape_cast %broadcast_in_dim3A_1 : vector<16xf32> to vector<1x16xf32>
    tpu.vector_store %arg5[%swap3A_100, %swap3A_101], %swap3A_104 {strides = array<i32>} : memref<128x16xf32, #tpu.memory_space<vmem>>, vector<1x16xf32>,
    %swap3A_105 = arith.constant 17 : i64
    %swap3A_106 = arith.index_cast %swap3A_105 : i64 to index
    %swap3A_107 = arith.constant 0 : index
    %swap3A_108 = tpu.vector_load %arg5[%swap3A_106, %swap3A_107] {strides = array<i32>} : memref<128x16xf32, #tpu.memory_space<vmem>>, vector<1x16xf32>,
    %swap3A_109 = vector.shape_cast %swap3A_108 : vector<1x16xf32> to vector<16xf32>
    %swap3A_110 = vector.shape_cast %broadcast_in_dim3A_1 : vector<16xf32> to vector<1x16xf32>
    tpu.vector_store %arg5[%swap3A_106, %swap3A_107], %swap3A_110 {strides = array<i32>} : memref<128x16xf32, #tpu.memory_space<vmem>>, vector<1x16xf32>,
    %swap3A_111 = arith.constant 18 : i64
    %swap3A_112 = arith.index_cast %swap3A_111 : i64 to index
    %swap3A_113 = arith.constant 0 : index
    %swap3A_114 = tpu.vector_load %arg5[%swap3A_112, %swap3A_113] {strides = array<i32>} : memref<128x16xf32, #tpu.memory_space<vmem>>, vector<1x16xf32>,
    %swap3A_115 = vector.shape_cast %swap3A_114 : vector<1x16xf32> to vector<16xf32>
    %swap3A_116 = vector.shape_cast %broadcast_in_dim3A_1 : vector<16xf32> to vector<1x16xf32>
    tpu.vector_store %arg5[%swap3A_112, %swap3A_113], %swap3A_116 {strides = array<i32>} : memref<128x16xf32, #tpu.memory_space<vmem>>, vector<1x16xf32>,
    %swap3A_117 = arith.constant 19 : i64
    %swap3A_118 = arith.index_cast %swap3A_117 : i64 to index
    %swap3A_119 = arith.constant 0 : index
    %swap3A_120 = tpu.vector_load %arg5[%swap3A_118, %swap3A_119] {strides = array<i32>} : memref<128x16xf32, #tpu.memory_space<vmem>>, vector<1x16xf32>,
    %swap3A_121 = vector.shape_cast %swap3A_120 : vector<1x16xf32> to vector<16xf32>
    %swap3A_122 = vector.shape_cast %broadcast_in_dim3A_1 : vector<16xf32> to vector<1x16xf32>
    tpu.vector_store %arg5[%swap3A_118, %swap3A_119], %swap3A_122 {strides = array<i32>} : memref<128x16xf32, #tpu.memory_space<vmem>>, vector<1x16xf32>,
    %swap3A_123 = arith.constant 20 : i64
    %swap3A_124 = arith.index_cast %swap3A_123 : i64 to index
    %swap3A_125 = arith.constant 0 : index
    %swap3A_126 = tpu.vector_load %arg5[%swap3A_124, %swap3A_125] {strides = array<i32>} : memref<128x16xf32, #tpu.memory_space<vmem>>, vector<1x16xf32>,
    %swap3A_127 = vector.shape_cast %swap3A_126 : vector<1x16xf32> to vector<16xf32>
    %swap3A_128 = vector.shape_cast %broadcast_in_dim3A_1 : vector<16xf32> to vector<1x16xf32>
    tpu.vector_store %arg5[%swap3A_124, %swap3A_125], %swap3A_128 {strides = array<i32>} : memref<128x16xf32, #tpu.memory_space<vmem>>, vector<1x16xf32>,
    %swap3A_129 = arith.constant 21 : i64
    %swap3A_130 = arith.index_cast %swap3A_129 : i64 to index
    %swap3A_131 = arith.constant 0 : index
    %swap3A_132 = tpu.vector_load %arg5[%swap3A_130, %swap3A_131] {strides = array<i32>} : memref<128x16xf32, #tpu.memory_space<vmem>>, vector<1x16xf32>,
    %swap3A_133 = vector.shape_cast %swap3A_132 : vector<1x16xf32> to vector<16xf32>
    %swap3A_134 = vector.shape_cast %broadcast_in_dim3A_1 : vector<16xf32> to vector<1x16xf32>
    tpu.vector_store %arg5[%swap3A_130, %swap3A_131], %swap3A_134 {strides = array<i32>} : memref<128x16xf32, #tpu.memory_space<vmem>>, vector<1x16xf32>,
    %swap3A_135 = arith.constant 22 : i64
    %swap3A_136 = arith.index_cast %swap3A_135 : i64 to index
    %swap3A_137 = arith.constant 0 : index
    %swap3A_138 = tpu.vector_load %arg5[%swap3A_136, %swap3A_137] {strides = array<i32>} : memref<128x16xf32, #tpu.memory_space<vmem>>, vector<1x16xf32>,
    %swap3A_139 = vector.shape_cast %swap3A_138 : vector<1x16xf32> to vector<16xf32>
    %swap3A_140 = vector.shape_cast %broadcast_in_dim3A_1 : vector<16xf32> to vector<1x16xf32>
    tpu.vector_store %arg5[%swap3A_136, %swap3A_137], %swap3A_140 {strides = array<i32>} : memref<128x16xf32, #tpu.memory_space<vmem>>, vector<1x16xf32>,
    %swap3A_141 = arith.constant 23 : i64
    %swap3A_142 = arith.index_cast %swap3A_141 : i64 to index
    %swap3A_143 = arith.constant 0 : index
    %swap3A_144 = tpu.vector_load %arg5[%swap3A_142, %swap3A_143] {strides = array<i32>} : memref<128x16xf32, #tpu.memory_space<vmem>>, vector<1x16xf32>,
    %swap3A_145 = vector.shape_cast %swap3A_144 : vector<1x16xf32> to vector<16xf32>
    %swap3A_146 = vector.shape_cast %broadcast_in_dim3A_1 : vector<16xf32> to vector<1x16xf32>
    tpu.vector_store %arg5[%swap3A_142, %swap3A_143], %swap3A_146 {strides = array<i32>} : memref<128x16xf32, #tpu.memory_space<vmem>>, vector<1x16xf32>,
    %swap3A_147 = arith.constant 24 : i64
    %swap3A_148 = arith.index_cast %swap3A_147 : i64 to index
    %swap3A_149 = arith.constant 0 : index
    %swap3A_150 = tpu.vector_load %arg5[%swap3A_148, %swap3A_149] {strides = array<i32>} : memref<128x16xf32, #tpu.memory_space<vmem>>, vector<1x16xf32>,
    %swap3A_151 = vector.shape_cast %swap3A_150 : vector<1x16xf32> to vector<16xf32>
    %swap3A_152 = vector.shape_cast %broadcast_in_dim3A_1 : vector<16xf32> to vector<1x16xf32>
    tpu.vector_store %arg5[%swap3A_148, %swap3A_149], %swap3A_152 {strides = array<i32>} : memref<128x16xf32, #tpu.memory_space<vmem>>, vector<1x16xf32>,
    %swap3A_153 = arith.constant 25 : i64
    %swap3A_154 = arith.index_cast %swap3A_153 : i64 to index
    %swap3A_155 = arith.constant 0 : index
    %swap3A_156 = tpu.vector_load %arg5[%swap3A_154, %swap3A_155] {strides = array<i32>} : memref<128x16xf32, #tpu.memory_space<vmem>>, vector<1x16xf32>,
    %swap3A_157 = vector.shape_cast %swap3A_156 : vector<1x16xf32> to vector<16xf32>
    %swap3A_158 = vector.shape_cast %broadcast_in_dim3A_1 : vector<16xf32> to vector<1x16xf32>
    tpu.vector_store %arg5[%swap3A_154, %swap3A_155], %swap3A_158 {strides = array<i32>} : memref<128x16xf32, #tpu.memory_space<vmem>>, vector<1x16xf32>,
    %swap3A_159 = arith.constant 26 : i64
    %swap3A_160 = arith.index_cast %swap3A_159 : i64 to index
    %swap3A_161 = arith.constant 0 : index
    %swap3A_162 = tpu.vector_load %arg5[%swap3A_160, %swap3A_161] {strides = array<i32>} : memref<128x16xf32, #tpu.memory_space<vmem>>, vector<1x16xf32>,
    %swap3A_163 = vector.shape_cast %swap3A_162 : vector<1x16xf32> to vector<16xf32>
    %swap3A_164 = vector.shape_cast %broadcast_in_dim3A_1 : vector<16xf32> to vector<1x16xf32>
    tpu.vector_store %arg5[%swap3A_160, %swap3A_161], %swap3A_164 {strides = array<i32>} : memref<128x16xf32, #tpu.memory_space<vmem>>, vector<1x16xf32>,
    %swap3A_165 = arith.constant 27 : i64
    %swap3A_166 = arith.index_cast %swap3A_165 : i64 to index
    %swap3A_167 = arith.constant 0 : index
    %swap3A_168 = tpu.vector_load %arg5[%swap3A_166, %swap3A_167] {strides = array<i32>} : memref<128x16xf32, #tpu.memory_space<vmem>>, vector<1x16xf32>,
    %swap3A_169 = vector.shape_cast %swap3A_168 : vector<1x16xf32> to vector<16xf32>
    %swap3A_170 = vector.shape_cast %broadcast_in_dim3A_1 : vector<16xf32> to vector<1x16xf32>
    tpu.vector_store %arg5[%swap3A_166, %swap3A_167], %swap3A_170 {strides = array<i32>} : memref<128x16xf32, #tpu.memory_space<vmem>>, vector<1x16xf32>,
    %swap3A_171 = arith.constant 28 : i64
    %swap3A_172 = arith.index_cast %swap3A_171 : i64 to index
    %swap3A_173 = arith.constant 0 : index
    %swap3A_174 = tpu.vector_load %arg5[%swap3A_172, %swap3A_173] {strides = array<i32>} : memref<128x16xf32, #tpu.memory_space<vmem>>, vector<1x16xf32>,
    %swap3A_175 = vector.shape_cast %swap3A_174 : vector<1x16xf32> to vector<16xf32>
    %swap3A_176 = vector.shape_cast %broadcast_in_dim3A_1 : vector<16xf32> to vector<1x16xf32>
    tpu.vector_store %arg5[%swap3A_172, %swap3A_173], %swap3A_176 {strides = array<i32>} : memref<128x16xf32, #tpu.memory_space<vmem>>, vector<1x16xf32>,
    %swap3A_177 = arith.constant 29 : i64
    %swap3A_178 = arith.index_cast %swap3A_177 : i64 to index
    %swap3A_179 = arith.constant 0 : index
    %swap3A_180 = tpu.vector_load %arg5[%swap3A_178, %swap3A_179] {strides = array<i32>} : memref<128x16xf32, #tpu.memory_space<vmem>>, vector<1x16xf32>,
    %swap3A_181 = vector.shape_cast %swap3A_180 : vector<1x16xf32> to vector<16xf32>
    %swap3A_182 = vector.shape_cast %broadcast_in_dim3A_1 : vector<16xf32> to vector<1x16xf32>
    tpu.vector_store %arg5[%swap3A_178, %swap3A_179], %swap3A_182 {strides = array<i32>} : memref<128x16xf32, #tpu.memory_space<vmem>>, vector<1x16xf32>,
    %swap3A_183 = arith.constant 30 : i64
    %swap3A_184 = arith.index_cast %swap3A_183 : i64 to index
    %swap3A_185 = arith.constant 0 : index
    %swap3A_186 = tpu.vector_load %arg5[%swap3A_184, %swap3A_185] {strides = array<i32>} : memref<128x16xf32, #tpu.memory_space<vmem>>, vector<1x16xf32>,
    %swap3A_187 = vector.shape_cast %swap3A_186 : vector<1x16xf32> to vector<16xf32>
    %swap3A_188 = vector.shape_cast %broadcast_in_dim3A_1 : vector<16xf32> to vector<1x16xf32>
    tpu.vector_store %arg5[%swap3A_184, %swap3A_185], %swap3A_188 {strides = array<i32>} : memref<128x16xf32, #tpu.memory_space<vmem>>, vector<1x16xf32>,
    %swap3A_189 = arith.constant 31 : i64
    %swap3A_190 = arith.index_cast %swap3A_189 : i64 to index
    %swap3A_191 = arith.constant 0 : index
    %swap3A_192 = tpu.vector_load %arg5[%swap3A_190, %swap3A_191] {strides = array<i32>} : memref<128x16xf32, #tpu.memory_space<vmem>>, vector<1x16xf32>,
    %swap3A_193 = vector.shape_cast %swap3A_192 : vector<1x16xf32> to vector<16xf32>
    %swap3A_194 = vector.shape_cast %broadcast_in_dim3A_1 : vector<16xf32> to vector<1x16xf32>
    tpu.vector_store %arg5[%swap3A_190, %swap3A_191], %swap3A_194 {strides = array<i32>} : memref<128x16xf32, #tpu.memory_space<vmem>>, vector<1x16xf32>,
    %swap3A_195 = arith.constant 32 : i64
    %swap3A_196 = arith.index_cast %swap3A_195 : i64 to index
    %swap3A_197 = arith.constant 0 : index
    %swap3A_198 = tpu.vector_load %arg5[%swap3A_196, %swap3A_197] {strides = array<i32>} : memref<128x16xf32, #tpu.memory_space<vmem>>, vector<1x16xf32>,
    %swap3A_199 = vector.shape_cast %swap3A_198 : vector<1x16xf32> to vector<16xf32>
    %swap3A_200 = vector.shape_cast %broadcast_in_dim3A_1 : vector<16xf32> to vector<1x16xf32>
    tpu.vector_store %arg5[%swap3A_196, %swap3A_197], %swap3A_200 {strides = array<i32>} : memref<128x16xf32, #tpu.memory_space<vmem>>, vector<1x16xf32>,
    %swap3A_201 = arith.constant 33 : i64
    %swap3A_202 = arith.index_cast %swap3A_201 : i64 to index
    %swap3A_203 = arith.constant 0 : index
    %swap3A_204 = tpu.vector_load %arg5[%swap3A_202, %swap3A_203] {strides = array<i32>} : memref<128x16xf32, #tpu.memory_space<vmem>>, vector<1x16xf32>,
    %swap3A_205 = vector.shape_cast %swap3A_204 : vector<1x16xf32> to vector<16xf32>
    %swap3A_206 = vector.shape_cast %broadcast_in_dim3A_1 : vector<16xf32> to vector<1x16xf32>
    tpu.vector_store %arg5[%swap3A_202, %swap3A_203], %swap3A_206 {strides = array<i32>} : memref<128x16xf32, #tpu.memory_space<vmem>>, vector<1x16xf32>,
    %swap3A_207 = arith.constant 34 : i64
    %swap3A_208 = arith.index_cast %swap3A_207 : i64 to index
    %swap3A_209 = arith.constant 0 : index
    %swap3A_210 = tpu.vector_load %arg5[%swap3A_208, %swap3A_209] {strides = array<i32>} : memref<128x16xf32, #tpu.memory_space<vmem>>, vector<1x16xf32>,
    %swap3A_211 = vector.shape_cast %swap3A_210 : vector<1x16xf32> to vector<16xf32>
    %swap3A_212 = vector.shape_cast %broadcast_in_dim3A_1 : vector<16xf32> to vector<1x16xf32>
    tpu.vector_store %arg5[%swap3A_208, %swap3A_209], %swap3A_212 {strides = array<i32>} : memref<128x16xf32, #tpu.memory_space<vmem>>, vector<1x16xf32>,
    %swap3A_213 = arith.constant 35 : i64
    %swap3A_214 = arith.index_cast %swap3A_213 : i64 to index
    %swap3A_215 = arith.constant 0 : index
    %swap3A_216 = tpu.vector_load %arg5[%swap3A_214, %swap3A_215] {strides = array<i32>} : memref<128x16xf32, #tpu.memory_space<vmem>>, vector<1x16xf32>,
    %swap3A_217 = vector.shape_cast %swap3A_216 : vector<1x16xf32> to vector<16xf32>
    %swap3A_218 = vector.shape_cast %broadcast_in_dim3A_1 : vector<16xf32> to vector<1x16xf32>
    tpu.vector_store %arg5[%swap3A_214, %swap3A_215], %swap3A_218 {strides = array<i32>} : memref<128x16xf32, #tpu.memory_space<vmem>>, vector<1x16xf32>,
    %swap3A_219 = arith.constant 36 : i64
    %swap3A_220 = arith.index_cast %swap3A_219 : i64 to index
    %swap3A_221 = arith.constant 0 : index
    %swap3A_222 = tpu.vector_load %arg5[%swap3A_220, %swap3A_221] {strides = array<i32>} : memref<128x16xf32, #tpu.memory_space<vmem>>, vector<1x16xf32>,
    %swap3A_223 = vector.shape_cast %swap3A_222 : vector<1x16xf32> to vector<16xf32>
    %swap3A_224 = vector.shape_cast %broadcast_in_dim3A_1 : vector<16xf32> to vector<1x16xf32>
    tpu.vector_store %arg5[%swap3A_220, %swap3A_221], %swap3A_224 {strides = array<i32>} : memref<128x16xf32, #tpu.memory_space<vmem>>, vector<1x16xf32>,
    %swap3A_225 = arith.constant 37 : i64
    %swap3A_226 = arith.index_cast %swap3A_225 : i64 to index
    %swap3A_227 = arith.constant 0 : index
    %swap3A_228 = tpu.vector_load %arg5[%swap3A_226, %swap3A_227] {strides = array<i32>} : memref<128x16xf32, #tpu.memory_space<vmem>>, vector<1x16xf32>,
    %swap3A_229 = vector.shape_cast %swap3A_228 : vector<1x16xf32> to vector<16xf32>
    %swap3A_230 = vector.shape_cast %broadcast_in_dim3A_1 : vector<16xf32> to vector<1x16xf32>
    tpu.vector_store %arg5[%swap3A_226, %swap3A_227], %swap3A_230 {strides = array<i32>} : memref<128x16xf32, #tpu.memory_space<vmem>>, vector<1x16xf32>,
    %swap3A_231 = arith.constant 38 : i64
    %swap3A_232 = arith.index_cast %swap3A_231 : i64 to index
    %swap3A_233 = arith.constant 0 : index
    %swap3A_234 = tpu.vector_load %arg5[%swap3A_232, %swap3A_233] {strides = array<i32>} : memref<128x16xf32, #tpu.memory_space<vmem>>, vector<1x16xf32>,
    %swap3A_235 = vector.shape_cast %swap3A_234 : vector<1x16xf32> to vector<16xf32>
    %swap3A_236 = vector.shape_cast %broadcast_in_dim3A_1 : vector<16xf32> to vector<1x16xf32>
    tpu.vector_store %arg5[%swap3A_232, %swap3A_233], %swap3A_236 {strides = array<i32>} : memref<128x16xf32, #tpu.memory_space<vmem>>, vector<1x16xf32>,
    %swap3A_237 = arith.constant 39 : i64
    %swap3A_238 = arith.index_cast %swap3A_237 : i64 to index
    %swap3A_239 = arith.constant 0 : index
    %swap3A_240 = tpu.vector_load %arg5[%swap3A_238, %swap3A_239] {strides = array<i32>} : memref<128x16xf32, #tpu.memory_space<vmem>>, vector<1x16xf32>,
    %swap3A_241 = vector.shape_cast %swap3A_240 : vector<1x16xf32> to vector<16xf32>
    %swap3A_242 = vector.shape_cast %broadcast_in_dim3A_1 : vector<16xf32> to vector<1x16xf32>
    tpu.vector_store %arg5[%swap3A_238, %swap3A_239], %swap3A_242 {strides = array<i32>} : memref<128x16xf32, #tpu.memory_space<vmem>>, vector<1x16xf32>,
    %swap3A_243 = arith.constant 40 : i64
    %swap3A_244 = arith.index_cast %swap3A_243 : i64 to index
    %swap3A_245 = arith.constant 0 : index
    %swap3A_246 = tpu.vector_load %arg5[%swap3A_244, %swap3A_245] {strides = array<i32>} : memref<128x16xf32, #tpu.memory_space<vmem>>, vector<1x16xf32>,
    %swap3A_247 = vector.shape_cast %swap3A_246 : vector<1x16xf32> to vector<16xf32>
    %swap3A_248 = vector.shape_cast %broadcast_in_dim3A_1 : vector<16xf32> to vector<1x16xf32>
    tpu.vector_store %arg5[%swap3A_244, %swap3A_245], %swap3A_248 {strides = array<i32>} : memref<128x16xf32, #tpu.memory_space<vmem>>, vector<1x16xf32>,
    %swap3A_249 = arith.constant 41 : i64
    %swap3A_250 = arith.index_cast %swap3A_249 : i64 to index
    %swap3A_251 = arith.constant 0 : index
    %swap3A_252 = tpu.vector_load %arg5[%swap3A_250, %swap3A_251] {strides = array<i32>} : memref<128x16xf32, #tpu.memory_space<vmem>>, vector<1x16xf32>,
    %swap3A_253 = vector.shape_cast %swap3A_252 : vector<1x16xf32> to vector<16xf32>
    %swap3A_254 = vector.shape_cast %broadcast_in_dim3A_1 : vector<16xf32> to vector<1x16xf32>
    tpu.vector_store %arg5[%swap3A_250, %swap3A_251], %swap3A_254 {strides = array<i32>} : memref<128x16xf32, #tpu.memory_space<vmem>>, vector<1x16xf32>,
    %swap3A_255 = arith.constant 42 : i64
    %swap3A_256 = arith.index_cast %swap3A_255 : i64 to index
    %swap3A_257 = arith.constant 0 : index
    %swap3A_258 = tpu.vector_load %arg5[%swap3A_256, %swap3A_257] {strides = array<i32>} : memref<128x16xf32, #tpu.memory_space<vmem>>, vector<1x16xf32>,
    %swap3A_259 = vector.shape_cast %swap3A_258 : vector<1x16xf32> to vector<16xf32>
    %swap3A_260 = vector.shape_cast %broadcast_in_dim3A_1 : vector<16xf32> to vector<1x16xf32>
    tpu.vector_store %arg5[%swap3A_256, %swap3A_257], %swap3A_260 {strides = array<i32>} : memref<128x16xf32, #tpu.memory_space<vmem>>, vector<1x16xf32>,
    %swap3A_261 = arith.constant 43 : i64
    %swap3A_262 = arith.index_cast %swap3A_261 : i64 to index
    %swap3A_263 = arith.constant 0 : index
    %swap3A_264 = tpu.vector_load %arg5[%swap3A_262, %swap3A_263] {strides = array<i32>} : memref<128x16xf32, #tpu.memory_space<vmem>>, vector<1x16xf32>,
    %swap3A_265 = vector.shape_cast %swap3A_264 : vector<1x16xf32> to vector<16xf32>
    %swap3A_266 = vector.shape_cast %broadcast_in_dim3A_1 : vector<16xf32> to vector<1x16xf32>
    tpu.vector_store %arg5[%swap3A_262, %swap3A_263], %swap3A_266 {strides = array<i32>} : memref<128x16xf32, #tpu.memory_space<vmem>>, vector<1x16xf32>,
    %swap3A_267 = arith.constant 44 : i64
    %swap3A_268 = arith.index_cast %swap3A_267 : i64 to index
    %swap3A_269 = arith.constant 0 : index
    %swap3A_270 = tpu.vector_load %arg5[%swap3A_268, %swap3A_269] {strides = array<i32>} : memref<128x16xf32, #tpu.memory_space<vmem>>, vector<1x16xf32>,
    %swap3A_271 = vector.shape_cast %swap3A_270 : vector<1x16xf32> to vector<16xf32>
    %swap3A_272 = vector.shape_cast %broadcast_in_dim3A_1 : vector<16xf32> to vector<1x16xf32>
    tpu.vector_store %arg5[%swap3A_268, %swap3A_269], %swap3A_272 {strides = array<i32>} : memref<128x16xf32, #tpu.memory_space<vmem>>, vector<1x16xf32>,
    %swap3A_273 = arith.constant 45 : i64
    %swap3A_274 = arith.index_cast %swap3A_273 : i64 to index
    %swap3A_275 = arith.constant 0 : index
    %swap3A_276 = tpu.vector_load %arg5[%swap3A_274, %swap3A_275] {strides = array<i32>} : memref<128x16xf32, #tpu.memory_space<vmem>>, vector<1x16xf32>,
    %swap3A_277 = vector.shape_cast %swap3A_276 : vector<1x16xf32> to vector<16xf32>
    %swap3A_278 = vector.shape_cast %broadcast_in_dim3A_1 : vector<16xf32> to vector<1x16xf32>
    tpu.vector_store %arg5[%swap3A_274, %swap3A_275], %swap3A_278 {strides = array<i32>} : memref<128x16xf32, #tpu.memory_space<vmem>>, vector<1x16xf32>,
    %swap3A_279 = arith.constant 46 : i64
    %swap3A_280 = arith.index_cast %swap3A_279 : i64 to index
    %swap3A_281 = arith.constant 0 : index
    %swap3A_282 = tpu.vector_load %arg5[%swap3A_280, %swap3A_281] {strides = array<i32>} : memref<128x16xf32, #tpu.memory_space<vmem>>, vector<1x16xf32>,
    %swap3A_283 = vector.shape_cast %swap3A_282 : vector<1x16xf32> to vector<16xf32>
    %swap3A_284 = vector.shape_cast %broadcast_in_dim3A_1 : vector<16xf32> to vector<1x16xf32>
    tpu.vector_store %arg5[%swap3A_280, %swap3A_281], %swap3A_284 {strides = array<i32>} : memref<128x16xf32, #tpu.memory_space<vmem>>, vector<1x16xf32>,
    %swap3A_285 = arith.constant 47 : i64
    %swap3A_286 = arith.index_cast %swap3A_285 : i64 to index
    %swap3A_287 = arith.constant 0 : index
    %swap3A_288 = tpu.vector_load %arg5[%swap3A_286, %swap3A_287] {strides = array<i32>} : memref<128x16xf32, #tpu.memory_space<vmem>>, vector<1x16xf32>,
    %swap3A_289 = vector.shape_cast %swap3A_288 : vector<1x16xf32> to vector<16xf32>
    %swap3A_290 = vector.shape_cast %broadcast_in_dim3A_1 : vector<16xf32> to vector<1x16xf32>
    tpu.vector_store %arg5[%swap3A_286, %swap3A_287], %swap3A_290 {strides = array<i32>} : memref<128x16xf32, #tpu.memory_space<vmem>>, vector<1x16xf32>,
    %swap3A_291 = arith.constant 48 : i64
    %swap3A_292 = arith.index_cast %swap3A_291 : i64 to index
    %swap3A_293 = arith.constant 0 : index
    %swap3A_294 = tpu.vector_load %arg5[%swap3A_292, %swap3A_293] {strides = array<i32>} : memref<128x16xf32, #tpu.memory_space<vmem>>, vector<1x16xf32>,
    %swap3A_295 = vector.shape_cast %swap3A_294 : vector<1x16xf32> to vector<16xf32>
    %swap3A_296 = vector.shape_cast %broadcast_in_dim3A_1 : vector<16xf32> to vector<1x16xf32>
    tpu.vector_store %arg5[%swap3A_292, %swap3A_293], %swap3A_296 {strides = array<i32>} : memref<128x16xf32, #tpu.memory_space<vmem>>, vector<1x16xf32>,
    %swap3A_297 = arith.constant 49 : i64
    %swap3A_298 = arith.index_cast %swap3A_297 : i64 to index
    %swap3A_299 = arith.constant 0 : index
    %swap3A_300 = tpu.vector_load %arg5[%swap3A_298, %swap3A_299] {strides = array<i32>} : memref<128x16xf32, #tpu.memory_space<vmem>>, vector<1x16xf32>,
    %swap3A_301 = vector.shape_cast %swap3A_300 : vector<1x16xf32> to vector<16xf32>
    %swap3A_302 = vector.shape_cast %broadcast_in_dim3A_1 : vector<16xf32> to vector<1x16xf32>
    tpu.vector_store %arg5[%swap3A_298, %swap3A_299], %swap3A_302 {strides = array<i32>} : memref<128x16xf32, #tpu.memory_space<vmem>>, vector<1x16xf32>,
    %swap3A_303 = arith.constant 50 : i64
    %swap3A_304 = arith.index_cast %swap3A_303 : i64 to index
    %swap3A_305 = arith.constant 0 : index
    %swap3A_306 = tpu.vector_load %arg5[%swap3A_304, %swap3A_305] {strides = array<i32>} : memref<128x16xf32, #tpu.memory_space<vmem>>, vector<1x16xf32>,
    %swap3A_307 = vector.shape_cast %swap3A_306 : vector<1x16xf32> to vector<16xf32>
    %swap3A_308 = vector.shape_cast %broadcast_in_dim3A_1 : vector<16xf32> to vector<1x16xf32>
    tpu.vector_store %arg5[%swap3A_304, %swap3A_305], %swap3A_308 {strides = array<i32>} : memref<128x16xf32, #tpu.memory_space<vmem>>, vector<1x16xf32>,
    %swap3A_309 = arith.constant 51 : i64
    %swap3A_310 = arith.index_cast %swap3A_309 : i64 to index
    %swap3A_311 = arith.constant 0 : index
    %swap3A_312 = tpu.vector_load %arg5[%swap3A_310, %swap3A_311] {strides = array<i32>} : memref<128x16xf32, #tpu.memory_space<vmem>>, vector<1x16xf32>,
    %swap3A_313 = vector.shape_cast %swap3A_312 : vector<1x16xf32> to vector<16xf32>
    %swap3A_314 = vector.shape_cast %broadcast_in_dim3A_1 : vector<16xf32> to vector<1x16xf32>
    tpu.vector_store %arg5[%swap3A_310, %swap3A_311], %swap3A_314 {strides = array<i32>} : memref<128x16xf32, #tpu.memory_space<vmem>>, vector<1x16xf32>,
    %swap3A_315 = arith.constant 52 : i64
    %swap3A_316 = arith.index_cast %swap3A_315 : i64 to index
    %swap3A_317 = arith.constant 0 : index
    %swap3A_318 = tpu.vector_load %arg5[%swap3A_316, %swap3A_317] {strides = array<i32>} : memref<128x16xf32, #tpu.memory_space<vmem>>, vector<1x16xf32>,
    %swap3A_319 = vector.shape_cast %swap3A_318 : vector<1x16xf32> to vector<16xf32>
    %swap3A_320 = vector.shape_cast %broadcast_in_dim3A_1 : vector<16xf32> to vector<1x16xf32>
    tpu.vector_store %arg5[%swap3A_316, %swap3A_317], %swap3A_320 {strides = array<i32>} : memref<128x16xf32, #tpu.memory_space<vmem>>, vector<1x16xf32>,
    %swap3A_321 = arith.constant 53 : i64
    %swap3A_322 = arith.index_cast %swap3A_321 : i64 to index
    %swap3A_323 = arith.constant 0 : index
    %swap3A_324 = tpu.vector_load %arg5[%swap3A_322, %swap3A_323] {strides = array<i32>} : memref<128x16xf32, #tpu.memory_space<vmem>>, vector<1x16xf32>,
    %swap3A_325 = vector.shape_cast %swap3A_324 : vector<1x16xf32> to vector<16xf32>
    %swap3A_326 = vector.shape_cast %broadcast_in_dim3A_1 : vector<16xf32> to vector<1x16xf32>
    tpu.vector_store %arg5[%swap3A_322, %swap3A_323], %swap3A_326 {strides = array<i32>} : memref<128x16xf32, #tpu.memory_space<vmem>>, vector<1x16xf32>,
    %swap3A_327 = arith.constant 54 : i64
    %swap3A_328 = arith.index_cast %swap3A_327 : i64 to index
    %swap3A_329 = arith.constant 0 : index
    %swap3A_330 = tpu.vector_load %arg5[%swap3A_328, %swap3A_329] {strides = array<i32>} : memref<128x16xf32, #tpu.memory_space<vmem>>, vector<1x16xf32>,
    %swap3A_331 = vector.shape_cast %swap3A_330 : vector<1x16xf32> to vector<16xf32>
    %swap3A_332 = vector.shape_cast %broadcast_in_dim3A_1 : vector<16xf32> to vector<1x16xf32>
    tpu.vector_store %arg5[%swap3A_328, %swap3A_329], %swap3A_332 {strides = array<i32>} : memref<128x16xf32, #tpu.memory_space<vmem>>, vector<1x16xf32>,
    %swap3A_333 = arith.constant 55 : i64
    %swap3A_334 = arith.index_cast %swap3A_333 : i64 to index
    %swap3A_335 = arith.constant 0 : index
    %swap3A_336 = tpu.vector_load %arg5[%swap3A_334, %swap3A_335] {strides = array<i32>} : memref<128x16xf32, #tpu.memory_space<vmem>>, vector<1x16xf32>,
    %swap3A_337 = vector.shape_cast %swap3A_336 : vector<1x16xf32> to vector<16xf32>
    %swap3A_338 = vector.shape_cast %broadcast_in_dim3A_1 : vector<16xf32> to vector<1x16xf32>
    tpu.vector_store %arg5[%swap3A_334, %swap3A_335], %swap3A_338 {strides = array<i32>} : memref<128x16xf32, #tpu.memory_space<vmem>>, vector<1x16xf32>,
    %swap3A_339 = arith.constant 56 : i64
    %swap3A_340 = arith.index_cast %swap3A_339 : i64 to index
    %swap3A_341 = arith.constant 0 : index
    %swap3A_342 = tpu.vector_load %arg5[%swap3A_340, %swap3A_341] {strides = array<i32>} : memref<128x16xf32, #tpu.memory_space<vmem>>, vector<1x16xf32>,
    %swap3A_343 = vector.shape_cast %swap3A_342 : vector<1x16xf32> to vector<16xf32>
    %swap3A_344 = vector.shape_cast %broadcast_in_dim3A_1 : vector<16xf32> to vector<1x16xf32>
    tpu.vector_store %arg5[%swap3A_340, %swap3A_341], %swap3A_344 {strides = array<i32>} : memref<128x16xf32, #tpu.memory_space<vmem>>, vector<1x16xf32>,
    %swap3A_345 = arith.constant 57 : i64
    %swap3A_346 = arith.index_cast %swap3A_345 : i64 to index
    %swap3A_347 = arith.constant 0 : index
    %swap3A_348 = tpu.vector_load %arg5[%swap3A_346, %swap3A_347] {strides = array<i32>} : memref<128x16xf32, #tpu.memory_space<vmem>>, vector<1x16xf32>,
    %swap3A_349 = vector.shape_cast %swap3A_348 : vector<1x16xf32> to vector<16xf32>
    %swap3A_350 = vector.shape_cast %broadcast_in_dim3A_1 : vector<16xf32> to vector<1x16xf32>
    tpu.vector_store %arg5[%swap3A_346, %swap3A_347], %swap3A_350 {strides = array<i32>} : memref<128x16xf32, #tpu.memory_space<vmem>>, vector<1x16xf32>,
    %swap3A_351 = arith.constant 58 : i64
    %swap3A_352 = arith.index_cast %swap3A_351 : i64 to index
    %swap3A_353 = arith.constant 0 : index
    %swap3A_354 = tpu.vector_load %arg5[%swap3A_352, %swap3A_353] {strides = array<i32>} : memref<128x16xf32, #tpu.memory_space<vmem>>, vector<1x16xf32>,
    %swap3A_355 = vector.shape_cast %swap3A_354 : vector<1x16xf32> to vector<16xf32>
    %swap3A_356 = vector.shape_cast %broadcast_in_dim3A_1 : vector<16xf32> to vector<1x16xf32>
    tpu.vector_store %arg5[%swap3A_352, %swap3A_353], %swap3A_356 {strides = array<i32>} : memref<128x16xf32, #tpu.memory_space<vmem>>, vector<1x16xf32>,
    %swap3A_357 = arith.constant 59 : i64
    %swap3A_358 = arith.index_cast %swap3A_357 : i64 to index
    %swap3A_359 = arith.constant 0 : index
    %swap3A_360 = tpu.vector_load %arg5[%swap3A_358, %swap3A_359] {strides = array<i32>} : memref<128x16xf32, #tpu.memory_space<vmem>>, vector<1x16xf32>,
    %swap3A_361 = vector.shape_cast %swap3A_360 : vector<1x16xf32> to vector<16xf32>
    %swap3A_362 = vector.shape_cast %broadcast_in_dim3A_1 : vector<16xf32> to vector<1x16xf32>
    tpu.vector_store %arg5[%swap3A_358, %swap3A_359], %swap3A_362 {strides = array<i32>} : memref<128x16xf32, #tpu.memory_space<vmem>>, vector<1x16xf32>,
    %swap3A_363 = arith.constant 60 : i64
    %swap3A_364 = arith.index_cast %swap3A_363 : i64 to index
    %swap3A_365 = arith.constant 0 : index
    %swap3A_366 = tpu.vector_load %arg5[%swap3A_364, %swap3A_365] {strides = array<i32>} : memref<128x16xf32, #tpu.memory_space<vmem>>, vector<1x16xf32>,
    %swap3A_367 = vector.shape_cast %swap3A_366 : vector<1x16xf32> to vector<16xf32>
    %swap3A_368 = vector.shape_cast %broadcast_in_dim3A_1 : vector<16xf32> to vector<1x16xf32>
    tpu.vector_store %arg5[%swap3A_364, %swap3A_365], %swap3A_368 {strides = array<i32>} : memref<128x16xf32, #tpu.memory_space<vmem>>, vector<1x16xf32>,
    %swap3A_369 = arith.constant 61 : i64
    %swap3A_370 = arith.index_cast %swap3A_369 : i64 to index
    %swap3A_371 = arith.constant 0 : index
    %swap3A_372 = tpu.vector_load %arg5[%swap3A_370, %swap3A_371] {strides = array<i32>} : memref<128x16xf32, #tpu.memory_space<vmem>>, vector<1x16xf32>,
    %swap3A_373 = vector.shape_cast %swap3A_372 : vector<1x16xf32> to vector<16xf32>
    %swap3A_374 = vector.shape_cast %broadcast_in_dim3A_1 : vector<16xf32> to vector<1x16xf32>
    tpu.vector_store %arg5[%swap3A_370, %swap3A_371], %swap3A_374 {strides = array<i32>} : memref<128x16xf32, #tpu.memory_space<vmem>>, vector<1x16xf32>,
    %swap3A_375 = arith.constant 62 : i64
    %swap3A_376 = arith.index_cast %swap3A_375 : i64 to index
    %swap3A_377 = arith.constant 0 : index
    %swap3A_378 = tpu.vector_load %arg5[%swap3A_376, %swap3A_377] {strides = array<i32>} : memref<128x16xf32, #tpu.memory_space<vmem>>, vector<1x16xf32>,
    %swap3A_379 = vector.shape_cast %swap3A_378 : vector<1x16xf32> to vector<16xf32>
    %swap3A_380 = vector.shape_cast %broadcast_in_dim3A_1 : vector<16xf32> to vector<1x16xf32>
    tpu.vector_store %arg5[%swap3A_376, %swap3A_377], %swap3A_380 {strides = array<i32>} : memref<128x16xf32, #tpu.memory_space<vmem>>, vector<1x16xf32>,
    %swap3A_381 = arith.constant 63 : i64
    %swap3A_382 = arith.index_cast %swap3A_381 : i64 to index
    %swap3A_383 = arith.constant 0 : index
    %swap3A_384 = tpu.vector_load %arg5[%swap3A_382, %swap3A_383] {strides = array<i32>} : memref<128x16xf32, #tpu.memory_space<vmem>>, vector<1x16xf32>,
    %swap3A_385 = vector.shape_cast %swap3A_384 : vector<1x16xf32> to vector<16xf32>
    %swap3A_386 = vector.shape_cast %broadcast_in_dim3A_1 : vector<16xf32> to vector<1x16xf32>
    tpu.vector_store %arg5[%swap3A_382, %swap3A_383], %swap3A_386 {strides = array<i32>} : memref<128x16xf32, #tpu.memory_space<vmem>>, vector<1x16xf32>,
    %swap3A_387 = arith.constant 64 : i64
    %swap3A_388 = arith.index_cast %swap3A_387 : i64 to index
    %swap3A_389 = arith.constant 0 : index
    %swap3A_390 = tpu.vector_load %arg5[%swap3A_388, %swap3A_389] {strides = array<i32>} : memref<128x16xf32, #tpu.memory_space<vmem>>, vector<1x16xf32>,
    %swap3A_391 = vector.shape_cast %swap3A_390 : vector<1x16xf32> to vector<16xf32>
    %swap3A_392 = vector.shape_cast %broadcast_in_dim3A_1 : vector<16xf32> to vector<1x16xf32>
    tpu.vector_store %arg5[%swap3A_388, %swap3A_389], %swap3A_392 {strides = array<i32>} : memref<128x16xf32, #tpu.memory_space<vmem>>, vector<1x16xf32>,
    %swap3A_393 = arith.constant 65 : i64
    %swap3A_394 = arith.index_cast %swap3A_393 : i64 to index
    %swap3A_395 = arith.constant 0 : index
    %swap3A_396 = tpu.vector_load %arg5[%swap3A_394, %swap3A_395] {strides = array<i32>} : memref<128x16xf32, #tpu.memory_space<vmem>>, vector<1x16xf32>,
    %swap3A_397 = vector.shape_cast %swap3A_396 : vector<1x16xf32> to vector<16xf32>
    %swap3A_398 = vector.shape_cast %broadcast_in_dim3A_1 : vector<16xf32> to vector<1x16xf32>
    tpu.vector_store %arg5[%swap3A_394, %swap3A_395], %swap3A_398 {strides = array<i32>} : memref<128x16xf32, #tpu.memory_space<vmem>>, vector<1x16xf32>,
    %swap3A_399 = arith.constant 66 : i64
    %swap3A_400 = arith.index_cast %swap3A_399 : i64 to index
    %swap3A_401 = arith.constant 0 : index
    %swap3A_402 = tpu.vector_load %arg5[%swap3A_400, %swap3A_401] {strides = array<i32>} : memref<128x16xf32, #tpu.memory_space<vmem>>, vector<1x16xf32>,
    %swap3A_403 = vector.shape_cast %swap3A_402 : vector<1x16xf32> to vector<16xf32>
    %swap3A_404 = vector.shape_cast %broadcast_in_dim3A_1 : vector<16xf32> to vector<1x16xf32>
    tpu.vector_store %arg5[%swap3A_400, %swap3A_401], %swap3A_404 {strides = array<i32>} : memref<128x16xf32, #tpu.memory_space<vmem>>, vector<1x16xf32>,
    %swap3A_405 = arith.constant 67 : i64
    %swap3A_406 = arith.index_cast %swap3A_405 : i64 to index
    %swap3A_407 = arith.constant 0 : index
    %swap3A_408 = tpu.vector_load %arg5[%swap3A_406, %swap3A_407] {strides = array<i32>} : memref<128x16xf32, #tpu.memory_space<vmem>>, vector<1x16xf32>,
    %swap3A_409 = vector.shape_cast %swap3A_408 : vector<1x16xf32> to vector<16xf32>
    %swap3A_410 = vector.shape_cast %broadcast_in_dim3A_1 : vector<16xf32> to vector<1x16xf32>
    tpu.vector_store %arg5[%swap3A_406, %swap3A_407], %swap3A_410 {strides = array<i32>} : memref<128x16xf32, #tpu.memory_space<vmem>>, vector<1x16xf32>,
    %swap3A_411 = arith.constant 68 : i64
    %swap3A_412 = arith.index_cast %swap3A_411 : i64 to index
    %swap3A_413 = arith.constant 0 : index
    %swap3A_414 = tpu.vector_load %arg5[%swap3A_412, %swap3A_413] {strides = array<i32>} : memref<128x16xf32, #tpu.memory_space<vmem>>, vector<1x16xf32>,
    %swap3A_415 = vector.shape_cast %swap3A_414 : vector<1x16xf32> to vector<16xf32>
    %swap3A_416 = vector.shape_cast %broadcast_in_dim3A_1 : vector<16xf32> to vector<1x16xf32>
    tpu.vector_store %arg5[%swap3A_412, %swap3A_413], %swap3A_416 {strides = array<i32>} : memref<128x16xf32, #tpu.memory_space<vmem>>, vector<1x16xf32>,
    %swap3A_417 = arith.constant 69 : i64
    %swap3A_418 = arith.index_cast %swap3A_417 : i64 to index
    %swap3A_419 = arith.constant 0 : index
    %swap3A_420 = tpu.vector_load %arg5[%swap3A_418, %swap3A_419] {strides = array<i32>} : memref<128x16xf32, #tpu.memory_space<vmem>>, vector<1x16xf32>,
    %swap3A_421 = vector.shape_cast %swap3A_420 : vector<1x16xf32> to vector<16xf32>
    %swap3A_422 = vector.shape_cast %broadcast_in_dim3A_1 : vector<16xf32> to vector<1x16xf32>
    tpu.vector_store %arg5[%swap3A_418, %swap3A_419], %swap3A_422 {strides = array<i32>} : memref<128x16xf32, #tpu.memory_space<vmem>>, vector<1x16xf32>,
    %swap3A_423 = arith.constant 70 : i64
    %swap3A_424 = arith.index_cast %swap3A_423 : i64 to index
    %swap3A_425 = arith.constant 0 : index
    %swap3A_426 = tpu.vector_load %arg5[%swap3A_424, %swap3A_425] {strides = array<i32>} : memref<128x16xf32, #tpu.memory_space<vmem>>, vector<1x16xf32>,
    %swap3A_427 = vector.shape_cast %swap3A_426 : vector<1x16xf32> to vector<16xf32>
    %swap3A_428 = vector.shape_cast %broadcast_in_dim3A_1 : vector<16xf32> to vector<1x16xf32>
    tpu.vector_store %arg5[%swap3A_424, %swap3A_425], %swap3A_428 {strides = array<i32>} : memref<128x16xf32, #tpu.memory_space<vmem>>, vector<1x16xf32>,
    %swap3A_429 = arith.constant 71 : i64
    %swap3A_430 = arith.index_cast %swap3A_429 : i64 to index
    %swap3A_431 = arith.constant 0 : index
    %swap3A_432 = tpu.vector_load %arg5[%swap3A_430, %swap3A_431] {strides = array<i32>} : memref<128x16xf32, #tpu.memory_space<vmem>>, vector<1x16xf32>,
    %swap3A_433 = vector.shape_cast %swap3A_432 : vector<1x16xf32> to vector<16xf32>
    %swap3A_434 = vector.shape_cast %broadcast_in_dim3A_1 : vector<16xf32> to vector<1x16xf32>
    tpu.vector_store %arg5[%swap3A_430, %swap3A_431], %swap3A_434 {strides = array<i32>} : memref<128x16xf32, #tpu.memory_space<vmem>>, vector<1x16xf32>,
    %swap3A_435 = arith.constant 72 : i64
    %swap3A_436 = arith.index_cast %swap3A_435 : i64 to index
    %swap3A_437 = arith.constant 0 : index
    %swap3A_438 = tpu.vector_load %arg5[%swap3A_436, %swap3A_437] {strides = array<i32>} : memref<128x16xf32, #tpu.memory_space<vmem>>, vector<1x16xf32>,
    %swap3A_439 = vector.shape_cast %swap3A_438 : vector<1x16xf32> to vector<16xf32>
    %swap3A_440 = vector.shape_cast %broadcast_in_dim3A_1 : vector<16xf32> to vector<1x16xf32>
    tpu.vector_store %arg5[%swap3A_436, %swap3A_437], %swap3A_440 {strides = array<i32>} : memref<128x16xf32, #tpu.memory_space<vmem>>, vector<1x16xf32>,
    %swap3A_441 = arith.constant 73 : i64
    %swap3A_442 = arith.index_cast %swap3A_441 : i64 to index
    %swap3A_443 = arith.constant 0 : index
    %swap3A_444 = tpu.vector_load %arg5[%swap3A_442, %swap3A_443] {strides = array<i32>} : memref<128x16xf32, #tpu.memory_space<vmem>>, vector<1x16xf32>,
    %swap3A_445 = vector.shape_cast %swap3A_444 : vector<1x16xf32> to vector<16xf32>
    %swap3A_446 = vector.shape_cast %broadcast_in_dim3A_1 : vector<16xf32> to vector<1x16xf32>
    tpu.vector_store %arg5[%swap3A_442, %swap3A_443], %swap3A_446 {strides = array<i32>} : memref<128x16xf32, #tpu.memory_space<vmem>>, vector<1x16xf32>,
    %swap3A_447 = arith.constant 74 : i64
    %swap3A_448 = arith.index_cast %swap3A_447 : i64 to index
    %swap3A_449 = arith.constant 0 : index
    %swap3A_450 = tpu.vector_load %arg5[%swap3A_448, %swap3A_449] {strides = array<i32>} : memref<128x16xf32, #tpu.memory_space<vmem>>, vector<1x16xf32>,
    %swap3A_451 = vector.shape_cast %swap3A_450 : vector<1x16xf32> to vector<16xf32>
    %swap3A_452 = vector.shape_cast %broadcast_in_dim3A_1 : vector<16xf32> to vector<1x16xf32>
    tpu.vector_store %arg5[%swap3A_448, %swap3A_449], %swap3A_452 {strides = array<i32>} : memref<128x16xf32, #tpu.memory_space<vmem>>, vector<1x16xf32>,
    %swap3A_453 = arith.constant 75 : i64
    %swap3A_454 = arith.index_cast %swap3A_453 : i64 to index
    %swap3A_455 = arith.constant 0 : index
    %swap3A_456 = tpu.vector_load %arg5[%swap3A_454, %swap3A_455] {strides = array<i32>} : memref<128x16xf32, #tpu.memory_space<vmem>>, vector<1x16xf32>,
    %swap3A_457 = vector.shape_cast %swap3A_456 : vector<1x16xf32> to vector<16xf32>
    %swap3A_458 = vector.shape_cast %broadcast_in_dim3A_1 : vector<16xf32> to vector<1x16xf32>
    tpu.vector_store %arg5[%swap3A_454, %swap3A_455], %swap3A_458 {strides = array<i32>} : memref<128x16xf32, #tpu.memory_space<vmem>>, vector<1x16xf32>,
    %swap3A_459 = arith.constant 76 : i64
    %swap3A_460 = arith.index_cast %swap3A_459 : i64 to index
    %swap3A_461 = arith.constant 0 : index
    %swap3A_462 = tpu.vector_load %arg5[%swap3A_460, %swap3A_461] {strides = array<i32>} : memref<128x16xf32, #tpu.memory_space<vmem>>, vector<1x16xf32>,
    %swap3A_463 = vector.shape_cast %swap3A_462 : vector<1x16xf32> to vector<16xf32>
    %swap3A_464 = vector.shape_cast %broadcast_in_dim3A_1 : vector<16xf32> to vector<1x16xf32>
    tpu.vector_store %arg5[%swap3A_460, %swap3A_461], %swap3A_464 {strides = array<i32>} : memref<128x16xf32, #tpu.memory_space<vmem>>, vector<1x16xf32>,
    %swap3A_465 = arith.constant 77 : i64
    %swap3A_466 = arith.index_cast %swap3A_465 : i64 to index
    %swap3A_467 = arith.constant 0 : index
    %swap3A_468 = tpu.vector_load %arg5[%swap3A_466, %swap3A_467] {strides = array<i32>} : memref<128x16xf32, #tpu.memory_space<vmem>>, vector<1x16xf32>,
    %swap3A_469 = vector.shape_cast %swap3A_468 : vector<1x16xf32> to vector<16xf32>
    %swap3A_470 = vector.shape_cast %broadcast_in_dim3A_1 : vector<16xf32> to vector<1x16xf32>
    tpu.vector_store %arg5[%swap3A_466, %swap3A_467], %swap3A_470 {strides = array<i32>} : memref<128x16xf32, #tpu.memory_space<vmem>>, vector<1x16xf32>,
    %swap3A_471 = arith.constant 78 : i64
    %swap3A_472 = arith.index_cast %swap3A_471 : i64 to index
    %swap3A_473 = arith.constant 0 : index
    %swap3A_474 = tpu.vector_load %arg5[%swap3A_472, %swap3A_473] {strides = array<i32>} : memref<128x16xf32, #tpu.memory_space<vmem>>, vector<1x16xf32>,
    %swap3A_475 = vector.shape_cast %swap3A_474 : vector<1x16xf32> to vector<16xf32>
    %swap3A_476 = vector.shape_cast %broadcast_in_dim3A_1 : vector<16xf32> to vector<1x16xf32>
    tpu.vector_store %arg5[%swap3A_472, %swap3A_473], %swap3A_476 {strides = array<i32>} : memref<128x16xf32, #tpu.memory_space<vmem>>, vector<1x16xf32>,
    %swap3A_477 = arith.constant 79 : i64
    %swap3A_478 = arith.index_cast %swap3A_477 : i64 to index
    %swap3A_479 = arith.constant 0 : index
    %swap3A_480 = tpu.vector_load %arg5[%swap3A_478, %swap3A_479] {strides = array<i32>} : memref<128x16xf32, #tpu.memory_space<vmem>>, vector<1x16xf32>,
    %swap3A_481 = vector.shape_cast %swap3A_480 : vector<1x16xf32> to vector<16xf32>
    %swap3A_482 = vector.shape_cast %broadcast_in_dim3A_1 : vector<16xf32> to vector<1x16xf32>
    tpu.vector_store %arg5[%swap3A_478, %swap3A_479], %swap3A_482 {strides = array<i32>} : memref<128x16xf32, #tpu.memory_space<vmem>>, vector<1x16xf32>,
    %swap3A_483 = arith.constant 80 : i64
    %swap3A_484 = arith.index_cast %swap3A_483 : i64 to index
    %swap3A_485 = arith.constant 0 : index
    %swap3A_486 = tpu.vector_load %arg5[%swap3A_484, %swap3A_485] {strides = array<i32>} : memref<128x16xf32, #tpu.memory_space<vmem>>, vector<1x16xf32>,
    %swap3A_487 = vector.shape_cast %swap3A_486 : vector<1x16xf32> to vector<16xf32>
    %swap3A_488 = vector.shape_cast %broadcast_in_dim3A_1 : vector<16xf32> to vector<1x16xf32>
    tpu.vector_store %arg5[%swap3A_484, %swap3A_485], %swap3A_488 {strides = array<i32>} : memref<128x16xf32, #tpu.memory_space<vmem>>, vector<1x16xf32>,
    %swap3A_489 = arith.constant 81 : i64
    %swap3A_490 = arith.index_cast %swap3A_489 : i64 to index
    %swap3A_491 = arith.constant 0 : index
    %swap3A_492 = tpu.vector_load %arg5[%swap3A_490, %swap3A_491] {strides = array<i32>} : memref<128x16xf32, #tpu.memory_space<vmem>>, vector<1x16xf32>,
    %swap3A_493 = vector.shape_cast %swap3A_492 : vector<1x16xf32> to vector<16xf32>
    %swap3A_494 = vector.shape_cast %broadcast_in_dim3A_1 : vector<16xf32> to vector<1x16xf32>
    tpu.vector_store %arg5[%swap3A_490, %swap3A_491], %swap3A_494 {strides = array<i32>} : memref<128x16xf32, #tpu.memory_space<vmem>>, vector<1x16xf32>,
    %swap3A_495 = arith.constant 82 : i64
    %swap3A_496 = arith.index_cast %swap3A_495 : i64 to index
    %swap3A_497 = arith.constant 0 : index
    %swap3A_498 = tpu.vector_load %arg5[%swap3A_496, %swap3A_497] {strides = array<i32>} : memref<128x16xf32, #tpu.memory_space<vmem>>, vector<1x16xf32>,
    %swap3A_499 = vector.shape_cast %swap3A_498 : vector<1x16xf32> to vector<16xf32>
    %swap3A_500 = vector.shape_cast %broadcast_in_dim3A_1 : vector<16xf32> to vector<1x16xf32>
    tpu.vector_store %arg5[%swap3A_496, %swap3A_497], %swap3A_500 {strides = array<i32>} : memref<128x16xf32, #tpu.memory_space<vmem>>, vector<1x16xf32>,
    %swap3A_501 = arith.constant 83 : i64
    %swap3A_502 = arith.index_cast %swap3A_501 : i64 to index
    %swap3A_503 = arith.constant 0 : index
    %swap3A_504 = tpu.vector_load %arg5[%swap3A_502, %swap3A_503] {strides = array<i32>} : memref<128x16xf32, #tpu.memory_space<vmem>>, vector<1x16xf32>,
    %swap3A_505 = vector.shape_cast %swap3A_504 : vector<1x16xf32> to vector<16xf32>
    %swap3A_506 = vector.shape_cast %broadcast_in_dim3A_1 : vector<16xf32> to vector<1x16xf32>
    tpu.vector_store %arg5[%swap3A_502, %swap3A_503], %swap3A_506 {strides = array<i32>} : memref<128x16xf32, #tpu.memory_space<vmem>>, vector<1x16xf32>,
    %swap3A_507 = arith.constant 84 : i64
    %swap3A_508 = arith.index_cast %swap3A_507 : i64 to index
    %swap3A_509 = arith.constant 0 : index
    %swap3A_510 = tpu.vector_load %arg5[%swap3A_508, %swap3A_509] {strides = array<i32>} : memref<128x16xf32, #tpu.memory_space<vmem>>, vector<1x16xf32>,
    %swap3A_511 = vector.shape_cast %swap3A_510 : vector<1x16xf32> to vector<16xf32>
    %swap3A_512 = vector.shape_cast %broadcast_in_dim3A_1 : vector<16xf32> to vector<1x16xf32>
    tpu.vector_store %arg5[%swap3A_508, %swap3A_509], %swap3A_512 {strides = array<i32>} : memref<128x16xf32, #tpu.memory_space<vmem>>, vector<1x16xf32>,
    %swap3A_513 = arith.constant 85 : i64
    %swap3A_514 = arith.index_cast %swap3A_513 : i64 to index
    %swap3A_515 = arith.constant 0 : index
    %swap3A_516 = tpu.vector_load %arg5[%swap3A_514, %swap3A_515] {strides = array<i32>} : memref<128x16xf32, #tpu.memory_space<vmem>>, vector<1x16xf32>,
    %swap3A_517 = vector.shape_cast %swap3A_516 : vector<1x16xf32> to vector<16xf32>
    %swap3A_518 = vector.shape_cast %broadcast_in_dim3A_1 : vector<16xf32> to vector<1x16xf32>
    tpu.vector_store %arg5[%swap3A_514, %swap3A_515], %swap3A_518 {strides = array<i32>} : memref<128x16xf32, #tpu.memory_space<vmem>>, vector<1x16xf32>,
    %swap3A_519 = arith.constant 86 : i64
    %swap3A_520 = arith.index_cast %swap3A_519 : i64 to index
    %swap3A_521 = arith.constant 0 : index
    %swap3A_522 = tpu.vector_load %arg5[%swap3A_520, %swap3A_521] {strides = array<i32>} : memref<128x16xf32, #tpu.memory_space<vmem>>, vector<1x16xf32>,
    %swap3A_523 = vector.shape_cast %swap3A_522 : vector<1x16xf32> to vector<16xf32>
    %swap3A_524 = vector.shape_cast %broadcast_in_dim3A_1 : vector<16xf32> to vector<1x16xf32>
    tpu.vector_store %arg5[%swap3A_520, %swap3A_521], %swap3A_524 {strides = array<i32>} : memref<128x16xf32, #tpu.memory_space<vmem>>, vector<1x16xf32>,
    %swap3A_525 = arith.constant 87 : i64
    %swap3A_526 = arith.index_cast %swap3A_525 : i64 to index
    %swap3A_527 = arith.constant 0 : index
    %swap3A_528 = tpu.vector_load %arg5[%swap3A_526, %swap3A_527] {strides = array<i32>} : memref<128x16xf32, #tpu.memory_space<vmem>>, vector<1x16xf32>,
    %swap3A_529 = vector.shape_cast %swap3A_528 : vector<1x16xf32> to vector<16xf32>
    %swap3A_530 = vector.shape_cast %broadcast_in_dim3A_1 : vector<16xf32> to vector<1x16xf32>
    tpu.vector_store %arg5[%swap3A_526, %swap3A_527], %swap3A_530 {strides = array<i32>} : memref<128x16xf32, #tpu.memory_space<vmem>>, vector<1x16xf32>,
    %swap3A_531 = arith.constant 88 : i64
    %swap3A_532 = arith.index_cast %swap3A_531 : i64 to index
    %swap3A_533 = arith.constant 0 : index
    %swap3A_534 = tpu.vector_load %arg5[%swap3A_532, %swap3A_533] {strides = array<i32>} : memref<128x16xf32, #tpu.memory_space<vmem>>, vector<1x16xf32>,
    %swap3A_535 = vector.shape_cast %swap3A_534 : vector<1x16xf32> to vector<16xf32>
    %swap3A_536 = vector.shape_cast %broadcast_in_dim3A_1 : vector<16xf32> to vector<1x16xf32>
    tpu.vector_store %arg5[%swap3A_532, %swap3A_533], %swap3A_536 {strides = array<i32>} : memref<128x16xf32, #tpu.memory_space<vmem>>, vector<1x16xf32>,
    %swap3A_537 = arith.constant 89 : i64
    %swap3A_538 = arith.index_cast %swap3A_537 : i64 to index
    %swap3A_539 = arith.constant 0 : index
    %swap3A_540 = tpu.vector_load %arg5[%swap3A_538, %swap3A_539] {strides = array<i32>} : memref<128x16xf32, #tpu.memory_space<vmem>>, vector<1x16xf32>,
    %swap3A_541 = vector.shape_cast %swap3A_540 : vector<1x16xf32> to vector<16xf32>
    %swap3A_542 = vector.shape_cast %broadcast_in_dim3A_1 : vector<16xf32> to vector<1x16xf32>
    tpu.vector_store %arg5[%swap3A_538, %swap3A_539], %swap3A_542 {strides = array<i32>} : memref<128x16xf32, #tpu.memory_space<vmem>>, vector<1x16xf32>,
    %swap3A_543 = arith.constant 90 : i64
    %swap3A_544 = arith.index_cast %swap3A_543 : i64 to index
    %swap3A_545 = arith.constant 0 : index
    %swap3A_546 = tpu.vector_load %arg5[%swap3A_544, %swap3A_545] {strides = array<i32>} : memref<128x16xf32, #tpu.memory_space<vmem>>, vector<1x16xf32>,
    %swap3A_547 = vector.shape_cast %swap3A_546 : vector<1x16xf32> to vector<16xf32>
    %swap3A_548 = vector.shape_cast %broadcast_in_dim3A_1 : vector<16xf32> to vector<1x16xf32>
    tpu.vector_store %arg5[%swap3A_544, %swap3A_545], %swap3A_548 {strides = array<i32>} : memref<128x16xf32, #tpu.memory_space<vmem>>, vector<1x16xf32>,
    %swap3A_549 = arith.constant 91 : i64
    %swap3A_550 = arith.index_cast %swap3A_549 : i64 to index
    %swap3A_551 = arith.constant 0 : index
    %swap3A_552 = tpu.vector_load %arg5[%swap3A_550, %swap3A_551] {strides = array<i32>} : memref<128x16xf32, #tpu.memory_space<vmem>>, vector<1x16xf32>,
    %swap3A_553 = vector.shape_cast %swap3A_552 : vector<1x16xf32> to vector<16xf32>
    %swap3A_554 = vector.shape_cast %broadcast_in_dim3A_1 : vector<16xf32> to vector<1x16xf32>
    tpu.vector_store %arg5[%swap3A_550, %swap3A_551], %swap3A_554 {strides = array<i32>} : memref<128x16xf32, #tpu.memory_space<vmem>>, vector<1x16xf32>,
    %swap3A_555 = arith.constant 92 : i64
    %swap3A_556 = arith.index_cast %swap3A_555 : i64 to index
    %swap3A_557 = arith.constant 0 : index
    %swap3A_558 = tpu.vector_load %arg5[%swap3A_556, %swap3A_557] {strides = array<i32>} : memref<128x16xf32, #tpu.memory_space<vmem>>, vector<1x16xf32>,
    %swap3A_559 = vector.shape_cast %swap3A_558 : vector<1x16xf32> to vector<16xf32>
    %swap3A_560 = vector.shape_cast %broadcast_in_dim3A_1 : vector<16xf32> to vector<1x16xf32>
    tpu.vector_store %arg5[%swap3A_556, %swap3A_557], %swap3A_560 {strides = array<i32>} : memref<128x16xf32, #tpu.memory_space<vmem>>, vector<1x16xf32>,
    %swap3A_561 = arith.constant 93 : i64
    %swap3A_562 = arith.index_cast %swap3A_561 : i64 to index
    %swap3A_563 = arith.constant 0 : index
    %swap3A_564 = tpu.vector_load %arg5[%swap3A_562, %swap3A_563] {strides = array<i32>} : memref<128x16xf32, #tpu.memory_space<vmem>>, vector<1x16xf32>,
    %swap3A_565 = vector.shape_cast %swap3A_564 : vector<1x16xf32> to vector<16xf32>
    %swap3A_566 = vector.shape_cast %broadcast_in_dim3A_1 : vector<16xf32> to vector<1x16xf32>
    tpu.vector_store %arg5[%swap3A_562, %swap3A_563], %swap3A_566 {strides = array<i32>} : memref<128x16xf32, #tpu.memory_space<vmem>>, vector<1x16xf32>,
    %swap3A_567 = arith.constant 94 : i64
    %swap3A_568 = arith.index_cast %swap3A_567 : i64 to index
    %swap3A_569 = arith.constant 0 : index
    %swap3A_570 = tpu.vector_load %arg5[%swap3A_568, %swap3A_569] {strides = array<i32>} : memref<128x16xf32, #tpu.memory_space<vmem>>, vector<1x16xf32>,
    %swap3A_571 = vector.shape_cast %swap3A_570 : vector<1x16xf32> to vector<16xf32>
    %swap3A_572 = vector.shape_cast %broadcast_in_dim3A_1 : vector<16xf32> to vector<1x16xf32>
    tpu.vector_store %arg5[%swap3A_568, %swap3A_569], %swap3A_572 {strides = array<i32>} : memref<128x16xf32, #tpu.memory_space<vmem>>, vector<1x16xf32>,
    %swap3A_573 = arith.constant 95 : i64
    %swap3A_574 = arith.index_cast %swap3A_573 : i64 to index
    %swap3A_575 = arith.constant 0 : index
    %swap3A_576 = tpu.vector_load %arg5[%swap3A_574, %swap3A_575] {strides = array<i32>} : memref<128x16xf32, #tpu.memory_space<vmem>>, vector<1x16xf32>,
    %swap3A_577 = vector.shape_cast %swap3A_576 : vector<1x16xf32> to vector<16xf32>
    %swap3A_578 = vector.shape_cast %broadcast_in_dim3A_1 : vector<16xf32> to vector<1x16xf32>
    tpu.vector_store %arg5[%swap3A_574, %swap3A_575], %swap3A_578 {strides = array<i32>} : memref<128x16xf32, #tpu.memory_space<vmem>>, vector<1x16xf32>,
    %swap3A_579 = arith.constant 96 : i64
    %swap3A_580 = arith.index_cast %swap3A_579 : i64 to index
    %swap3A_581 = arith.constant 0 : index
    %swap3A_582 = tpu.vector_load %arg5[%swap3A_580, %swap3A_581] {strides = array<i32>} : memref<128x16xf32, #tpu.memory_space<vmem>>, vector<1x16xf32>,
    %swap3A_583 = vector.shape_cast %swap3A_582 : vector<1x16xf32> to vector<16xf32>
    %swap3A_584 = vector.shape_cast %broadcast_in_dim3A_1 : vector<16xf32> to vector<1x16xf32>
    tpu.vector_store %arg5[%swap3A_580, %swap3A_581], %swap3A_584 {strides = array<i32>} : memref<128x16xf32, #tpu.memory_space<vmem>>, vector<1x16xf32>,
    %swap3A_585 = arith.constant 97 : i64
    %swap3A_586 = arith.index_cast %swap3A_585 : i64 to index
    %swap3A_587 = arith.constant 0 : index
    %swap3A_588 = tpu.vector_load %arg5[%swap3A_586, %swap3A_587] {strides = array<i32>} : memref<128x16xf32, #tpu.memory_space<vmem>>, vector<1x16xf32>,
    %swap3A_589 = vector.shape_cast %swap3A_588 : vector<1x16xf32> to vector<16xf32>
    %swap3A_590 = vector.shape_cast %broadcast_in_dim3A_1 : vector<16xf32> to vector<1x16xf32>
    tpu.vector_store %arg5[%swap3A_586, %swap3A_587], %swap3A_590 {strides = array<i32>} : memref<128x16xf32, #tpu.memory_space<vmem>>, vector<1x16xf32>,
    %swap3A_591 = arith.constant 98 : i64
    %swap3A_592 = arith.index_cast %swap3A_591 : i64 to index
    %swap3A_593 = arith.constant 0 : index
    %swap3A_594 = tpu.vector_load %arg5[%swap3A_592, %swap3A_593] {strides = array<i32>} : memref<128x16xf32, #tpu.memory_space<vmem>>, vector<1x16xf32>,
    %swap3A_595 = vector.shape_cast %swap3A_594 : vector<1x16xf32> to vector<16xf32>
    %swap3A_596 = vector.shape_cast %broadcast_in_dim3A_1 : vector<16xf32> to vector<1x16xf32>
    tpu.vector_store %arg5[%swap3A_592, %swap3A_593], %swap3A_596 {strides = array<i32>} : memref<128x16xf32, #tpu.memory_space<vmem>>, vector<1x16xf32>,
    %swap3A_597 = arith.constant 99 : i64
    %swap3A_598 = arith.index_cast %swap3A_597 : i64 to index
    %swap3A_599 = arith.constant 0 : index
    %swap3A_600 = tpu.vector_load %arg5[%swap3A_598, %swap3A_599] {strides = array<i32>} : memref<128x16xf32, #tpu.memory_space<vmem>>, vector<1x16xf32>,
    %swap3A_601 = vector.shape_cast %swap3A_600 : vector<1x16xf32> to vector<16xf32>
    %swap3A_602 = vector.shape_cast %broadcast_in_dim3A_1 : vector<16xf32> to vector<1x16xf32>
    tpu.vector_store %arg5[%swap3A_598, %swap3A_599], %swap3A_602 {strides = array<i32>} : memref<128x16xf32, #tpu.memory_space<vmem>>, vector<1x16xf32>,
    %swap3A_603 = arith.constant 100 : i64
    %swap3A_604 = arith.index_cast %swap3A_603 : i64 to index
    %swap3A_605 = arith.constant 0 : index
    %swap3A_606 = tpu.vector_load %arg5[%swap3A_604, %swap3A_605] {strides = array<i32>} : memref<128x16xf32, #tpu.memory_space<vmem>>, vector<1x16xf32>,
    %swap3A_607 = vector.shape_cast %swap3A_606 : vector<1x16xf32> to vector<16xf32>
    %swap3A_608 = vector.shape_cast %broadcast_in_dim3A_1 : vector<16xf32> to vector<1x16xf32>
    tpu.vector_store %arg5[%swap3A_604, %swap3A_605], %swap3A_608 {strides = array<i32>} : memref<128x16xf32, #tpu.memory_space<vmem>>, vector<1x16xf32>,
    %swap3A_609 = arith.constant 101 : i64
    %swap3A_610 = arith.index_cast %swap3A_609 : i64 to index
    %swap3A_611 = arith.constant 0 : index
    %swap3A_612 = tpu.vector_load %arg5[%swap3A_610, %swap3A_611] {strides = array<i32>} : memref<128x16xf32, #tpu.memory_space<vmem>>, vector<1x16xf32>,
    %swap3A_613 = vector.shape_cast %swap3A_612 : vector<1x16xf32> to vector<16xf32>
    %swap3A_614 = vector.shape_cast %broadcast_in_dim3A_1 : vector<16xf32> to vector<1x16xf32>
    tpu.vector_store %arg5[%swap3A_610, %swap3A_611], %swap3A_614 {strides = array<i32>} : memref<128x16xf32, #tpu.memory_space<vmem>>, vector<1x16xf32>,
    %swap3A_615 = arith.constant 102 : i64
    %swap3A_616 = arith.index_cast %swap3A_615 : i64 to index
    %swap3A_617 = arith.constant 0 : index
    %swap3A_618 = tpu.vector_load %arg5[%swap3A_616, %swap3A_617] {strides = array<i32>} : memref<128x16xf32, #tpu.memory_space<vmem>>, vector<1x16xf32>,
    %swap3A_619 = vector.shape_cast %swap3A_618 : vector<1x16xf32> to vector<16xf32>
    %swap3A_620 = vector.shape_cast %broadcast_in_dim3A_1 : vector<16xf32> to vector<1x16xf32>
    tpu.vector_store %arg5[%swap3A_616, %swap3A_617], %swap3A_620 {strides = array<i32>} : memref<128x16xf32, #tpu.memory_space<vmem>>, vector<1x16xf32>,
    %swap3A_621 = arith.constant 103 : i64
    %swap3A_622 = arith.index_cast %swap3A_621 : i64 to index
    %swap3A_623 = arith.constant 0 : index
    %swap3A_624 = tpu.vector_load %arg5[%swap3A_622, %swap3A_623] {strides = array<i32>} : memref<128x16xf32, #tpu.memory_space<vmem>>, vector<1x16xf32>,
    %swap3A_625 = vector.shape_cast %swap3A_624 : vector<1x16xf32> to vector<16xf32>
    %swap3A_626 = vector.shape_cast %broadcast_in_dim3A_1 : vector<16xf32> to vector<1x16xf32>
    tpu.vector_store %arg5[%swap3A_622, %swap3A_623], %swap3A_626 {strides = array<i32>} : memref<128x16xf32, #tpu.memory_space<vmem>>, vector<1x16xf32>,
    %swap3A_627 = arith.constant 104 : i64
    %swap3A_628 = arith.index_cast %swap3A_627 : i64 to index
    %swap3A_629 = arith.constant 0 : index
    %swap3A_630 = tpu.vector_load %arg5[%swap3A_628, %swap3A_629] {strides = array<i32>} : memref<128x16xf32, #tpu.memory_space<vmem>>, vector<1x16xf32>,
    %swap3A_631 = vector.shape_cast %swap3A_630 : vector<1x16xf32> to vector<16xf32>
    %swap3A_632 = vector.shape_cast %broadcast_in_dim3A_1 : vector<16xf32> to vector<1x16xf32>
    tpu.vector_store %arg5[%swap3A_628, %swap3A_629], %swap3A_632 {strides = array<i32>} : memref<128x16xf32, #tpu.memory_space<vmem>>, vector<1x16xf32>,
    %swap3A_633 = arith.constant 105 : i64
    %swap3A_634 = arith.index_cast %swap3A_633 : i64 to index
    %swap3A_635 = arith.constant 0 : index
    %swap3A_636 = tpu.vector_load %arg5[%swap3A_634, %swap3A_635] {strides = array<i32>} : memref<128x16xf32, #tpu.memory_space<vmem>>, vector<1x16xf32>,
    %swap3A_637 = vector.shape_cast %swap3A_636 : vector<1x16xf32> to vector<16xf32>
    %swap3A_638 = vector.shape_cast %broadcast_in_dim3A_1 : vector<16xf32> to vector<1x16xf32>
    tpu.vector_store %arg5[%swap3A_634, %swap3A_635], %swap3A_638 {strides = array<i32>} : memref<128x16xf32, #tpu.memory_space<vmem>>, vector<1x16xf32>,
    %swap3A_639 = arith.constant 106 : i64
    %swap3A_640 = arith.index_cast %swap3A_639 : i64 to index
    %swap3A_641 = arith.constant 0 : index
    %swap3A_642 = tpu.vector_load %arg5[%swap3A_640, %swap3A_641] {strides = array<i32>} : memref<128x16xf32, #tpu.memory_space<vmem>>, vector<1x16xf32>,
    %swap3A_643 = vector.shape_cast %swap3A_642 : vector<1x16xf32> to vector<16xf32>
    %swap3A_644 = vector.shape_cast %broadcast_in_dim3A_1 : vector<16xf32> to vector<1x16xf32>
    tpu.vector_store %arg5[%swap3A_640, %swap3A_641], %swap3A_644 {strides = array<i32>} : memref<128x16xf32, #tpu.memory_space<vmem>>, vector<1x16xf32>,
    %swap3A_645 = arith.constant 107 : i64
    %swap3A_646 = arith.index_cast %swap3A_645 : i64 to index
    %swap3A_647 = arith.constant 0 : index
    %swap3A_648 = tpu.vector_load %arg5[%swap3A_646, %swap3A_647] {strides = array<i32>} : memref<128x16xf32, #tpu.memory_space<vmem>>, vector<1x16xf32>,
    %swap3A_649 = vector.shape_cast %swap3A_648 : vector<1x16xf32> to vector<16xf32>
    %swap3A_650 = vector.shape_cast %broadcast_in_dim3A_1 : vector<16xf32> to vector<1x16xf32>
    tpu.vector_store %arg5[%swap3A_646, %swap3A_647], %swap3A_650 {strides = array<i32>} : memref<128x16xf32, #tpu.memory_space<vmem>>, vector<1x16xf32>,
    %swap3A_651 = arith.constant 108 : i64
    %swap3A_652 = arith.index_cast %swap3A_651 : i64 to index
    %swap3A_653 = arith.constant 0 : index
    %swap3A_654 = tpu.vector_load %arg5[%swap3A_652, %swap3A_653] {strides = array<i32>} : memref<128x16xf32, #tpu.memory_space<vmem>>, vector<1x16xf32>,
    %swap3A_655 = vector.shape_cast %swap3A_654 : vector<1x16xf32> to vector<16xf32>
    %swap3A_656 = vector.shape_cast %broadcast_in_dim3A_1 : vector<16xf32> to vector<1x16xf32>
    tpu.vector_store %arg5[%swap3A_652, %swap3A_653], %swap3A_656 {strides = array<i32>} : memref<128x16xf32, #tpu.memory_space<vmem>>, vector<1x16xf32>,
    %swap3A_657 = arith.constant 109 : i64
    %swap3A_658 = arith.index_cast %swap3A_657 : i64 to index
    %swap3A_659 = arith.constant 0 : index
    %swap3A_660 = tpu.vector_load %arg5[%swap3A_658, %swap3A_659] {strides = array<i32>} : memref<128x16xf32, #tpu.memory_space<vmem>>, vector<1x16xf32>,
    %swap3A_661 = vector.shape_cast %swap3A_660 : vector<1x16xf32> to vector<16xf32>
    %swap3A_662 = vector.shape_cast %broadcast_in_dim3A_1 : vector<16xf32> to vector<1x16xf32>
    tpu.vector_store %arg5[%swap3A_658, %swap3A_659], %swap3A_662 {strides = array<i32>} : memref<128x16xf32, #tpu.memory_space<vmem>>, vector<1x16xf32>,
    %swap3A_663 = arith.constant 110 : i64
    %swap3A_664 = arith.index_cast %swap3A_663 : i64 to index
    %swap3A_665 = arith.constant 0 : index
    %swap3A_666 = tpu.vector_load %arg5[%swap3A_664, %swap3A_665] {strides = array<i32>} : memref<128x16xf32, #tpu.memory_space<vmem>>, vector<1x16xf32>,
    %swap3A_667 = vector.shape_cast %swap3A_666 : vector<1x16xf32> to vector<16xf32>
    %swap3A_668 = vector.shape_cast %broadcast_in_dim3A_1 : vector<16xf32> to vector<1x16xf32>
    tpu.vector_store %arg5[%swap3A_664, %swap3A_665], %swap3A_668 {strides = array<i32>} : memref<128x16xf32, #tpu.memory_space<vmem>>, vector<1x16xf32>,
    %swap3A_669 = arith.constant 111 : i64
    %swap3A_670 = arith.index_cast %swap3A_669 : i64 to index
    %swap3A_671 = arith.constant 0 : index
    %swap3A_672 = tpu.vector_load %arg5[%swap3A_670, %swap3A_671] {strides = array<i32>} : memref<128x16xf32, #tpu.memory_space<vmem>>, vector<1x16xf32>,
    %swap3A_673 = vector.shape_cast %swap3A_672 : vector<1x16xf32> to vector<16xf32>
    %swap3A_674 = vector.shape_cast %broadcast_in_dim3A_1 : vector<16xf32> to vector<1x16xf32>
    tpu.vector_store %arg5[%swap3A_670, %swap3A_671], %swap3A_674 {strides = array<i32>} : memref<128x16xf32, #tpu.memory_space<vmem>>, vector<1x16xf32>,
    %swap3A_675 = arith.constant 112 : i64
    %swap3A_676 = arith.index_cast %swap3A_675 : i64 to index
    %swap3A_677 = arith.constant 0 : index
    %swap3A_678 = tpu.vector_load %arg5[%swap3A_676, %swap3A_677] {strides = array<i32>} : memref<128x16xf32, #tpu.memory_space<vmem>>, vector<1x16xf32>,
    %swap3A_679 = vector.shape_cast %swap3A_678 : vector<1x16xf32> to vector<16xf32>
    %swap3A_680 = vector.shape_cast %broadcast_in_dim3A_1 : vector<16xf32> to vector<1x16xf32>
    tpu.vector_store %arg5[%swap3A_676, %swap3A_677], %swap3A_680 {strides = array<i32>} : memref<128x16xf32, #tpu.memory_space<vmem>>, vector<1x16xf32>,
    %swap3A_681 = arith.constant 113 : i64
    %swap3A_682 = arith.index_cast %swap3A_681 : i64 to index
    %swap3A_683 = arith.constant 0 : index
    %swap3A_684 = tpu.vector_load %arg5[%swap3A_682, %swap3A_683] {strides = array<i32>} : memref<128x16xf32, #tpu.memory_space<vmem>>, vector<1x16xf32>,
    %swap3A_685 = vector.shape_cast %swap3A_684 : vector<1x16xf32> to vector<16xf32>
    %swap3A_686 = vector.shape_cast %broadcast_in_dim3A_1 : vector<16xf32> to vector<1x16xf32>
    tpu.vector_store %arg5[%swap3A_682, %swap3A_683], %swap3A_686 {strides = array<i32>} : memref<128x16xf32, #tpu.memory_space<vmem>>, vector<1x16xf32>,
    %swap3A_687 = arith.constant 114 : i64
    %swap3A_688 = arith.index_cast %swap3A_687 : i64 to index
    %swap3A_689 = arith.constant 0 : index
    %swap3A_690 = tpu.vector_load %arg5[%swap3A_688, %swap3A_689] {strides = array<i32>} : memref<128x16xf32, #tpu.memory_space<vmem>>, vector<1x16xf32>,
    %swap3A_691 = vector.shape_cast %swap3A_690 : vector<1x16xf32> to vector<16xf32>
    %swap3A_692 = vector.shape_cast %broadcast_in_dim3A_1 : vector<16xf32> to vector<1x16xf32>
    tpu.vector_store %arg5[%swap3A_688, %swap3A_689], %swap3A_692 {strides = array<i32>} : memref<128x16xf32, #tpu.memory_space<vmem>>, vector<1x16xf32>,
    %swap3A_693 = arith.constant 115 : i64
    %swap3A_694 = arith.index_cast %swap3A_693 : i64 to index
    %swap3A_695 = arith.constant 0 : index
    %swap3A_696 = tpu.vector_load %arg5[%swap3A_694, %swap3A_695] {strides = array<i32>} : memref<128x16xf32, #tpu.memory_space<vmem>>, vector<1x16xf32>,
    %swap3A_697 = vector.shape_cast %swap3A_696 : vector<1x16xf32> to vector<16xf32>
    %swap3A_698 = vector.shape_cast %broadcast_in_dim3A_1 : vector<16xf32> to vector<1x16xf32>
    tpu.vector_store %arg5[%swap3A_694, %swap3A_695], %swap3A_698 {strides = array<i32>} : memref<128x16xf32, #tpu.memory_space<vmem>>, vector<1x16xf32>,
    %swap3A_699 = arith.constant 116 : i64
    %swap3A_700 = arith.index_cast %swap3A_699 : i64 to index
    %swap3A_701 = arith.constant 0 : index
    %swap3A_702 = tpu.vector_load %arg5[%swap3A_700, %swap3A_701] {strides = array<i32>} : memref<128x16xf32, #tpu.memory_space<vmem>>, vector<1x16xf32>,
    %swap3A_703 = vector.shape_cast %swap3A_702 : vector<1x16xf32> to vector<16xf32>
    %swap3A_704 = vector.shape_cast %broadcast_in_dim3A_1 : vector<16xf32> to vector<1x16xf32>
    tpu.vector_store %arg5[%swap3A_700, %swap3A_701], %swap3A_704 {strides = array<i32>} : memref<128x16xf32, #tpu.memory_space<vmem>>, vector<1x16xf32>,
    %swap3A_705 = arith.constant 117 : i64
    %swap3A_706 = arith.index_cast %swap3A_705 : i64 to index
    %swap3A_707 = arith.constant 0 : index
    %swap3A_708 = tpu.vector_load %arg5[%swap3A_706, %swap3A_707] {strides = array<i32>} : memref<128x16xf32, #tpu.memory_space<vmem>>, vector<1x16xf32>,
    %swap3A_709 = vector.shape_cast %swap3A_708 : vector<1x16xf32> to vector<16xf32>
    %swap3A_710 = vector.shape_cast %broadcast_in_dim3A_1 : vector<16xf32> to vector<1x16xf32>
    tpu.vector_store %arg5[%swap3A_706, %swap3A_707], %swap3A_710 {strides = array<i32>} : memref<128x16xf32, #tpu.memory_space<vmem>>, vector<1x16xf32>,
    %swap3A_711 = arith.constant 118 : i64
    %swap3A_712 = arith.index_cast %swap3A_711 : i64 to index
    %swap3A_713 = arith.constant 0 : index
    %swap3A_714 = tpu.vector_load %arg5[%swap3A_712, %swap3A_713] {strides = array<i32>} : memref<128x16xf32, #tpu.memory_space<vmem>>, vector<1x16xf32>,
    %swap3A_715 = vector.shape_cast %swap3A_714 : vector<1x16xf32> to vector<16xf32>
    %swap3A_716 = vector.shape_cast %broadcast_in_dim3A_1 : vector<16xf32> to vector<1x16xf32>
    tpu.vector_store %arg5[%swap3A_712, %swap3A_713], %swap3A_716 {strides = array<i32>} : memref<128x16xf32, #tpu.memory_space<vmem>>, vector<1x16xf32>,
    %swap3A_717 = arith.constant 119 : i64
    %swap3A_718 = arith.index_cast %swap3A_717 : i64 to index
    %swap3A_719 = arith.constant 0 : index
    %swap3A_720 = tpu.vector_load %arg5[%swap3A_718, %swap3A_719] {strides = array<i32>} : memref<128x16xf32, #tpu.memory_space<vmem>>, vector<1x16xf32>,
    %swap3A_721 = vector.shape_cast %swap3A_720 : vector<1x16xf32> to vector<16xf32>
    %swap3A_722 = vector.shape_cast %broadcast_in_dim3A_1 : vector<16xf32> to vector<1x16xf32>
    tpu.vector_store %arg5[%swap3A_718, %swap3A_719], %swap3A_722 {strides = array<i32>} : memref<128x16xf32, #tpu.memory_space<vmem>>, vector<1x16xf32>,
    %swap3A_723 = arith.constant 120 : i64
    %swap3A_724 = arith.index_cast %swap3A_723 : i64 to index
    %swap3A_725 = arith.constant 0 : index
    %swap3A_726 = tpu.vector_load %arg5[%swap3A_724, %swap3A_725] {strides = array<i32>} : memref<128x16xf32, #tpu.memory_space<vmem>>, vector<1x16xf32>,
    %swap3A_727 = vector.shape_cast %swap3A_726 : vector<1x16xf32> to vector<16xf32>
    %swap3A_728 = vector.shape_cast %broadcast_in_dim3A_1 : vector<16xf32> to vector<1x16xf32>
    tpu.vector_store %arg5[%swap3A_724, %swap3A_725], %swap3A_728 {strides = array<i32>} : memref<128x16xf32, #tpu.memory_space<vmem>>, vector<1x16xf32>,
    %swap3A_729 = arith.constant 121 : i64
    %swap3A_730 = arith.index_cast %swap3A_729 : i64 to index
    %swap3A_731 = arith.constant 0 : index
    %swap3A_732 = tpu.vector_load %arg5[%swap3A_730, %swap3A_731] {strides = array<i32>} : memref<128x16xf32, #tpu.memory_space<vmem>>, vector<1x16xf32>,
    %swap3A_733 = vector.shape_cast %swap3A_732 : vector<1x16xf32> to vector<16xf32>
    %swap3A_734 = vector.shape_cast %broadcast_in_dim3A_1 : vector<16xf32> to vector<1x16xf32>
    tpu.vector_store %arg5[%swap3A_730, %swap3A_731], %swap3A_734 {strides = array<i32>} : memref<128x16xf32, #tpu.memory_space<vmem>>, vector<1x16xf32>,
    %swap3A_735 = arith.constant 122 : i64
    %swap3A_736 = arith.index_cast %swap3A_735 : i64 to index
    %swap3A_737 = arith.constant 0 : index
    %swap3A_738 = tpu.vector_load %arg5[%swap3A_736, %swap3A_737] {strides = array<i32>} : memref<128x16xf32, #tpu.memory_space<vmem>>, vector<1x16xf32>,
    %swap3A_739 = vector.shape_cast %swap3A_738 : vector<1x16xf32> to vector<16xf32>
    %swap3A_740 = vector.shape_cast %broadcast_in_dim3A_1 : vector<16xf32> to vector<1x16xf32>
    tpu.vector_store %arg5[%swap3A_736, %swap3A_737], %swap3A_740 {strides = array<i32>} : memref<128x16xf32, #tpu.memory_space<vmem>>, vector<1x16xf32>,
    %swap3A_741 = arith.constant 123 : i64
    %swap3A_742 = arith.index_cast %swap3A_741 : i64 to index
    %swap3A_743 = arith.constant 0 : index
    %swap3A_744 = tpu.vector_load %arg5[%swap3A_742, %swap3A_743] {strides = array<i32>} : memref<128x16xf32, #tpu.memory_space<vmem>>, vector<1x16xf32>,
    %swap3A_745 = vector.shape_cast %swap3A_744 : vector<1x16xf32> to vector<16xf32>
    %swap3A_746 = vector.shape_cast %broadcast_in_dim3A_1 : vector<16xf32> to vector<1x16xf32>
    tpu.vector_store %arg5[%swap3A_742, %swap3A_743], %swap3A_746 {strides = array<i32>} : memref<128x16xf32, #tpu.memory_space<vmem>>, vector<1x16xf32>,
    %swap3A_747 = arith.constant 124 : i64
    %swap3A_748 = arith.index_cast %swap3A_747 : i64 to index
    %swap3A_749 = arith.constant 0 : index
    %swap3A_750 = tpu.vector_load %arg5[%swap3A_748, %swap3A_749] {strides = array<i32>} : memref<128x16xf32, #tpu.memory_space<vmem>>, vector<1x16xf32>,
    %swap3A_751 = vector.shape_cast %swap3A_750 : vector<1x16xf32> to vector<16xf32>
    %swap3A_752 = vector.shape_cast %broadcast_in_dim3A_1 : vector<16xf32> to vector<1x16xf32>
    tpu.vector_store %arg5[%swap3A_748, %swap3A_749], %swap3A_752 {strides = array<i32>} : memref<128x16xf32, #tpu.memory_space<vmem>>, vector<1x16xf32>,
    %swap3A_753 = arith.constant 125 : i64
    %swap3A_754 = arith.index_cast %swap3A_753 : i64 to index
    %swap3A_755 = arith.constant 0 : index
    %swap3A_756 = tpu.vector_load %arg5[%swap3A_754, %swap3A_755] {strides = array<i32>} : memref<128x16xf32, #tpu.memory_space<vmem>>, vector<1x16xf32>,
    %swap3A_757 = vector.shape_cast %swap3A_756 : vector<1x16xf32> to vector<16xf32>
    %swap3A_758 = vector.shape_cast %broadcast_in_dim3A_1 : vector<16xf32> to vector<1x16xf32>
    tpu.vector_store %arg5[%swap3A_754, %swap3A_755], %swap3A_758 {strides = array<i32>} : memref<128x16xf32, #tpu.memory_space<vmem>>, vector<1x16xf32>,
    %swap3A_759 = arith.constant 126 : i64
    %swap3A_760 = arith.index_cast %swap3A_759 : i64 to index
    %swap3A_761 = arith.constant 0 : index
    %swap3A_762 = tpu.vector_load %arg5[%swap3A_760, %swap3A_761] {strides = array<i32>} : memref<128x16xf32, #tpu.memory_space<vmem>>, vector<1x16xf32>,
    %swap3A_763 = vector.shape_cast %swap3A_762 : vector<1x16xf32> to vector<16xf32>
    %swap3A_764 = vector.shape_cast %broadcast_in_dim3A_1 : vector<16xf32> to vector<1x16xf32>
    tpu.vector_store %arg5[%swap3A_760, %swap3A_761], %swap3A_764 {strides = array<i32>} : memref<128x16xf32, #tpu.memory_space<vmem>>, vector<1x16xf32>,
    %swap3A_765 = arith.constant 127 : i64
    %swap3A_766 = arith.index_cast %swap3A_765 : i64 to index
    %swap3A_767 = arith.constant 0 : index
    %swap3A_768 = tpu.vector_load %arg5[%swap3A_766, %swap3A_767] {strides = array<i32>} : memref<128x16xf32, #tpu.memory_space<vmem>>, vector<1x16xf32>,
    %swap3A_769 = vector.shape_cast %swap3A_768 : vector<1x16xf32> to vector<16xf32>
    %swap3A_770 = vector.shape_cast %broadcast_in_dim3A_1 : vector<16xf32> to vector<1x16xf32>
    tpu.vector_store %arg5[%swap3A_766, %swap3A_767], %swap3A_770 {strides = array<i32>} : memref<128x16xf32, #tpu.memory_space<vmem>>, vector<1x16xf32>,
    %swap3A_771 = arith.constant 0 : i64
    %swap3A_772 = arith.index_cast %swap3A_771 : i64 to index
    %swap3A_773 = arith.constant 0 : index
    %swap3A_774 = tpu.vector_load %arg6[%swap3A_772, %swap3A_773] {strides = array<i32>} : memref<64x16xf32, #tpu.memory_space<vmem>>, vector<1x16xf32>,
    %swap3A_775 = vector.shape_cast %swap3A_774 : vector<1x16xf32> to vector<16xf32>
    %swap3A_776 = vector.shape_cast %broadcast_in_dim3A_3 : vector<16xf32> to vector<1x16xf32>
    tpu.vector_store %arg6[%swap3A_772, %swap3A_773], %swap3A_776 {strides = array<i32>} : memref<64x16xf32, #tpu.memory_space<vmem>>, vector<1x16xf32>,
    %swap3A_777 = arith.constant 1 : i64
    %swap3A_778 = arith.index_cast %swap3A_777 : i64 to index
    %swap3A_779 = arith.constant 0 : index
    %swap3A_780 = tpu.vector_load %arg6[%swap3A_778, %swap3A_779] {strides = array<i32>} : memref<64x16xf32, #tpu.memory_space<vmem>>, vector<1x16xf32>,
    %swap3A_781 = vector.shape_cast %swap3A_780 : vector<1x16xf32> to vector<16xf32>
    %swap3A_782 = vector.shape_cast %broadcast_in_dim3A_3 : vector<16xf32> to vector<1x16xf32>
    tpu.vector_store %arg6[%swap3A_778, %swap3A_779], %swap3A_782 {strides = array<i32>} : memref<64x16xf32, #tpu.memory_space<vmem>>, vector<1x16xf32>,
    %swap3A_783 = arith.constant 2 : i64
    %swap3A_784 = arith.index_cast %swap3A_783 : i64 to index
    %swap3A_785 = arith.constant 0 : index
    %swap3A_786 = tpu.vector_load %arg6[%swap3A_784, %swap3A_785] {strides = array<i32>} : memref<64x16xf32, #tpu.memory_space<vmem>>, vector<1x16xf32>,
    %swap3A_787 = vector.shape_cast %swap3A_786 : vector<1x16xf32> to vector<16xf32>
    %swap3A_788 = vector.shape_cast %broadcast_in_dim3A_3 : vector<16xf32> to vector<1x16xf32>
    tpu.vector_store %arg6[%swap3A_784, %swap3A_785], %swap3A_788 {strides = array<i32>} : memref<64x16xf32, #tpu.memory_space<vmem>>, vector<1x16xf32>,
    %swap3A_789 = arith.constant 3 : i64
    %swap3A_790 = arith.index_cast %swap3A_789 : i64 to index
    %swap3A_791 = arith.constant 0 : index
    %swap3A_792 = tpu.vector_load %arg6[%swap3A_790, %swap3A_791] {strides = array<i32>} : memref<64x16xf32, #tpu.memory_space<vmem>>, vector<1x16xf32>,
    %swap3A_793 = vector.shape_cast %swap3A_792 : vector<1x16xf32> to vector<16xf32>
    %swap3A_794 = vector.shape_cast %broadcast_in_dim3A_3 : vector<16xf32> to vector<1x16xf32>
    tpu.vector_store %arg6[%swap3A_790, %swap3A_791], %swap3A_794 {strides = array<i32>} : memref<64x16xf32, #tpu.memory_space<vmem>>, vector<1x16xf32>,
    %swap3A_795 = arith.constant 4 : i64
    %swap3A_796 = arith.index_cast %swap3A_795 : i64 to index
    %swap3A_797 = arith.constant 0 : index
    %swap3A_798 = tpu.vector_load %arg6[%swap3A_796, %swap3A_797] {strides = array<i32>} : memref<64x16xf32, #tpu.memory_space<vmem>>, vector<1x16xf32>,
    %swap3A_799 = vector.shape_cast %swap3A_798 : vector<1x16xf32> to vector<16xf32>
    %swap3A_800 = vector.shape_cast %broadcast_in_dim3A_3 : vector<16xf32> to vector<1x16xf32>
    tpu.vector_store %arg6[%swap3A_796, %swap3A_797], %swap3A_800 {strides = array<i32>} : memref<64x16xf32, #tpu.memory_space<vmem>>, vector<1x16xf32>,
    %swap3A_801 = arith.constant 5 : i64
    %swap3A_802 = arith.index_cast %swap3A_801 : i64 to index
    %swap3A_803 = arith.constant 0 : index
    %swap3A_804 = tpu.vector_load %arg6[%swap3A_802, %swap3A_803] {strides = array<i32>} : memref<64x16xf32, #tpu.memory_space<vmem>>, vector<1x16xf32>,
    %swap3A_805 = vector.shape_cast %swap3A_804 : vector<1x16xf32> to vector<16xf32>
    %swap3A_806 = vector.shape_cast %broadcast_in_dim3A_3 : vector<16xf32> to vector<1x16xf32>
    tpu.vector_store %arg6[%swap3A_802, %swap3A_803], %swap3A_806 {strides = array<i32>} : memref<64x16xf32, #tpu.memory_space<vmem>>, vector<1x16xf32>,
    %swap3A_807 = arith.constant 6 : i64
    %swap3A_808 = arith.index_cast %swap3A_807 : i64 to index
    %swap3A_809 = arith.constant 0 : index
    %swap3A_810 = tpu.vector_load %arg6[%swap3A_808, %swap3A_809] {strides = array<i32>} : memref<64x16xf32, #tpu.memory_space<vmem>>, vector<1x16xf32>,
    %swap3A_811 = vector.shape_cast %swap3A_810 : vector<1x16xf32> to vector<16xf32>
    %swap3A_812 = vector.shape_cast %broadcast_in_dim3A_3 : vector<16xf32> to vector<1x16xf32>
    tpu.vector_store %arg6[%swap3A_808, %swap3A_809], %swap3A_812 {strides = array<i32>} : memref<64x16xf32, #tpu.memory_space<vmem>>, vector<1x16xf32>,
    %swap3A_813 = arith.constant 7 : i64
    %swap3A_814 = arith.index_cast %swap3A_813 : i64 to index
    %swap3A_815 = arith.constant 0 : index
    %swap3A_816 = tpu.vector_load %arg6[%swap3A_814, %swap3A_815] {strides = array<i32>} : memref<64x16xf32, #tpu.memory_space<vmem>>, vector<1x16xf32>,
    %swap3A_817 = vector.shape_cast %swap3A_816 : vector<1x16xf32> to vector<16xf32>
    %swap3A_818 = vector.shape_cast %broadcast_in_dim3A_3 : vector<16xf32> to vector<1x16xf32>
    tpu.vector_store %arg6[%swap3A_814, %swap3A_815], %swap3A_818 {strides = array<i32>} : memref<64x16xf32, #tpu.memory_space<vmem>>, vector<1x16xf32>,
    %swap3A_819 = arith.constant 8 : i64
    %swap3A_820 = arith.index_cast %swap3A_819 : i64 to index
    %swap3A_821 = arith.constant 0 : index
    %swap3A_822 = tpu.vector_load %arg6[%swap3A_820, %swap3A_821] {strides = array<i32>} : memref<64x16xf32, #tpu.memory_space<vmem>>, vector<1x16xf32>,
    %swap3A_823 = vector.shape_cast %swap3A_822 : vector<1x16xf32> to vector<16xf32>
    %swap3A_824 = vector.shape_cast %broadcast_in_dim3A_3 : vector<16xf32> to vector<1x16xf32>
    tpu.vector_store %arg6[%swap3A_820, %swap3A_821], %swap3A_824 {strides = array<i32>} : memref<64x16xf32, #tpu.memory_space<vmem>>, vector<1x16xf32>,
    %swap3A_825 = arith.constant 9 : i64
    %swap3A_826 = arith.index_cast %swap3A_825 : i64 to index
    %swap3A_827 = arith.constant 0 : index
    %swap3A_828 = tpu.vector_load %arg6[%swap3A_826, %swap3A_827] {strides = array<i32>} : memref<64x16xf32, #tpu.memory_space<vmem>>, vector<1x16xf32>,
    %swap3A_829 = vector.shape_cast %swap3A_828 : vector<1x16xf32> to vector<16xf32>
    %swap3A_830 = vector.shape_cast %broadcast_in_dim3A_3 : vector<16xf32> to vector<1x16xf32>
    tpu.vector_store %arg6[%swap3A_826, %swap3A_827], %swap3A_830 {strides = array<i32>} : memref<64x16xf32, #tpu.memory_space<vmem>>, vector<1x16xf32>,
    %swap3A_831 = arith.constant 10 : i64
    %swap3A_832 = arith.index_cast %swap3A_831 : i64 to index
    %swap3A_833 = arith.constant 0 : index
    %swap3A_834 = tpu.vector_load %arg6[%swap3A_832, %swap3A_833] {strides = array<i32>} : memref<64x16xf32, #tpu.memory_space<vmem>>, vector<1x16xf32>,
    %swap3A_835 = vector.shape_cast %swap3A_834 : vector<1x16xf32> to vector<16xf32>
    %swap3A_836 = vector.shape_cast %broadcast_in_dim3A_3 : vector<16xf32> to vector<1x16xf32>
    tpu.vector_store %arg6[%swap3A_832, %swap3A_833], %swap3A_836 {strides = array<i32>} : memref<64x16xf32, #tpu.memory_space<vmem>>, vector<1x16xf32>,
    %swap3A_837 = arith.constant 11 : i64
    %swap3A_838 = arith.index_cast %swap3A_837 : i64 to index
    %swap3A_839 = arith.constant 0 : index
    %swap3A_840 = tpu.vector_load %arg6[%swap3A_838, %swap3A_839] {strides = array<i32>} : memref<64x16xf32, #tpu.memory_space<vmem>>, vector<1x16xf32>,
    %swap3A_841 = vector.shape_cast %swap3A_840 : vector<1x16xf32> to vector<16xf32>
    %swap3A_842 = vector.shape_cast %broadcast_in_dim3A_3 : vector<16xf32> to vector<1x16xf32>
    tpu.vector_store %arg6[%swap3A_838, %swap3A_839], %swap3A_842 {strides = array<i32>} : memref<64x16xf32, #tpu.memory_space<vmem>>, vector<1x16xf32>,
    %swap3A_843 = arith.constant 12 : i64
    %swap3A_844 = arith.index_cast %swap3A_843 : i64 to index
    %swap3A_845 = arith.constant 0 : index
    %swap3A_846 = tpu.vector_load %arg6[%swap3A_844, %swap3A_845] {strides = array<i32>} : memref<64x16xf32, #tpu.memory_space<vmem>>, vector<1x16xf32>,
    %swap3A_847 = vector.shape_cast %swap3A_846 : vector<1x16xf32> to vector<16xf32>
    %swap3A_848 = vector.shape_cast %broadcast_in_dim3A_3 : vector<16xf32> to vector<1x16xf32>
    tpu.vector_store %arg6[%swap3A_844, %swap3A_845], %swap3A_848 {strides = array<i32>} : memref<64x16xf32, #tpu.memory_space<vmem>>, vector<1x16xf32>,
    %swap3A_849 = arith.constant 13 : i64
    %swap3A_850 = arith.index_cast %swap3A_849 : i64 to index
    %swap3A_851 = arith.constant 0 : index
    %swap3A_852 = tpu.vector_load %arg6[%swap3A_850, %swap3A_851] {strides = array<i32>} : memref<64x16xf32, #tpu.memory_space<vmem>>, vector<1x16xf32>,
    %swap3A_853 = vector.shape_cast %swap3A_852 : vector<1x16xf32> to vector<16xf32>
    %swap3A_854 = vector.shape_cast %broadcast_in_dim3A_3 : vector<16xf32> to vector<1x16xf32>
    tpu.vector_store %arg6[%swap3A_850, %swap3A_851], %swap3A_854 {strides = array<i32>} : memref<64x16xf32, #tpu.memory_space<vmem>>, vector<1x16xf32>,
    %swap3A_855 = arith.constant 14 : i64
    %swap3A_856 = arith.index_cast %swap3A_855 : i64 to index
    %swap3A_857 = arith.constant 0 : index
    %swap3A_858 = tpu.vector_load %arg6[%swap3A_856, %swap3A_857] {strides = array<i32>} : memref<64x16xf32, #tpu.memory_space<vmem>>, vector<1x16xf32>,
    %swap3A_859 = vector.shape_cast %swap3A_858 : vector<1x16xf32> to vector<16xf32>
    %swap3A_860 = vector.shape_cast %broadcast_in_dim3A_3 : vector<16xf32> to vector<1x16xf32>
    tpu.vector_store %arg6[%swap3A_856, %swap3A_857], %swap3A_860 {strides = array<i32>} : memref<64x16xf32, #tpu.memory_space<vmem>>, vector<1x16xf32>,
    %swap3A_861 = arith.constant 15 : i64
    %swap3A_862 = arith.index_cast %swap3A_861 : i64 to index
    %swap3A_863 = arith.constant 0 : index
    %swap3A_864 = tpu.vector_load %arg6[%swap3A_862, %swap3A_863] {strides = array<i32>} : memref<64x16xf32, #tpu.memory_space<vmem>>, vector<1x16xf32>,
    %swap3A_865 = vector.shape_cast %swap3A_864 : vector<1x16xf32> to vector<16xf32>
    %swap3A_866 = vector.shape_cast %broadcast_in_dim3A_3 : vector<16xf32> to vector<1x16xf32>
    tpu.vector_store %arg6[%swap3A_862, %swap3A_863], %swap3A_866 {strides = array<i32>} : memref<64x16xf32, #tpu.memory_space<vmem>>, vector<1x16xf32>,
    %swap3A_867 = arith.constant 16 : i64
    %swap3A_868 = arith.index_cast %swap3A_867 : i64 to index
    %swap3A_869 = arith.constant 0 : index
    %swap3A_870 = tpu.vector_load %arg6[%swap3A_868, %swap3A_869] {strides = array<i32>} : memref<64x16xf32, #tpu.memory_space<vmem>>, vector<1x16xf32>,
    %swap3A_871 = vector.shape_cast %swap3A_870 : vector<1x16xf32> to vector<16xf32>
    %swap3A_872 = vector.shape_cast %broadcast_in_dim3A_3 : vector<16xf32> to vector<1x16xf32>
    tpu.vector_store %arg6[%swap3A_868, %swap3A_869], %swap3A_872 {strides = array<i32>} : memref<64x16xf32, #tpu.memory_space<vmem>>, vector<1x16xf32>,
    %swap3A_873 = arith.constant 17 : i64
    %swap3A_874 = arith.index_cast %swap3A_873 : i64 to index
    %swap3A_875 = arith.constant 0 : index
    %swap3A_876 = tpu.vector_load %arg6[%swap3A_874, %swap3A_875] {strides = array<i32>} : memref<64x16xf32, #tpu.memory_space<vmem>>, vector<1x16xf32>,
    %swap3A_877 = vector.shape_cast %swap3A_876 : vector<1x16xf32> to vector<16xf32>
    %swap3A_878 = vector.shape_cast %broadcast_in_dim3A_3 : vector<16xf32> to vector<1x16xf32>
    tpu.vector_store %arg6[%swap3A_874, %swap3A_875], %swap3A_878 {strides = array<i32>} : memref<64x16xf32, #tpu.memory_space<vmem>>, vector<1x16xf32>,
    %swap3A_879 = arith.constant 18 : i64
    %swap3A_880 = arith.index_cast %swap3A_879 : i64 to index
    %swap3A_881 = arith.constant 0 : index
    %swap3A_882 = tpu.vector_load %arg6[%swap3A_880, %swap3A_881] {strides = array<i32>} : memref<64x16xf32, #tpu.memory_space<vmem>>, vector<1x16xf32>,
    %swap3A_883 = vector.shape_cast %swap3A_882 : vector<1x16xf32> to vector<16xf32>
    %swap3A_884 = vector.shape_cast %broadcast_in_dim3A_3 : vector<16xf32> to vector<1x16xf32>
    tpu.vector_store %arg6[%swap3A_880, %swap3A_881], %swap3A_884 {strides = array<i32>} : memref<64x16xf32, #tpu.memory_space<vmem>>, vector<1x16xf32>,
    %swap3A_885 = arith.constant 19 : i64
    %swap3A_886 = arith.index_cast %swap3A_885 : i64 to index
    %swap3A_887 = arith.constant 0 : index
    %swap3A_888 = tpu.vector_load %arg6[%swap3A_886, %swap3A_887] {strides = array<i32>} : memref<64x16xf32, #tpu.memory_space<vmem>>, vector<1x16xf32>,
    %swap3A_889 = vector.shape_cast %swap3A_888 : vector<1x16xf32> to vector<16xf32>
    %swap3A_890 = vector.shape_cast %broadcast_in_dim3A_3 : vector<16xf32> to vector<1x16xf32>
    tpu.vector_store %arg6[%swap3A_886, %swap3A_887], %swap3A_890 {strides = array<i32>} : memref<64x16xf32, #tpu.memory_space<vmem>>, vector<1x16xf32>,
    %swap3A_891 = arith.constant 20 : i64
    %swap3A_892 = arith.index_cast %swap3A_891 : i64 to index
    %swap3A_893 = arith.constant 0 : index
    %swap3A_894 = tpu.vector_load %arg6[%swap3A_892, %swap3A_893] {strides = array<i32>} : memref<64x16xf32, #tpu.memory_space<vmem>>, vector<1x16xf32>,
    %swap3A_895 = vector.shape_cast %swap3A_894 : vector<1x16xf32> to vector<16xf32>
    %swap3A_896 = vector.shape_cast %broadcast_in_dim3A_3 : vector<16xf32> to vector<1x16xf32>
    tpu.vector_store %arg6[%swap3A_892, %swap3A_893], %swap3A_896 {strides = array<i32>} : memref<64x16xf32, #tpu.memory_space<vmem>>, vector<1x16xf32>,
    %swap3A_897 = arith.constant 21 : i64
    %swap3A_898 = arith.index_cast %swap3A_897 : i64 to index
    %swap3A_899 = arith.constant 0 : index
    %swap3A_900 = tpu.vector_load %arg6[%swap3A_898, %swap3A_899] {strides = array<i32>} : memref<64x16xf32, #tpu.memory_space<vmem>>, vector<1x16xf32>,
    %swap3A_901 = vector.shape_cast %swap3A_900 : vector<1x16xf32> to vector<16xf32>
    %swap3A_902 = vector.shape_cast %broadcast_in_dim3A_3 : vector<16xf32> to vector<1x16xf32>
    tpu.vector_store %arg6[%swap3A_898, %swap3A_899], %swap3A_902 {strides = array<i32>} : memref<64x16xf32, #tpu.memory_space<vmem>>, vector<1x16xf32>,
    %swap3A_903 = arith.constant 22 : i64
    %swap3A_904 = arith.index_cast %swap3A_903 : i64 to index
    %swap3A_905 = arith.constant 0 : index
    %swap3A_906 = tpu.vector_load %arg6[%swap3A_904, %swap3A_905] {strides = array<i32>} : memref<64x16xf32, #tpu.memory_space<vmem>>, vector<1x16xf32>,
    %swap3A_907 = vector.shape_cast %swap3A_906 : vector<1x16xf32> to vector<16xf32>
    %swap3A_908 = vector.shape_cast %broadcast_in_dim3A_3 : vector<16xf32> to vector<1x16xf32>
    tpu.vector_store %arg6[%swap3A_904, %swap3A_905], %swap3A_908 {strides = array<i32>} : memref<64x16xf32, #tpu.memory_space<vmem>>, vector<1x16xf32>,
    %swap3A_909 = arith.constant 23 : i64
    %swap3A_910 = arith.index_cast %swap3A_909 : i64 to index
    %swap3A_911 = arith.constant 0 : index
    %swap3A_912 = tpu.vector_load %arg6[%swap3A_910, %swap3A_911] {strides = array<i32>} : memref<64x16xf32, #tpu.memory_space<vmem>>, vector<1x16xf32>,
    %swap3A_913 = vector.shape_cast %swap3A_912 : vector<1x16xf32> to vector<16xf32>
    %swap3A_914 = vector.shape_cast %broadcast_in_dim3A_3 : vector<16xf32> to vector<1x16xf32>
    tpu.vector_store %arg6[%swap3A_910, %swap3A_911], %swap3A_914 {strides = array<i32>} : memref<64x16xf32, #tpu.memory_space<vmem>>, vector<1x16xf32>,
    %swap3A_915 = arith.constant 24 : i64
    %swap3A_916 = arith.index_cast %swap3A_915 : i64 to index
    %swap3A_917 = arith.constant 0 : index
    %swap3A_918 = tpu.vector_load %arg6[%swap3A_916, %swap3A_917] {strides = array<i32>} : memref<64x16xf32, #tpu.memory_space<vmem>>, vector<1x16xf32>,
    %swap3A_919 = vector.shape_cast %swap3A_918 : vector<1x16xf32> to vector<16xf32>
    %swap3A_920 = vector.shape_cast %broadcast_in_dim3A_3 : vector<16xf32> to vector<1x16xf32>
    tpu.vector_store %arg6[%swap3A_916, %swap3A_917], %swap3A_920 {strides = array<i32>} : memref<64x16xf32, #tpu.memory_space<vmem>>, vector<1x16xf32>,
    %swap3A_921 = arith.constant 25 : i64
    %swap3A_922 = arith.index_cast %swap3A_921 : i64 to index
    %swap3A_923 = arith.constant 0 : index
    %swap3A_924 = tpu.vector_load %arg6[%swap3A_922, %swap3A_923] {strides = array<i32>} : memref<64x16xf32, #tpu.memory_space<vmem>>, vector<1x16xf32>,
    %swap3A_925 = vector.shape_cast %swap3A_924 : vector<1x16xf32> to vector<16xf32>
    %swap3A_926 = vector.shape_cast %broadcast_in_dim3A_3 : vector<16xf32> to vector<1x16xf32>
    tpu.vector_store %arg6[%swap3A_922, %swap3A_923], %swap3A_926 {strides = array<i32>} : memref<64x16xf32, #tpu.memory_space<vmem>>, vector<1x16xf32>,
    %swap3A_927 = arith.constant 26 : i64
    %swap3A_928 = arith.index_cast %swap3A_927 : i64 to index
    %swap3A_929 = arith.constant 0 : index
    %swap3A_930 = tpu.vector_load %arg6[%swap3A_928, %swap3A_929] {strides = array<i32>} : memref<64x16xf32, #tpu.memory_space<vmem>>, vector<1x16xf32>,
    %swap3A_931 = vector.shape_cast %swap3A_930 : vector<1x16xf32> to vector<16xf32>
    %swap3A_932 = vector.shape_cast %broadcast_in_dim3A_3 : vector<16xf32> to vector<1x16xf32>
    tpu.vector_store %arg6[%swap3A_928, %swap3A_929], %swap3A_932 {strides = array<i32>} : memref<64x16xf32, #tpu.memory_space<vmem>>, vector<1x16xf32>,
    %swap3A_933 = arith.constant 27 : i64
    %swap3A_934 = arith.index_cast %swap3A_933 : i64 to index
    %swap3A_935 = arith.constant 0 : index
    %swap3A_936 = tpu.vector_load %arg6[%swap3A_934, %swap3A_935] {strides = array<i32>} : memref<64x16xf32, #tpu.memory_space<vmem>>, vector<1x16xf32>,
    %swap3A_937 = vector.shape_cast %swap3A_936 : vector<1x16xf32> to vector<16xf32>
    %swap3A_938 = vector.shape_cast %broadcast_in_dim3A_3 : vector<16xf32> to vector<1x16xf32>
    tpu.vector_store %arg6[%swap3A_934, %swap3A_935], %swap3A_938 {strides = array<i32>} : memref<64x16xf32, #tpu.memory_space<vmem>>, vector<1x16xf32>,
    %swap3A_939 = arith.constant 28 : i64
    %swap3A_940 = arith.index_cast %swap3A_939 : i64 to index
    %swap3A_941 = arith.constant 0 : index
    %swap3A_942 = tpu.vector_load %arg6[%swap3A_940, %swap3A_941] {strides = array<i32>} : memref<64x16xf32, #tpu.memory_space<vmem>>, vector<1x16xf32>,
    %swap3A_943 = vector.shape_cast %swap3A_942 : vector<1x16xf32> to vector<16xf32>
    %swap3A_944 = vector.shape_cast %broadcast_in_dim3A_3 : vector<16xf32> to vector<1x16xf32>
    tpu.vector_store %arg6[%swap3A_940, %swap3A_941], %swap3A_944 {strides = array<i32>} : memref<64x16xf32, #tpu.memory_space<vmem>>, vector<1x16xf32>,
    %swap3A_945 = arith.constant 29 : i64
    %swap3A_946 = arith.index_cast %swap3A_945 : i64 to index
    %swap3A_947 = arith.constant 0 : index
    %swap3A_948 = tpu.vector_load %arg6[%swap3A_946, %swap3A_947] {strides = array<i32>} : memref<64x16xf32, #tpu.memory_space<vmem>>, vector<1x16xf32>,
    %swap3A_949 = vector.shape_cast %swap3A_948 : vector<1x16xf32> to vector<16xf32>
    %swap3A_950 = vector.shape_cast %broadcast_in_dim3A_3 : vector<16xf32> to vector<1x16xf32>
    tpu.vector_store %arg6[%swap3A_946, %swap3A_947], %swap3A_950 {strides = array<i32>} : memref<64x16xf32, #tpu.memory_space<vmem>>, vector<1x16xf32>,
    %swap3A_951 = arith.constant 30 : i64
    %swap3A_952 = arith.index_cast %swap3A_951 : i64 to index
    %swap3A_953 = arith.constant 0 : index
    %swap3A_954 = tpu.vector_load %arg6[%swap3A_952, %swap3A_953] {strides = array<i32>} : memref<64x16xf32, #tpu.memory_space<vmem>>, vector<1x16xf32>,
    %swap3A_955 = vector.shape_cast %swap3A_954 : vector<1x16xf32> to vector<16xf32>
    %swap3A_956 = vector.shape_cast %broadcast_in_dim3A_3 : vector<16xf32> to vector<1x16xf32>
    tpu.vector_store %arg6[%swap3A_952, %swap3A_953], %swap3A_956 {strides = array<i32>} : memref<64x16xf32, #tpu.memory_space<vmem>>, vector<1x16xf32>,
    %swap3A_957 = arith.constant 31 : i64
    %swap3A_958 = arith.index_cast %swap3A_957 : i64 to index
    %swap3A_959 = arith.constant 0 : index
    %swap3A_960 = tpu.vector_load %arg6[%swap3A_958, %swap3A_959] {strides = array<i32>} : memref<64x16xf32, #tpu.memory_space<vmem>>, vector<1x16xf32>,
    %swap3A_961 = vector.shape_cast %swap3A_960 : vector<1x16xf32> to vector<16xf32>
    %swap3A_962 = vector.shape_cast %broadcast_in_dim3A_3 : vector<16xf32> to vector<1x16xf32>
    tpu.vector_store %arg6[%swap3A_958, %swap3A_959], %swap3A_962 {strides = array<i32>} : memref<64x16xf32, #tpu.memory_space<vmem>>, vector<1x16xf32>,
    %swap3A_963 = arith.constant 32 : i64
    %swap3A_964 = arith.index_cast %swap3A_963 : i64 to index
    %swap3A_965 = arith.constant 0 : index
    %swap3A_966 = tpu.vector_load %arg6[%swap3A_964, %swap3A_965] {strides = array<i32>} : memref<64x16xf32, #tpu.memory_space<vmem>>, vector<1x16xf32>,
    %swap3A_967 = vector.shape_cast %swap3A_966 : vector<1x16xf32> to vector<16xf32>
    %swap3A_968 = vector.shape_cast %broadcast_in_dim3A_3 : vector<16xf32> to vector<1x16xf32>
    tpu.vector_store %arg6[%swap3A_964, %swap3A_965], %swap3A_968 {strides = array<i32>} : memref<64x16xf32, #tpu.memory_space<vmem>>, vector<1x16xf32>,
    %swap3A_969 = arith.constant 33 : i64
    %swap3A_970 = arith.index_cast %swap3A_969 : i64 to index
    %swap3A_971 = arith.constant 0 : index
    %swap3A_972 = tpu.vector_load %arg6[%swap3A_970, %swap3A_971] {strides = array<i32>} : memref<64x16xf32, #tpu.memory_space<vmem>>, vector<1x16xf32>,
    %swap3A_973 = vector.shape_cast %swap3A_972 : vector<1x16xf32> to vector<16xf32>
    %swap3A_974 = vector.shape_cast %broadcast_in_dim3A_3 : vector<16xf32> to vector<1x16xf32>
    tpu.vector_store %arg6[%swap3A_970, %swap3A_971], %swap3A_974 {strides = array<i32>} : memref<64x16xf32, #tpu.memory_space<vmem>>, vector<1x16xf32>,
    %swap3A_975 = arith.constant 34 : i64
    %swap3A_976 = arith.index_cast %swap3A_975 : i64 to index
    %swap3A_977 = arith.constant 0 : index
    %swap3A_978 = tpu.vector_load %arg6[%swap3A_976, %swap3A_977] {strides = array<i32>} : memref<64x16xf32, #tpu.memory_space<vmem>>, vector<1x16xf32>,
    %swap3A_979 = vector.shape_cast %swap3A_978 : vector<1x16xf32> to vector<16xf32>
    %swap3A_980 = vector.shape_cast %broadcast_in_dim3A_3 : vector<16xf32> to vector<1x16xf32>
    tpu.vector_store %arg6[%swap3A_976, %swap3A_977], %swap3A_980 {strides = array<i32>} : memref<64x16xf32, #tpu.memory_space<vmem>>, vector<1x16xf32>,
    %swap3A_981 = arith.constant 35 : i64
    %swap3A_982 = arith.index_cast %swap3A_981 : i64 to index
    %swap3A_983 = arith.constant 0 : index
    %swap3A_984 = tpu.vector_load %arg6[%swap3A_982, %swap3A_983] {strides = array<i32>} : memref<64x16xf32, #tpu.memory_space<vmem>>, vector<1x16xf32>,
    %swap3A_985 = vector.shape_cast %swap3A_984 : vector<1x16xf32> to vector<16xf32>
    %swap3A_986 = vector.shape_cast %broadcast_in_dim3A_3 : vector<16xf32> to vector<1x16xf32>
    tpu.vector_store %arg6[%swap3A_982, %swap3A_983], %swap3A_986 {strides = array<i32>} : memref<64x16xf32, #tpu.memory_space<vmem>>, vector<1x16xf32>,
    %swap3A_987 = arith.constant 36 : i64
    %swap3A_988 = arith.index_cast %swap3A_987 : i64 to index
    %swap3A_989 = arith.constant 0 : index
    %swap3A_990 = tpu.vector_load %arg6[%swap3A_988, %swap3A_989] {strides = array<i32>} : memref<64x16xf32, #tpu.memory_space<vmem>>, vector<1x16xf32>,
    %swap3A_991 = vector.shape_cast %swap3A_990 : vector<1x16xf32> to vector<16xf32>
    %swap3A_992 = vector.shape_cast %broadcast_in_dim3A_3 : vector<16xf32> to vector<1x16xf32>
    tpu.vector_store %arg6[%swap3A_988, %swap3A_989], %swap3A_992 {strides = array<i32>} : memref<64x16xf32, #tpu.memory_space<vmem>>, vector<1x16xf32>,
    %swap3A_993 = arith.constant 37 : i64
    %swap3A_994 = arith.index_cast %swap3A_993 : i64 to index
    %swap3A_995 = arith.constant 0 : index
    %swap3A_996 = tpu.vector_load %arg6[%swap3A_994, %swap3A_995] {strides = array<i32>} : memref<64x16xf32, #tpu.memory_space<vmem>>, vector<1x16xf32>,
    %swap3A_997 = vector.shape_cast %swap3A_996 : vector<1x16xf32> to vector<16xf32>
    %swap3A_998 = vector.shape_cast %broadcast_in_dim3A_3 : vector<16xf32> to vector<1x16xf32>
    tpu.vector_store %arg6[%swap3A_994, %swap3A_995], %swap3A_998 {strides = array<i32>} : memref<64x16xf32, #tpu.memory_space<vmem>>, vector<1x16xf32>,
    %swap3A_999 = arith.constant 38 : i64
    %swap3A_1000 = arith.index_cast %swap3A_999 : i64 to index
    %swap3A_1001 = arith.constant 0 : index
    %swap3A_1002 = tpu.vector_load %arg6[%swap3A_1000, %swap3A_1001] {strides = array<i32>} : memref<64x16xf32, #tpu.memory_space<vmem>>, vector<1x16xf32>,
    %swap3A_1003 = vector.shape_cast %swap3A_1002 : vector<1x16xf32> to vector<16xf32>
    %swap3A_1004 = vector.shape_cast %broadcast_in_dim3A_3 : vector<16xf32> to vector<1x16xf32>
    tpu.vector_store %arg6[%swap3A_1000, %swap3A_1001], %swap3A_1004 {strides = array<i32>} : memref<64x16xf32, #tpu.memory_space<vmem>>, vector<1x16xf32>,
    %swap3A_1005 = arith.constant 39 : i64
    %swap3A_1006 = arith.index_cast %swap3A_1005 : i64 to index
    %swap3A_1007 = arith.constant 0 : index
    %swap3A_1008 = tpu.vector_load %arg6[%swap3A_1006, %swap3A_1007] {strides = array<i32>} : memref<64x16xf32, #tpu.memory_space<vmem>>, vector<1x16xf32>,
    %swap3A_1009 = vector.shape_cast %swap3A_1008 : vector<1x16xf32> to vector<16xf32>
    %swap3A_1010 = vector.shape_cast %broadcast_in_dim3A_3 : vector<16xf32> to vector<1x16xf32>
    tpu.vector_store %arg6[%swap3A_1006, %swap3A_1007], %swap3A_1010 {strides = array<i32>} : memref<64x16xf32, #tpu.memory_space<vmem>>, vector<1x16xf32>,
    %swap3A_1011 = arith.constant 40 : i64
    %swap3A_1012 = arith.index_cast %swap3A_1011 : i64 to index
    %swap3A_1013 = arith.constant 0 : index
    %swap3A_1014 = tpu.vector_load %arg6[%swap3A_1012, %swap3A_1013] {strides = array<i32>} : memref<64x16xf32, #tpu.memory_space<vmem>>, vector<1x16xf32>,
    %swap3A_1015 = vector.shape_cast %swap3A_1014 : vector<1x16xf32> to vector<16xf32>
    %swap3A_1016 = vector.shape_cast %broadcast_in_dim3A_3 : vector<16xf32> to vector<1x16xf32>
    tpu.vector_store %arg6[%swap3A_1012, %swap3A_1013], %swap3A_1016 {strides = array<i32>} : memref<64x16xf32, #tpu.memory_space<vmem>>, vector<1x16xf32>,
    %swap3A_1017 = arith.constant 41 : i64
    %swap3A_1018 = arith.index_cast %swap3A_1017 : i64 to index
    %swap3A_1019 = arith.constant 0 : index
    %swap3A_1020 = tpu.vector_load %arg6[%swap3A_1018, %swap3A_1019] {strides = array<i32>} : memref<64x16xf32, #tpu.memory_space<vmem>>, vector<1x16xf32>,
    %swap3A_1021 = vector.shape_cast %swap3A_1020 : vector<1x16xf32> to vector<16xf32>
    %swap3A_1022 = vector.shape_cast %broadcast_in_dim3A_3 : vector<16xf32> to vector<1x16xf32>
    tpu.vector_store %arg6[%swap3A_1018, %swap3A_1019], %swap3A_1022 {strides = array<i32>} : memref<64x16xf32, #tpu.memory_space<vmem>>, vector<1x16xf32>,
    %swap3A_1023 = arith.constant 42 : i64
    %swap3A_1024 = arith.index_cast %swap3A_1023 : i64 to index
    %swap3A_1025 = arith.constant 0 : index
    %swap3A_1026 = tpu.vector_load %arg6[%swap3A_1024, %swap3A_1025] {strides = array<i32>} : memref<64x16xf32, #tpu.memory_space<vmem>>, vector<1x16xf32>,
    %swap3A_1027 = vector.shape_cast %swap3A_1026 : vector<1x16xf32> to vector<16xf32>
    %swap3A_1028 = vector.shape_cast %broadcast_in_dim3A_3 : vector<16xf32> to vector<1x16xf32>
    tpu.vector_store %arg6[%swap3A_1024, %swap3A_1025], %swap3A_1028 {strides = array<i32>} : memref<64x16xf32, #tpu.memory_space<vmem>>, vector<1x16xf32>,
    %swap3A_1029 = arith.constant 43 : i64
    %swap3A_1030 = arith.index_cast %swap3A_1029 : i64 to index
    %swap3A_1031 = arith.constant 0 : index
    %swap3A_1032 = tpu.vector_load %arg6[%swap3A_1030, %swap3A_1031] {strides = array<i32>} : memref<64x16xf32, #tpu.memory_space<vmem>>, vector<1x16xf32>,
    %swap3A_1033 = vector.shape_cast %swap3A_1032 : vector<1x16xf32> to vector<16xf32>
    %swap3A_1034 = vector.shape_cast %broadcast_in_dim3A_3 : vector<16xf32> to vector<1x16xf32>
    tpu.vector_store %arg6[%swap3A_1030, %swap3A_1031], %swap3A_1034 {strides = array<i32>} : memref<64x16xf32, #tpu.memory_space<vmem>>, vector<1x16xf32>,
    %swap3A_1035 = arith.constant 44 : i64
    %swap3A_1036 = arith.index_cast %swap3A_1035 : i64 to index
    %swap3A_1037 = arith.constant 0 : index
    %swap3A_1038 = tpu.vector_load %arg6[%swap3A_1036, %swap3A_1037] {strides = array<i32>} : memref<64x16xf32, #tpu.memory_space<vmem>>, vector<1x16xf32>,
    %swap3A_1039 = vector.shape_cast %swap3A_1038 : vector<1x16xf32> to vector<16xf32>
    %swap3A_1040 = vector.shape_cast %broadcast_in_dim3A_3 : vector<16xf32> to vector<1x16xf32>
    tpu.vector_store %arg6[%swap3A_1036, %swap3A_1037], %swap3A_1040 {strides = array<i32>} : memref<64x16xf32, #tpu.memory_space<vmem>>, vector<1x16xf32>,
    %swap3A_1041 = arith.constant 45 : i64
    %swap3A_1042 = arith.index_cast %swap3A_1041 : i64 to index
    %swap3A_1043 = arith.constant 0 : index
    %swap3A_1044 = tpu.vector_load %arg6[%swap3A_1042, %swap3A_1043] {strides = array<i32>} : memref<64x16xf32, #tpu.memory_space<vmem>>, vector<1x16xf32>,
    %swap3A_1045 = vector.shape_cast %swap3A_1044 : vector<1x16xf32> to vector<16xf32>
    %swap3A_1046 = vector.shape_cast %broadcast_in_dim3A_3 : vector<16xf32> to vector<1x16xf32>
    tpu.vector_store %arg6[%swap3A_1042, %swap3A_1043], %swap3A_1046 {strides = array<i32>} : memref<64x16xf32, #tpu.memory_space<vmem>>, vector<1x16xf32>,
    %swap3A_1047 = arith.constant 46 : i64
    %swap3A_1048 = arith.index_cast %swap3A_1047 : i64 to index
    %swap3A_1049 = arith.constant 0 : index
    %swap3A_1050 = tpu.vector_load %arg6[%swap3A_1048, %swap3A_1049] {strides = array<i32>} : memref<64x16xf32, #tpu.memory_space<vmem>>, vector<1x16xf32>,
    %swap3A_1051 = vector.shape_cast %swap3A_1050 : vector<1x16xf32> to vector<16xf32>
    %swap3A_1052 = vector.shape_cast %broadcast_in_dim3A_3 : vector<16xf32> to vector<1x16xf32>
    tpu.vector_store %arg6[%swap3A_1048, %swap3A_1049], %swap3A_1052 {strides = array<i32>} : memref<64x16xf32, #tpu.memory_space<vmem>>, vector<1x16xf32>,
    %swap3A_1053 = arith.constant 47 : i64
    %swap3A_1054 = arith.index_cast %swap3A_1053 : i64 to index
    %swap3A_1055 = arith.constant 0 : index
    %swap3A_1056 = tpu.vector_load %arg6[%swap3A_1054, %swap3A_1055] {strides = array<i32>} : memref<64x16xf32, #tpu.memory_space<vmem>>, vector<1x16xf32>,
    %swap3A_1057 = vector.shape_cast %swap3A_1056 : vector<1x16xf32> to vector<16xf32>
    %swap3A_1058 = vector.shape_cast %broadcast_in_dim3A_3 : vector<16xf32> to vector<1x16xf32>
    tpu.vector_store %arg6[%swap3A_1054, %swap3A_1055], %swap3A_1058 {strides = array<i32>} : memref<64x16xf32, #tpu.memory_space<vmem>>, vector<1x16xf32>,
    %swap3A_1059 = arith.constant 48 : i64
    %swap3A_1060 = arith.index_cast %swap3A_1059 : i64 to index
    %swap3A_1061 = arith.constant 0 : index
    %swap3A_1062 = tpu.vector_load %arg6[%swap3A_1060, %swap3A_1061] {strides = array<i32>} : memref<64x16xf32, #tpu.memory_space<vmem>>, vector<1x16xf32>,
    %swap3A_1063 = vector.shape_cast %swap3A_1062 : vector<1x16xf32> to vector<16xf32>
    %swap3A_1064 = vector.shape_cast %broadcast_in_dim3A_3 : vector<16xf32> to vector<1x16xf32>
    tpu.vector_store %arg6[%swap3A_1060, %swap3A_1061], %swap3A_1064 {strides = array<i32>} : memref<64x16xf32, #tpu.memory_space<vmem>>, vector<1x16xf32>,
    %swap3A_1065 = arith.constant 49 : i64
    %swap3A_1066 = arith.index_cast %swap3A_1065 : i64 to index
    %swap3A_1067 = arith.constant 0 : index
    %swap3A_1068 = tpu.vector_load %arg6[%swap3A_1066, %swap3A_1067] {strides = array<i32>} : memref<64x16xf32, #tpu.memory_space<vmem>>, vector<1x16xf32>,
    %swap3A_1069 = vector.shape_cast %swap3A_1068 : vector<1x16xf32> to vector<16xf32>
    %swap3A_1070 = vector.shape_cast %broadcast_in_dim3A_3 : vector<16xf32> to vector<1x16xf32>
    tpu.vector_store %arg6[%swap3A_1066, %swap3A_1067], %swap3A_1070 {strides = array<i32>} : memref<64x16xf32, #tpu.memory_space<vmem>>, vector<1x16xf32>,
    %swap3A_1071 = arith.constant 50 : i64
    %swap3A_1072 = arith.index_cast %swap3A_1071 : i64 to index
    %swap3A_1073 = arith.constant 0 : index
    %swap3A_1074 = tpu.vector_load %arg6[%swap3A_1072, %swap3A_1073] {strides = array<i32>} : memref<64x16xf32, #tpu.memory_space<vmem>>, vector<1x16xf32>,
    %swap3A_1075 = vector.shape_cast %swap3A_1074 : vector<1x16xf32> to vector<16xf32>
    %swap3A_1076 = vector.shape_cast %broadcast_in_dim3A_3 : vector<16xf32> to vector<1x16xf32>
    tpu.vector_store %arg6[%swap3A_1072, %swap3A_1073], %swap3A_1076 {strides = array<i32>} : memref<64x16xf32, #tpu.memory_space<vmem>>, vector<1x16xf32>,
    %swap3A_1077 = arith.constant 51 : i64
    %swap3A_1078 = arith.index_cast %swap3A_1077 : i64 to index
    %swap3A_1079 = arith.constant 0 : index
    %swap3A_1080 = tpu.vector_load %arg6[%swap3A_1078, %swap3A_1079] {strides = array<i32>} : memref<64x16xf32, #tpu.memory_space<vmem>>, vector<1x16xf32>,
    %swap3A_1081 = vector.shape_cast %swap3A_1080 : vector<1x16xf32> to vector<16xf32>
    %swap3A_1082 = vector.shape_cast %broadcast_in_dim3A_3 : vector<16xf32> to vector<1x16xf32>
    tpu.vector_store %arg6[%swap3A_1078, %swap3A_1079], %swap3A_1082 {strides = array<i32>} : memref<64x16xf32, #tpu.memory_space<vmem>>, vector<1x16xf32>,
    %swap3A_1083 = arith.constant 52 : i64
    %swap3A_1084 = arith.index_cast %swap3A_1083 : i64 to index
    %swap3A_1085 = arith.constant 0 : index
    %swap3A_1086 = tpu.vector_load %arg6[%swap3A_1084, %swap3A_1085] {strides = array<i32>} : memref<64x16xf32, #tpu.memory_space<vmem>>, vector<1x16xf32>,
    %swap3A_1087 = vector.shape_cast %swap3A_1086 : vector<1x16xf32> to vector<16xf32>
    %swap3A_1088 = vector.shape_cast %broadcast_in_dim3A_3 : vector<16xf32> to vector<1x16xf32>
    tpu.vector_store %arg6[%swap3A_1084, %swap3A_1085], %swap3A_1088 {strides = array<i32>} : memref<64x16xf32, #tpu.memory_space<vmem>>, vector<1x16xf32>,
    %swap3A_1089 = arith.constant 53 : i64
    %swap3A_1090 = arith.index_cast %swap3A_1089 : i64 to index
    %swap3A_1091 = arith.constant 0 : index
    %swap3A_1092 = tpu.vector_load %arg6[%swap3A_1090, %swap3A_1091] {strides = array<i32>} : memref<64x16xf32, #tpu.memory_space<vmem>>, vector<1x16xf32>,
    %swap3A_1093 = vector.shape_cast %swap3A_1092 : vector<1x16xf32> to vector<16xf32>
    %swap3A_1094 = vector.shape_cast %broadcast_in_dim3A_3 : vector<16xf32> to vector<1x16xf32>
    tpu.vector_store %arg6[%swap3A_1090, %swap3A_1091], %swap3A_1094 {strides = array<i32>} : memref<64x16xf32, #tpu.memory_space<vmem>>, vector<1x16xf32>,
    %swap3A_1095 = arith.constant 54 : i64
    %swap3A_1096 = arith.index_cast %swap3A_1095 : i64 to index
    %swap3A_1097 = arith.constant 0 : index
    %swap3A_1098 = tpu.vector_load %arg6[%swap3A_1096, %swap3A_1097] {strides = array<i32>} : memref<64x16xf32, #tpu.memory_space<vmem>>, vector<1x16xf32>,
    %swap3A_1099 = vector.shape_cast %swap3A_1098 : vector<1x16xf32> to vector<16xf32>
    %swap3A_1100 = vector.shape_cast %broadcast_in_dim3A_3 : vector<16xf32> to vector<1x16xf32>
    tpu.vector_store %arg6[%swap3A_1096, %swap3A_1097], %swap3A_1100 {strides = array<i32>} : memref<64x16xf32, #tpu.memory_space<vmem>>, vector<1x16xf32>,
    %swap3A_1101 = arith.constant 55 : i64
    %swap3A_1102 = arith.index_cast %swap3A_1101 : i64 to index
    %swap3A_1103 = arith.constant 0 : index
    %swap3A_1104 = tpu.vector_load %arg6[%swap3A_1102, %swap3A_1103] {strides = array<i32>} : memref<64x16xf32, #tpu.memory_space<vmem>>, vector<1x16xf32>,
    %swap3A_1105 = vector.shape_cast %swap3A_1104 : vector<1x16xf32> to vector<16xf32>
    %swap3A_1106 = vector.shape_cast %broadcast_in_dim3A_3 : vector<16xf32> to vector<1x16xf32>
    tpu.vector_store %arg6[%swap3A_1102, %swap3A_1103], %swap3A_1106 {strides = array<i32>} : memref<64x16xf32, #tpu.memory_space<vmem>>, vector<1x16xf32>,
    %swap3A_1107 = arith.constant 56 : i64
    %swap3A_1108 = arith.index_cast %swap3A_1107 : i64 to index
    %swap3A_1109 = arith.constant 0 : index
    %swap3A_1110 = tpu.vector_load %arg6[%swap3A_1108, %swap3A_1109] {strides = array<i32>} : memref<64x16xf32, #tpu.memory_space<vmem>>, vector<1x16xf32>,
    %swap3A_1111 = vector.shape_cast %swap3A_1110 : vector<1x16xf32> to vector<16xf32>
    %swap3A_1112 = vector.shape_cast %broadcast_in_dim3A_3 : vector<16xf32> to vector<1x16xf32>
    tpu.vector_store %arg6[%swap3A_1108, %swap3A_1109], %swap3A_1112 {strides = array<i32>} : memref<64x16xf32, #tpu.memory_space<vmem>>, vector<1x16xf32>,
    %swap3A_1113 = arith.constant 57 : i64
    %swap3A_1114 = arith.index_cast %swap3A_1113 : i64 to index
    %swap3A_1115 = arith.constant 0 : index
    %swap3A_1116 = tpu.vector_load %arg6[%swap3A_1114, %swap3A_1115] {strides = array<i32>} : memref<64x16xf32, #tpu.memory_space<vmem>>, vector<1x16xf32>,
    %swap3A_1117 = vector.shape_cast %swap3A_1116 : vector<1x16xf32> to vector<16xf32>
    %swap3A_1118 = vector.shape_cast %broadcast_in_dim3A_3 : vector<16xf32> to vector<1x16xf32>
    tpu.vector_store %arg6[%swap3A_1114, %swap3A_1115], %swap3A_1118 {strides = array<i32>} : memref<64x16xf32, #tpu.memory_space<vmem>>, vector<1x16xf32>,
    %swap3A_1119 = arith.constant 58 : i64
    %swap3A_1120 = arith.index_cast %swap3A_1119 : i64 to index
    %swap3A_1121 = arith.constant 0 : index
    %swap3A_1122 = tpu.vector_load %arg6[%swap3A_1120, %swap3A_1121] {strides = array<i32>} : memref<64x16xf32, #tpu.memory_space<vmem>>, vector<1x16xf32>,
    %swap3A_1123 = vector.shape_cast %swap3A_1122 : vector<1x16xf32> to vector<16xf32>
    %swap3A_1124 = vector.shape_cast %broadcast_in_dim3A_3 : vector<16xf32> to vector<1x16xf32>
    tpu.vector_store %arg6[%swap3A_1120, %swap3A_1121], %swap3A_1124 {strides = array<i32>} : memref<64x16xf32, #tpu.memory_space<vmem>>, vector<1x16xf32>,
    %swap3A_1125 = arith.constant 59 : i64
    %swap3A_1126 = arith.index_cast %swap3A_1125 : i64 to index
    %swap3A_1127 = arith.constant 0 : index
    %swap3A_1128 = tpu.vector_load %arg6[%swap3A_1126, %swap3A_1127] {strides = array<i32>} : memref<64x16xf32, #tpu.memory_space<vmem>>, vector<1x16xf32>,
    %swap3A_1129 = vector.shape_cast %swap3A_1128 : vector<1x16xf32> to vector<16xf32>
    %swap3A_1130 = vector.shape_cast %broadcast_in_dim3A_3 : vector<16xf32> to vector<1x16xf32>
    tpu.vector_store %arg6[%swap3A_1126, %swap3A_1127], %swap3A_1130 {strides = array<i32>} : memref<64x16xf32, #tpu.memory_space<vmem>>, vector<1x16xf32>,
    %swap3A_1131 = arith.constant 60 : i64
    %swap3A_1132 = arith.index_cast %swap3A_1131 : i64 to index
    %swap3A_1133 = arith.constant 0 : index
    %swap3A_1134 = tpu.vector_load %arg6[%swap3A_1132, %swap3A_1133] {strides = array<i32>} : memref<64x16xf32, #tpu.memory_space<vmem>>, vector<1x16xf32>,
    %swap3A_1135 = vector.shape_cast %swap3A_1134 : vector<1x16xf32> to vector<16xf32>
    %swap3A_1136 = vector.shape_cast %broadcast_in_dim3A_3 : vector<16xf32> to vector<1x16xf32>
    tpu.vector_store %arg6[%swap3A_1132, %swap3A_1133], %swap3A_1136 {strides = array<i32>} : memref<64x16xf32, #tpu.memory_space<vmem>>, vector<1x16xf32>,
    %swap3A_1137 = arith.constant 61 : i64
    %swap3A_1138 = arith.index_cast %swap3A_1137 : i64 to index
    %swap3A_1139 = arith.constant 0 : index
    %swap3A_1140 = tpu.vector_load %arg6[%swap3A_1138, %swap3A_1139] {strides = array<i32>} : memref<64x16xf32, #tpu.memory_space<vmem>>, vector<1x16xf32>,
    %swap3A_1141 = vector.shape_cast %swap3A_1140 : vector<1x16xf32> to vector<16xf32>
    %swap3A_1142 = vector.shape_cast %broadcast_in_dim3A_3 : vector<16xf32> to vector<1x16xf32>
    tpu.vector_store %arg6[%swap3A_1138, %swap3A_1139], %swap3A_1142 {strides = array<i32>} : memref<64x16xf32, #tpu.memory_space<vmem>>, vector<1x16xf32>,
    %swap3A_1143 = arith.constant 62 : i64
    %swap3A_1144 = arith.index_cast %swap3A_1143 : i64 to index
    %swap3A_1145 = arith.constant 0 : index
    %swap3A_1146 = tpu.vector_load %arg6[%swap3A_1144, %swap3A_1145] {strides = array<i32>} : memref<64x16xf32, #tpu.memory_space<vmem>>, vector<1x16xf32>,
    %swap3A_1147 = vector.shape_cast %swap3A_1146 : vector<1x16xf32> to vector<16xf32>
    %swap3A_1148 = vector.shape_cast %broadcast_in_dim3A_3 : vector<16xf32> to vector<1x16xf32>
    tpu.vector_store %arg6[%swap3A_1144, %swap3A_1145], %swap3A_1148 {strides = array<i32>} : memref<64x16xf32, #tpu.memory_space<vmem>>, vector<1x16xf32>,
    %swap3A_1149 = arith.constant 63 : i64
    %swap3A_1150 = arith.index_cast %swap3A_1149 : i64 to index
    %swap3A_1151 = arith.constant 0 : index
    %swap3A_1152 = tpu.vector_load %arg6[%swap3A_1150, %swap3A_1151] {strides = array<i32>} : memref<64x16xf32, #tpu.memory_space<vmem>>, vector<1x16xf32>,
    %swap3A_1153 = vector.shape_cast %swap3A_1152 : vector<1x16xf32> to vector<16xf32>
    %swap3A_1154 = vector.shape_cast %broadcast_in_dim3A_3 : vector<16xf32> to vector<1x16xf32>
    tpu.vector_store %arg6[%swap3A_1150, %swap3A_1151], %swap3A_1154 {strides = array<i32>} : memref<64x16xf32, #tpu.memory_space<vmem>>, vector<1x16xf32>,
    %mul3A_1155 = arith.constant 640 : i32
    %mul3A_1156 = arith.muli %arg1, %mul3A_1155 : i32
    %while3A = arith.constant 0 : i32
    %while3A_1157 = arith.constant 0 : i32
    %while3A_1158 = arith.constant 10 : i32
    %while3A_1159 = arith.subi %while3A_1158, %while3A_1157 : i32
    %while3A_1160 = arith.addi %while3A_1157, %while3A_1159 : i32
    %while3A_1161 = arith.constant 1 : i32
    %while3A_1162 = arith.divsi %while3A_1159, %while3A_1161 : i32
    %while3A_1163 = arith.muli %while3A_1162, %while3A_1161 : i32
    %while3A_1164 = arith.addi %while3A_1157, %while3A_1163 : i32
    %while3A_1165 = arith.constant 1 : i32
    scf.for %while3A_1191 = %while3A_1157 to %while3A_1164 step %while3A_1165  : i32 {
      %mul3A_1192 = arith.constant 64 : i32
      %mul3A_1193 = arith.muli %while3A_1191, %mul3A_1192 : i32
      %add3A_1194 = arith.addi %mul3A_1156, %mul3A_1193 : i32
      "tpu.region"() ({
        %run_scoped3A = tpu.sem_alloc : memref<!tpu.dma_semaphore, #tpu.memory_space<semaphore_mem>>
        %dma_start3A_1195 = arith.constant 0 : i32
        %dma_start3A_1196 = tpu.memref_slice %arg7[%add3A_1194, %dma_start3A_1195] : memref<10240x16xf32, #tpu.memory_space<vmem_shared>> -> memref<64x16xf32, #tpu.memory_space<vmem_shared>>
        %dma_start3A_1197 = arith.constant 0 : i32
        %dma_start3A_1198 = tpu.memref_slice %arg7[%add3A_1194, %dma_start3A_1197] : memref<10240x16xf32, #tpu.memory_space<vmem_shared>> -> memref<64x16xf32, #tpu.memory_space<vmem_shared>>
        tpu.enqueue_dma source(%arg6 : memref<64x16xf32, #tpu.memory_space<vmem>>) target(%dma_start3A_1198 : memref<64x16xf32, #tpu.memory_space<vmem_shared>>) target_semaphore(%run_scoped3A : memref<!tpu.dma_semaphore, #tpu.memory_space<semaphore_mem>>)
        %dma_wait3A_1199 = arith.constant 0 : i32
        %dma_wait3A_1200 = tpu.memref_slice %arg7[%add3A_1194, %dma_wait3A_1199] : memref<10240x16xf32, #tpu.memory_space<vmem_shared>> -> memref<64x16xf32, #tpu.memory_space<vmem_shared>>
        %dma_wait3A_1201 = arith.constant 0 : i32
        %dma_wait3A_1202 = tpu.memref_slice %arg7[%add3A_1194, %dma_wait3A_1201] : memref<10240x16xf32, #tpu.memory_space<vmem_shared>> -> memref<64x16xf32, #tpu.memory_space<vmem_shared>>
        tpu.wait_dma2 semaphore(%run_scoped3A : memref<!tpu.dma_semaphore, #tpu.memory_space<semaphore_mem>>) src(%arg6 : memref<64x16xf32, #tpu.memory_space<vmem>>) dst(%dma_wait3A_1202 : memref<64x16xf32, #tpu.memory_space<vmem_shared>>)
        tpu.yield
      }) : () -> ()
    }
    %while3A_1166 = arith.constant 1 : i32
    scf.for %while3A_1191 = %while3A_1164 to %while3A_1160 step %while3A_1166  : i32 {
      %mul3A_1192 = arith.constant 64 : i32
      %mul3A_1193 = arith.muli %while3A_1191, %mul3A_1192 : i32
      %add3A_1194 = arith.addi %mul3A_1156, %mul3A_1193 : i32
      "tpu.region"() ({
        %run_scoped3A = tpu.sem_alloc : memref<!tpu.dma_semaphore, #tpu.memory_space<semaphore_mem>>
        %dma_start3A_1195 = arith.constant 0 : i32
        %dma_start3A_1196 = tpu.memref_slice %arg7[%add3A_1194, %dma_start3A_1195] : memref<10240x16xf32, #tpu.memory_space<vmem_shared>> -> memref<64x16xf32, #tpu.memory_space<vmem_shared>>
        %dma_start3A_1197 = arith.constant 0 : i32
        %dma_start3A_1198 = tpu.memref_slice %arg7[%add3A_1194, %dma_start3A_1197] : memref<10240x16xf32, #tpu.memory_space<vmem_shared>> -> memref<64x16xf32, #tpu.memory_space<vmem_shared>>
        tpu.enqueue_dma source(%arg6 : memref<64x16xf32, #tpu.memory_space<vmem>>) target(%dma_start3A_1198 : memref<64x16xf32, #tpu.memory_space<vmem_shared>>) target_semaphore(%run_scoped3A : memref<!tpu.dma_semaphore, #tpu.memory_space<semaphore_mem>>)
        %dma_wait3A_1199 = arith.constant 0 : i32
        %dma_wait3A_1200 = tpu.memref_slice %arg7[%add3A_1194, %dma_wait3A_1199] : memref<10240x16xf32, #tpu.memory_space<vmem_shared>> -> memref<64x16xf32, #tpu.memory_space<vmem_shared>>
        %dma_wait3A_1201 = arith.constant 0 : i32
        %dma_wait3A_1202 = tpu.memref_slice %arg7[%add3A_1194, %dma_wait3A_1201] : memref<10240x16xf32, #tpu.memory_space<vmem_shared>> -> memref<64x16xf32, #tpu.memory_space<vmem_shared>>
        tpu.wait_dma2 semaphore(%run_scoped3A : memref<!tpu.dma_semaphore, #tpu.memory_space<semaphore_mem>>) src(%arg6 : memref<64x16xf32, #tpu.memory_space<vmem>>) dst(%dma_wait3A_1202 : memref<64x16xf32, #tpu.memory_space<vmem_shared>>)
        tpu.yield
      }) : () -> ()
    }
    %barrier3A = arith.constant 0 : index
    tpu.barrier barrier_id(%barrier3A)
    %dma_start3A = arith.constant 0 : i32
    %dma_start3A_1167 = arith.constant 0 : i32
    %dma_start3A_1168 = tpu.memref_slice %arg4[%dma_start3A, %dma_start3A_1167] : memref<82x128xi32, #tpu.memory_space<vmem>> -> memref<1x128xi32, #tpu.memory_space<vmem>>
    %dma_start3A_1169 = tpu.memref_squeeze %dma_start3A_1168 : memref<1x128xi32, #tpu.memory_space<vmem>> -> memref<128xi32, #tpu.memory_space<vmem>>
    %dma_start3A_1170 = arith.constant 0 : i32
    %dma_start3A_1171 = arith.constant 0 : i32
    %dma_start3A_1172 = tpu.memref_slice %arg7[%dma_start3A_1170, %dma_start3A_1171] : memref<10240x16xf32, #tpu.memory_space<vmem_shared>> -> memref<10240x16xf32, #tpu.memory_space<vmem_shared>>
    tpu.enqueue_indirect_dma source(%arg5 : memref<128x16xf32, #tpu.memory_space<vmem>>) target(%dma_start3A_1172 : memref<10240x16xf32, #tpu.memory_space<vmem_shared>>) offsets(%dma_start3A_1169 : memref<128xi32, #tpu.memory_space<vmem>>) semaphore(%arg8 : memref<!tpu.dma_semaphore, #tpu.memory_space<semaphore_mem>>) {add = true}
    %while3A_1173 = arith.constant 0 : i32
    %while3A_1174 = arith.constant 0 : i32
    %while3A_1175 = arith.constant 79 : i32
    %while3A_1176 = arith.subi %while3A_1175, %while3A_1174 : i32
    %while3A_1177 = arith.addi %while3A_1174, %while3A_1176 : i32
    %while3A_1178 = arith.constant 1 : i32
    %while3A_1179 = arith.divsi %while3A_1176, %while3A_1178 : i32
    %while3A_1180 = arith.muli %while3A_1179, %while3A_1178 : i32
    %while3A_1181 = arith.addi %while3A_1174, %while3A_1180 : i32
    %while3A_1182 = arith.constant 1 : i32
    scf.for %while3A_1191 = %while3A_1174 to %while3A_1181 step %while3A_1182  : i32 {
      %add3A_1192 = arith.constant 1 : i32
      %add3A_1193 = arith.addi %while3A_1191, %add3A_1192 : i32
      %dma_start3A_1194 = arith.constant 0 : i32
      %dma_start3A_1195 = tpu.memref_slice %arg4[%add3A_1193, %dma_start3A_1194] : memref<82x128xi32, #tpu.memory_space<vmem>> -> memref<1x128xi32, #tpu.memory_space<vmem>>
      %dma_start3A_1196 = tpu.memref_squeeze %dma_start3A_1195 : memref<1x128xi32, #tpu.memory_space<vmem>> -> memref<128xi32, #tpu.memory_space<vmem>>
      %dma_start3A_1197 = arith.constant 0 : i32
      %dma_start3A_1198 = arith.constant 0 : i32
      %dma_start3A_1199 = tpu.memref_slice %arg7[%dma_start3A_1197, %dma_start3A_1198] : memref<10240x16xf32, #tpu.memory_space<vmem_shared>> -> memref<10240x16xf32, #tpu.memory_space<vmem_shared>>
      tpu.enqueue_indirect_dma source(%arg5 : memref<128x16xf32, #tpu.memory_space<vmem>>) target(%dma_start3A_1199 : memref<10240x16xf32, #tpu.memory_space<vmem_shared>>) offsets(%dma_start3A_1196 : memref<128xi32, #tpu.memory_space<vmem>>) semaphore(%arg8 : memref<!tpu.dma_semaphore, #tpu.memory_space<semaphore_mem>>) {add = true}
      %dma_wait3A_1200 = arith.constant 0 : i32
      %dma_wait3A_1201 = tpu.memref_slice %arg4[%while3A_1191, %dma_wait3A_1200] : memref<82x128xi32, #tpu.memory_space<vmem>> -> memref<1x128xi32, #tpu.memory_space<vmem>>
      %dma_wait3A_1202 = tpu.memref_squeeze %dma_wait3A_1201 : memref<1x128xi32, #tpu.memory_space<vmem>> -> memref<128xi32, #tpu.memory_space<vmem>>
      %dma_wait3A_1203 = arith.constant 0 : i32
      %dma_wait3A_1204 = arith.constant 0 : i32
      %dma_wait3A_1205 = tpu.memref_slice %arg7[%dma_wait3A_1203, %dma_wait3A_1204] : memref<10240x16xf32, #tpu.memory_space<vmem_shared>> -> memref<10240x16xf32, #tpu.memory_space<vmem_shared>>
      tpu.wait_indirect_dma semaphore(%arg8 : memref<!tpu.dma_semaphore, #tpu.memory_space<semaphore_mem>>) src(%arg5 : memref<128x16xf32, #tpu.memory_space<vmem>>) dst(%dma_wait3A_1205 : memref<10240x16xf32, #tpu.memory_space<vmem_shared>>)
    }
    %while3A_1183 = arith.constant 1 : i32
    scf.for %while3A_1191 = %while3A_1181 to %while3A_1177 step %while3A_1183  : i32 {
      %add3A_1192 = arith.constant 1 : i32
      %add3A_1193 = arith.addi %while3A_1191, %add3A_1192 : i32
      %dma_start3A_1194 = arith.constant 0 : i32
      %dma_start3A_1195 = tpu.memref_slice %arg4[%add3A_1193, %dma_start3A_1194] : memref<82x128xi32, #tpu.memory_space<vmem>> -> memref<1x128xi32, #tpu.memory_space<vmem>>
      %dma_start3A_1196 = tpu.memref_squeeze %dma_start3A_1195 : memref<1x128xi32, #tpu.memory_space<vmem>> -> memref<128xi32, #tpu.memory_space<vmem>>
      %dma_start3A_1197 = arith.constant 0 : i32
      %dma_start3A_1198 = arith.constant 0 : i32
      %dma_start3A_1199 = tpu.memref_slice %arg7[%dma_start3A_1197, %dma_start3A_1198] : memref<10240x16xf32, #tpu.memory_space<vmem_shared>> -> memref<10240x16xf32, #tpu.memory_space<vmem_shared>>
      tpu.enqueue_indirect_dma source(%arg5 : memref<128x16xf32, #tpu.memory_space<vmem>>) target(%dma_start3A_1199 : memref<10240x16xf32, #tpu.memory_space<vmem_shared>>) offsets(%dma_start3A_1196 : memref<128xi32, #tpu.memory_space<vmem>>) semaphore(%arg8 : memref<!tpu.dma_semaphore, #tpu.memory_space<semaphore_mem>>) {add = true}
      %dma_wait3A_1200 = arith.constant 0 : i32
      %dma_wait3A_1201 = tpu.memref_slice %arg4[%while3A_1191, %dma_wait3A_1200] : memref<82x128xi32, #tpu.memory_space<vmem>> -> memref<1x128xi32, #tpu.memory_space<vmem>>
      %dma_wait3A_1202 = tpu.memref_squeeze %dma_wait3A_1201 : memref<1x128xi32, #tpu.memory_space<vmem>> -> memref<128xi32, #tpu.memory_space<vmem>>
      %dma_wait3A_1203 = arith.constant 0 : i32
      %dma_wait3A_1204 = arith.constant 0 : i32
      %dma_wait3A_1205 = tpu.memref_slice %arg7[%dma_wait3A_1203, %dma_wait3A_1204] : memref<10240x16xf32, #tpu.memory_space<vmem_shared>> -> memref<10240x16xf32, #tpu.memory_space<vmem_shared>>
      tpu.wait_indirect_dma semaphore(%arg8 : memref<!tpu.dma_semaphore, #tpu.memory_space<semaphore_mem>>) src(%arg5 : memref<128x16xf32, #tpu.memory_space<vmem>>) dst(%dma_wait3A_1205 : memref<10240x16xf32, #tpu.memory_space<vmem_shared>>)
    }
    %dma_wait3A = arith.constant 79 : i32
    %dma_wait3A_1184 = arith.constant 0 : i32
    %dma_wait3A_1185 = tpu.memref_slice %arg4[%dma_wait3A, %dma_wait3A_1184] : memref<82x128xi32, #tpu.memory_space<vmem>> -> memref<1x128xi32, #tpu.memory_space<vmem>>
    %dma_wait3A_1186 = tpu.memref_squeeze %dma_wait3A_1185 : memref<1x128xi32, #tpu.memory_space<vmem>> -> memref<128xi32, #tpu.memory_space<vmem>>
    %dma_wait3A_1187 = arith.constant 0 : i32
    %dma_wait3A_1188 = arith.constant 0 : i32
    %dma_wait3A_1189 = tpu.memref_slice %arg7[%dma_wait3A_1187, %dma_wait3A_1188] : memref<10240x16xf32, #tpu.memory_space<vmem_shared>> -> memref<10240x16xf32, #tpu.memory_space<vmem_shared>>
    tpu.wait_indirect_dma semaphore(%arg8 : memref<!tpu.dma_semaphore, #tpu.memory_space<semaphore_mem>>) src(%arg5 : memref<128x16xf32, #tpu.memory_space<vmem>>) dst(%dma_wait3A_1189 : memref<10240x16xf32, #tpu.memory_space<vmem_shared>>)
    %barrier3A_1190 = arith.constant 0 : index
    tpu.barrier barrier_id(%barrier3A_1190)
    "tpu.region"() ({
      %run_scoped3A = tpu.sem_alloc : memref<!tpu.dma_semaphore, #tpu.memory_space<semaphore_mem>>
      %dma_start3A_1191 = arith.constant 0 : i32
      %dma_start3A_1192 = tpu.memref_slice %arg3[%arg0, %mul3A_1156, %dma_start3A_1191] : memref<2x10240x16xf32, #tpu.memory_space<hbm>> -> memref<1x640x16xf32, #tpu.memory_space<hbm>>
      %dma_start3A_1193 = tpu.memref_squeeze %dma_start3A_1192 : memref<1x640x16xf32, #tpu.memory_space<hbm>> -> memref<640x16xf32, #tpu.memory_space<hbm>>
      %dma_start3A_1194 = arith.constant 0 : i32
      %dma_start3A_1195 = tpu.memref_slice %arg7[%mul3A_1156, %dma_start3A_1194] : memref<10240x16xf32, #tpu.memory_space<vmem_shared>> -> memref<640x16xf32, #tpu.memory_space<vmem_shared>>
      tpu.enqueue_dma source(%dma_start3A_1195 : memref<640x16xf32, #tpu.memory_space<vmem_shared>>) target(%dma_start3A_1193 : memref<640x16xf32, #tpu.memory_space<hbm>>) target_semaphore(%run_scoped3A : memref<!tpu.dma_semaphore, #tpu.memory_space<semaphore_mem>>)
      %dma_wait3A_1196 = arith.constant 0 : i32
      %dma_wait3A_1197 = tpu.memref_slice %arg3[%arg0, %mul3A_1156, %dma_wait3A_1196] : memref<2x10240x16xf32, #tpu.memory_space<hbm>> -> memref<1x640x16xf32, #tpu.memory_space<hbm>>
      %dma_wait3A_1198 = tpu.memref_squeeze %dma_wait3A_1197 : memref<1x640x16xf32, #tpu.memory_space<hbm>> -> memref<640x16xf32, #tpu.memory_space<hbm>>
      %dma_wait3A_1199 = arith.constant 0 : i32
      %dma_wait3A_1200 = tpu.memref_slice %arg7[%mul3A_1156, %dma_wait3A_1199] : memref<10240x16xf32, #tpu.memory_space<vmem_shared>> -> memref<640x16xf32, #tpu.memory_space<vmem_shared>>
      tpu.wait_dma2 semaphore(%run_scoped3A : memref<!tpu.dma_semaphore, #tpu.memory_space<semaphore_mem>>) src(%dma_wait3A_1200 : memref<640x16xf32, #tpu.memory_space<vmem_shared>>) dst(%dma_wait3A_1198 : memref<640x16xf32, #tpu.memory_space<hbm>>)
      tpu.yield
    }) : () -> ()
    return
  }
}

#map = affine_map<(d0, d1) -> (0, 0)>
#map1 = affine_map<(d0, d1) -> (0, 0, 0)>
module attributes {stable_mosaic.version = 14 : i64} {
  func.func @agg_kernel(%arg0: i32, %arg1: i32, %arg2: memref<10240x128xf32, #tpu.memory_space<hbm>>, %arg3: memref<32x82x128xi32, #tpu.memory_space<hbm>>, %arg4: memref<2x10240x128xf32, #tpu.memory_space<hbm>>, %arg5: memref<82x128xi32, #tpu.memory_space<vmem>>, %arg6: memref<128xi32, #tpu.memory_space<vmem>>, %arg7: memref<128xi32, #tpu.memory_space<vmem>>, %arg8: memref<128xi32, #tpu.memory_space<vmem>>, %arg9: memref<128xi32, #tpu.memory_space<vmem>>, %arg10: memref<128x128xf32, #tpu.memory_space<vmem>>, %arg11: memref<128x128xf32, #tpu.memory_space<vmem>>, %arg12: memref<10240x128xf32, #tpu.memory_space<vmem_shared>>, %arg13: memref<!tpu.dma_semaphore, #tpu.memory_space<semaphore_mem>>, %arg14: memref<!tpu.dma_semaphore, #tpu.memory_space<semaphore_mem>>, %arg15: memref<!tpu.dma_semaphore, #tpu.memory_space<semaphore_mem>>) attributes {dimension_semantics = [#tpu.dimension_semantics<core_parallel>, #tpu.dimension_semantics<subcore_parallel>], iteration_bounds = array<i64: 2, 16>, scalar_prefetch = 0 : i64, scratch_operands = 11 : i64, tpu.core_type = #tpu.core_type<sc_vector_subcore>, window_params = [{transform_indices = #map}, {transform_indices = #map1}, {transform_indices = #map1}]} {
    %mul3A = arith.constant 2 : i32
    %mul3A_0 = arith.muli %arg1, %mul3A : i32
    %add3A = arith.addi %mul3A_0, %arg0 : i32
    "tpu.region"() ({
      %run_scoped3A = tpu.sem_alloc : memref<!tpu.dma_semaphore, #tpu.memory_space<semaphore_mem>>
      %dma_start3A_281 = arith.constant 0 : i32
      %dma_start3A_282 = arith.constant 0 : i32
      %dma_start3A_283 = tpu.memref_slice %arg3[%add3A, %dma_start3A_281, %dma_start3A_282] : memref<32x82x128xi32, #tpu.memory_space<hbm>> -> memref<1x82x128xi32, #tpu.memory_space<hbm>>
      %dma_start3A_284 = tpu.memref_squeeze %dma_start3A_283 : memref<1x82x128xi32, #tpu.memory_space<hbm>> -> memref<82x128xi32, #tpu.memory_space<hbm>>
      %dma_start3A_285 = arith.constant 0 : i32
      %dma_start3A_286 = arith.constant 0 : i32
      %dma_start3A_287 = tpu.memref_slice %arg3[%add3A, %dma_start3A_285, %dma_start3A_286] : memref<32x82x128xi32, #tpu.memory_space<hbm>> -> memref<1x82x128xi32, #tpu.memory_space<hbm>>
      %dma_start3A_288 = tpu.memref_squeeze %dma_start3A_287 : memref<1x82x128xi32, #tpu.memory_space<hbm>> -> memref<82x128xi32, #tpu.memory_space<hbm>>
      tpu.enqueue_dma source(%dma_start3A_288 : memref<82x128xi32, #tpu.memory_space<hbm>>) target(%arg5 : memref<82x128xi32, #tpu.memory_space<vmem>>) target_semaphore(%run_scoped3A : memref<!tpu.dma_semaphore, #tpu.memory_space<semaphore_mem>>)
      %dma_wait3A_289 = arith.constant 0 : i32
      %dma_wait3A_290 = arith.constant 0 : i32
      %dma_wait3A_291 = tpu.memref_slice %arg3[%add3A, %dma_wait3A_289, %dma_wait3A_290] : memref<32x82x128xi32, #tpu.memory_space<hbm>> -> memref<1x82x128xi32, #tpu.memory_space<hbm>>
      %dma_wait3A_292 = tpu.memref_squeeze %dma_wait3A_291 : memref<1x82x128xi32, #tpu.memory_space<hbm>> -> memref<82x128xi32, #tpu.memory_space<hbm>>
      %dma_wait3A_293 = arith.constant 0 : i32
      %dma_wait3A_294 = arith.constant 0 : i32
      %dma_wait3A_295 = tpu.memref_slice %arg3[%add3A, %dma_wait3A_293, %dma_wait3A_294] : memref<32x82x128xi32, #tpu.memory_space<hbm>> -> memref<1x82x128xi32, #tpu.memory_space<hbm>>
      %dma_wait3A_296 = tpu.memref_squeeze %dma_wait3A_295 : memref<1x82x128xi32, #tpu.memory_space<hbm>> -> memref<82x128xi32, #tpu.memory_space<hbm>>
      tpu.wait_dma2 semaphore(%run_scoped3A : memref<!tpu.dma_semaphore, #tpu.memory_space<semaphore_mem>>) src(%dma_wait3A_296 : memref<82x128xi32, #tpu.memory_space<hbm>>) dst(%arg5 : memref<82x128xi32, #tpu.memory_space<vmem>>)
      tpu.yield
    }) : () -> ()
    %broadcast_in_dim3A = arith.constant 0.000000e+00 : f32
    %broadcast_in_dim3A_1 = vector.broadcast %broadcast_in_dim3A : f32 to vector<16xf32>
    %while3A = arith.constant 0 : i32
    %while3A_2 = arith.constant 0 : i32
    %while3A_3 = arith.constant 128 : i32
    %while3A_4 = arith.subi %while3A_3, %while3A_2 : i32
    %while3A_5 = arith.addi %while3A_2, %while3A_4 : i32
    %while3A_6 = arith.constant 1 : i32
    %while3A_7 = arith.divsi %while3A_4, %while3A_6 : i32
    %while3A_8 = arith.muli %while3A_7, %while3A_6 : i32
    %while3A_9 = arith.addi %while3A_2, %while3A_8 : i32
    %while3A_10 = arith.constant 1 : i32
    scf.for %while3A_281 = %while3A_2 to %while3A_9 step %while3A_10  : i32 {
      %swap3A_282 = arith.index_cast %while3A_281 : i32 to index
      %swap3A_283 = arith.constant 0 : index
      %swap3A_284 = tpu.vector_load %arg10[%swap3A_282, %swap3A_283] {strides = array<i32>} : memref<128x128xf32, #tpu.memory_space<vmem>>, vector<1x16xf32>,
      %swap3A_285 = vector.shape_cast %swap3A_284 : vector<1x16xf32> to vector<16xf32>
      %swap3A_286 = vector.shape_cast %broadcast_in_dim3A_1 : vector<16xf32> to vector<1x16xf32>
      tpu.vector_store %arg10[%swap3A_282, %swap3A_283], %swap3A_286 {strides = array<i32>} : memref<128x128xf32, #tpu.memory_space<vmem>>, vector<1x16xf32>,
      %swap3A_287 = arith.index_cast %while3A_281 : i32 to index
      %swap3A_288 = arith.constant 16 : index
      %swap3A_289 = tpu.vector_load %arg10[%swap3A_287, %swap3A_288] {strides = array<i32>} : memref<128x128xf32, #tpu.memory_space<vmem>>, vector<1x16xf32>,
      %swap3A_290 = vector.shape_cast %swap3A_289 : vector<1x16xf32> to vector<16xf32>
      %swap3A_291 = vector.shape_cast %broadcast_in_dim3A_1 : vector<16xf32> to vector<1x16xf32>
      tpu.vector_store %arg10[%swap3A_287, %swap3A_288], %swap3A_291 {strides = array<i32>} : memref<128x128xf32, #tpu.memory_space<vmem>>, vector<1x16xf32>,
      %swap3A_292 = arith.index_cast %while3A_281 : i32 to index
      %swap3A_293 = arith.constant 32 : index
      %swap3A_294 = tpu.vector_load %arg10[%swap3A_292, %swap3A_293] {strides = array<i32>} : memref<128x128xf32, #tpu.memory_space<vmem>>, vector<1x16xf32>,
      %swap3A_295 = vector.shape_cast %swap3A_294 : vector<1x16xf32> to vector<16xf32>
      %swap3A_296 = vector.shape_cast %broadcast_in_dim3A_1 : vector<16xf32> to vector<1x16xf32>
      tpu.vector_store %arg10[%swap3A_292, %swap3A_293], %swap3A_296 {strides = array<i32>} : memref<128x128xf32, #tpu.memory_space<vmem>>, vector<1x16xf32>,
      %swap3A_297 = arith.index_cast %while3A_281 : i32 to index
      %swap3A_298 = arith.constant 48 : index
      %swap3A_299 = tpu.vector_load %arg10[%swap3A_297, %swap3A_298] {strides = array<i32>} : memref<128x128xf32, #tpu.memory_space<vmem>>, vector<1x16xf32>,
      %swap3A_300 = vector.shape_cast %swap3A_299 : vector<1x16xf32> to vector<16xf32>
      %swap3A_301 = vector.shape_cast %broadcast_in_dim3A_1 : vector<16xf32> to vector<1x16xf32>
      tpu.vector_store %arg10[%swap3A_297, %swap3A_298], %swap3A_301 {strides = array<i32>} : memref<128x128xf32, #tpu.memory_space<vmem>>, vector<1x16xf32>,
      %swap3A_302 = arith.index_cast %while3A_281 : i32 to index
      %swap3A_303 = arith.constant 64 : index
      %swap3A_304 = tpu.vector_load %arg10[%swap3A_302, %swap3A_303] {strides = array<i32>} : memref<128x128xf32, #tpu.memory_space<vmem>>, vector<1x16xf32>,
      %swap3A_305 = vector.shape_cast %swap3A_304 : vector<1x16xf32> to vector<16xf32>
      %swap3A_306 = vector.shape_cast %broadcast_in_dim3A_1 : vector<16xf32> to vector<1x16xf32>
      tpu.vector_store %arg10[%swap3A_302, %swap3A_303], %swap3A_306 {strides = array<i32>} : memref<128x128xf32, #tpu.memory_space<vmem>>, vector<1x16xf32>,
      %swap3A_307 = arith.index_cast %while3A_281 : i32 to index
      %swap3A_308 = arith.constant 80 : index
      %swap3A_309 = tpu.vector_load %arg10[%swap3A_307, %swap3A_308] {strides = array<i32>} : memref<128x128xf32, #tpu.memory_space<vmem>>, vector<1x16xf32>,
      %swap3A_310 = vector.shape_cast %swap3A_309 : vector<1x16xf32> to vector<16xf32>
      %swap3A_311 = vector.shape_cast %broadcast_in_dim3A_1 : vector<16xf32> to vector<1x16xf32>
      tpu.vector_store %arg10[%swap3A_307, %swap3A_308], %swap3A_311 {strides = array<i32>} : memref<128x128xf32, #tpu.memory_space<vmem>>, vector<1x16xf32>,
      %swap3A_312 = arith.index_cast %while3A_281 : i32 to index
      %swap3A_313 = arith.constant 96 : index
      %swap3A_314 = tpu.vector_load %arg10[%swap3A_312, %swap3A_313] {strides = array<i32>} : memref<128x128xf32, #tpu.memory_space<vmem>>, vector<1x16xf32>,
      %swap3A_315 = vector.shape_cast %swap3A_314 : vector<1x16xf32> to vector<16xf32>
      %swap3A_316 = vector.shape_cast %broadcast_in_dim3A_1 : vector<16xf32> to vector<1x16xf32>
      tpu.vector_store %arg10[%swap3A_312, %swap3A_313], %swap3A_316 {strides = array<i32>} : memref<128x128xf32, #tpu.memory_space<vmem>>, vector<1x16xf32>,
      %swap3A_317 = arith.index_cast %while3A_281 : i32 to index
      %swap3A_318 = arith.constant 112 : index
      %swap3A_319 = tpu.vector_load %arg10[%swap3A_317, %swap3A_318] {strides = array<i32>} : memref<128x128xf32, #tpu.memory_space<vmem>>, vector<1x16xf32>,
      %swap3A_320 = vector.shape_cast %swap3A_319 : vector<1x16xf32> to vector<16xf32>
      %swap3A_321 = vector.shape_cast %broadcast_in_dim3A_1 : vector<16xf32> to vector<1x16xf32>
      tpu.vector_store %arg10[%swap3A_317, %swap3A_318], %swap3A_321 {strides = array<i32>} : memref<128x128xf32, #tpu.memory_space<vmem>>, vector<1x16xf32>,
    }
    %while3A_11 = arith.constant 1 : i32
    scf.for %while3A_281 = %while3A_9 to %while3A_5 step %while3A_11  : i32 {
      %swap3A_282 = arith.index_cast %while3A_281 : i32 to index
      %swap3A_283 = arith.constant 0 : index
      %swap3A_284 = tpu.vector_load %arg10[%swap3A_282, %swap3A_283] {strides = array<i32>} : memref<128x128xf32, #tpu.memory_space<vmem>>, vector<1x16xf32>,
      %swap3A_285 = vector.shape_cast %swap3A_284 : vector<1x16xf32> to vector<16xf32>
      %swap3A_286 = vector.shape_cast %broadcast_in_dim3A_1 : vector<16xf32> to vector<1x16xf32>
      tpu.vector_store %arg10[%swap3A_282, %swap3A_283], %swap3A_286 {strides = array<i32>} : memref<128x128xf32, #tpu.memory_space<vmem>>, vector<1x16xf32>,
      %swap3A_287 = arith.index_cast %while3A_281 : i32 to index
      %swap3A_288 = arith.constant 16 : index
      %swap3A_289 = tpu.vector_load %arg10[%swap3A_287, %swap3A_288] {strides = array<i32>} : memref<128x128xf32, #tpu.memory_space<vmem>>, vector<1x16xf32>,
      %swap3A_290 = vector.shape_cast %swap3A_289 : vector<1x16xf32> to vector<16xf32>
      %swap3A_291 = vector.shape_cast %broadcast_in_dim3A_1 : vector<16xf32> to vector<1x16xf32>
      tpu.vector_store %arg10[%swap3A_287, %swap3A_288], %swap3A_291 {strides = array<i32>} : memref<128x128xf32, #tpu.memory_space<vmem>>, vector<1x16xf32>,
      %swap3A_292 = arith.index_cast %while3A_281 : i32 to index
      %swap3A_293 = arith.constant 32 : index
      %swap3A_294 = tpu.vector_load %arg10[%swap3A_292, %swap3A_293] {strides = array<i32>} : memref<128x128xf32, #tpu.memory_space<vmem>>, vector<1x16xf32>,
      %swap3A_295 = vector.shape_cast %swap3A_294 : vector<1x16xf32> to vector<16xf32>
      %swap3A_296 = vector.shape_cast %broadcast_in_dim3A_1 : vector<16xf32> to vector<1x16xf32>
      tpu.vector_store %arg10[%swap3A_292, %swap3A_293], %swap3A_296 {strides = array<i32>} : memref<128x128xf32, #tpu.memory_space<vmem>>, vector<1x16xf32>,
      %swap3A_297 = arith.index_cast %while3A_281 : i32 to index
      %swap3A_298 = arith.constant 48 : index
      %swap3A_299 = tpu.vector_load %arg10[%swap3A_297, %swap3A_298] {strides = array<i32>} : memref<128x128xf32, #tpu.memory_space<vmem>>, vector<1x16xf32>,
      %swap3A_300 = vector.shape_cast %swap3A_299 : vector<1x16xf32> to vector<16xf32>
      %swap3A_301 = vector.shape_cast %broadcast_in_dim3A_1 : vector<16xf32> to vector<1x16xf32>
      tpu.vector_store %arg10[%swap3A_297, %swap3A_298], %swap3A_301 {strides = array<i32>} : memref<128x128xf32, #tpu.memory_space<vmem>>, vector<1x16xf32>,
      %swap3A_302 = arith.index_cast %while3A_281 : i32 to index
      %swap3A_303 = arith.constant 64 : index
      %swap3A_304 = tpu.vector_load %arg10[%swap3A_302, %swap3A_303] {strides = array<i32>} : memref<128x128xf32, #tpu.memory_space<vmem>>, vector<1x16xf32>,
      %swap3A_305 = vector.shape_cast %swap3A_304 : vector<1x16xf32> to vector<16xf32>
      %swap3A_306 = vector.shape_cast %broadcast_in_dim3A_1 : vector<16xf32> to vector<1x16xf32>
      tpu.vector_store %arg10[%swap3A_302, %swap3A_303], %swap3A_306 {strides = array<i32>} : memref<128x128xf32, #tpu.memory_space<vmem>>, vector<1x16xf32>,
      %swap3A_307 = arith.index_cast %while3A_281 : i32 to index
      %swap3A_308 = arith.constant 80 : index
      %swap3A_309 = tpu.vector_load %arg10[%swap3A_307, %swap3A_308] {strides = array<i32>} : memref<128x128xf32, #tpu.memory_space<vmem>>, vector<1x16xf32>,
      %swap3A_310 = vector.shape_cast %swap3A_309 : vector<1x16xf32> to vector<16xf32>
      %swap3A_311 = vector.shape_cast %broadcast_in_dim3A_1 : vector<16xf32> to vector<1x16xf32>
      tpu.vector_store %arg10[%swap3A_307, %swap3A_308], %swap3A_311 {strides = array<i32>} : memref<128x128xf32, #tpu.memory_space<vmem>>, vector<1x16xf32>,
      %swap3A_312 = arith.index_cast %while3A_281 : i32 to index
      %swap3A_313 = arith.constant 96 : index
      %swap3A_314 = tpu.vector_load %arg10[%swap3A_312, %swap3A_313] {strides = array<i32>} : memref<128x128xf32, #tpu.memory_space<vmem>>, vector<1x16xf32>,
      %swap3A_315 = vector.shape_cast %swap3A_314 : vector<1x16xf32> to vector<16xf32>
      %swap3A_316 = vector.shape_cast %broadcast_in_dim3A_1 : vector<16xf32> to vector<1x16xf32>
      tpu.vector_store %arg10[%swap3A_312, %swap3A_313], %swap3A_316 {strides = array<i32>} : memref<128x128xf32, #tpu.memory_space<vmem>>, vector<1x16xf32>,
      %swap3A_317 = arith.index_cast %while3A_281 : i32 to index
      %swap3A_318 = arith.constant 112 : index
      %swap3A_319 = tpu.vector_load %arg10[%swap3A_317, %swap3A_318] {strides = array<i32>} : memref<128x128xf32, #tpu.memory_space<vmem>>, vector<1x16xf32>,
      %swap3A_320 = vector.shape_cast %swap3A_319 : vector<1x16xf32> to vector<16xf32>
      %swap3A_321 = vector.shape_cast %broadcast_in_dim3A_1 : vector<16xf32> to vector<1x16xf32>
      tpu.vector_store %arg10[%swap3A_317, %swap3A_318], %swap3A_321 {strides = array<i32>} : memref<128x128xf32, #tpu.memory_space<vmem>>, vector<1x16xf32>,
    }
    %mul3A_12 = arith.constant 640 : i32
    %mul3A_13 = arith.muli %arg1, %mul3A_12 : i32
    %while3A_14 = arith.constant 0 : i32
    %while3A_15 = arith.constant 0 : i32
    %while3A_16 = arith.constant 5 : i32
    %while3A_17 = arith.subi %while3A_16, %while3A_15 : i32
    %while3A_18 = arith.addi %while3A_15, %while3A_17 : i32
    %while3A_19 = arith.constant 1 : i32
    %while3A_20 = arith.divsi %while3A_17, %while3A_19 : i32
    %while3A_21 = arith.muli %while3A_20, %while3A_19 : i32
    %while3A_22 = arith.addi %while3A_15, %while3A_21 : i32
    %while3A_23 = arith.constant 1 : i32
    scf.for %while3A_281 = %while3A_15 to %while3A_22 step %while3A_23  : i32 {
      %mul3A_282 = arith.constant 128 : i32
      %mul3A_283 = arith.muli %while3A_281, %mul3A_282 : i32
      %add3A_284 = arith.addi %mul3A_13, %mul3A_283 : i32
      "tpu.region"() ({
        %run_scoped3A = tpu.sem_alloc : memref<!tpu.dma_semaphore, #tpu.memory_space<semaphore_mem>>
        %dma_start3A_285 = arith.constant 0 : i32
        %dma_start3A_286 = tpu.memref_slice %arg12[%add3A_284, %dma_start3A_285] : memref<10240x128xf32, #tpu.memory_space<vmem_shared>> -> memref<128x128xf32, #tpu.memory_space<vmem_shared>>
        %dma_start3A_287 = arith.constant 0 : i32
        %dma_start3A_288 = tpu.memref_slice %arg12[%add3A_284, %dma_start3A_287] : memref<10240x128xf32, #tpu.memory_space<vmem_shared>> -> memref<128x128xf32, #tpu.memory_space<vmem_shared>>
        tpu.enqueue_dma source(%arg10 : memref<128x128xf32, #tpu.memory_space<vmem>>) target(%dma_start3A_288 : memref<128x128xf32, #tpu.memory_space<vmem_shared>>) target_semaphore(%run_scoped3A : memref<!tpu.dma_semaphore, #tpu.memory_space<semaphore_mem>>)
        %dma_wait3A_289 = arith.constant 0 : i32
        %dma_wait3A_290 = tpu.memref_slice %arg12[%add3A_284, %dma_wait3A_289] : memref<10240x128xf32, #tpu.memory_space<vmem_shared>> -> memref<128x128xf32, #tpu.memory_space<vmem_shared>>
        %dma_wait3A_291 = arith.constant 0 : i32
        %dma_wait3A_292 = tpu.memref_slice %arg12[%add3A_284, %dma_wait3A_291] : memref<10240x128xf32, #tpu.memory_space<vmem_shared>> -> memref<128x128xf32, #tpu.memory_space<vmem_shared>>
        tpu.wait_dma2 semaphore(%run_scoped3A : memref<!tpu.dma_semaphore, #tpu.memory_space<semaphore_mem>>) src(%arg10 : memref<128x128xf32, #tpu.memory_space<vmem>>) dst(%dma_wait3A_292 : memref<128x128xf32, #tpu.memory_space<vmem_shared>>)
        tpu.yield
      }) : () -> ()
    }
    %while3A_24 = arith.constant 1 : i32
    scf.for %while3A_281 = %while3A_22 to %while3A_18 step %while3A_24  : i32 {
      %mul3A_282 = arith.constant 128 : i32
      %mul3A_283 = arith.muli %while3A_281, %mul3A_282 : i32
      %add3A_284 = arith.addi %mul3A_13, %mul3A_283 : i32
      "tpu.region"() ({
        %run_scoped3A = tpu.sem_alloc : memref<!tpu.dma_semaphore, #tpu.memory_space<semaphore_mem>>
        %dma_start3A_285 = arith.constant 0 : i32
        %dma_start3A_286 = tpu.memref_slice %arg12[%add3A_284, %dma_start3A_285] : memref<10240x128xf32, #tpu.memory_space<vmem_shared>> -> memref<128x128xf32, #tpu.memory_space<vmem_shared>>
        %dma_start3A_287 = arith.constant 0 : i32
        %dma_start3A_288 = tpu.memref_slice %arg12[%add3A_284, %dma_start3A_287] : memref<10240x128xf32, #tpu.memory_space<vmem_shared>> -> memref<128x128xf32, #tpu.memory_space<vmem_shared>>
        tpu.enqueue_dma source(%arg10 : memref<128x128xf32, #tpu.memory_space<vmem>>) target(%dma_start3A_288 : memref<128x128xf32, #tpu.memory_space<vmem_shared>>) target_semaphore(%run_scoped3A : memref<!tpu.dma_semaphore, #tpu.memory_space<semaphore_mem>>)
        %dma_wait3A_289 = arith.constant 0 : i32
        %dma_wait3A_290 = tpu.memref_slice %arg12[%add3A_284, %dma_wait3A_289] : memref<10240x128xf32, #tpu.memory_space<vmem_shared>> -> memref<128x128xf32, #tpu.memory_space<vmem_shared>>
        %dma_wait3A_291 = arith.constant 0 : i32
        %dma_wait3A_292 = tpu.memref_slice %arg12[%add3A_284, %dma_wait3A_291] : memref<10240x128xf32, #tpu.memory_space<vmem_shared>> -> memref<128x128xf32, #tpu.memory_space<vmem_shared>>
        tpu.wait_dma2 semaphore(%run_scoped3A : memref<!tpu.dma_semaphore, #tpu.memory_space<semaphore_mem>>) src(%arg10 : memref<128x128xf32, #tpu.memory_space<vmem>>) dst(%dma_wait3A_292 : memref<128x128xf32, #tpu.memory_space<vmem_shared>>)
        tpu.yield
      }) : () -> ()
    }
    %barrier3A = arith.constant 0 : index
    tpu.barrier barrier_id(%barrier3A)
    %broadcast_in_dim3A_25 = arith.constant 16383 : i32
    %broadcast_in_dim3A_26 = vector.broadcast %broadcast_in_dim3A_25 : i32 to vector<16xi32>
    %broadcast_in_dim3A_27 = arith.constant 14 : i32
    %broadcast_in_dim3A_28 = vector.broadcast %broadcast_in_dim3A_27 : i32 to vector<16xi32>
    %get3A = arith.constant 0 : i32
    %get3A_29 = arith.index_cast %get3A : i32 to index
    %get3A_30 = arith.constant 0 : index
    %get3A_31 = tpu.vector_load %arg5[%get3A_29, %get3A_30] {strides = array<i32>} : memref<82x128xi32, #tpu.memory_space<vmem>>, vector<1x16xi32>,
    %get3A_32 = vector.shape_cast %get3A_31 : vector<1x16xi32> to vector<16xi32>
    %and3A = arith.andi %get3A_32, %broadcast_in_dim3A_26 : vector<16xi32>
    %swap3A = arith.constant 0 : index
    %swap3A_33 = tpu.vector_load %arg6[%swap3A] {strides = array<i32>} : memref<128xi32, #tpu.memory_space<vmem>>, vector<16xi32>,
    %swap3A_34 = vector.shape_cast %swap3A_33 : vector<16xi32> to vector<16xi32>
    %swap3A_35 = vector.shape_cast %and3A : vector<16xi32> to vector<16xi32>
    tpu.vector_store %arg6[%swap3A], %swap3A_35 {strides = array<i32>} : memref<128xi32, #tpu.memory_space<vmem>>, vector<16xi32>,
    %shift_right_arithmetic3A = arith.shrsi %get3A_32, %broadcast_in_dim3A_28 : vector<16xi32>
    %swap3A_36 = arith.constant 0 : index
    %swap3A_37 = tpu.vector_load %arg8[%swap3A_36] {strides = array<i32>} : memref<128xi32, #tpu.memory_space<vmem>>, vector<16xi32>,
    %swap3A_38 = vector.shape_cast %swap3A_37 : vector<16xi32> to vector<16xi32>
    %swap3A_39 = vector.shape_cast %shift_right_arithmetic3A : vector<16xi32> to vector<16xi32>
    tpu.vector_store %arg8[%swap3A_36], %swap3A_39 {strides = array<i32>} : memref<128xi32, #tpu.memory_space<vmem>>, vector<16xi32>,
    %get3A_40 = arith.constant 0 : i32
    %get3A_41 = arith.index_cast %get3A_40 : i32 to index
    %get3A_42 = arith.constant 16 : index
    %get3A_43 = tpu.vector_load %arg5[%get3A_41, %get3A_42] {strides = array<i32>} : memref<82x128xi32, #tpu.memory_space<vmem>>, vector<1x16xi32>,
    %get3A_44 = vector.shape_cast %get3A_43 : vector<1x16xi32> to vector<16xi32>
    %and3A_45 = arith.andi %get3A_44, %broadcast_in_dim3A_26 : vector<16xi32>
    %swap3A_46 = arith.constant 16 : index
    %swap3A_47 = tpu.vector_load %arg6[%swap3A_46] {strides = array<i32>} : memref<128xi32, #tpu.memory_space<vmem>>, vector<16xi32>,
    %swap3A_48 = vector.shape_cast %swap3A_47 : vector<16xi32> to vector<16xi32>
    %swap3A_49 = vector.shape_cast %and3A_45 : vector<16xi32> to vector<16xi32>
    tpu.vector_store %arg6[%swap3A_46], %swap3A_49 {strides = array<i32>} : memref<128xi32, #tpu.memory_space<vmem>>, vector<16xi32>,
    %shift_right_arithmetic3A_50 = arith.shrsi %get3A_44, %broadcast_in_dim3A_28 : vector<16xi32>
    %swap3A_51 = arith.constant 16 : index
    %swap3A_52 = tpu.vector_load %arg8[%swap3A_51] {strides = array<i32>} : memref<128xi32, #tpu.memory_space<vmem>>, vector<16xi32>,
    %swap3A_53 = vector.shape_cast %swap3A_52 : vector<16xi32> to vector<16xi32>
    %swap3A_54 = vector.shape_cast %shift_right_arithmetic3A_50 : vector<16xi32> to vector<16xi32>
    tpu.vector_store %arg8[%swap3A_51], %swap3A_54 {strides = array<i32>} : memref<128xi32, #tpu.memory_space<vmem>>, vector<16xi32>,
    %get3A_55 = arith.constant 0 : i32
    %get3A_56 = arith.index_cast %get3A_55 : i32 to index
    %get3A_57 = arith.constant 32 : index
    %get3A_58 = tpu.vector_load %arg5[%get3A_56, %get3A_57] {strides = array<i32>} : memref<82x128xi32, #tpu.memory_space<vmem>>, vector<1x16xi32>,
    %get3A_59 = vector.shape_cast %get3A_58 : vector<1x16xi32> to vector<16xi32>
    %and3A_60 = arith.andi %get3A_59, %broadcast_in_dim3A_26 : vector<16xi32>
    %swap3A_61 = arith.constant 32 : index
    %swap3A_62 = tpu.vector_load %arg6[%swap3A_61] {strides = array<i32>} : memref<128xi32, #tpu.memory_space<vmem>>, vector<16xi32>,
    %swap3A_63 = vector.shape_cast %swap3A_62 : vector<16xi32> to vector<16xi32>
    %swap3A_64 = vector.shape_cast %and3A_60 : vector<16xi32> to vector<16xi32>
    tpu.vector_store %arg6[%swap3A_61], %swap3A_64 {strides = array<i32>} : memref<128xi32, #tpu.memory_space<vmem>>, vector<16xi32>,
    %shift_right_arithmetic3A_65 = arith.shrsi %get3A_59, %broadcast_in_dim3A_28 : vector<16xi32>
    %swap3A_66 = arith.constant 32 : index
    %swap3A_67 = tpu.vector_load %arg8[%swap3A_66] {strides = array<i32>} : memref<128xi32, #tpu.memory_space<vmem>>, vector<16xi32>,
    %swap3A_68 = vector.shape_cast %swap3A_67 : vector<16xi32> to vector<16xi32>
    %swap3A_69 = vector.shape_cast %shift_right_arithmetic3A_65 : vector<16xi32> to vector<16xi32>
    tpu.vector_store %arg8[%swap3A_66], %swap3A_69 {strides = array<i32>} : memref<128xi32, #tpu.memory_space<vmem>>, vector<16xi32>,
    %get3A_70 = arith.constant 0 : i32
    %get3A_71 = arith.index_cast %get3A_70 : i32 to index
    %get3A_72 = arith.constant 48 : index
    %get3A_73 = tpu.vector_load %arg5[%get3A_71, %get3A_72] {strides = array<i32>} : memref<82x128xi32, #tpu.memory_space<vmem>>, vector<1x16xi32>,
    %get3A_74 = vector.shape_cast %get3A_73 : vector<1x16xi32> to vector<16xi32>
    %and3A_75 = arith.andi %get3A_74, %broadcast_in_dim3A_26 : vector<16xi32>
    %swap3A_76 = arith.constant 48 : index
    %swap3A_77 = tpu.vector_load %arg6[%swap3A_76] {strides = array<i32>} : memref<128xi32, #tpu.memory_space<vmem>>, vector<16xi32>,
    %swap3A_78 = vector.shape_cast %swap3A_77 : vector<16xi32> to vector<16xi32>
    %swap3A_79 = vector.shape_cast %and3A_75 : vector<16xi32> to vector<16xi32>
    tpu.vector_store %arg6[%swap3A_76], %swap3A_79 {strides = array<i32>} : memref<128xi32, #tpu.memory_space<vmem>>, vector<16xi32>,
    %shift_right_arithmetic3A_80 = arith.shrsi %get3A_74, %broadcast_in_dim3A_28 : vector<16xi32>
    %swap3A_81 = arith.constant 48 : index
    %swap3A_82 = tpu.vector_load %arg8[%swap3A_81] {strides = array<i32>} : memref<128xi32, #tpu.memory_space<vmem>>, vector<16xi32>,
    %swap3A_83 = vector.shape_cast %swap3A_82 : vector<16xi32> to vector<16xi32>
    %swap3A_84 = vector.shape_cast %shift_right_arithmetic3A_80 : vector<16xi32> to vector<16xi32>
    tpu.vector_store %arg8[%swap3A_81], %swap3A_84 {strides = array<i32>} : memref<128xi32, #tpu.memory_space<vmem>>, vector<16xi32>,
    %get3A_85 = arith.constant 0 : i32
    %get3A_86 = arith.index_cast %get3A_85 : i32 to index
    %get3A_87 = arith.constant 64 : index
    %get3A_88 = tpu.vector_load %arg5[%get3A_86, %get3A_87] {strides = array<i32>} : memref<82x128xi32, #tpu.memory_space<vmem>>, vector<1x16xi32>,
    %get3A_89 = vector.shape_cast %get3A_88 : vector<1x16xi32> to vector<16xi32>
    %and3A_90 = arith.andi %get3A_89, %broadcast_in_dim3A_26 : vector<16xi32>
    %swap3A_91 = arith.constant 64 : index
    %swap3A_92 = tpu.vector_load %arg6[%swap3A_91] {strides = array<i32>} : memref<128xi32, #tpu.memory_space<vmem>>, vector<16xi32>,
    %swap3A_93 = vector.shape_cast %swap3A_92 : vector<16xi32> to vector<16xi32>
    %swap3A_94 = vector.shape_cast %and3A_90 : vector<16xi32> to vector<16xi32>
    tpu.vector_store %arg6[%swap3A_91], %swap3A_94 {strides = array<i32>} : memref<128xi32, #tpu.memory_space<vmem>>, vector<16xi32>,
    %shift_right_arithmetic3A_95 = arith.shrsi %get3A_89, %broadcast_in_dim3A_28 : vector<16xi32>
    %swap3A_96 = arith.constant 64 : index
    %swap3A_97 = tpu.vector_load %arg8[%swap3A_96] {strides = array<i32>} : memref<128xi32, #tpu.memory_space<vmem>>, vector<16xi32>,
    %swap3A_98 = vector.shape_cast %swap3A_97 : vector<16xi32> to vector<16xi32>
    %swap3A_99 = vector.shape_cast %shift_right_arithmetic3A_95 : vector<16xi32> to vector<16xi32>
    tpu.vector_store %arg8[%swap3A_96], %swap3A_99 {strides = array<i32>} : memref<128xi32, #tpu.memory_space<vmem>>, vector<16xi32>,
    %get3A_100 = arith.constant 0 : i32
    %get3A_101 = arith.index_cast %get3A_100 : i32 to index
    %get3A_102 = arith.constant 80 : index
    %get3A_103 = tpu.vector_load %arg5[%get3A_101, %get3A_102] {strides = array<i32>} : memref<82x128xi32, #tpu.memory_space<vmem>>, vector<1x16xi32>,
    %get3A_104 = vector.shape_cast %get3A_103 : vector<1x16xi32> to vector<16xi32>
    %and3A_105 = arith.andi %get3A_104, %broadcast_in_dim3A_26 : vector<16xi32>
    %swap3A_106 = arith.constant 80 : index
    %swap3A_107 = tpu.vector_load %arg6[%swap3A_106] {strides = array<i32>} : memref<128xi32, #tpu.memory_space<vmem>>, vector<16xi32>,
    %swap3A_108 = vector.shape_cast %swap3A_107 : vector<16xi32> to vector<16xi32>
    %swap3A_109 = vector.shape_cast %and3A_105 : vector<16xi32> to vector<16xi32>
    tpu.vector_store %arg6[%swap3A_106], %swap3A_109 {strides = array<i32>} : memref<128xi32, #tpu.memory_space<vmem>>, vector<16xi32>,
    %shift_right_arithmetic3A_110 = arith.shrsi %get3A_104, %broadcast_in_dim3A_28 : vector<16xi32>
    %swap3A_111 = arith.constant 80 : index
    %swap3A_112 = tpu.vector_load %arg8[%swap3A_111] {strides = array<i32>} : memref<128xi32, #tpu.memory_space<vmem>>, vector<16xi32>,
    %swap3A_113 = vector.shape_cast %swap3A_112 : vector<16xi32> to vector<16xi32>
    %swap3A_114 = vector.shape_cast %shift_right_arithmetic3A_110 : vector<16xi32> to vector<16xi32>
    tpu.vector_store %arg8[%swap3A_111], %swap3A_114 {strides = array<i32>} : memref<128xi32, #tpu.memory_space<vmem>>, vector<16xi32>,
    %get3A_115 = arith.constant 0 : i32
    %get3A_116 = arith.index_cast %get3A_115 : i32 to index
    %get3A_117 = arith.constant 96 : index
    %get3A_118 = tpu.vector_load %arg5[%get3A_116, %get3A_117] {strides = array<i32>} : memref<82x128xi32, #tpu.memory_space<vmem>>, vector<1x16xi32>,
    %get3A_119 = vector.shape_cast %get3A_118 : vector<1x16xi32> to vector<16xi32>
    %and3A_120 = arith.andi %get3A_119, %broadcast_in_dim3A_26 : vector<16xi32>
    %swap3A_121 = arith.constant 96 : index
    %swap3A_122 = tpu.vector_load %arg6[%swap3A_121] {strides = array<i32>} : memref<128xi32, #tpu.memory_space<vmem>>, vector<16xi32>,
    %swap3A_123 = vector.shape_cast %swap3A_122 : vector<16xi32> to vector<16xi32>
    %swap3A_124 = vector.shape_cast %and3A_120 : vector<16xi32> to vector<16xi32>
    tpu.vector_store %arg6[%swap3A_121], %swap3A_124 {strides = array<i32>} : memref<128xi32, #tpu.memory_space<vmem>>, vector<16xi32>,
    %shift_right_arithmetic3A_125 = arith.shrsi %get3A_119, %broadcast_in_dim3A_28 : vector<16xi32>
    %swap3A_126 = arith.constant 96 : index
    %swap3A_127 = tpu.vector_load %arg8[%swap3A_126] {strides = array<i32>} : memref<128xi32, #tpu.memory_space<vmem>>, vector<16xi32>,
    %swap3A_128 = vector.shape_cast %swap3A_127 : vector<16xi32> to vector<16xi32>
    %swap3A_129 = vector.shape_cast %shift_right_arithmetic3A_125 : vector<16xi32> to vector<16xi32>
    tpu.vector_store %arg8[%swap3A_126], %swap3A_129 {strides = array<i32>} : memref<128xi32, #tpu.memory_space<vmem>>, vector<16xi32>,
    %get3A_130 = arith.constant 0 : i32
    %get3A_131 = arith.index_cast %get3A_130 : i32 to index
    %get3A_132 = arith.constant 112 : index
    %get3A_133 = tpu.vector_load %arg5[%get3A_131, %get3A_132] {strides = array<i32>} : memref<82x128xi32, #tpu.memory_space<vmem>>, vector<1x16xi32>,
    %get3A_134 = vector.shape_cast %get3A_133 : vector<1x16xi32> to vector<16xi32>
    %and3A_135 = arith.andi %get3A_134, %broadcast_in_dim3A_26 : vector<16xi32>
    %swap3A_136 = arith.constant 112 : index
    %swap3A_137 = tpu.vector_load %arg6[%swap3A_136] {strides = array<i32>} : memref<128xi32, #tpu.memory_space<vmem>>, vector<16xi32>,
    %swap3A_138 = vector.shape_cast %swap3A_137 : vector<16xi32> to vector<16xi32>
    %swap3A_139 = vector.shape_cast %and3A_135 : vector<16xi32> to vector<16xi32>
    tpu.vector_store %arg6[%swap3A_136], %swap3A_139 {strides = array<i32>} : memref<128xi32, #tpu.memory_space<vmem>>, vector<16xi32>,
    %shift_right_arithmetic3A_140 = arith.shrsi %get3A_134, %broadcast_in_dim3A_28 : vector<16xi32>
    %swap3A_141 = arith.constant 112 : index
    %swap3A_142 = tpu.vector_load %arg8[%swap3A_141] {strides = array<i32>} : memref<128xi32, #tpu.memory_space<vmem>>, vector<16xi32>,
    %swap3A_143 = vector.shape_cast %swap3A_142 : vector<16xi32> to vector<16xi32>
    %swap3A_144 = vector.shape_cast %shift_right_arithmetic3A_140 : vector<16xi32> to vector<16xi32>
    tpu.vector_store %arg8[%swap3A_141], %swap3A_144 {strides = array<i32>} : memref<128xi32, #tpu.memory_space<vmem>>, vector<16xi32>,
    %dma_start3A = arith.constant 0 : i32
    %dma_start3A_145 = arith.constant 0 : i32
    %dma_start3A_146 = tpu.memref_slice %arg2[%dma_start3A, %dma_start3A_145] : memref<10240x128xf32, #tpu.memory_space<hbm>> -> memref<10240x128xf32, #tpu.memory_space<hbm>>
    tpu.enqueue_indirect_dma source(%dma_start3A_146 : memref<10240x128xf32, #tpu.memory_space<hbm>>) target(%arg10 : memref<128x128xf32, #tpu.memory_space<vmem>>) offsets(%arg6 : memref<128xi32, #tpu.memory_space<vmem>>) semaphore(%arg13 : memref<!tpu.dma_semaphore, #tpu.memory_space<semaphore_mem>>)
    %get3A_147 = arith.constant 1 : i32
    %get3A_148 = arith.index_cast %get3A_147 : i32 to index
    %get3A_149 = arith.constant 0 : index
    %get3A_150 = tpu.vector_load %arg5[%get3A_148, %get3A_149] {strides = array<i32>} : memref<82x128xi32, #tpu.memory_space<vmem>>, vector<1x16xi32>,
    %get3A_151 = vector.shape_cast %get3A_150 : vector<1x16xi32> to vector<16xi32>
    %and3A_152 = arith.andi %get3A_151, %broadcast_in_dim3A_26 : vector<16xi32>
    %swap3A_153 = arith.constant 0 : index
    %swap3A_154 = tpu.vector_load %arg7[%swap3A_153] {strides = array<i32>} : memref<128xi32, #tpu.memory_space<vmem>>, vector<16xi32>,
    %swap3A_155 = vector.shape_cast %swap3A_154 : vector<16xi32> to vector<16xi32>
    %swap3A_156 = vector.shape_cast %and3A_152 : vector<16xi32> to vector<16xi32>
    tpu.vector_store %arg7[%swap3A_153], %swap3A_156 {strides = array<i32>} : memref<128xi32, #tpu.memory_space<vmem>>, vector<16xi32>,
    %shift_right_arithmetic3A_157 = arith.shrsi %get3A_151, %broadcast_in_dim3A_28 : vector<16xi32>
    %swap3A_158 = arith.constant 0 : index
    %swap3A_159 = tpu.vector_load %arg9[%swap3A_158] {strides = array<i32>} : memref<128xi32, #tpu.memory_space<vmem>>, vector<16xi32>,
    %swap3A_160 = vector.shape_cast %swap3A_159 : vector<16xi32> to vector<16xi32>
    %swap3A_161 = vector.shape_cast %shift_right_arithmetic3A_157 : vector<16xi32> to vector<16xi32>
    tpu.vector_store %arg9[%swap3A_158], %swap3A_161 {strides = array<i32>} : memref<128xi32, #tpu.memory_space<vmem>>, vector<16xi32>,
    %get3A_162 = arith.constant 1 : i32
    %get3A_163 = arith.index_cast %get3A_162 : i32 to index
    %get3A_164 = arith.constant 16 : index
    %get3A_165 = tpu.vector_load %arg5[%get3A_163, %get3A_164] {strides = array<i32>} : memref<82x128xi32, #tpu.memory_space<vmem>>, vector<1x16xi32>,
    %get3A_166 = vector.shape_cast %get3A_165 : vector<1x16xi32> to vector<16xi32>
    %and3A_167 = arith.andi %get3A_166, %broadcast_in_dim3A_26 : vector<16xi32>
    %swap3A_168 = arith.constant 16 : index
    %swap3A_169 = tpu.vector_load %arg7[%swap3A_168] {strides = array<i32>} : memref<128xi32, #tpu.memory_space<vmem>>, vector<16xi32>,
    %swap3A_170 = vector.shape_cast %swap3A_169 : vector<16xi32> to vector<16xi32>
    %swap3A_171 = vector.shape_cast %and3A_167 : vector<16xi32> to vector<16xi32>
    tpu.vector_store %arg7[%swap3A_168], %swap3A_171 {strides = array<i32>} : memref<128xi32, #tpu.memory_space<vmem>>, vector<16xi32>,
    %shift_right_arithmetic3A_172 = arith.shrsi %get3A_166, %broadcast_in_dim3A_28 : vector<16xi32>
    %swap3A_173 = arith.constant 16 : index
    %swap3A_174 = tpu.vector_load %arg9[%swap3A_173] {strides = array<i32>} : memref<128xi32, #tpu.memory_space<vmem>>, vector<16xi32>,
    %swap3A_175 = vector.shape_cast %swap3A_174 : vector<16xi32> to vector<16xi32>
    %swap3A_176 = vector.shape_cast %shift_right_arithmetic3A_172 : vector<16xi32> to vector<16xi32>
    tpu.vector_store %arg9[%swap3A_173], %swap3A_176 {strides = array<i32>} : memref<128xi32, #tpu.memory_space<vmem>>, vector<16xi32>,
    %get3A_177 = arith.constant 1 : i32
    %get3A_178 = arith.index_cast %get3A_177 : i32 to index
    %get3A_179 = arith.constant 32 : index
    %get3A_180 = tpu.vector_load %arg5[%get3A_178, %get3A_179] {strides = array<i32>} : memref<82x128xi32, #tpu.memory_space<vmem>>, vector<1x16xi32>,
    %get3A_181 = vector.shape_cast %get3A_180 : vector<1x16xi32> to vector<16xi32>
    %and3A_182 = arith.andi %get3A_181, %broadcast_in_dim3A_26 : vector<16xi32>
    %swap3A_183 = arith.constant 32 : index
    %swap3A_184 = tpu.vector_load %arg7[%swap3A_183] {strides = array<i32>} : memref<128xi32, #tpu.memory_space<vmem>>, vector<16xi32>,
    %swap3A_185 = vector.shape_cast %swap3A_184 : vector<16xi32> to vector<16xi32>
    %swap3A_186 = vector.shape_cast %and3A_182 : vector<16xi32> to vector<16xi32>
    tpu.vector_store %arg7[%swap3A_183], %swap3A_186 {strides = array<i32>} : memref<128xi32, #tpu.memory_space<vmem>>, vector<16xi32>,
    %shift_right_arithmetic3A_187 = arith.shrsi %get3A_181, %broadcast_in_dim3A_28 : vector<16xi32>
    %swap3A_188 = arith.constant 32 : index
    %swap3A_189 = tpu.vector_load %arg9[%swap3A_188] {strides = array<i32>} : memref<128xi32, #tpu.memory_space<vmem>>, vector<16xi32>,
    %swap3A_190 = vector.shape_cast %swap3A_189 : vector<16xi32> to vector<16xi32>
    %swap3A_191 = vector.shape_cast %shift_right_arithmetic3A_187 : vector<16xi32> to vector<16xi32>
    tpu.vector_store %arg9[%swap3A_188], %swap3A_191 {strides = array<i32>} : memref<128xi32, #tpu.memory_space<vmem>>, vector<16xi32>,
    %get3A_192 = arith.constant 1 : i32
    %get3A_193 = arith.index_cast %get3A_192 : i32 to index
    %get3A_194 = arith.constant 48 : index
    %get3A_195 = tpu.vector_load %arg5[%get3A_193, %get3A_194] {strides = array<i32>} : memref<82x128xi32, #tpu.memory_space<vmem>>, vector<1x16xi32>,
    %get3A_196 = vector.shape_cast %get3A_195 : vector<1x16xi32> to vector<16xi32>
    %and3A_197 = arith.andi %get3A_196, %broadcast_in_dim3A_26 : vector<16xi32>
    %swap3A_198 = arith.constant 48 : index
    %swap3A_199 = tpu.vector_load %arg7[%swap3A_198] {strides = array<i32>} : memref<128xi32, #tpu.memory_space<vmem>>, vector<16xi32>,
    %swap3A_200 = vector.shape_cast %swap3A_199 : vector<16xi32> to vector<16xi32>
    %swap3A_201 = vector.shape_cast %and3A_197 : vector<16xi32> to vector<16xi32>
    tpu.vector_store %arg7[%swap3A_198], %swap3A_201 {strides = array<i32>} : memref<128xi32, #tpu.memory_space<vmem>>, vector<16xi32>,
    %shift_right_arithmetic3A_202 = arith.shrsi %get3A_196, %broadcast_in_dim3A_28 : vector<16xi32>
    %swap3A_203 = arith.constant 48 : index
    %swap3A_204 = tpu.vector_load %arg9[%swap3A_203] {strides = array<i32>} : memref<128xi32, #tpu.memory_space<vmem>>, vector<16xi32>,
    %swap3A_205 = vector.shape_cast %swap3A_204 : vector<16xi32> to vector<16xi32>
    %swap3A_206 = vector.shape_cast %shift_right_arithmetic3A_202 : vector<16xi32> to vector<16xi32>
    tpu.vector_store %arg9[%swap3A_203], %swap3A_206 {strides = array<i32>} : memref<128xi32, #tpu.memory_space<vmem>>, vector<16xi32>,
    %get3A_207 = arith.constant 1 : i32
    %get3A_208 = arith.index_cast %get3A_207 : i32 to index
    %get3A_209 = arith.constant 64 : index
    %get3A_210 = tpu.vector_load %arg5[%get3A_208, %get3A_209] {strides = array<i32>} : memref<82x128xi32, #tpu.memory_space<vmem>>, vector<1x16xi32>,
    %get3A_211 = vector.shape_cast %get3A_210 : vector<1x16xi32> to vector<16xi32>
    %and3A_212 = arith.andi %get3A_211, %broadcast_in_dim3A_26 : vector<16xi32>
    %swap3A_213 = arith.constant 64 : index
    %swap3A_214 = tpu.vector_load %arg7[%swap3A_213] {strides = array<i32>} : memref<128xi32, #tpu.memory_space<vmem>>, vector<16xi32>,
    %swap3A_215 = vector.shape_cast %swap3A_214 : vector<16xi32> to vector<16xi32>
    %swap3A_216 = vector.shape_cast %and3A_212 : vector<16xi32> to vector<16xi32>
    tpu.vector_store %arg7[%swap3A_213], %swap3A_216 {strides = array<i32>} : memref<128xi32, #tpu.memory_space<vmem>>, vector<16xi32>,
    %shift_right_arithmetic3A_217 = arith.shrsi %get3A_211, %broadcast_in_dim3A_28 : vector<16xi32>
    %swap3A_218 = arith.constant 64 : index
    %swap3A_219 = tpu.vector_load %arg9[%swap3A_218] {strides = array<i32>} : memref<128xi32, #tpu.memory_space<vmem>>, vector<16xi32>,
    %swap3A_220 = vector.shape_cast %swap3A_219 : vector<16xi32> to vector<16xi32>
    %swap3A_221 = vector.shape_cast %shift_right_arithmetic3A_217 : vector<16xi32> to vector<16xi32>
    tpu.vector_store %arg9[%swap3A_218], %swap3A_221 {strides = array<i32>} : memref<128xi32, #tpu.memory_space<vmem>>, vector<16xi32>,
    %get3A_222 = arith.constant 1 : i32
    %get3A_223 = arith.index_cast %get3A_222 : i32 to index
    %get3A_224 = arith.constant 80 : index
    %get3A_225 = tpu.vector_load %arg5[%get3A_223, %get3A_224] {strides = array<i32>} : memref<82x128xi32, #tpu.memory_space<vmem>>, vector<1x16xi32>,
    %get3A_226 = vector.shape_cast %get3A_225 : vector<1x16xi32> to vector<16xi32>
    %and3A_227 = arith.andi %get3A_226, %broadcast_in_dim3A_26 : vector<16xi32>
    %swap3A_228 = arith.constant 80 : index
    %swap3A_229 = tpu.vector_load %arg7[%swap3A_228] {strides = array<i32>} : memref<128xi32, #tpu.memory_space<vmem>>, vector<16xi32>,
    %swap3A_230 = vector.shape_cast %swap3A_229 : vector<16xi32> to vector<16xi32>
    %swap3A_231 = vector.shape_cast %and3A_227 : vector<16xi32> to vector<16xi32>
    tpu.vector_store %arg7[%swap3A_228], %swap3A_231 {strides = array<i32>} : memref<128xi32, #tpu.memory_space<vmem>>, vector<16xi32>,
    %shift_right_arithmetic3A_232 = arith.shrsi %get3A_226, %broadcast_in_dim3A_28 : vector<16xi32>
    %swap3A_233 = arith.constant 80 : index
    %swap3A_234 = tpu.vector_load %arg9[%swap3A_233] {strides = array<i32>} : memref<128xi32, #tpu.memory_space<vmem>>, vector<16xi32>,
    %swap3A_235 = vector.shape_cast %swap3A_234 : vector<16xi32> to vector<16xi32>
    %swap3A_236 = vector.shape_cast %shift_right_arithmetic3A_232 : vector<16xi32> to vector<16xi32>
    tpu.vector_store %arg9[%swap3A_233], %swap3A_236 {strides = array<i32>} : memref<128xi32, #tpu.memory_space<vmem>>, vector<16xi32>,
    %get3A_237 = arith.constant 1 : i32
    %get3A_238 = arith.index_cast %get3A_237 : i32 to index
    %get3A_239 = arith.constant 96 : index
    %get3A_240 = tpu.vector_load %arg5[%get3A_238, %get3A_239] {strides = array<i32>} : memref<82x128xi32, #tpu.memory_space<vmem>>, vector<1x16xi32>,
    %get3A_241 = vector.shape_cast %get3A_240 : vector<1x16xi32> to vector<16xi32>
    %and3A_242 = arith.andi %get3A_241, %broadcast_in_dim3A_26 : vector<16xi32>
    %swap3A_243 = arith.constant 96 : index
    %swap3A_244 = tpu.vector_load %arg7[%swap3A_243] {strides = array<i32>} : memref<128xi32, #tpu.memory_space<vmem>>, vector<16xi32>,
    %swap3A_245 = vector.shape_cast %swap3A_244 : vector<16xi32> to vector<16xi32>
    %swap3A_246 = vector.shape_cast %and3A_242 : vector<16xi32> to vector<16xi32>
    tpu.vector_store %arg7[%swap3A_243], %swap3A_246 {strides = array<i32>} : memref<128xi32, #tpu.memory_space<vmem>>, vector<16xi32>,
    %shift_right_arithmetic3A_247 = arith.shrsi %get3A_241, %broadcast_in_dim3A_28 : vector<16xi32>
    %swap3A_248 = arith.constant 96 : index
    %swap3A_249 = tpu.vector_load %arg9[%swap3A_248] {strides = array<i32>} : memref<128xi32, #tpu.memory_space<vmem>>, vector<16xi32>,
    %swap3A_250 = vector.shape_cast %swap3A_249 : vector<16xi32> to vector<16xi32>
    %swap3A_251 = vector.shape_cast %shift_right_arithmetic3A_247 : vector<16xi32> to vector<16xi32>
    tpu.vector_store %arg9[%swap3A_248], %swap3A_251 {strides = array<i32>} : memref<128xi32, #tpu.memory_space<vmem>>, vector<16xi32>,
    %get3A_252 = arith.constant 1 : i32
    %get3A_253 = arith.index_cast %get3A_252 : i32 to index
    %get3A_254 = arith.constant 112 : index
    %get3A_255 = tpu.vector_load %arg5[%get3A_253, %get3A_254] {strides = array<i32>} : memref<82x128xi32, #tpu.memory_space<vmem>>, vector<1x16xi32>,
    %get3A_256 = vector.shape_cast %get3A_255 : vector<1x16xi32> to vector<16xi32>
    %and3A_257 = arith.andi %get3A_256, %broadcast_in_dim3A_26 : vector<16xi32>
    %swap3A_258 = arith.constant 112 : index
    %swap3A_259 = tpu.vector_load %arg7[%swap3A_258] {strides = array<i32>} : memref<128xi32, #tpu.memory_space<vmem>>, vector<16xi32>,
    %swap3A_260 = vector.shape_cast %swap3A_259 : vector<16xi32> to vector<16xi32>
    %swap3A_261 = vector.shape_cast %and3A_257 : vector<16xi32> to vector<16xi32>
    tpu.vector_store %arg7[%swap3A_258], %swap3A_261 {strides = array<i32>} : memref<128xi32, #tpu.memory_space<vmem>>, vector<16xi32>,
    %shift_right_arithmetic3A_262 = arith.shrsi %get3A_256, %broadcast_in_dim3A_28 : vector<16xi32>
    %swap3A_263 = arith.constant 112 : index
    %swap3A_264 = tpu.vector_load %arg9[%swap3A_263] {strides = array<i32>} : memref<128xi32, #tpu.memory_space<vmem>>, vector<16xi32>,
    %swap3A_265 = vector.shape_cast %swap3A_264 : vector<16xi32> to vector<16xi32>
    %swap3A_266 = vector.shape_cast %shift_right_arithmetic3A_262 : vector<16xi32> to vector<16xi32>
    tpu.vector_store %arg9[%swap3A_263], %swap3A_266 {strides = array<i32>} : memref<128xi32, #tpu.memory_space<vmem>>, vector<16xi32>,
    %dma_wait3A = arith.constant 0 : i32
    %dma_wait3A_267 = arith.constant 0 : i32
    %dma_wait3A_268 = tpu.memref_slice %arg2[%dma_wait3A, %dma_wait3A_267] : memref<10240x128xf32, #tpu.memory_space<hbm>> -> memref<10240x128xf32, #tpu.memory_space<hbm>>
    tpu.wait_indirect_dma semaphore(%arg13 : memref<!tpu.dma_semaphore, #tpu.memory_space<semaphore_mem>>) src(%dma_wait3A_268 : memref<10240x128xf32, #tpu.memory_space<hbm>>) dst(%arg10 : memref<128x128xf32, #tpu.memory_space<vmem>>)
    %while3A_269 = arith.constant 0 : i32
    %while3A_270 = arith.constant 0 : i32
    %while3A_271 = arith.constant 40 : i32
    %while3A_272 = arith.subi %while3A_271, %while3A_270 : i32
    %while3A_273 = arith.addi %while3A_270, %while3A_272 : i32
    %while3A_274 = arith.constant 1 : i32
    %while3A_275 = arith.divsi %while3A_272, %while3A_274 : i32
    %while3A_276 = arith.muli %while3A_275, %while3A_274 : i32
    %while3A_277 = arith.addi %while3A_270, %while3A_276 : i32
    %while3A_278 = arith.constant 1 : i32
    scf.for %while3A_281 = %while3A_270 to %while3A_277 step %while3A_278  : i32 {
      %mul3A_282 = arith.constant 2 : i32
      %mul3A_283 = arith.muli %while3A_281, %mul3A_282 : i32
      %add3A_284 = arith.constant 0 : i32
      %add3A_285 = arith.addi %mul3A_283, %add3A_284 : i32
      %dma_start3A_286 = arith.constant 0 : i32
      %dma_start3A_287 = arith.constant 0 : i32
      %dma_start3A_288 = tpu.memref_slice %arg12[%dma_start3A_286, %dma_start3A_287] : memref<10240x128xf32, #tpu.memory_space<vmem_shared>> -> memref<10240x128xf32, #tpu.memory_space<vmem_shared>>
      tpu.enqueue_indirect_dma source(%arg10 : memref<128x128xf32, #tpu.memory_space<vmem>>) target(%dma_start3A_288 : memref<10240x128xf32, #tpu.memory_space<vmem_shared>>) offsets(%arg8 : memref<128xi32, #tpu.memory_space<vmem>>) semaphore(%arg14 : memref<!tpu.dma_semaphore, #tpu.memory_space<semaphore_mem>>) {add = true}
      %dma_start3A_289 = arith.constant 0 : i32
      %dma_start3A_290 = arith.constant 0 : i32
      %dma_start3A_291 = tpu.memref_slice %arg2[%dma_start3A_289, %dma_start3A_290] : memref<10240x128xf32, #tpu.memory_space<hbm>> -> memref<10240x128xf32, #tpu.memory_space<hbm>>
      tpu.enqueue_indirect_dma source(%dma_start3A_291 : memref<10240x128xf32, #tpu.memory_space<hbm>>) target(%arg11 : memref<128x128xf32, #tpu.memory_space<vmem>>) offsets(%arg7 : memref<128xi32, #tpu.memory_space<vmem>>) semaphore(%arg13 : memref<!tpu.dma_semaphore, #tpu.memory_space<semaphore_mem>>)
      %dma_wait3A_292 = arith.constant 0 : i32
      %dma_wait3A_293 = arith.constant 0 : i32
      %dma_wait3A_294 = tpu.memref_slice %arg12[%dma_wait3A_292, %dma_wait3A_293] : memref<10240x128xf32, #tpu.memory_space<vmem_shared>> -> memref<10240x128xf32, #tpu.memory_space<vmem_shared>>
      tpu.wait_indirect_dma semaphore(%arg14 : memref<!tpu.dma_semaphore, #tpu.memory_space<semaphore_mem>>) src(%arg10 : memref<128x128xf32, #tpu.memory_space<vmem>>) dst(%dma_wait3A_294 : memref<10240x128xf32, #tpu.memory_space<vmem_shared>>)
      %add3A_295 = arith.constant 2 : i32
      %add3A_296 = arith.addi %add3A_285, %add3A_295 : i32
      %get3A_297 = arith.index_cast %add3A_296 : i32 to index
      %get3A_298 = arith.constant 0 : index
      %get3A_299 = tpu.vector_load %arg5[%get3A_297, %get3A_298] {strides = array<i32>} : memref<82x128xi32, #tpu.memory_space<vmem>>, vector<1x16xi32>,
      %get3A_300 = vector.shape_cast %get3A_299 : vector<1x16xi32> to vector<16xi32>
      %and3A_301 = arith.andi %get3A_300, %broadcast_in_dim3A_26 : vector<16xi32>
      %swap3A_302 = arith.constant 0 : index
      %swap3A_303 = tpu.vector_load %arg6[%swap3A_302] {strides = array<i32>} : memref<128xi32, #tpu.memory_space<vmem>>, vector<16xi32>,
      %swap3A_304 = vector.shape_cast %swap3A_303 : vector<16xi32> to vector<16xi32>
      %swap3A_305 = vector.shape_cast %and3A_301 : vector<16xi32> to vector<16xi32>
      tpu.vector_store %arg6[%swap3A_302], %swap3A_305 {strides = array<i32>} : memref<128xi32, #tpu.memory_space<vmem>>, vector<16xi32>,
      %shift_right_arithmetic3A_306 = arith.shrsi %get3A_300, %broadcast_in_dim3A_28 : vector<16xi32>
      %swap3A_307 = arith.constant 0 : index
      %swap3A_308 = tpu.vector_load %arg8[%swap3A_307] {strides = array<i32>} : memref<128xi32, #tpu.memory_space<vmem>>, vector<16xi32>,
      %swap3A_309 = vector.shape_cast %swap3A_308 : vector<16xi32> to vector<16xi32>
      %swap3A_310 = vector.shape_cast %shift_right_arithmetic3A_306 : vector<16xi32> to vector<16xi32>
      tpu.vector_store %arg8[%swap3A_307], %swap3A_310 {strides = array<i32>} : memref<128xi32, #tpu.memory_space<vmem>>, vector<16xi32>,
      %get3A_311 = arith.index_cast %add3A_296 : i32 to index
      %get3A_312 = arith.constant 16 : index
      %get3A_313 = tpu.vector_load %arg5[%get3A_311, %get3A_312] {strides = array<i32>} : memref<82x128xi32, #tpu.memory_space<vmem>>, vector<1x16xi32>,
      %get3A_314 = vector.shape_cast %get3A_313 : vector<1x16xi32> to vector<16xi32>
      %and3A_315 = arith.andi %get3A_314, %broadcast_in_dim3A_26 : vector<16xi32>
      %swap3A_316 = arith.constant 16 : index
      %swap3A_317 = tpu.vector_load %arg6[%swap3A_316] {strides = array<i32>} : memref<128xi32, #tpu.memory_space<vmem>>, vector<16xi32>,
      %swap3A_318 = vector.shape_cast %swap3A_317 : vector<16xi32> to vector<16xi32>
      %swap3A_319 = vector.shape_cast %and3A_315 : vector<16xi32> to vector<16xi32>
      tpu.vector_store %arg6[%swap3A_316], %swap3A_319 {strides = array<i32>} : memref<128xi32, #tpu.memory_space<vmem>>, vector<16xi32>,
      %shift_right_arithmetic3A_320 = arith.shrsi %get3A_314, %broadcast_in_dim3A_28 : vector<16xi32>
      %swap3A_321 = arith.constant 16 : index
      %swap3A_322 = tpu.vector_load %arg8[%swap3A_321] {strides = array<i32>} : memref<128xi32, #tpu.memory_space<vmem>>, vector<16xi32>,
      %swap3A_323 = vector.shape_cast %swap3A_322 : vector<16xi32> to vector<16xi32>
      %swap3A_324 = vector.shape_cast %shift_right_arithmetic3A_320 : vector<16xi32> to vector<16xi32>
      tpu.vector_store %arg8[%swap3A_321], %swap3A_324 {strides = array<i32>} : memref<128xi32, #tpu.memory_space<vmem>>, vector<16xi32>,
      %get3A_325 = arith.index_cast %add3A_296 : i32 to index
      %get3A_326 = arith.constant 32 : index
      %get3A_327 = tpu.vector_load %arg5[%get3A_325, %get3A_326] {strides = array<i32>} : memref<82x128xi32, #tpu.memory_space<vmem>>, vector<1x16xi32>,
      %get3A_328 = vector.shape_cast %get3A_327 : vector<1x16xi32> to vector<16xi32>
      %and3A_329 = arith.andi %get3A_328, %broadcast_in_dim3A_26 : vector<16xi32>
      %swap3A_330 = arith.constant 32 : index
      %swap3A_331 = tpu.vector_load %arg6[%swap3A_330] {strides = array<i32>} : memref<128xi32, #tpu.memory_space<vmem>>, vector<16xi32>,
      %swap3A_332 = vector.shape_cast %swap3A_331 : vector<16xi32> to vector<16xi32>
      %swap3A_333 = vector.shape_cast %and3A_329 : vector<16xi32> to vector<16xi32>
      tpu.vector_store %arg6[%swap3A_330], %swap3A_333 {strides = array<i32>} : memref<128xi32, #tpu.memory_space<vmem>>, vector<16xi32>,
      %shift_right_arithmetic3A_334 = arith.shrsi %get3A_328, %broadcast_in_dim3A_28 : vector<16xi32>
      %swap3A_335 = arith.constant 32 : index
      %swap3A_336 = tpu.vector_load %arg8[%swap3A_335] {strides = array<i32>} : memref<128xi32, #tpu.memory_space<vmem>>, vector<16xi32>,
      %swap3A_337 = vector.shape_cast %swap3A_336 : vector<16xi32> to vector<16xi32>
      %swap3A_338 = vector.shape_cast %shift_right_arithmetic3A_334 : vector<16xi32> to vector<16xi32>
      tpu.vector_store %arg8[%swap3A_335], %swap3A_338 {strides = array<i32>} : memref<128xi32, #tpu.memory_space<vmem>>, vector<16xi32>,
      %get3A_339 = arith.index_cast %add3A_296 : i32 to index
      %get3A_340 = arith.constant 48 : index
      %get3A_341 = tpu.vector_load %arg5[%get3A_339, %get3A_340] {strides = array<i32>} : memref<82x128xi32, #tpu.memory_space<vmem>>, vector<1x16xi32>,
      %get3A_342 = vector.shape_cast %get3A_341 : vector<1x16xi32> to vector<16xi32>
      %and3A_343 = arith.andi %get3A_342, %broadcast_in_dim3A_26 : vector<16xi32>
      %swap3A_344 = arith.constant 48 : index
      %swap3A_345 = tpu.vector_load %arg6[%swap3A_344] {strides = array<i32>} : memref<128xi32, #tpu.memory_space<vmem>>, vector<16xi32>,
      %swap3A_346 = vector.shape_cast %swap3A_345 : vector<16xi32> to vector<16xi32>
      %swap3A_347 = vector.shape_cast %and3A_343 : vector<16xi32> to vector<16xi32>
      tpu.vector_store %arg6[%swap3A_344], %swap3A_347 {strides = array<i32>} : memref<128xi32, #tpu.memory_space<vmem>>, vector<16xi32>,
      %shift_right_arithmetic3A_348 = arith.shrsi %get3A_342, %broadcast_in_dim3A_28 : vector<16xi32>
      %swap3A_349 = arith.constant 48 : index
      %swap3A_350 = tpu.vector_load %arg8[%swap3A_349] {strides = array<i32>} : memref<128xi32, #tpu.memory_space<vmem>>, vector<16xi32>,
      %swap3A_351 = vector.shape_cast %swap3A_350 : vector<16xi32> to vector<16xi32>
      %swap3A_352 = vector.shape_cast %shift_right_arithmetic3A_348 : vector<16xi32> to vector<16xi32>
      tpu.vector_store %arg8[%swap3A_349], %swap3A_352 {strides = array<i32>} : memref<128xi32, #tpu.memory_space<vmem>>, vector<16xi32>,
      %get3A_353 = arith.index_cast %add3A_296 : i32 to index
      %get3A_354 = arith.constant 64 : index
      %get3A_355 = tpu.vector_load %arg5[%get3A_353, %get3A_354] {strides = array<i32>} : memref<82x128xi32, #tpu.memory_space<vmem>>, vector<1x16xi32>,
      %get3A_356 = vector.shape_cast %get3A_355 : vector<1x16xi32> to vector<16xi32>
      %and3A_357 = arith.andi %get3A_356, %broadcast_in_dim3A_26 : vector<16xi32>
      %swap3A_358 = arith.constant 64 : index
      %swap3A_359 = tpu.vector_load %arg6[%swap3A_358] {strides = array<i32>} : memref<128xi32, #tpu.memory_space<vmem>>, vector<16xi32>,
      %swap3A_360 = vector.shape_cast %swap3A_359 : vector<16xi32> to vector<16xi32>
      %swap3A_361 = vector.shape_cast %and3A_357 : vector<16xi32> to vector<16xi32>
      tpu.vector_store %arg6[%swap3A_358], %swap3A_361 {strides = array<i32>} : memref<128xi32, #tpu.memory_space<vmem>>, vector<16xi32>,
      %shift_right_arithmetic3A_362 = arith.shrsi %get3A_356, %broadcast_in_dim3A_28 : vector<16xi32>
      %swap3A_363 = arith.constant 64 : index
      %swap3A_364 = tpu.vector_load %arg8[%swap3A_363] {strides = array<i32>} : memref<128xi32, #tpu.memory_space<vmem>>, vector<16xi32>,
      %swap3A_365 = vector.shape_cast %swap3A_364 : vector<16xi32> to vector<16xi32>
      %swap3A_366 = vector.shape_cast %shift_right_arithmetic3A_362 : vector<16xi32> to vector<16xi32>
      tpu.vector_store %arg8[%swap3A_363], %swap3A_366 {strides = array<i32>} : memref<128xi32, #tpu.memory_space<vmem>>, vector<16xi32>,
      %get3A_367 = arith.index_cast %add3A_296 : i32 to index
      %get3A_368 = arith.constant 80 : index
      %get3A_369 = tpu.vector_load %arg5[%get3A_367, %get3A_368] {strides = array<i32>} : memref<82x128xi32, #tpu.memory_space<vmem>>, vector<1x16xi32>,
      %get3A_370 = vector.shape_cast %get3A_369 : vector<1x16xi32> to vector<16xi32>
      %and3A_371 = arith.andi %get3A_370, %broadcast_in_dim3A_26 : vector<16xi32>
      %swap3A_372 = arith.constant 80 : index
      %swap3A_373 = tpu.vector_load %arg6[%swap3A_372] {strides = array<i32>} : memref<128xi32, #tpu.memory_space<vmem>>, vector<16xi32>,
      %swap3A_374 = vector.shape_cast %swap3A_373 : vector<16xi32> to vector<16xi32>
      %swap3A_375 = vector.shape_cast %and3A_371 : vector<16xi32> to vector<16xi32>
      tpu.vector_store %arg6[%swap3A_372], %swap3A_375 {strides = array<i32>} : memref<128xi32, #tpu.memory_space<vmem>>, vector<16xi32>,
      %shift_right_arithmetic3A_376 = arith.shrsi %get3A_370, %broadcast_in_dim3A_28 : vector<16xi32>
      %swap3A_377 = arith.constant 80 : index
      %swap3A_378 = tpu.vector_load %arg8[%swap3A_377] {strides = array<i32>} : memref<128xi32, #tpu.memory_space<vmem>>, vector<16xi32>,
      %swap3A_379 = vector.shape_cast %swap3A_378 : vector<16xi32> to vector<16xi32>
      %swap3A_380 = vector.shape_cast %shift_right_arithmetic3A_376 : vector<16xi32> to vector<16xi32>
      tpu.vector_store %arg8[%swap3A_377], %swap3A_380 {strides = array<i32>} : memref<128xi32, #tpu.memory_space<vmem>>, vector<16xi32>,
      %get3A_381 = arith.index_cast %add3A_296 : i32 to index
      %get3A_382 = arith.constant 96 : index
      %get3A_383 = tpu.vector_load %arg5[%get3A_381, %get3A_382] {strides = array<i32>} : memref<82x128xi32, #tpu.memory_space<vmem>>, vector<1x16xi32>,
      %get3A_384 = vector.shape_cast %get3A_383 : vector<1x16xi32> to vector<16xi32>
      %and3A_385 = arith.andi %get3A_384, %broadcast_in_dim3A_26 : vector<16xi32>
      %swap3A_386 = arith.constant 96 : index
      %swap3A_387 = tpu.vector_load %arg6[%swap3A_386] {strides = array<i32>} : memref<128xi32, #tpu.memory_space<vmem>>, vector<16xi32>,
      %swap3A_388 = vector.shape_cast %swap3A_387 : vector<16xi32> to vector<16xi32>
      %swap3A_389 = vector.shape_cast %and3A_385 : vector<16xi32> to vector<16xi32>
      tpu.vector_store %arg6[%swap3A_386], %swap3A_389 {strides = array<i32>} : memref<128xi32, #tpu.memory_space<vmem>>, vector<16xi32>,
      %shift_right_arithmetic3A_390 = arith.shrsi %get3A_384, %broadcast_in_dim3A_28 : vector<16xi32>
      %swap3A_391 = arith.constant 96 : index
      %swap3A_392 = tpu.vector_load %arg8[%swap3A_391] {strides = array<i32>} : memref<128xi32, #tpu.memory_space<vmem>>, vector<16xi32>,
      %swap3A_393 = vector.shape_cast %swap3A_392 : vector<16xi32> to vector<16xi32>
      %swap3A_394 = vector.shape_cast %shift_right_arithmetic3A_390 : vector<16xi32> to vector<16xi32>
      tpu.vector_store %arg8[%swap3A_391], %swap3A_394 {strides = array<i32>} : memref<128xi32, #tpu.memory_space<vmem>>, vector<16xi32>,
      %get3A_395 = arith.index_cast %add3A_296 : i32 to index
      %get3A_396 = arith.constant 112 : index
      %get3A_397 = tpu.vector_load %arg5[%get3A_395, %get3A_396] {strides = array<i32>} : memref<82x128xi32, #tpu.memory_space<vmem>>, vector<1x16xi32>,
      %get3A_398 = vector.shape_cast %get3A_397 : vector<1x16xi32> to vector<16xi32>
      %and3A_399 = arith.andi %get3A_398, %broadcast_in_dim3A_26 : vector<16xi32>
      %swap3A_400 = arith.constant 112 : index
      %swap3A_401 = tpu.vector_load %arg6[%swap3A_400] {strides = array<i32>} : memref<128xi32, #tpu.memory_space<vmem>>, vector<16xi32>,
      %swap3A_402 = vector.shape_cast %swap3A_401 : vector<16xi32> to vector<16xi32>
      %swap3A_403 = vector.shape_cast %and3A_399 : vector<16xi32> to vector<16xi32>
      tpu.vector_store %arg6[%swap3A_400], %swap3A_403 {strides = array<i32>} : memref<128xi32, #tpu.memory_space<vmem>>, vector<16xi32>,
      %shift_right_arithmetic3A_404 = arith.shrsi %get3A_398, %broadcast_in_dim3A_28 : vector<16xi32>
      %swap3A_405 = arith.constant 112 : index
      %swap3A_406 = tpu.vector_load %arg8[%swap3A_405] {strides = array<i32>} : memref<128xi32, #tpu.memory_space<vmem>>, vector<16xi32>,
      %swap3A_407 = vector.shape_cast %swap3A_406 : vector<16xi32> to vector<16xi32>
      %swap3A_408 = vector.shape_cast %shift_right_arithmetic3A_404 : vector<16xi32> to vector<16xi32>
      tpu.vector_store %arg8[%swap3A_405], %swap3A_408 {strides = array<i32>} : memref<128xi32, #tpu.memory_space<vmem>>, vector<16xi32>,
      %dma_wait3A_409 = arith.constant 0 : i32
      %dma_wait3A_410 = arith.constant 0 : i32
      %dma_wait3A_411 = tpu.memref_slice %arg2[%dma_wait3A_409, %dma_wait3A_410] : memref<10240x128xf32, #tpu.memory_space<hbm>> -> memref<10240x128xf32, #tpu.memory_space<hbm>>
      tpu.wait_indirect_dma semaphore(%arg13 : memref<!tpu.dma_semaphore, #tpu.memory_space<semaphore_mem>>) src(%dma_wait3A_411 : memref<10240x128xf32, #tpu.memory_space<hbm>>) dst(%arg11 : memref<128x128xf32, #tpu.memory_space<vmem>>)
      %mul3A_412 = arith.constant 2 : i32
      %mul3A_413 = arith.muli %while3A_281, %mul3A_412 : i32
      %add3A_414 = arith.constant 1 : i32
      %add3A_415 = arith.addi %mul3A_413, %add3A_414 : i32
      %dma_start3A_416 = arith.constant 0 : i32
      %dma_start3A_417 = arith.constant 0 : i32
      %dma_start3A_418 = tpu.memref_slice %arg12[%dma_start3A_416, %dma_start3A_417] : memref<10240x128xf32, #tpu.memory_space<vmem_shared>> -> memref<10240x128xf32, #tpu.memory_space<vmem_shared>>
      tpu.enqueue_indirect_dma source(%arg11 : memref<128x128xf32, #tpu.memory_space<vmem>>) target(%dma_start3A_418 : memref<10240x128xf32, #tpu.memory_space<vmem_shared>>) offsets(%arg9 : memref<128xi32, #tpu.memory_space<vmem>>) semaphore(%arg15 : memref<!tpu.dma_semaphore, #tpu.memory_space<semaphore_mem>>) {add = true}
      %dma_start3A_419 = arith.constant 0 : i32
      %dma_start3A_420 = arith.constant 0 : i32
      %dma_start3A_421 = tpu.memref_slice %arg2[%dma_start3A_419, %dma_start3A_420] : memref<10240x128xf32, #tpu.memory_space<hbm>> -> memref<10240x128xf32, #tpu.memory_space<hbm>>
      tpu.enqueue_indirect_dma source(%dma_start3A_421 : memref<10240x128xf32, #tpu.memory_space<hbm>>) target(%arg10 : memref<128x128xf32, #tpu.memory_space<vmem>>) offsets(%arg6 : memref<128xi32, #tpu.memory_space<vmem>>) semaphore(%arg13 : memref<!tpu.dma_semaphore, #tpu.memory_space<semaphore_mem>>)
      %dma_wait3A_422 = arith.constant 0 : i32
      %dma_wait3A_423 = arith.constant 0 : i32
      %dma_wait3A_424 = tpu.memref_slice %arg12[%dma_wait3A_422, %dma_wait3A_423] : memref<10240x128xf32, #tpu.memory_space<vmem_shared>> -> memref<10240x128xf32, #tpu.memory_space<vmem_shared>>
      tpu.wait_indirect_dma semaphore(%arg15 : memref<!tpu.dma_semaphore, #tpu.memory_space<semaphore_mem>>) src(%arg11 : memref<128x128xf32, #tpu.memory_space<vmem>>) dst(%dma_wait3A_424 : memref<10240x128xf32, #tpu.memory_space<vmem_shared>>)
      %add3A_425 = arith.constant 2 : i32
      %add3A_426 = arith.addi %add3A_415, %add3A_425 : i32
      %get3A_427 = arith.index_cast %add3A_426 : i32 to index
      %get3A_428 = arith.constant 0 : index
      %get3A_429 = tpu.vector_load %arg5[%get3A_427, %get3A_428] {strides = array<i32>} : memref<82x128xi32, #tpu.memory_space<vmem>>, vector<1x16xi32>,
      %get3A_430 = vector.shape_cast %get3A_429 : vector<1x16xi32> to vector<16xi32>
      %and3A_431 = arith.andi %get3A_430, %broadcast_in_dim3A_26 : vector<16xi32>
      %swap3A_432 = arith.constant 0 : index
      %swap3A_433 = tpu.vector_load %arg7[%swap3A_432] {strides = array<i32>} : memref<128xi32, #tpu.memory_space<vmem>>, vector<16xi32>,
      %swap3A_434 = vector.shape_cast %swap3A_433 : vector<16xi32> to vector<16xi32>
      %swap3A_435 = vector.shape_cast %and3A_431 : vector<16xi32> to vector<16xi32>
      tpu.vector_store %arg7[%swap3A_432], %swap3A_435 {strides = array<i32>} : memref<128xi32, #tpu.memory_space<vmem>>, vector<16xi32>,
      %shift_right_arithmetic3A_436 = arith.shrsi %get3A_430, %broadcast_in_dim3A_28 : vector<16xi32>
      %swap3A_437 = arith.constant 0 : index
      %swap3A_438 = tpu.vector_load %arg9[%swap3A_437] {strides = array<i32>} : memref<128xi32, #tpu.memory_space<vmem>>, vector<16xi32>,
      %swap3A_439 = vector.shape_cast %swap3A_438 : vector<16xi32> to vector<16xi32>
      %swap3A_440 = vector.shape_cast %shift_right_arithmetic3A_436 : vector<16xi32> to vector<16xi32>
      tpu.vector_store %arg9[%swap3A_437], %swap3A_440 {strides = array<i32>} : memref<128xi32, #tpu.memory_space<vmem>>, vector<16xi32>,
      %get3A_441 = arith.index_cast %add3A_426 : i32 to index
      %get3A_442 = arith.constant 16 : index
      %get3A_443 = tpu.vector_load %arg5[%get3A_441, %get3A_442] {strides = array<i32>} : memref<82x128xi32, #tpu.memory_space<vmem>>, vector<1x16xi32>,
      %get3A_444 = vector.shape_cast %get3A_443 : vector<1x16xi32> to vector<16xi32>
      %and3A_445 = arith.andi %get3A_444, %broadcast_in_dim3A_26 : vector<16xi32>
      %swap3A_446 = arith.constant 16 : index
      %swap3A_447 = tpu.vector_load %arg7[%swap3A_446] {strides = array<i32>} : memref<128xi32, #tpu.memory_space<vmem>>, vector<16xi32>,
      %swap3A_448 = vector.shape_cast %swap3A_447 : vector<16xi32> to vector<16xi32>
      %swap3A_449 = vector.shape_cast %and3A_445 : vector<16xi32> to vector<16xi32>
      tpu.vector_store %arg7[%swap3A_446], %swap3A_449 {strides = array<i32>} : memref<128xi32, #tpu.memory_space<vmem>>, vector<16xi32>,
      %shift_right_arithmetic3A_450 = arith.shrsi %get3A_444, %broadcast_in_dim3A_28 : vector<16xi32>
      %swap3A_451 = arith.constant 16 : index
      %swap3A_452 = tpu.vector_load %arg9[%swap3A_451] {strides = array<i32>} : memref<128xi32, #tpu.memory_space<vmem>>, vector<16xi32>,
      %swap3A_453 = vector.shape_cast %swap3A_452 : vector<16xi32> to vector<16xi32>
      %swap3A_454 = vector.shape_cast %shift_right_arithmetic3A_450 : vector<16xi32> to vector<16xi32>
      tpu.vector_store %arg9[%swap3A_451], %swap3A_454 {strides = array<i32>} : memref<128xi32, #tpu.memory_space<vmem>>, vector<16xi32>,
      %get3A_455 = arith.index_cast %add3A_426 : i32 to index
      %get3A_456 = arith.constant 32 : index
      %get3A_457 = tpu.vector_load %arg5[%get3A_455, %get3A_456] {strides = array<i32>} : memref<82x128xi32, #tpu.memory_space<vmem>>, vector<1x16xi32>,
      %get3A_458 = vector.shape_cast %get3A_457 : vector<1x16xi32> to vector<16xi32>
      %and3A_459 = arith.andi %get3A_458, %broadcast_in_dim3A_26 : vector<16xi32>
      %swap3A_460 = arith.constant 32 : index
      %swap3A_461 = tpu.vector_load %arg7[%swap3A_460] {strides = array<i32>} : memref<128xi32, #tpu.memory_space<vmem>>, vector<16xi32>,
      %swap3A_462 = vector.shape_cast %swap3A_461 : vector<16xi32> to vector<16xi32>
      %swap3A_463 = vector.shape_cast %and3A_459 : vector<16xi32> to vector<16xi32>
      tpu.vector_store %arg7[%swap3A_460], %swap3A_463 {strides = array<i32>} : memref<128xi32, #tpu.memory_space<vmem>>, vector<16xi32>,
      %shift_right_arithmetic3A_464 = arith.shrsi %get3A_458, %broadcast_in_dim3A_28 : vector<16xi32>
      %swap3A_465 = arith.constant 32 : index
      %swap3A_466 = tpu.vector_load %arg9[%swap3A_465] {strides = array<i32>} : memref<128xi32, #tpu.memory_space<vmem>>, vector<16xi32>,
      %swap3A_467 = vector.shape_cast %swap3A_466 : vector<16xi32> to vector<16xi32>
      %swap3A_468 = vector.shape_cast %shift_right_arithmetic3A_464 : vector<16xi32> to vector<16xi32>
      tpu.vector_store %arg9[%swap3A_465], %swap3A_468 {strides = array<i32>} : memref<128xi32, #tpu.memory_space<vmem>>, vector<16xi32>,
      %get3A_469 = arith.index_cast %add3A_426 : i32 to index
      %get3A_470 = arith.constant 48 : index
      %get3A_471 = tpu.vector_load %arg5[%get3A_469, %get3A_470] {strides = array<i32>} : memref<82x128xi32, #tpu.memory_space<vmem>>, vector<1x16xi32>,
      %get3A_472 = vector.shape_cast %get3A_471 : vector<1x16xi32> to vector<16xi32>
      %and3A_473 = arith.andi %get3A_472, %broadcast_in_dim3A_26 : vector<16xi32>
      %swap3A_474 = arith.constant 48 : index
      %swap3A_475 = tpu.vector_load %arg7[%swap3A_474] {strides = array<i32>} : memref<128xi32, #tpu.memory_space<vmem>>, vector<16xi32>,
      %swap3A_476 = vector.shape_cast %swap3A_475 : vector<16xi32> to vector<16xi32>
      %swap3A_477 = vector.shape_cast %and3A_473 : vector<16xi32> to vector<16xi32>
      tpu.vector_store %arg7[%swap3A_474], %swap3A_477 {strides = array<i32>} : memref<128xi32, #tpu.memory_space<vmem>>, vector<16xi32>,
      %shift_right_arithmetic3A_478 = arith.shrsi %get3A_472, %broadcast_in_dim3A_28 : vector<16xi32>
      %swap3A_479 = arith.constant 48 : index
      %swap3A_480 = tpu.vector_load %arg9[%swap3A_479] {strides = array<i32>} : memref<128xi32, #tpu.memory_space<vmem>>, vector<16xi32>,
      %swap3A_481 = vector.shape_cast %swap3A_480 : vector<16xi32> to vector<16xi32>
      %swap3A_482 = vector.shape_cast %shift_right_arithmetic3A_478 : vector<16xi32> to vector<16xi32>
      tpu.vector_store %arg9[%swap3A_479], %swap3A_482 {strides = array<i32>} : memref<128xi32, #tpu.memory_space<vmem>>, vector<16xi32>,
      %get3A_483 = arith.index_cast %add3A_426 : i32 to index
      %get3A_484 = arith.constant 64 : index
      %get3A_485 = tpu.vector_load %arg5[%get3A_483, %get3A_484] {strides = array<i32>} : memref<82x128xi32, #tpu.memory_space<vmem>>, vector<1x16xi32>,
      %get3A_486 = vector.shape_cast %get3A_485 : vector<1x16xi32> to vector<16xi32>
      %and3A_487 = arith.andi %get3A_486, %broadcast_in_dim3A_26 : vector<16xi32>
      %swap3A_488 = arith.constant 64 : index
      %swap3A_489 = tpu.vector_load %arg7[%swap3A_488] {strides = array<i32>} : memref<128xi32, #tpu.memory_space<vmem>>, vector<16xi32>,
      %swap3A_490 = vector.shape_cast %swap3A_489 : vector<16xi32> to vector<16xi32>
      %swap3A_491 = vector.shape_cast %and3A_487 : vector<16xi32> to vector<16xi32>
      tpu.vector_store %arg7[%swap3A_488], %swap3A_491 {strides = array<i32>} : memref<128xi32, #tpu.memory_space<vmem>>, vector<16xi32>,
      %shift_right_arithmetic3A_492 = arith.shrsi %get3A_486, %broadcast_in_dim3A_28 : vector<16xi32>
      %swap3A_493 = arith.constant 64 : index
      %swap3A_494 = tpu.vector_load %arg9[%swap3A_493] {strides = array<i32>} : memref<128xi32, #tpu.memory_space<vmem>>, vector<16xi32>,
      %swap3A_495 = vector.shape_cast %swap3A_494 : vector<16xi32> to vector<16xi32>
      %swap3A_496 = vector.shape_cast %shift_right_arithmetic3A_492 : vector<16xi32> to vector<16xi32>
      tpu.vector_store %arg9[%swap3A_493], %swap3A_496 {strides = array<i32>} : memref<128xi32, #tpu.memory_space<vmem>>, vector<16xi32>,
      %get3A_497 = arith.index_cast %add3A_426 : i32 to index
      %get3A_498 = arith.constant 80 : index
      %get3A_499 = tpu.vector_load %arg5[%get3A_497, %get3A_498] {strides = array<i32>} : memref<82x128xi32, #tpu.memory_space<vmem>>, vector<1x16xi32>,
      %get3A_500 = vector.shape_cast %get3A_499 : vector<1x16xi32> to vector<16xi32>
      %and3A_501 = arith.andi %get3A_500, %broadcast_in_dim3A_26 : vector<16xi32>
      %swap3A_502 = arith.constant 80 : index
      %swap3A_503 = tpu.vector_load %arg7[%swap3A_502] {strides = array<i32>} : memref<128xi32, #tpu.memory_space<vmem>>, vector<16xi32>,
      %swap3A_504 = vector.shape_cast %swap3A_503 : vector<16xi32> to vector<16xi32>
      %swap3A_505 = vector.shape_cast %and3A_501 : vector<16xi32> to vector<16xi32>
      tpu.vector_store %arg7[%swap3A_502], %swap3A_505 {strides = array<i32>} : memref<128xi32, #tpu.memory_space<vmem>>, vector<16xi32>,
      %shift_right_arithmetic3A_506 = arith.shrsi %get3A_500, %broadcast_in_dim3A_28 : vector<16xi32>
      %swap3A_507 = arith.constant 80 : index
      %swap3A_508 = tpu.vector_load %arg9[%swap3A_507] {strides = array<i32>} : memref<128xi32, #tpu.memory_space<vmem>>, vector<16xi32>,
      %swap3A_509 = vector.shape_cast %swap3A_508 : vector<16xi32> to vector<16xi32>
      %swap3A_510 = vector.shape_cast %shift_right_arithmetic3A_506 : vector<16xi32> to vector<16xi32>
      tpu.vector_store %arg9[%swap3A_507], %swap3A_510 {strides = array<i32>} : memref<128xi32, #tpu.memory_space<vmem>>, vector<16xi32>,
      %get3A_511 = arith.index_cast %add3A_426 : i32 to index
      %get3A_512 = arith.constant 96 : index
      %get3A_513 = tpu.vector_load %arg5[%get3A_511, %get3A_512] {strides = array<i32>} : memref<82x128xi32, #tpu.memory_space<vmem>>, vector<1x16xi32>,
      %get3A_514 = vector.shape_cast %get3A_513 : vector<1x16xi32> to vector<16xi32>
      %and3A_515 = arith.andi %get3A_514, %broadcast_in_dim3A_26 : vector<16xi32>
      %swap3A_516 = arith.constant 96 : index
      %swap3A_517 = tpu.vector_load %arg7[%swap3A_516] {strides = array<i32>} : memref<128xi32, #tpu.memory_space<vmem>>, vector<16xi32>,
      %swap3A_518 = vector.shape_cast %swap3A_517 : vector<16xi32> to vector<16xi32>
      %swap3A_519 = vector.shape_cast %and3A_515 : vector<16xi32> to vector<16xi32>
      tpu.vector_store %arg7[%swap3A_516], %swap3A_519 {strides = array<i32>} : memref<128xi32, #tpu.memory_space<vmem>>, vector<16xi32>,
      %shift_right_arithmetic3A_520 = arith.shrsi %get3A_514, %broadcast_in_dim3A_28 : vector<16xi32>
      %swap3A_521 = arith.constant 96 : index
      %swap3A_522 = tpu.vector_load %arg9[%swap3A_521] {strides = array<i32>} : memref<128xi32, #tpu.memory_space<vmem>>, vector<16xi32>,
      %swap3A_523 = vector.shape_cast %swap3A_522 : vector<16xi32> to vector<16xi32>
      %swap3A_524 = vector.shape_cast %shift_right_arithmetic3A_520 : vector<16xi32> to vector<16xi32>
      tpu.vector_store %arg9[%swap3A_521], %swap3A_524 {strides = array<i32>} : memref<128xi32, #tpu.memory_space<vmem>>, vector<16xi32>,
      %get3A_525 = arith.index_cast %add3A_426 : i32 to index
      %get3A_526 = arith.constant 112 : index
      %get3A_527 = tpu.vector_load %arg5[%get3A_525, %get3A_526] {strides = array<i32>} : memref<82x128xi32, #tpu.memory_space<vmem>>, vector<1x16xi32>,
      %get3A_528 = vector.shape_cast %get3A_527 : vector<1x16xi32> to vector<16xi32>
      %and3A_529 = arith.andi %get3A_528, %broadcast_in_dim3A_26 : vector<16xi32>
      %swap3A_530 = arith.constant 112 : index
      %swap3A_531 = tpu.vector_load %arg7[%swap3A_530] {strides = array<i32>} : memref<128xi32, #tpu.memory_space<vmem>>, vector<16xi32>,
      %swap3A_532 = vector.shape_cast %swap3A_531 : vector<16xi32> to vector<16xi32>
      %swap3A_533 = vector.shape_cast %and3A_529 : vector<16xi32> to vector<16xi32>
      tpu.vector_store %arg7[%swap3A_530], %swap3A_533 {strides = array<i32>} : memref<128xi32, #tpu.memory_space<vmem>>, vector<16xi32>,
      %shift_right_arithmetic3A_534 = arith.shrsi %get3A_528, %broadcast_in_dim3A_28 : vector<16xi32>
      %swap3A_535 = arith.constant 112 : index
      %swap3A_536 = tpu.vector_load %arg9[%swap3A_535] {strides = array<i32>} : memref<128xi32, #tpu.memory_space<vmem>>, vector<16xi32>,
      %swap3A_537 = vector.shape_cast %swap3A_536 : vector<16xi32> to vector<16xi32>
      %swap3A_538 = vector.shape_cast %shift_right_arithmetic3A_534 : vector<16xi32> to vector<16xi32>
      tpu.vector_store %arg9[%swap3A_535], %swap3A_538 {strides = array<i32>} : memref<128xi32, #tpu.memory_space<vmem>>, vector<16xi32>,
      %dma_wait3A_539 = arith.constant 0 : i32
      %dma_wait3A_540 = arith.constant 0 : i32
      %dma_wait3A_541 = tpu.memref_slice %arg2[%dma_wait3A_539, %dma_wait3A_540] : memref<10240x128xf32, #tpu.memory_space<hbm>> -> memref<10240x128xf32, #tpu.memory_space<hbm>>
      tpu.wait_indirect_dma semaphore(%arg13 : memref<!tpu.dma_semaphore, #tpu.memory_space<semaphore_mem>>) src(%dma_wait3A_541 : memref<10240x128xf32, #tpu.memory_space<hbm>>) dst(%arg10 : memref<128x128xf32, #tpu.memory_space<vmem>>)
    }
    %while3A_279 = arith.constant 1 : i32
    scf.for %while3A_281 = %while3A_277 to %while3A_273 step %while3A_279  : i32 {
      %mul3A_282 = arith.constant 2 : i32
      %mul3A_283 = arith.muli %while3A_281, %mul3A_282 : i32
      %add3A_284 = arith.constant 0 : i32
      %add3A_285 = arith.addi %mul3A_283, %add3A_284 : i32
      %dma_start3A_286 = arith.constant 0 : i32
      %dma_start3A_287 = arith.constant 0 : i32
      %dma_start3A_288 = tpu.memref_slice %arg12[%dma_start3A_286, %dma_start3A_287] : memref<10240x128xf32, #tpu.memory_space<vmem_shared>> -> memref<10240x128xf32, #tpu.memory_space<vmem_shared>>
      tpu.enqueue_indirect_dma source(%arg10 : memref<128x128xf32, #tpu.memory_space<vmem>>) target(%dma_start3A_288 : memref<10240x128xf32, #tpu.memory_space<vmem_shared>>) offsets(%arg8 : memref<128xi32, #tpu.memory_space<vmem>>) semaphore(%arg14 : memref<!tpu.dma_semaphore, #tpu.memory_space<semaphore_mem>>) {add = true}
      %dma_start3A_289 = arith.constant 0 : i32
      %dma_start3A_290 = arith.constant 0 : i32
      %dma_start3A_291 = tpu.memref_slice %arg2[%dma_start3A_289, %dma_start3A_290] : memref<10240x128xf32, #tpu.memory_space<hbm>> -> memref<10240x128xf32, #tpu.memory_space<hbm>>
      tpu.enqueue_indirect_dma source(%dma_start3A_291 : memref<10240x128xf32, #tpu.memory_space<hbm>>) target(%arg11 : memref<128x128xf32, #tpu.memory_space<vmem>>) offsets(%arg7 : memref<128xi32, #tpu.memory_space<vmem>>) semaphore(%arg13 : memref<!tpu.dma_semaphore, #tpu.memory_space<semaphore_mem>>)
      %dma_wait3A_292 = arith.constant 0 : i32
      %dma_wait3A_293 = arith.constant 0 : i32
      %dma_wait3A_294 = tpu.memref_slice %arg12[%dma_wait3A_292, %dma_wait3A_293] : memref<10240x128xf32, #tpu.memory_space<vmem_shared>> -> memref<10240x128xf32, #tpu.memory_space<vmem_shared>>
      tpu.wait_indirect_dma semaphore(%arg14 : memref<!tpu.dma_semaphore, #tpu.memory_space<semaphore_mem>>) src(%arg10 : memref<128x128xf32, #tpu.memory_space<vmem>>) dst(%dma_wait3A_294 : memref<10240x128xf32, #tpu.memory_space<vmem_shared>>)
      %add3A_295 = arith.constant 2 : i32
      %add3A_296 = arith.addi %add3A_285, %add3A_295 : i32
      %get3A_297 = arith.index_cast %add3A_296 : i32 to index
      %get3A_298 = arith.constant 0 : index
      %get3A_299 = tpu.vector_load %arg5[%get3A_297, %get3A_298] {strides = array<i32>} : memref<82x128xi32, #tpu.memory_space<vmem>>, vector<1x16xi32>,
      %get3A_300 = vector.shape_cast %get3A_299 : vector<1x16xi32> to vector<16xi32>
      %and3A_301 = arith.andi %get3A_300, %broadcast_in_dim3A_26 : vector<16xi32>
      %swap3A_302 = arith.constant 0 : index
      %swap3A_303 = tpu.vector_load %arg6[%swap3A_302] {strides = array<i32>} : memref<128xi32, #tpu.memory_space<vmem>>, vector<16xi32>,
      %swap3A_304 = vector.shape_cast %swap3A_303 : vector<16xi32> to vector<16xi32>
      %swap3A_305 = vector.shape_cast %and3A_301 : vector<16xi32> to vector<16xi32>
      tpu.vector_store %arg6[%swap3A_302], %swap3A_305 {strides = array<i32>} : memref<128xi32, #tpu.memory_space<vmem>>, vector<16xi32>,
      %shift_right_arithmetic3A_306 = arith.shrsi %get3A_300, %broadcast_in_dim3A_28 : vector<16xi32>
      %swap3A_307 = arith.constant 0 : index
      %swap3A_308 = tpu.vector_load %arg8[%swap3A_307] {strides = array<i32>} : memref<128xi32, #tpu.memory_space<vmem>>, vector<16xi32>,
      %swap3A_309 = vector.shape_cast %swap3A_308 : vector<16xi32> to vector<16xi32>
      %swap3A_310 = vector.shape_cast %shift_right_arithmetic3A_306 : vector<16xi32> to vector<16xi32>
      tpu.vector_store %arg8[%swap3A_307], %swap3A_310 {strides = array<i32>} : memref<128xi32, #tpu.memory_space<vmem>>, vector<16xi32>,
      %get3A_311 = arith.index_cast %add3A_296 : i32 to index
      %get3A_312 = arith.constant 16 : index
      %get3A_313 = tpu.vector_load %arg5[%get3A_311, %get3A_312] {strides = array<i32>} : memref<82x128xi32, #tpu.memory_space<vmem>>, vector<1x16xi32>,
      %get3A_314 = vector.shape_cast %get3A_313 : vector<1x16xi32> to vector<16xi32>
      %and3A_315 = arith.andi %get3A_314, %broadcast_in_dim3A_26 : vector<16xi32>
      %swap3A_316 = arith.constant 16 : index
      %swap3A_317 = tpu.vector_load %arg6[%swap3A_316] {strides = array<i32>} : memref<128xi32, #tpu.memory_space<vmem>>, vector<16xi32>,
      %swap3A_318 = vector.shape_cast %swap3A_317 : vector<16xi32> to vector<16xi32>
      %swap3A_319 = vector.shape_cast %and3A_315 : vector<16xi32> to vector<16xi32>
      tpu.vector_store %arg6[%swap3A_316], %swap3A_319 {strides = array<i32>} : memref<128xi32, #tpu.memory_space<vmem>>, vector<16xi32>,
      %shift_right_arithmetic3A_320 = arith.shrsi %get3A_314, %broadcast_in_dim3A_28 : vector<16xi32>
      %swap3A_321 = arith.constant 16 : index
      %swap3A_322 = tpu.vector_load %arg8[%swap3A_321] {strides = array<i32>} : memref<128xi32, #tpu.memory_space<vmem>>, vector<16xi32>,
      %swap3A_323 = vector.shape_cast %swap3A_322 : vector<16xi32> to vector<16xi32>
      %swap3A_324 = vector.shape_cast %shift_right_arithmetic3A_320 : vector<16xi32> to vector<16xi32>
      tpu.vector_store %arg8[%swap3A_321], %swap3A_324 {strides = array<i32>} : memref<128xi32, #tpu.memory_space<vmem>>, vector<16xi32>,
      %get3A_325 = arith.index_cast %add3A_296 : i32 to index
      %get3A_326 = arith.constant 32 : index
      %get3A_327 = tpu.vector_load %arg5[%get3A_325, %get3A_326] {strides = array<i32>} : memref<82x128xi32, #tpu.memory_space<vmem>>, vector<1x16xi32>,
      %get3A_328 = vector.shape_cast %get3A_327 : vector<1x16xi32> to vector<16xi32>
      %and3A_329 = arith.andi %get3A_328, %broadcast_in_dim3A_26 : vector<16xi32>
      %swap3A_330 = arith.constant 32 : index
      %swap3A_331 = tpu.vector_load %arg6[%swap3A_330] {strides = array<i32>} : memref<128xi32, #tpu.memory_space<vmem>>, vector<16xi32>,
      %swap3A_332 = vector.shape_cast %swap3A_331 : vector<16xi32> to vector<16xi32>
      %swap3A_333 = vector.shape_cast %and3A_329 : vector<16xi32> to vector<16xi32>
      tpu.vector_store %arg6[%swap3A_330], %swap3A_333 {strides = array<i32>} : memref<128xi32, #tpu.memory_space<vmem>>, vector<16xi32>,
      %shift_right_arithmetic3A_334 = arith.shrsi %get3A_328, %broadcast_in_dim3A_28 : vector<16xi32>
      %swap3A_335 = arith.constant 32 : index
      %swap3A_336 = tpu.vector_load %arg8[%swap3A_335] {strides = array<i32>} : memref<128xi32, #tpu.memory_space<vmem>>, vector<16xi32>,
      %swap3A_337 = vector.shape_cast %swap3A_336 : vector<16xi32> to vector<16xi32>
      %swap3A_338 = vector.shape_cast %shift_right_arithmetic3A_334 : vector<16xi32> to vector<16xi32>
      tpu.vector_store %arg8[%swap3A_335], %swap3A_338 {strides = array<i32>} : memref<128xi32, #tpu.memory_space<vmem>>, vector<16xi32>,
      %get3A_339 = arith.index_cast %add3A_296 : i32 to index
      %get3A_340 = arith.constant 48 : index
      %get3A_341 = tpu.vector_load %arg5[%get3A_339, %get3A_340] {strides = array<i32>} : memref<82x128xi32, #tpu.memory_space<vmem>>, vector<1x16xi32>,
      %get3A_342 = vector.shape_cast %get3A_341 : vector<1x16xi32> to vector<16xi32>
      %and3A_343 = arith.andi %get3A_342, %broadcast_in_dim3A_26 : vector<16xi32>
      %swap3A_344 = arith.constant 48 : index
      %swap3A_345 = tpu.vector_load %arg6[%swap3A_344] {strides = array<i32>} : memref<128xi32, #tpu.memory_space<vmem>>, vector<16xi32>,
      %swap3A_346 = vector.shape_cast %swap3A_345 : vector<16xi32> to vector<16xi32>
      %swap3A_347 = vector.shape_cast %and3A_343 : vector<16xi32> to vector<16xi32>
      tpu.vector_store %arg6[%swap3A_344], %swap3A_347 {strides = array<i32>} : memref<128xi32, #tpu.memory_space<vmem>>, vector<16xi32>,
      %shift_right_arithmetic3A_348 = arith.shrsi %get3A_342, %broadcast_in_dim3A_28 : vector<16xi32>
      %swap3A_349 = arith.constant 48 : index
      %swap3A_350 = tpu.vector_load %arg8[%swap3A_349] {strides = array<i32>} : memref<128xi32, #tpu.memory_space<vmem>>, vector<16xi32>,
      %swap3A_351 = vector.shape_cast %swap3A_350 : vector<16xi32> to vector<16xi32>
      %swap3A_352 = vector.shape_cast %shift_right_arithmetic3A_348 : vector<16xi32> to vector<16xi32>
      tpu.vector_store %arg8[%swap3A_349], %swap3A_352 {strides = array<i32>} : memref<128xi32, #tpu.memory_space<vmem>>, vector<16xi32>,
      %get3A_353 = arith.index_cast %add3A_296 : i32 to index
      %get3A_354 = arith.constant 64 : index
      %get3A_355 = tpu.vector_load %arg5[%get3A_353, %get3A_354] {strides = array<i32>} : memref<82x128xi32, #tpu.memory_space<vmem>>, vector<1x16xi32>,
      %get3A_356 = vector.shape_cast %get3A_355 : vector<1x16xi32> to vector<16xi32>
      %and3A_357 = arith.andi %get3A_356, %broadcast_in_dim3A_26 : vector<16xi32>
      %swap3A_358 = arith.constant 64 : index
      %swap3A_359 = tpu.vector_load %arg6[%swap3A_358] {strides = array<i32>} : memref<128xi32, #tpu.memory_space<vmem>>, vector<16xi32>,
      %swap3A_360 = vector.shape_cast %swap3A_359 : vector<16xi32> to vector<16xi32>
      %swap3A_361 = vector.shape_cast %and3A_357 : vector<16xi32> to vector<16xi32>
      tpu.vector_store %arg6[%swap3A_358], %swap3A_361 {strides = array<i32>} : memref<128xi32, #tpu.memory_space<vmem>>, vector<16xi32>,
      %shift_right_arithmetic3A_362 = arith.shrsi %get3A_356, %broadcast_in_dim3A_28 : vector<16xi32>
      %swap3A_363 = arith.constant 64 : index
      %swap3A_364 = tpu.vector_load %arg8[%swap3A_363] {strides = array<i32>} : memref<128xi32, #tpu.memory_space<vmem>>, vector<16xi32>,
      %swap3A_365 = vector.shape_cast %swap3A_364 : vector<16xi32> to vector<16xi32>
      %swap3A_366 = vector.shape_cast %shift_right_arithmetic3A_362 : vector<16xi32> to vector<16xi32>
      tpu.vector_store %arg8[%swap3A_363], %swap3A_366 {strides = array<i32>} : memref<128xi32, #tpu.memory_space<vmem>>, vector<16xi32>,
      %get3A_367 = arith.index_cast %add3A_296 : i32 to index
      %get3A_368 = arith.constant 80 : index
      %get3A_369 = tpu.vector_load %arg5[%get3A_367, %get3A_368] {strides = array<i32>} : memref<82x128xi32, #tpu.memory_space<vmem>>, vector<1x16xi32>,
      %get3A_370 = vector.shape_cast %get3A_369 : vector<1x16xi32> to vector<16xi32>
      %and3A_371 = arith.andi %get3A_370, %broadcast_in_dim3A_26 : vector<16xi32>
      %swap3A_372 = arith.constant 80 : index
      %swap3A_373 = tpu.vector_load %arg6[%swap3A_372] {strides = array<i32>} : memref<128xi32, #tpu.memory_space<vmem>>, vector<16xi32>,
      %swap3A_374 = vector.shape_cast %swap3A_373 : vector<16xi32> to vector<16xi32>
      %swap3A_375 = vector.shape_cast %and3A_371 : vector<16xi32> to vector<16xi32>
      tpu.vector_store %arg6[%swap3A_372], %swap3A_375 {strides = array<i32>} : memref<128xi32, #tpu.memory_space<vmem>>, vector<16xi32>,
      %shift_right_arithmetic3A_376 = arith.shrsi %get3A_370, %broadcast_in_dim3A_28 : vector<16xi32>
      %swap3A_377 = arith.constant 80 : index
      %swap3A_378 = tpu.vector_load %arg8[%swap3A_377] {strides = array<i32>} : memref<128xi32, #tpu.memory_space<vmem>>, vector<16xi32>,
      %swap3A_379 = vector.shape_cast %swap3A_378 : vector<16xi32> to vector<16xi32>
      %swap3A_380 = vector.shape_cast %shift_right_arithmetic3A_376 : vector<16xi32> to vector<16xi32>
      tpu.vector_store %arg8[%swap3A_377], %swap3A_380 {strides = array<i32>} : memref<128xi32, #tpu.memory_space<vmem>>, vector<16xi32>,
      %get3A_381 = arith.index_cast %add3A_296 : i32 to index
      %get3A_382 = arith.constant 96 : index
      %get3A_383 = tpu.vector_load %arg5[%get3A_381, %get3A_382] {strides = array<i32>} : memref<82x128xi32, #tpu.memory_space<vmem>>, vector<1x16xi32>,
      %get3A_384 = vector.shape_cast %get3A_383 : vector<1x16xi32> to vector<16xi32>
      %and3A_385 = arith.andi %get3A_384, %broadcast_in_dim3A_26 : vector<16xi32>
      %swap3A_386 = arith.constant 96 : index
      %swap3A_387 = tpu.vector_load %arg6[%swap3A_386] {strides = array<i32>} : memref<128xi32, #tpu.memory_space<vmem>>, vector<16xi32>,
      %swap3A_388 = vector.shape_cast %swap3A_387 : vector<16xi32> to vector<16xi32>
      %swap3A_389 = vector.shape_cast %and3A_385 : vector<16xi32> to vector<16xi32>
      tpu.vector_store %arg6[%swap3A_386], %swap3A_389 {strides = array<i32>} : memref<128xi32, #tpu.memory_space<vmem>>, vector<16xi32>,
      %shift_right_arithmetic3A_390 = arith.shrsi %get3A_384, %broadcast_in_dim3A_28 : vector<16xi32>
      %swap3A_391 = arith.constant 96 : index
      %swap3A_392 = tpu.vector_load %arg8[%swap3A_391] {strides = array<i32>} : memref<128xi32, #tpu.memory_space<vmem>>, vector<16xi32>,
      %swap3A_393 = vector.shape_cast %swap3A_392 : vector<16xi32> to vector<16xi32>
      %swap3A_394 = vector.shape_cast %shift_right_arithmetic3A_390 : vector<16xi32> to vector<16xi32>
      tpu.vector_store %arg8[%swap3A_391], %swap3A_394 {strides = array<i32>} : memref<128xi32, #tpu.memory_space<vmem>>, vector<16xi32>,
      %get3A_395 = arith.index_cast %add3A_296 : i32 to index
      %get3A_396 = arith.constant 112 : index
      %get3A_397 = tpu.vector_load %arg5[%get3A_395, %get3A_396] {strides = array<i32>} : memref<82x128xi32, #tpu.memory_space<vmem>>, vector<1x16xi32>,
      %get3A_398 = vector.shape_cast %get3A_397 : vector<1x16xi32> to vector<16xi32>
      %and3A_399 = arith.andi %get3A_398, %broadcast_in_dim3A_26 : vector<16xi32>
      %swap3A_400 = arith.constant 112 : index
      %swap3A_401 = tpu.vector_load %arg6[%swap3A_400] {strides = array<i32>} : memref<128xi32, #tpu.memory_space<vmem>>, vector<16xi32>,
      %swap3A_402 = vector.shape_cast %swap3A_401 : vector<16xi32> to vector<16xi32>
      %swap3A_403 = vector.shape_cast %and3A_399 : vector<16xi32> to vector<16xi32>
      tpu.vector_store %arg6[%swap3A_400], %swap3A_403 {strides = array<i32>} : memref<128xi32, #tpu.memory_space<vmem>>, vector<16xi32>,
      %shift_right_arithmetic3A_404 = arith.shrsi %get3A_398, %broadcast_in_dim3A_28 : vector<16xi32>
      %swap3A_405 = arith.constant 112 : index
      %swap3A_406 = tpu.vector_load %arg8[%swap3A_405] {strides = array<i32>} : memref<128xi32, #tpu.memory_space<vmem>>, vector<16xi32>,
      %swap3A_407 = vector.shape_cast %swap3A_406 : vector<16xi32> to vector<16xi32>
      %swap3A_408 = vector.shape_cast %shift_right_arithmetic3A_404 : vector<16xi32> to vector<16xi32>
      tpu.vector_store %arg8[%swap3A_405], %swap3A_408 {strides = array<i32>} : memref<128xi32, #tpu.memory_space<vmem>>, vector<16xi32>,
      %dma_wait3A_409 = arith.constant 0 : i32
      %dma_wait3A_410 = arith.constant 0 : i32
      %dma_wait3A_411 = tpu.memref_slice %arg2[%dma_wait3A_409, %dma_wait3A_410] : memref<10240x128xf32, #tpu.memory_space<hbm>> -> memref<10240x128xf32, #tpu.memory_space<hbm>>
      tpu.wait_indirect_dma semaphore(%arg13 : memref<!tpu.dma_semaphore, #tpu.memory_space<semaphore_mem>>) src(%dma_wait3A_411 : memref<10240x128xf32, #tpu.memory_space<hbm>>) dst(%arg11 : memref<128x128xf32, #tpu.memory_space<vmem>>)
      %mul3A_412 = arith.constant 2 : i32
      %mul3A_413 = arith.muli %while3A_281, %mul3A_412 : i32
      %add3A_414 = arith.constant 1 : i32
      %add3A_415 = arith.addi %mul3A_413, %add3A_414 : i32
      %dma_start3A_416 = arith.constant 0 : i32
      %dma_start3A_417 = arith.constant 0 : i32
      %dma_start3A_418 = tpu.memref_slice %arg12[%dma_start3A_416, %dma_start3A_417] : memref<10240x128xf32, #tpu.memory_space<vmem_shared>> -> memref<10240x128xf32, #tpu.memory_space<vmem_shared>>
      tpu.enqueue_indirect_dma source(%arg11 : memref<128x128xf32, #tpu.memory_space<vmem>>) target(%dma_start3A_418 : memref<10240x128xf32, #tpu.memory_space<vmem_shared>>) offsets(%arg9 : memref<128xi32, #tpu.memory_space<vmem>>) semaphore(%arg15 : memref<!tpu.dma_semaphore, #tpu.memory_space<semaphore_mem>>) {add = true}
      %dma_start3A_419 = arith.constant 0 : i32
      %dma_start3A_420 = arith.constant 0 : i32
      %dma_start3A_421 = tpu.memref_slice %arg2[%dma_start3A_419, %dma_start3A_420] : memref<10240x128xf32, #tpu.memory_space<hbm>> -> memref<10240x128xf32, #tpu.memory_space<hbm>>
      tpu.enqueue_indirect_dma source(%dma_start3A_421 : memref<10240x128xf32, #tpu.memory_space<hbm>>) target(%arg10 : memref<128x128xf32, #tpu.memory_space<vmem>>) offsets(%arg6 : memref<128xi32, #tpu.memory_space<vmem>>) semaphore(%arg13 : memref<!tpu.dma_semaphore, #tpu.memory_space<semaphore_mem>>)
      %dma_wait3A_422 = arith.constant 0 : i32
      %dma_wait3A_423 = arith.constant 0 : i32
      %dma_wait3A_424 = tpu.memref_slice %arg12[%dma_wait3A_422, %dma_wait3A_423] : memref<10240x128xf32, #tpu.memory_space<vmem_shared>> -> memref<10240x128xf32, #tpu.memory_space<vmem_shared>>
      tpu.wait_indirect_dma semaphore(%arg15 : memref<!tpu.dma_semaphore, #tpu.memory_space<semaphore_mem>>) src(%arg11 : memref<128x128xf32, #tpu.memory_space<vmem>>) dst(%dma_wait3A_424 : memref<10240x128xf32, #tpu.memory_space<vmem_shared>>)
      %add3A_425 = arith.constant 2 : i32
      %add3A_426 = arith.addi %add3A_415, %add3A_425 : i32
      %get3A_427 = arith.index_cast %add3A_426 : i32 to index
      %get3A_428 = arith.constant 0 : index
      %get3A_429 = tpu.vector_load %arg5[%get3A_427, %get3A_428] {strides = array<i32>} : memref<82x128xi32, #tpu.memory_space<vmem>>, vector<1x16xi32>,
      %get3A_430 = vector.shape_cast %get3A_429 : vector<1x16xi32> to vector<16xi32>
      %and3A_431 = arith.andi %get3A_430, %broadcast_in_dim3A_26 : vector<16xi32>
      %swap3A_432 = arith.constant 0 : index
      %swap3A_433 = tpu.vector_load %arg7[%swap3A_432] {strides = array<i32>} : memref<128xi32, #tpu.memory_space<vmem>>, vector<16xi32>,
      %swap3A_434 = vector.shape_cast %swap3A_433 : vector<16xi32> to vector<16xi32>
      %swap3A_435 = vector.shape_cast %and3A_431 : vector<16xi32> to vector<16xi32>
      tpu.vector_store %arg7[%swap3A_432], %swap3A_435 {strides = array<i32>} : memref<128xi32, #tpu.memory_space<vmem>>, vector<16xi32>,
      %shift_right_arithmetic3A_436 = arith.shrsi %get3A_430, %broadcast_in_dim3A_28 : vector<16xi32>
      %swap3A_437 = arith.constant 0 : index
      %swap3A_438 = tpu.vector_load %arg9[%swap3A_437] {strides = array<i32>} : memref<128xi32, #tpu.memory_space<vmem>>, vector<16xi32>,
      %swap3A_439 = vector.shape_cast %swap3A_438 : vector<16xi32> to vector<16xi32>
      %swap3A_440 = vector.shape_cast %shift_right_arithmetic3A_436 : vector<16xi32> to vector<16xi32>
      tpu.vector_store %arg9[%swap3A_437], %swap3A_440 {strides = array<i32>} : memref<128xi32, #tpu.memory_space<vmem>>, vector<16xi32>,
      %get3A_441 = arith.index_cast %add3A_426 : i32 to index
      %get3A_442 = arith.constant 16 : index
      %get3A_443 = tpu.vector_load %arg5[%get3A_441, %get3A_442] {strides = array<i32>} : memref<82x128xi32, #tpu.memory_space<vmem>>, vector<1x16xi32>,
      %get3A_444 = vector.shape_cast %get3A_443 : vector<1x16xi32> to vector<16xi32>
      %and3A_445 = arith.andi %get3A_444, %broadcast_in_dim3A_26 : vector<16xi32>
      %swap3A_446 = arith.constant 16 : index
      %swap3A_447 = tpu.vector_load %arg7[%swap3A_446] {strides = array<i32>} : memref<128xi32, #tpu.memory_space<vmem>>, vector<16xi32>,
      %swap3A_448 = vector.shape_cast %swap3A_447 : vector<16xi32> to vector<16xi32>
      %swap3A_449 = vector.shape_cast %and3A_445 : vector<16xi32> to vector<16xi32>
      tpu.vector_store %arg7[%swap3A_446], %swap3A_449 {strides = array<i32>} : memref<128xi32, #tpu.memory_space<vmem>>, vector<16xi32>,
      %shift_right_arithmetic3A_450 = arith.shrsi %get3A_444, %broadcast_in_dim3A_28 : vector<16xi32>
      %swap3A_451 = arith.constant 16 : index
      %swap3A_452 = tpu.vector_load %arg9[%swap3A_451] {strides = array<i32>} : memref<128xi32, #tpu.memory_space<vmem>>, vector<16xi32>,
      %swap3A_453 = vector.shape_cast %swap3A_452 : vector<16xi32> to vector<16xi32>
      %swap3A_454 = vector.shape_cast %shift_right_arithmetic3A_450 : vector<16xi32> to vector<16xi32>
      tpu.vector_store %arg9[%swap3A_451], %swap3A_454 {strides = array<i32>} : memref<128xi32, #tpu.memory_space<vmem>>, vector<16xi32>,
      %get3A_455 = arith.index_cast %add3A_426 : i32 to index
      %get3A_456 = arith.constant 32 : index
      %get3A_457 = tpu.vector_load %arg5[%get3A_455, %get3A_456] {strides = array<i32>} : memref<82x128xi32, #tpu.memory_space<vmem>>, vector<1x16xi32>,
      %get3A_458 = vector.shape_cast %get3A_457 : vector<1x16xi32> to vector<16xi32>
      %and3A_459 = arith.andi %get3A_458, %broadcast_in_dim3A_26 : vector<16xi32>
      %swap3A_460 = arith.constant 32 : index
      %swap3A_461 = tpu.vector_load %arg7[%swap3A_460] {strides = array<i32>} : memref<128xi32, #tpu.memory_space<vmem>>, vector<16xi32>,
      %swap3A_462 = vector.shape_cast %swap3A_461 : vector<16xi32> to vector<16xi32>
      %swap3A_463 = vector.shape_cast %and3A_459 : vector<16xi32> to vector<16xi32>
      tpu.vector_store %arg7[%swap3A_460], %swap3A_463 {strides = array<i32>} : memref<128xi32, #tpu.memory_space<vmem>>, vector<16xi32>,
      %shift_right_arithmetic3A_464 = arith.shrsi %get3A_458, %broadcast_in_dim3A_28 : vector<16xi32>
      %swap3A_465 = arith.constant 32 : index
      %swap3A_466 = tpu.vector_load %arg9[%swap3A_465] {strides = array<i32>} : memref<128xi32, #tpu.memory_space<vmem>>, vector<16xi32>,
      %swap3A_467 = vector.shape_cast %swap3A_466 : vector<16xi32> to vector<16xi32>
      %swap3A_468 = vector.shape_cast %shift_right_arithmetic3A_464 : vector<16xi32> to vector<16xi32>
      tpu.vector_store %arg9[%swap3A_465], %swap3A_468 {strides = array<i32>} : memref<128xi32, #tpu.memory_space<vmem>>, vector<16xi32>,
      %get3A_469 = arith.index_cast %add3A_426 : i32 to index
      %get3A_470 = arith.constant 48 : index
      %get3A_471 = tpu.vector_load %arg5[%get3A_469, %get3A_470] {strides = array<i32>} : memref<82x128xi32, #tpu.memory_space<vmem>>, vector<1x16xi32>,
      %get3A_472 = vector.shape_cast %get3A_471 : vector<1x16xi32> to vector<16xi32>
      %and3A_473 = arith.andi %get3A_472, %broadcast_in_dim3A_26 : vector<16xi32>
      %swap3A_474 = arith.constant 48 : index
      %swap3A_475 = tpu.vector_load %arg7[%swap3A_474] {strides = array<i32>} : memref<128xi32, #tpu.memory_space<vmem>>, vector<16xi32>,
      %swap3A_476 = vector.shape_cast %swap3A_475 : vector<16xi32> to vector<16xi32>
      %swap3A_477 = vector.shape_cast %and3A_473 : vector<16xi32> to vector<16xi32>
      tpu.vector_store %arg7[%swap3A_474], %swap3A_477 {strides = array<i32>} : memref<128xi32, #tpu.memory_space<vmem>>, vector<16xi32>,
      %shift_right_arithmetic3A_478 = arith.shrsi %get3A_472, %broadcast_in_dim3A_28 : vector<16xi32>
      %swap3A_479 = arith.constant 48 : index
      %swap3A_480 = tpu.vector_load %arg9[%swap3A_479] {strides = array<i32>} : memref<128xi32, #tpu.memory_space<vmem>>, vector<16xi32>,
      %swap3A_481 = vector.shape_cast %swap3A_480 : vector<16xi32> to vector<16xi32>
      %swap3A_482 = vector.shape_cast %shift_right_arithmetic3A_478 : vector<16xi32> to vector<16xi32>
      tpu.vector_store %arg9[%swap3A_479], %swap3A_482 {strides = array<i32>} : memref<128xi32, #tpu.memory_space<vmem>>, vector<16xi32>,
      %get3A_483 = arith.index_cast %add3A_426 : i32 to index
      %get3A_484 = arith.constant 64 : index
      %get3A_485 = tpu.vector_load %arg5[%get3A_483, %get3A_484] {strides = array<i32>} : memref<82x128xi32, #tpu.memory_space<vmem>>, vector<1x16xi32>,
      %get3A_486 = vector.shape_cast %get3A_485 : vector<1x16xi32> to vector<16xi32>
      %and3A_487 = arith.andi %get3A_486, %broadcast_in_dim3A_26 : vector<16xi32>
      %swap3A_488 = arith.constant 64 : index
      %swap3A_489 = tpu.vector_load %arg7[%swap3A_488] {strides = array<i32>} : memref<128xi32, #tpu.memory_space<vmem>>, vector<16xi32>,
      %swap3A_490 = vector.shape_cast %swap3A_489 : vector<16xi32> to vector<16xi32>
      %swap3A_491 = vector.shape_cast %and3A_487 : vector<16xi32> to vector<16xi32>
      tpu.vector_store %arg7[%swap3A_488], %swap3A_491 {strides = array<i32>} : memref<128xi32, #tpu.memory_space<vmem>>, vector<16xi32>,
      %shift_right_arithmetic3A_492 = arith.shrsi %get3A_486, %broadcast_in_dim3A_28 : vector<16xi32>
      %swap3A_493 = arith.constant 64 : index
      %swap3A_494 = tpu.vector_load %arg9[%swap3A_493] {strides = array<i32>} : memref<128xi32, #tpu.memory_space<vmem>>, vector<16xi32>,
      %swap3A_495 = vector.shape_cast %swap3A_494 : vector<16xi32> to vector<16xi32>
      %swap3A_496 = vector.shape_cast %shift_right_arithmetic3A_492 : vector<16xi32> to vector<16xi32>
      tpu.vector_store %arg9[%swap3A_493], %swap3A_496 {strides = array<i32>} : memref<128xi32, #tpu.memory_space<vmem>>, vector<16xi32>,
      %get3A_497 = arith.index_cast %add3A_426 : i32 to index
      %get3A_498 = arith.constant 80 : index
      %get3A_499 = tpu.vector_load %arg5[%get3A_497, %get3A_498] {strides = array<i32>} : memref<82x128xi32, #tpu.memory_space<vmem>>, vector<1x16xi32>,
      %get3A_500 = vector.shape_cast %get3A_499 : vector<1x16xi32> to vector<16xi32>
      %and3A_501 = arith.andi %get3A_500, %broadcast_in_dim3A_26 : vector<16xi32>
      %swap3A_502 = arith.constant 80 : index
      %swap3A_503 = tpu.vector_load %arg7[%swap3A_502] {strides = array<i32>} : memref<128xi32, #tpu.memory_space<vmem>>, vector<16xi32>,
      %swap3A_504 = vector.shape_cast %swap3A_503 : vector<16xi32> to vector<16xi32>
      %swap3A_505 = vector.shape_cast %and3A_501 : vector<16xi32> to vector<16xi32>
      tpu.vector_store %arg7[%swap3A_502], %swap3A_505 {strides = array<i32>} : memref<128xi32, #tpu.memory_space<vmem>>, vector<16xi32>,
      %shift_right_arithmetic3A_506 = arith.shrsi %get3A_500, %broadcast_in_dim3A_28 : vector<16xi32>
      %swap3A_507 = arith.constant 80 : index
      %swap3A_508 = tpu.vector_load %arg9[%swap3A_507] {strides = array<i32>} : memref<128xi32, #tpu.memory_space<vmem>>, vector<16xi32>,
      %swap3A_509 = vector.shape_cast %swap3A_508 : vector<16xi32> to vector<16xi32>
      %swap3A_510 = vector.shape_cast %shift_right_arithmetic3A_506 : vector<16xi32> to vector<16xi32>
      tpu.vector_store %arg9[%swap3A_507], %swap3A_510 {strides = array<i32>} : memref<128xi32, #tpu.memory_space<vmem>>, vector<16xi32>,
      %get3A_511 = arith.index_cast %add3A_426 : i32 to index
      %get3A_512 = arith.constant 96 : index
      %get3A_513 = tpu.vector_load %arg5[%get3A_511, %get3A_512] {strides = array<i32>} : memref<82x128xi32, #tpu.memory_space<vmem>>, vector<1x16xi32>,
      %get3A_514 = vector.shape_cast %get3A_513 : vector<1x16xi32> to vector<16xi32>
      %and3A_515 = arith.andi %get3A_514, %broadcast_in_dim3A_26 : vector<16xi32>
      %swap3A_516 = arith.constant 96 : index
      %swap3A_517 = tpu.vector_load %arg7[%swap3A_516] {strides = array<i32>} : memref<128xi32, #tpu.memory_space<vmem>>, vector<16xi32>,
      %swap3A_518 = vector.shape_cast %swap3A_517 : vector<16xi32> to vector<16xi32>
      %swap3A_519 = vector.shape_cast %and3A_515 : vector<16xi32> to vector<16xi32>
      tpu.vector_store %arg7[%swap3A_516], %swap3A_519 {strides = array<i32>} : memref<128xi32, #tpu.memory_space<vmem>>, vector<16xi32>,
      %shift_right_arithmetic3A_520 = arith.shrsi %get3A_514, %broadcast_in_dim3A_28 : vector<16xi32>
      %swap3A_521 = arith.constant 96 : index
      %swap3A_522 = tpu.vector_load %arg9[%swap3A_521] {strides = array<i32>} : memref<128xi32, #tpu.memory_space<vmem>>, vector<16xi32>,
      %swap3A_523 = vector.shape_cast %swap3A_522 : vector<16xi32> to vector<16xi32>
      %swap3A_524 = vector.shape_cast %shift_right_arithmetic3A_520 : vector<16xi32> to vector<16xi32>
      tpu.vector_store %arg9[%swap3A_521], %swap3A_524 {strides = array<i32>} : memref<128xi32, #tpu.memory_space<vmem>>, vector<16xi32>,
      %get3A_525 = arith.index_cast %add3A_426 : i32 to index
      %get3A_526 = arith.constant 112 : index
      %get3A_527 = tpu.vector_load %arg5[%get3A_525, %get3A_526] {strides = array<i32>} : memref<82x128xi32, #tpu.memory_space<vmem>>, vector<1x16xi32>,
      %get3A_528 = vector.shape_cast %get3A_527 : vector<1x16xi32> to vector<16xi32>
      %and3A_529 = arith.andi %get3A_528, %broadcast_in_dim3A_26 : vector<16xi32>
      %swap3A_530 = arith.constant 112 : index
      %swap3A_531 = tpu.vector_load %arg7[%swap3A_530] {strides = array<i32>} : memref<128xi32, #tpu.memory_space<vmem>>, vector<16xi32>,
      %swap3A_532 = vector.shape_cast %swap3A_531 : vector<16xi32> to vector<16xi32>
      %swap3A_533 = vector.shape_cast %and3A_529 : vector<16xi32> to vector<16xi32>
      tpu.vector_store %arg7[%swap3A_530], %swap3A_533 {strides = array<i32>} : memref<128xi32, #tpu.memory_space<vmem>>, vector<16xi32>,
      %shift_right_arithmetic3A_534 = arith.shrsi %get3A_528, %broadcast_in_dim3A_28 : vector<16xi32>
      %swap3A_535 = arith.constant 112 : index
      %swap3A_536 = tpu.vector_load %arg9[%swap3A_535] {strides = array<i32>} : memref<128xi32, #tpu.memory_space<vmem>>, vector<16xi32>,
      %swap3A_537 = vector.shape_cast %swap3A_536 : vector<16xi32> to vector<16xi32>
      %swap3A_538 = vector.shape_cast %shift_right_arithmetic3A_534 : vector<16xi32> to vector<16xi32>
      tpu.vector_store %arg9[%swap3A_535], %swap3A_538 {strides = array<i32>} : memref<128xi32, #tpu.memory_space<vmem>>, vector<16xi32>,
      %dma_wait3A_539 = arith.constant 0 : i32
      %dma_wait3A_540 = arith.constant 0 : i32
      %dma_wait3A_541 = tpu.memref_slice %arg2[%dma_wait3A_539, %dma_wait3A_540] : memref<10240x128xf32, #tpu.memory_space<hbm>> -> memref<10240x128xf32, #tpu.memory_space<hbm>>
      tpu.wait_indirect_dma semaphore(%arg13 : memref<!tpu.dma_semaphore, #tpu.memory_space<semaphore_mem>>) src(%dma_wait3A_541 : memref<10240x128xf32, #tpu.memory_space<hbm>>) dst(%arg10 : memref<128x128xf32, #tpu.memory_space<vmem>>)
    }
    %barrier3A_280 = arith.constant 0 : index
    tpu.barrier barrier_id(%barrier3A_280)
    "tpu.region"() ({
      %run_scoped3A = tpu.sem_alloc : memref<!tpu.dma_semaphore, #tpu.memory_space<semaphore_mem>>
      %dma_start3A_281 = arith.constant 0 : i32
      %dma_start3A_282 = tpu.memref_slice %arg4[%arg0, %mul3A_13, %dma_start3A_281] : memref<2x10240x128xf32, #tpu.memory_space<hbm>> -> memref<1x640x128xf32, #tpu.memory_space<hbm>>
      %dma_start3A_283 = tpu.memref_squeeze %dma_start3A_282 : memref<1x640x128xf32, #tpu.memory_space<hbm>> -> memref<640x128xf32, #tpu.memory_space<hbm>>
      %dma_start3A_284 = arith.constant 0 : i32
      %dma_start3A_285 = tpu.memref_slice %arg12[%mul3A_13, %dma_start3A_284] : memref<10240x128xf32, #tpu.memory_space<vmem_shared>> -> memref<640x128xf32, #tpu.memory_space<vmem_shared>>
      tpu.enqueue_dma source(%dma_start3A_285 : memref<640x128xf32, #tpu.memory_space<vmem_shared>>) target(%dma_start3A_283 : memref<640x128xf32, #tpu.memory_space<hbm>>) target_semaphore(%run_scoped3A : memref<!tpu.dma_semaphore, #tpu.memory_space<semaphore_mem>>)
      %dma_wait3A_286 = arith.constant 0 : i32
      %dma_wait3A_287 = tpu.memref_slice %arg4[%arg0, %mul3A_13, %dma_wait3A_286] : memref<2x10240x128xf32, #tpu.memory_space<hbm>> -> memref<1x640x128xf32, #tpu.memory_space<hbm>>
      %dma_wait3A_288 = tpu.memref_squeeze %dma_wait3A_287 : memref<1x640x128xf32, #tpu.memory_space<hbm>> -> memref<640x128xf32, #tpu.memory_space<hbm>>
      %dma_wait3A_289 = arith.constant 0 : i32
      %dma_wait3A_290 = tpu.memref_slice %arg12[%mul3A_13, %dma_wait3A_289] : memref<10240x128xf32, #tpu.memory_space<vmem_shared>> -> memref<640x128xf32, #tpu.memory_space<vmem_shared>>
      tpu.wait_dma2 semaphore(%run_scoped3A : memref<!tpu.dma_semaphore, #tpu.memory_space<semaphore_mem>>) src(%dma_wait3A_290 : memref<640x128xf32, #tpu.memory_space<vmem_shared>>) dst(%dma_wait3A_288 : memref<640x128xf32, #tpu.memory_space<hbm>>)
      tpu.yield
    }) : () -> ()
    return
  }
}

module attributes {stable_mosaic.version = 14 : i64} {
  func.func @body(%arg0: memref<10240x128xf32, #tpu.memory_space<vmem>>, %arg1: memref<128x128xf32, #tpu.memory_space<vmem>>, %arg2: memref<2x10240x16xf32, #tpu.memory_space<vmem>>, %arg3: memref<10240x128xf32, #tpu.memory_space<vmem>>, %arg4: memref<10240x1xf32, #tpu.memory_space<vmem>>) attributes {dimension_semantics = [], scalar_prefetch = 0 : i64, scratch_operands = 0 : i64, tpu.core_type = #tpu.core_type<tc>} {
    %get3A = arith.constant 0 : index
    %get3A_0 = arith.constant 0 : index
    %get3A_1 = arith.constant 0 : index
    %get3A_2 = vector.load %arg2[%get3A, %get3A_0, %get3A_1] : memref<2x10240x16xf32, #tpu.memory_space<vmem>>, vector<1x10240x1xf32>
    %get3A_3 = vector.shape_cast %get3A_2 : vector<1x10240x1xf32> to vector<10240x1xf32>
    %get3A_4 = arith.constant 1 : index
    %get3A_5 = arith.constant 0 : index
    %get3A_6 = arith.constant 0 : index
    %get3A_7 = vector.load %arg2[%get3A_4, %get3A_5, %get3A_6] : memref<2x10240x16xf32, #tpu.memory_space<vmem>>, vector<1x10240x1xf32>
    %get3A_8 = vector.shape_cast %get3A_7 : vector<1x10240x1xf32> to vector<10240x1xf32>
    %add3A = arith.addf %get3A_3, %get3A_8 : vector<10240x1xf32>
    %add3A_9 = arith.constant 1.000000e+00 : f32
    %add3A_10 = vector.broadcast %add3A_9 : f32 to vector<10240x1xf32>
    %add3A_11 = arith.addf %add3A, %add3A_10 : vector<10240x1xf32>
    %rsqrt3A = math.rsqrt %add3A_11 : vector<10240x1xf32>
    %get3A_12 = arith.constant 0 : index
    %get3A_13 = arith.constant 0 : index
    %get3A_14 = vector.load %arg0[%get3A_12, %get3A_13] : memref<10240x128xf32, #tpu.memory_space<vmem>>, vector<10240x128xf32>
    %get3A_15 = arith.constant 0 : index
    %get3A_16 = arith.constant 0 : index
    %get3A_17 = vector.load %arg1[%get3A_15, %get3A_16] : memref<128x128xf32, #tpu.memory_space<vmem>>, vector<128x128xf32>
    %dot_general3A = arith.constant dense<0.000000e+00> : vector<10240x128xf32>
    %dot_general3A_18 = tpu.matmul %get3A_14, %get3A_17, %dot_general3A {dimension_numbers = #tpu.dot_dimension_numbers<[1], [0], [0], [1], [0, 0, 1, 1], [], []>, transpose_lhs_hint = false} : vector<10240x128xf32>, vector<128x128xf32>, vector<10240x128xf32> -> vector<10240x128xf32>
    %mul3A = vector.broadcast %rsqrt3A : vector<10240x1xf32> to vector<10240x128xf32>
    %mul3A_19 = arith.mulf %dot_general3A_18, %mul3A : vector<10240x128xf32>
    %swap3A = arith.constant 0 : index
    %swap3A_20 = arith.constant 0 : index
    %swap3A_21 = vector.load %arg3[%swap3A, %swap3A_20] : memref<10240x128xf32, #tpu.memory_space<vmem>>, vector<10240x128xf32>
    tpu.vector_store %arg3[%swap3A, %swap3A_20], %mul3A_19 {strides = array<i32>} : memref<10240x128xf32, #tpu.memory_space<vmem>>, vector<10240x128xf32>,
    %swap3A_22 = arith.constant 0 : index
    %swap3A_23 = arith.constant 0 : index
    %swap3A_24 = vector.load %arg4[%swap3A_22, %swap3A_23] : memref<10240x1xf32, #tpu.memory_space<vmem>>, vector<10240x1xf32>
    tpu.vector_store %arg4[%swap3A_22, %swap3A_23], %rsqrt3A {strides = array<i32>} : memref<10240x1xf32, #tpu.memory_space<vmem>>, vector<10240x1xf32>,
    return
  }
}

module attributes {stable_mosaic.version = 14 : i64} {
  func.func @body(%arg0: memref<2x10240x128xf32, #tpu.memory_space<vmem>>, %arg1: memref<10240x128xf32, #tpu.memory_space<vmem>>, %arg2: memref<10240x1xf32, #tpu.memory_space<vmem>>, %arg3: memref<1x128xf32, #tpu.memory_space<vmem>>, %arg4: memref<128x64xf32, #tpu.memory_space<vmem>>, %arg5: memref<10240x64xf32, #tpu.memory_space<vmem>>) attributes {dimension_semantics = [], scalar_prefetch = 0 : i64, scratch_operands = 0 : i64, tpu.core_type = #tpu.core_type<tc>} {
    %get3A = arith.constant 0 : index
    %get3A_0 = arith.constant 0 : index
    %get3A_1 = vector.load %arg2[%get3A, %get3A_0] : memref<10240x1xf32, #tpu.memory_space<vmem>>, vector<10240x1xf32>
    %get3A_2 = arith.constant 0 : index
    %get3A_3 = arith.constant 0 : index
    %get3A_4 = arith.constant 0 : index
    %get3A_5 = vector.load %arg0[%get3A_2, %get3A_3, %get3A_4] : memref<2x10240x128xf32, #tpu.memory_space<vmem>>, vector<1x10240x128xf32>
    %get3A_6 = vector.shape_cast %get3A_5 : vector<1x10240x128xf32> to vector<10240x128xf32>
    %get3A_7 = arith.constant 1 : index
    %get3A_8 = arith.constant 0 : index
    %get3A_9 = arith.constant 0 : index
    %get3A_10 = vector.load %arg0[%get3A_7, %get3A_8, %get3A_9] : memref<2x10240x128xf32, #tpu.memory_space<vmem>>, vector<1x10240x128xf32>
    %get3A_11 = vector.shape_cast %get3A_10 : vector<1x10240x128xf32> to vector<10240x128xf32>
    %add3A = arith.addf %get3A_6, %get3A_11 : vector<10240x128xf32>
    %get3A_12 = arith.constant 0 : index
    %get3A_13 = arith.constant 0 : index
    %get3A_14 = vector.load %arg1[%get3A_12, %get3A_13] : memref<10240x128xf32, #tpu.memory_space<vmem>>, vector<10240x128xf32>
    %add3A_15 = arith.addf %add3A, %get3A_14 : vector<10240x128xf32>
    %mul3A = vector.broadcast %get3A_1 : vector<10240x1xf32> to vector<10240x128xf32>
    %mul3A_16 = arith.mulf %mul3A, %add3A_15 : vector<10240x128xf32>
    %get3A_17 = arith.constant 0 : index
    %get3A_18 = arith.constant 0 : index
    %get3A_19 = vector.load %arg3[%get3A_17, %get3A_18] : memref<1x128xf32, #tpu.memory_space<vmem>>, vector<1x128xf32>
    %add3A_20 = vector.broadcast %get3A_19 : vector<1x128xf32> to vector<10240x128xf32>
    %add3A_21 = arith.addf %mul3A_16, %add3A_20 : vector<10240x128xf32>
    %max3A = arith.constant 0.000000e+00 : f32
    %max3A_22 = vector.broadcast %max3A : f32 to vector<10240x128xf32>
    %max3A_23 = arith.maximumf %add3A_21, %max3A_22 : vector<10240x128xf32>
    %get3A_24 = arith.constant 0 : index
    %get3A_25 = arith.constant 0 : index
    %get3A_26 = vector.load %arg4[%get3A_24, %get3A_25] : memref<128x64xf32, #tpu.memory_space<vmem>>, vector<128x64xf32>
    %dot_general3A = arith.constant dense<0.000000e+00> : vector<10240x64xf32>
    %dot_general3A_27 = tpu.matmul %max3A_23, %get3A_26, %dot_general3A {dimension_numbers = #tpu.dot_dimension_numbers<[1], [0], [0], [1], [0, 0, 1, 1], [], []>, transpose_lhs_hint = false} : vector<10240x128xf32>, vector<128x64xf32>, vector<10240x64xf32> -> vector<10240x64xf32>
    %mul3A_28 = vector.broadcast %get3A_1 : vector<10240x1xf32> to vector<10240x64xf32>
    %mul3A_29 = arith.mulf %mul3A_28, %dot_general3A_27 : vector<10240x64xf32>
    %swap3A = arith.constant 0 : index
    %swap3A_30 = arith.constant 0 : index
    %swap3A_31 = vector.load %arg5[%swap3A, %swap3A_30] : memref<10240x64xf32, #tpu.memory_space<vmem>>, vector<10240x64xf32>
    tpu.vector_store %arg5[%swap3A, %swap3A_30], %mul3A_29 {strides = array<i32>} : memref<10240x64xf32, #tpu.memory_space<vmem>>, vector<10240x64xf32>,
    return
  }
}

module attributes {stable_mosaic.version = 14 : i64} {
  func.func @body(%arg0: memref<2x10240x64xf32, #tpu.memory_space<vmem>>, %arg1: memref<10240x64xf32, #tpu.memory_space<vmem>>, %arg2: memref<10240x1xf32, #tpu.memory_space<vmem>>, %arg3: memref<1x64xf32, #tpu.memory_space<vmem>>, %arg4: memref<10240x64xf32, #tpu.memory_space<vmem>>) attributes {dimension_semantics = [], scalar_prefetch = 0 : i64, scratch_operands = 0 : i64, tpu.core_type = #tpu.core_type<tc>} {
    %get3A = arith.constant 0 : index
    %get3A_0 = arith.constant 0 : index
    %get3A_1 = vector.load %arg2[%get3A, %get3A_0] : memref<10240x1xf32, #tpu.memory_space<vmem>>, vector<10240x1xf32>
    %get3A_2 = arith.constant 0 : index
    %get3A_3 = arith.constant 0 : index
    %get3A_4 = arith.constant 0 : index
    %get3A_5 = vector.load %arg0[%get3A_2, %get3A_3, %get3A_4] : memref<2x10240x64xf32, #tpu.memory_space<vmem>>, vector<1x10240x64xf32>
    %get3A_6 = vector.shape_cast %get3A_5 : vector<1x10240x64xf32> to vector<10240x64xf32>
    %get3A_7 = arith.constant 1 : index
    %get3A_8 = arith.constant 0 : index
    %get3A_9 = arith.constant 0 : index
    %get3A_10 = vector.load %arg0[%get3A_7, %get3A_8, %get3A_9] : memref<2x10240x64xf32, #tpu.memory_space<vmem>>, vector<1x10240x64xf32>
    %get3A_11 = vector.shape_cast %get3A_10 : vector<1x10240x64xf32> to vector<10240x64xf32>
    %add3A = arith.addf %get3A_6, %get3A_11 : vector<10240x64xf32>
    %get3A_12 = arith.constant 0 : index
    %get3A_13 = arith.constant 0 : index
    %get3A_14 = vector.load %arg1[%get3A_12, %get3A_13] : memref<10240x64xf32, #tpu.memory_space<vmem>>, vector<10240x64xf32>
    %add3A_15 = arith.addf %add3A, %get3A_14 : vector<10240x64xf32>
    %mul3A = vector.broadcast %get3A_1 : vector<10240x1xf32> to vector<10240x64xf32>
    %mul3A_16 = arith.mulf %mul3A, %add3A_15 : vector<10240x64xf32>
    %get3A_17 = arith.constant 0 : index
    %get3A_18 = arith.constant 0 : index
    %get3A_19 = vector.load %arg3[%get3A_17, %get3A_18] : memref<1x64xf32, #tpu.memory_space<vmem>>, vector<1x64xf32>
    %add3A_20 = vector.broadcast %get3A_19 : vector<1x64xf32> to vector<10240x64xf32>
    %add3A_21 = arith.addf %mul3A_16, %add3A_20 : vector<10240x64xf32>
    %swap3A = arith.constant 0 : index
    %swap3A_22 = arith.constant 0 : index
    %swap3A_23 = vector.load %arg4[%swap3A, %swap3A_22] : memref<10240x64xf32, #tpu.memory_space<vmem>>, vector<10240x64xf32>
    tpu.vector_store %arg4[%swap3A, %swap3A_22], %add3A_21 {strides = array<i32>} : memref<10240x64xf32, #tpu.memory_space<vmem>>, vector<10240x64xf32>,
    return
  }
}

</mosaic_0001>

<sc_bundles>
// kernel: kernel.11.cloned.1.call-start
scs
__scs_entry_jumppad:
0x0: {  	(pc) =	sbr.rel $0x88, $3  }
0x1: {  	(tag) =	ssettag $0x0;
	lr =	simm.s32 $0x1  }
0x2: {  	[smem:$0x3F9B] =	sst lr;
	_ =	strace $0xD0000000  }
0x3: {  	_ = 	snop  }
0x4: {  	_ = 	snop  }
0x5: {  	_ = 	snop  }
0x6: {  	_ = 	snop  }
0x7: {  	_ = 	snop  }
__scs_overlays_trampoline_lowered:
0x8: {  	[smem:$0x3FAA] =	sst s0  }
0x9: {  	[smem:$0x3FAB] =	sst s1  }
0xa: {  	[smem:$0x3FAC] =	sst s2  }
0xb: {  	[smem:$0x3FAD] =	sst s3  }
0xc: {  	[smem:$0x3FAE] =	sst s4  }
0xd: {  	[smem:$0x3FAF] =	sst s5  }
0xe: {  	[smem:$0x3FB0] =	sst s6  }
0xf: {  	[smem:$0x3FB1] =	sst s7  }
0x10: {  	[smem:$0x3FB2] =	sst s8  }
0x11: {  	[smem:$0x3FB3] =	sst s9;
	s0 =	simm.s32 @!p0 $0x0  }
0x12: {  	s1 =	sld [smem:$0x3F99];
	s0 =	simm.s32 @p0 $0x1  }
0x13: {  	[smem:$0x3FB4] =	sst s0;
	s0 =	simm.s32 @!p1 $0x0  }
0x14: {  	s2 =	sld [smem:$0x3F98];
	s0 =	simm.s32 @p1 $0x1  }
0x15: {  	[smem:$0x3FB5] =	sst s0;
	s0 =	simm.s32 @!p2 $0x0  }
0x16: {  	s3 =	sld [smem:$0x3FDB];
	s0 =	simm.s32 @p2 $0x1  }
0x17: {  	s4 =	simm.s32 $0x1BF5;
	[smem:$0x3FB7] =	sst s0  }
0x18: {  	s0 =	sld [smem:$0x3F9A];
	_ =	swait.ge [sflag:s4], $0x0  }
0x19: {  	s7 =	sld [smem:$0x3F9B]  }
0x1a: {  	s8 =	sadd.s32 $0xFFFFE003, lr  }
0x1b: {  	s9 =	sadd.s32 $0xFFFFFEF7, lr;
	s5 =	simm.s32 $0xFFFFFFFF;
	p2 =	slt.u32 s8, $0xFFFFF086  }
0x1c: {  	p1 =	slt.u32 s9, $0xF7A;
	s5 =	simm.s32 @!p2 $0x0  }
0x1d: {  	s5 =	simm.s32 @p1 $0x1;
	p0 =	seq.s32 s7, s2  }
0x1e: {  	s7 =	smul.u32 @!p0 $0xF7A, s2;
	p2 =	seq.s32 @!p0 s5, $0x0  }
0x1f: {  	s9 =	smul.u32 $0xF7A, s1;
	s8 =	simm.s32 @!p0 $0x1BF5;
	p2 =	por !p2, p0  }
0x20: {  	[sflag:s8] =	ssyncset.s32 @!p0 $0xFFFFF086;
	s6 =	sadd.s32 @!p0 s3, s7;
	s7 =	simm.s32 @!p0 $0x108  }
0x21: {  	s3 =	sadd.s32 s3, s9;
	s6 =	sadd.s32 @!p0 $0x88, s6;
	s7 =	simm.s32 @p2 $0x1082  }
0x22: {  	[simem:s7], [sflag:s8] =	dma.local @!p0 [hbm:s6], $0xF7A  }
0x23: {  	s9 =	sor.u32 $0xD0000000, s2;
	s6 =	simm.s32 $0x108;
	_ =	swait.ge @!p0 [sflag:s8], $0x0  }
0x24: {  	s3 =	sadd.s32 $0x88, s3;
	s6 =	simm.s32 @!p1 $0x1082;
	[sflag:s4] =	ssyncset.s32 $0xFFFFF086  }
0x25: {  	[simem:s6], [sflag:s4] =	dma.local [hbm:s3], $0xF7A  }
0x26: {  	[smem:$0x3F9B] =	sst s1;
	(tag) =	ssettag s2;
	_ =	strace s9  }
0x27: {  	s1 =	sld [smem:$0x3FAB]  }
0x28: {  	s2 =	sld [smem:$0x3FAC]  }
0x29: {  	s4 =	sld [smem:$0x3FAE]  }
0x2a: {  	p0 =	seq.s32 s5, $0x0;
	s5 =	sld [smem:$0x3FAF]  }
0x2b: {  	s6 =	sld [smem:$0x3FB0]  }
0x2c: {  	s7 =	sld [smem:$0x3FB1]  }
0x2d: {  	s3 =	simm.s32 $0x108;
	s8 =	sld [smem:$0x3FB2]  }
0x2e: {  	s3 =	simm.s32 @!p0 $0x1082;
	s9 =	sld [smem:$0x3FB3]  }
0x2f: {  	lr =	sadd.s32 s0, s3;
	s0 =	sld [smem:$0x3FAA]  }
0x30: {  	s3 =	sld [smem:$0x3FAD]  }
0x31: {  	[smem:$0x3FB6] =	sst s10  }
0x32: {  	s10 =	sld [smem:$0x3FB4];
	_ =	sdelay $0x3  }
0x33: {  	p0 =	seq.s32 s10, $0x1;
	s10 =	sld [smem:$0x3FB6];
	_ =	sdelay $0x3  }
0x34: {  	[smem:$0x3FB6] =	sst s10  }
0x35: {  	s10 =	sld [smem:$0x3FB5];
	_ =	sdelay $0x3  }
0x36: {  	p1 =	seq.s32 s10, $0x1;
	s10 =	sld [smem:$0x3FB6];
	_ =	sdelay $0x3  }
0x37: {  	[smem:$0x3FB6] =	sst s10  }
0x38: {  	s10 =	sld [smem:$0x3FB7]  }
0x39: {  	_ = 	snop;
	(pc) =	sbr.ind lr, $3  }
0x3a: {  	_ = 	snop  }
0x3b: {  	_ = 	snop  }
0x3c: {  	p2 =	seq.s32 s10, $0x1;
	s10 =	sld [smem:$0x3FB6]  }
0x3d: {  	_ =	shalt  }
0x3e: {  	_ =	shalt  }
0x3f: {  	_ =	shalt  }
0x40: {  	_ =	shalt  }
0x41: {  	_ =	shalt  }
0x42: {  	_ =	shalt  }
0x43: {  	_ =	shalt  }
0x44: {  	_ =	shalt  }
0x45: {  	_ =	shalt  }
0x46: {  	_ =	shalt  }
0x47: {  	_ =	shalt  }
0x48: {  	_ =	shalt  }
0x49: {  	_ =	shalt  }
0x4a: {  	_ =	shalt  }
0x4b: {  	_ =	shalt  }
0x4c: {  	_ =	shalt  }
0x4d: {  	_ =	shalt  }
0x4e: {  	_ =	shalt  }
0x4f: {  	_ =	shalt  }
0x50: {  	_ =	shalt  }
0x51: {  	_ =	shalt  }
0x52: {  	_ =	shalt  }
0x53: {  	_ =	shalt  }
0x54: {  	_ =	shalt  }
0x55: {  	_ =	shalt  }
0x56: {  	_ =	shalt  }
0x57: {  	_ =	shalt  }
0x58: {  	_ =	shalt  }
0x59: {  	_ =	shalt  }
0x5a: {  	_ =	shalt  }
0x5b: {  	_ =	shalt  }
0x5c: {  	_ =	shalt  }
0x5d: {  	_ =	shalt  }
0x5e: {  	_ =	shalt  }
0x5f: {  	_ =	shalt  }
0x60: {  	_ =	shalt  }
0x61: {  	_ =	shalt  }
0x62: {  	_ =	shalt  }
0x63: {  	_ =	shalt  }
0x64: {  	_ =	shalt  }
0x65: {  	_ =	shalt  }
0x66: {  	_ =	shalt  }
0x67: {  	_ =	shalt  }
0x68: {  	_ =	shalt  }
0x69: {  	_ =	shalt  }
0x6a: {  	_ =	shalt  }
0x6b: {  	_ =	shalt  }
0x6c: {  	_ =	shalt  }
0x6d: {  	_ =	shalt  }
0x6e: {  	_ =	shalt  }
0x6f: {  	_ =	shalt  }
0x70: {  	_ =	shalt  }
0x71: {  	_ =	shalt  }
0x72: {  	_ =	shalt  }
0x73: {  	_ =	shalt  }
0x74: {  	_ =	shalt  }
0x75: {  	_ =	shalt  }
0x76: {  	_ =	shalt  }
0x77: {  	_ =	shalt  }
0x78: {  	_ =	shalt  }
0x79: {  	_ =	shalt  }
0x7a: {  	_ =	shalt  }
0x7b: {  	_ =	shalt  }
0x7c: {  	_ =	shalt  }
0x7d: {  	_ =	shalt  }
0x7e: {  	_ =	shalt  }
0x7f: {  	_ =	shalt  }
0x80: {  	_ =	shalt  }
0x81: {  	_ =	shalt  }
0x82: {  	_ =	shalt  }
0x83: {  	_ =	shalt  }
0x84: {  	_ =	shalt  }
0x85: {  	_ =	shalt  }
0x86: {  	_ =	shalt  }
0x87: {  	_ =	shalt  }
.Lfunc_end0:
.L_simem_size_0:
called_computation.1_lowered:
.L_overlay_start_0:
0x88: {  	s2 =	sld [smem:$0x3FD9]  }
0x89: {  	s3 =	sld [smem:$0x3FFE];
	_ =	sdelay $0x1  }
0x8a: {  	s1 =	srdreg.scid  }
0x8b: {  	s0 =	sand.u32 $0x1, s1  }
0x8c: {  	s17 =	sshll.u32 s0, $0xA;
	s2 =	sadd.s32 s3, s2  }
0x8d: {  	s2 =	sadd.s32 s2, s17  }
0x8e: {  	[smem:$0x3FC2] =	sst s2  }
0x8f: {  	_ = 	snop  }
0x90: {  	s2 =	sld [smem:$0x3FD0];
	(tm) =	ssettm $0x1  }
0x91: {  	s18 =	sld [smem:$0x3FFB];
	_ =	sdelay $0x3  }
0x92: {  	_ =	strace s18  }
0x93: {  	s3 =	sld [smem:$0x3FFC];
	_ =	sdelay $0x3  }
0x94: {  	_ =	strace s3  }
0x95: {  	s3 =	sld [smem:$0x3FFD];
	_ =	sdelay $0x3  }
0x96: {  	_ =	strace s3  }
0x97: {  	_ =	strace $0x8FFFFFFF  }
0x98: {  	s19 =	sld [smem:$0x3FDB];
	_ =	sdelay $0x1  }
0x99: {  	s4 =	simm.s32 $_scs_section_size  }
0x9a: {  	s5 =	simm.s32 $_size__tile_overlayer_lowered;
	s6 =	simm.s32 $_tile_overlayer_lowered  }
0x9b: {  	s22 =	simm.s32 $0x1BFF;
	s21 =	sshll.u32 s6, $0x1;
	s3 =	sadd.s32 s4, s19  }
0x9c: {  	s7 =	simm.s32 $0x0;
	s20 =	sshll.u32 s5, $0x1;
	s5 =	sadd.s32 s21, s3  }
0x9d: {  	[timem:s7], [sflag:s22] =	dma.local [hbm:s5], s20  }
0x9e: {  	_ =	swait.ge [sflag:s22], s20  }
0x9f: {  	s4 =	ssub.s32 $0x0, s20;
	[sflag:s22] =	ssyncset.done $0x0  }
0xa0: {  	[sflag:s22] =	ssyncadd.s32 s4;
	_ =	sdelay $0x1  }
0xa1: {  	s23 =	simm.s32 $0x1B8B  }
0xa2: {  	_ =	swait.ge [sflag:s23], $0x1  }
0xa3: {  	[sflag:s23] =	ssyncset.done $0x0  }
0xa4: {  	s25 =	simm.s32 $0x1B8E;
	s24 =	sld [smem:$0x3FFE];
	[sflag:s23] =	ssyncadd.s32 $0xFFFFFFFF  }
0xa5: {  	s26 =	simm.s32 $execute0_lowered;
	[smem:$0x3FD2] =	sst s25  }
0xa6: {  	s5 =	sshll.u32 s26, $0x1;
	_ =	strace $0x80000049;
	[dreg:$0x1] =	wrdreg $0xFFFFFFFF  }
0xa7: {  	s28 =	simm.s32 $_size_execute0_lowered;
	s3 =	sadd.s32 s3, s5;
	[dreg:$0x0] =	wrdreg $0x0  }
0xa8: {  	s5 =	sshll.u32 s28, $0x1;
	[dreg:$0x2] =	wrdreg s3  }
0xa9: {  	[dreg:$0x3] =	wrdreg s5  }
0xaa: {  	[dreg:$0x4] =	wrdreg $0xC0  }
0xab: {  	_ =	task [dreg:s7], $0x5FFFF  }
0xac: {  	[dreg:$0x1] =	wrdreg $0xFFFFFFFF  }
0xad: {  	[dreg:$0x0] =	wrdreg $0x60  }
0xae: {  	[dreg:$0x2] =	wrdreg s24  }
0xaf: {  	[dreg:$0x3] =	wrdreg s2  }
0xb0: {  	[dreg:$0x4] =	wrdreg $0xAE000  }
0xb1: {  	[dreg:$0x5] =	wrdreg $0x9  }
0xb2: {  	_ =	task.clear_ibuf [dreg:s7], $0x6FFFF;
	_ =	strace $0x90000049  }
0xb3: {  	s29 =	simm.s32 $0x9;
	_ =	strace $0x8000004B  }
0xb4: {  	_ =	swait.ge [sflag:s29], $0x1  }
0xb5: {  	[sflag:s29] =	ssyncadd.s32 $0xFFFFFFFF  }
0xb6: {  	_ =	strace $0x9000004B  }
0xb7: {  	_ =	sfence  }
0xb8: {  	s30 =	sld [smem:$0x0];
	_ =	sdelay $0x2  }
0xb9: {  	s31 =	sshll.u32 s1, $0xD;
	s1 =	sshrl.u32 s1, $0x2  }
0xba: {  	s3 =	sand.u32 $0x4000, s31;
	s1 =	sadd.s32 s1, s30  }
0xbb: {  	s0 =	sor.u32 s3, s0;
	s1 =	sshll.u32 s1, $0x11  }
0xbc: {  	s0 =	sor.u32 s1, s0  }
0xbd: {  	s0 =	sadd.s32 $0x8F2B, s0  }
0xbe: {  	[sflag:s0] =	ssyncadd.remote.s32 $0x1  }
0xbf: {  	_ =	sfence.sel $0xFFFF  }
0xc0: {  	[dreg:$0x0] =	wrdreg $0xFFFFFFFF;
	(pc) =	sbr.abs _section_cstart, $3  }
0xc1: {  	[dreg:$0x1] =	wrdreg $0xFFFFFFFF  }
0xc2: {  	_ =	task.clear_ibuf [dreg:s7], $0x2FFFF;
	_ =	strace $0x9FFFFFFF  }
0xc3: {  	(tm) =	ssettm $0x7FFFFFFF  }
tec
execute0_lowered:
.L_overlay_start_1:
0x0: {  	(tag) =	ssettag $0x1  }
0x1: {  	s5 =	rddreg [dreg:$0x0]  }
0x2: {  	s6 =	rddreg [dreg:$0x1]  }
0x3: {  	s1 =	rddreg [dreg:$0x2]  }
0x4: {  	s2 =	srdreg.scid;
	s0 =	rddreg [dreg:$0x3]  }
0x5: {  	s3 =	simm.s32 $0x0;
	s13 =	simm.s32 $0x4;
	s14 =	simm.s32 $0x2E00  }
0x6: {  	s15 =	simm.s32 $0x80;
	s16 =	simm.s32 $0x2C00;
	s17 =	simm.s32 $0x1  }
0x7: {  	s18 =	simm.s32 $0x2D00;
	s19 =	simm.s32 $0x2C80;
	s20 =	simm.s32 $0x6E00  }
0x8: {  	s21 =	simm.s32 $0x2;
	s22 =	simm.s32 $0x2D80;
	s23 =	simm.s32 $0x3  }
0x9: {  	s24 =	simm.s32 $0x0;
	s7 =	sand.u32 $0x1, s2;
	s2 =	stileid.u32  }
0xa: {  	[smem:$0x7FF] =	sst s3;
	s4 =	sadd.s32 $0x2200, s5;
	s8 =	smul.u32 $0x140000, s7  }
0xb: {  	s9 =	smul.u32 $0x14000, s2;
	_ =	strace $0x8000004A;
	s10 =	sshll.u32 s2, $0x1  }
0xc: {  	s30 =	smul.u32 $0x50000, s2;
	s29 =	sor.u32 s7, s10;
	s7 =	ssub.s32 $0x2, s7  }
0xd: {  	s8 =	sadd.s32 s9, s8;
	s9 =	smul.u32 $0x580, s29;
	s31 =	sshrl.u32 s7, $0x1  }
0xe: {  	s10 =	sshrl.u32 s30, $0x2;
	s8 =	sshrl.u32 s8, $0x3;
	s11 =	ssub.s32 s7, s31  }
0xf: {  	s8 =	sadd.s32 s8, s5;
	s5 =	sadd.s32 s6, s9;
	s6 =	sadd.s32 s10, s1  }
0x10: {  	s7 =	sadd.s32 $0x2A200, s8;
	s8 =	smax.u32 s11, $0x1;
	s9 =	sadd.s32 $0x4000, s6  }
0x11: {  	v0 =	vimm.f32 $0.0e+00;
	s10 =	sadd.s32 $0x8000, s6;
	s11 =	sadd.s32 $0xC000, s6;
	s12 =	sadd.s32 $0x10000, s6  }
.LBB2_1:
0x12: {  	[tilespmem:s3], [sflag:$0x4] =	stream.linear.gather [hbm4b:s5+s3], $0x2900, $0x38;
	[tilespmem:$0x1EE00] =	vst v63  }
0x13: {  	_ =	swait.ge [sflag:s13], $0x2900  }
0x14: {  	[sflag:s13] =	ssyncset.done $0x0  }
0x15: {  	s25 =	simm.s32 $0x0;
	s26 =	simm.s32 $0x200;
	[sflag:s13] =	ssyncadd.s32 $0xFFFFD700  }
.LBB2_2:
0x16: {  	p0 =	sne.s32 s26, $0xFE00;
	[tilespmem:s25+$0x2E70] =	vst v0  }
0x17: {  	[tilespmem:s25+$0x2E00] =	vst v0  }
0x18: {  	[tilespmem:s25+$0x2E10] =	vst v0  }
.Ltmp0:
0x19: {  	[tilespmem:s25+$0x2E20] =	vst v0;
	(pc) =	sbr.rel @p0 .LBB2_2-.Ltmp0, $4  }
0x1a: {  	[tilespmem:s25+$0x2E30] =	vst v0  }
0x1b: {  	[tilespmem:s25+$0x2E40] =	vst v0  }
0x1c: {  	[tilespmem:s25+$0x2E50] =	vst v0  }
0x1d: {  	[tilespmem:s25+$0x2E60] =	vst v0;
	s25 =	sshra.s32 s26, $0x2;
	s26 =	sadd.s32 $0x200, s26  }
0x1e: {  	[tilespmem:s25+$0x2E70] =	vst v0  }
0x1f: {  	[tilespmem:s25+$0x2E00] =	vst v0  }
0x20: {  	[tilespmem:s25+$0x2E10] =	vst v0  }
0x21: {  	[tilespmem:s25+$0x2E20] =	vst v0  }
0x22: {  	[tilespmem:s25+$0x2E30] =	vst v0  }
0x23: {  	[tilespmem:s25+$0x2E40] =	vst v0  }
0x24: {  	[tilespmem:s25+$0x2E50] =	vst v0  }
0x25: {  	[tilespmem:s25+$0x2E60] =	vst v0  }
0x26: {  	[spmem:s6] =	stream.linear.scatter [tilespmem:s14], [sflag:$0x4], $0x4000, $0x38;
	[tilespmem:$0x1EE00] =	vst v63  }
0x27: {  	_ =	swait.ge [sflag:s13], $0x4000  }
0x28: {  	[sflag:s13] =	ssyncset.done $0x0  }
0x29: {  	[sflag:s13] =	ssyncadd.s32 $0xFFFFC000  }
0x2a: {  	[spmem:s9] =	stream.linear.scatter [tilespmem:s14], [sflag:$0x4], $0x4000, $0x38;
	[tilespmem:$0x1EE00] =	vst v63  }
0x2b: {  	_ =	swait.ge [sflag:s13], $0x4000  }
0x2c: {  	[sflag:s13] =	ssyncset.done $0x0  }
0x2d: {  	[sflag:s13] =	ssyncadd.s32 $0xFFFFC000  }
0x2e: {  	[spmem:s10] =	stream.linear.scatter [tilespmem:s14], [sflag:$0x4], $0x4000, $0x38;
	[tilespmem:$0x1EE00] =	vst v63  }
0x2f: {  	_ =	swait.ge [sflag:s13], $0x4000  }
0x30: {  	[sflag:s13] =	ssyncset.done $0x0  }
0x31: {  	[sflag:s13] =	ssyncadd.s32 $0xFFFFC000  }
0x32: {  	[spmem:s11] =	stream.linear.scatter [tilespmem:s14], [sflag:$0x4], $0x4000, $0x38;
	[tilespmem:$0x1EE00] =	vst v63  }
0x33: {  	_ =	swait.ge [sflag:s13], $0x4000  }
0x34: {  	[sflag:s13] =	ssyncset.done $0x0  }
0x35: {  	[sflag:s13] =	ssyncadd.s32 $0xFFFFC000  }
0x36: {  	[spmem:s12] =	stream.linear.scatter [tilespmem:s14], [sflag:$0x4], $0x4000, $0x38;
	[tilespmem:$0x1EE00] =	vst v63  }
0x37: {  	_ =	swait.ge [sflag:s13], $0x4000  }
0x38: {  	[sflag:s13] =	ssyncset.done $0x0  }
0x39: {  	[sflag:s13] =	ssyncadd.s32 $0xFFFFC000  }
0x3a: {  	[bflag:$0x0] =	sbarrier.arrive $0xFFFF  }
0x3b: {  	v1 =	vld [tilespmem:$0x0];
	_ =	sdelay $0x1  }
0x3c: {  	v2 =	vld [tilespmem:$0x10];
	_ =	sdelay $0x1  }
0x3d: {  	v3 =	vld [tilespmem:$0x20]  }
0x3e: {  	v4 =	vand.u32 $0x3FFF, v1  }
0x3f: {  	v59 =	vld [tilespmem:$0x30];
	v1 =	vshra.s32 v1, $0xE;
	[tilespmem:$0x2C00] =	vst v4  }
0x40: {  	[tilespmem:$0x2D00] =	vst v1;
	v1 =	vand.u32 $0x3FFF, v2  }
0x41: {  	[tilespmem:$0x2C10] =	vst v1;
	v1 =	vshra.s32 v2, $0xE;
	v2 =	vld [tilespmem:$0x40]  }
0x42: {  	[tilespmem:$0x2D10] =	vst v1;
	v1 =	vand.u32 $0x3FFF, v3  }
0x43: {  	[tilespmem:$0x2C20] =	vst v1;
	v1 =	vshra.s32 v3, $0xE;
	v3 =	vld [tilespmem:$0x50]  }
0x44: {  	[tilespmem:$0x2D20] =	vst v1;
	v1 =	vand.u32 $0x3FFF, v59  }
0x45: {  	v60 =	vld [tilespmem:$0x60];
	[tilespmem:$0x2C30] =	vst v1;
	v1 =	vshra.s32 v59, $0xE  }
0x46: {  	[tilespmem:$0x2D30] =	vst v1;
	v1 =	vand.u32 $0x3FFF, v2  }
0x47: {  	[tilespmem:$0x2C40] =	vst v1;
	v1 =	vshra.s32 v2, $0xE;
	v2 =	vld [tilespmem:$0x70]  }
0x48: {  	[tilespmem:$0x2D40] =	vst v1;
	v1 =	vand.u32 $0x3FFF, v3  }
0x49: {  	[tilespmem:$0x2C50] =	vst v1;
	v1 =	vshra.s32 v3, $0xE  }
0x4a: {  	[tilespmem:$0x2D50] =	vst v1;
	v1 =	vand.u32 $0x3FFF, v60  }
0x4b: {  	[tilespmem:$0x2C60] =	vst v1;
	v1 =	vshra.s32 v60, $0xE  }
0x4c: {  	[tilespmem:$0x2D60] =	vst v1;
	v1 =	vand.u32 $0x3FFF, v2  }
0x4d: {  	[tilespmem:$0x2C70] =	vst v1;
	v1 =	vshra.s32 v2, $0xE  }
0x4e: {  	[tilespmem:$0x2D70] =	vst v1  }
0x4f: {  	[tilespmem:s14], [sflag:$0x1] =	stream.indirect.gather [hbm4b:s4+s15], $0x80, s16, s15, $0xb8;
	[tilespmem:$0x1EE00] =	vst v63  }
0x50: {  	v1 =	vld [tilespmem:$0x80];
	_ =	sdelay $0x1  }
0x51: {  	v2 =	vld [tilespmem:$0x90];
	_ =	sdelay $0x1  }
0x52: {  	v3 =	vld [tilespmem:$0xA0]  }
0x53: {  	v61 =	vand.u32 $0x3FFF, v1  }
0x54: {  	v62 =	vld [tilespmem:$0xB0];
	v1 =	vshra.s32 v1, $0xE;
	[tilespmem:$0x2C80] =	vst v61  }
0x55: {  	[tilespmem:$0x2D80] =	vst v1;
	v1 =	vand.u32 $0x3FFF, v2  }
0x56: {  	[tilespmem:$0x2C90] =	vst v1;
	v1 =	vshra.s32 v2, $0xE;
	v2 =	vld [tilespmem:$0xC0]  }
0x57: {  	[tilespmem:$0x2D90] =	vst v1;
	v1 =	vand.u32 $0x3FFF, v3  }
0x58: {  	[tilespmem:$0x2CA0] =	vst v1;
	v1 =	vshra.s32 v3, $0xE;
	v3 =	vld [tilespmem:$0xD0]  }
0x59: {  	[tilespmem:$0x2DA0] =	vst v1;
	v1 =	vand.u32 $0x3FFF, v62  }
0x5a: {  	v63 =	vld [tilespmem:$0xE0];
	[tilespmem:$0x2CB0] =	vst v1;
	v1 =	vshra.s32 v62, $0xE  }
0x5b: {  	[tilespmem:$0x2DB0] =	vst v1;
	v1 =	vand.u32 $0x3FFF, v2  }
0x5c: {  	[tilespmem:$0x2CC0] =	vst v1;
	v1 =	vshra.s32 v2, $0xE;
	v2 =	vld [tilespmem:$0xF0]  }
0x5d: {  	[tilespmem:$0x2DC0] =	vst v1;
	v1 =	vand.u32 $0x3FFF, v3  }
0x5e: {  	[tilespmem:$0x2CD0] =	vst v1;
	v1 =	vshra.s32 v3, $0xE  }
0x5f: {  	[tilespmem:$0x2DD0] =	vst v1;
	v1 =	vand.u32 $0x3FFF, v63  }
0x60: {  	[tilespmem:$0x2CE0] =	vst v1;
	v1 =	vshra.s32 v63, $0xE  }
0x61: {  	[tilespmem:$0x2DE0] =	vst v1;
	v1 =	vand.u32 $0x3FFF, v2  }
0x62: {  	[tilespmem:$0x2CF0] =	vst v1;
	v1 =	vshra.s32 v2, $0xE  }
0x63: {  	[tilespmem:$0x2DF0] =	vst v1  }
0x64: {  	_ =	swait.ge [sflag:s17], $0x4000  }
0x65: {  	[sflag:s17] =	ssyncset.done $0x0  }
0x66: {  	[sflag:s17] =	ssyncadd.s32 $0xFFFFC000  }
0x67: {  	[spmem:s1] =	stream.indirect.scatter.add.f32 [tilespmem:s14], [sflag:$0x2], $0x80, s18, s15, $0xb8;
	[tilespmem:$0x1EE00] =	vst v63  }
0x68: {  	_ = 	snop  }
0x69: {  	[tilespmem:s20], [sflag:$0x1] =	stream.indirect.gather [hbm4b:s4+s15], $0x80, s19, s15, $0xb8;
	[tilespmem:$0x1EE00] =	vst v63  }
0x6a: {  	_ =	swait.ge [sflag:s21], $0x4000  }
0x6b: {  	[sflag:s21] =	ssyncset.done $0x0  }
0x6c: {  	s25 =	simm.s32 $0x1F0;
	[sflag:s21] =	ssyncadd.s32 $0xFFFFC000  }
0x6d: {  	v1 =	vld [tilespmem:s25+$0xFFFFFF10];
	_ =	sdelay $0x4  }
0x6e: {  	v2 =	vand.u32 $0x3FFF, v1  }
0x6f: {  	v1 =	vshra.s32 v1, $0xE;
	[tilespmem:$0x2C00] =	vst v2  }
0x70: {  	[tilespmem:$0x2D00] =	vst v1  }
0x71: {  	v1 =	vld [tilespmem:s25+$0xFFFFFF20];
	_ =	sdelay $0x4  }
0x72: {  	v2 =	vand.u32 $0x3FFF, v1  }
0x73: {  	v1 =	vshra.s32 v1, $0xE;
	[tilespmem:$0x2C10] =	vst v2  }
0x74: {  	[tilespmem:$0x2D10] =	vst v1  }
0x75: {  	v1 =	vld [tilespmem:s25+$0xFFFFFF30];
	_ =	sdelay $0x4  }
0x76: {  	v2 =	vand.u32 $0x3FFF, v1  }
0x77: {  	v1 =	vshra.s32 v1, $0xE;
	[tilespmem:$0x2C20] =	vst v2  }
0x78: {  	[tilespmem:$0x2D20] =	vst v1  }
0x79: {  	v1 =	vld [tilespmem:s25+$0xFFFFFF40];
	_ =	sdelay $0x4  }
0x7a: {  	v2 =	vand.u32 $0x3FFF, v1  }
0x7b: {  	v1 =	vshra.s32 v1, $0xE;
	[tilespmem:$0x2C30] =	vst v2  }
0x7c: {  	[tilespmem:$0x2D30] =	vst v1  }
0x7d: {  	v1 =	vld [tilespmem:s25+$0xFFFFFF50];
	_ =	sdelay $0x4  }
0x7e: {  	v2 =	vand.u32 $0x3FFF, v1  }
0x7f: {  	v1 =	vshra.s32 v1, $0xE;
	[tilespmem:$0x2C40] =	vst v2  }
0x80: {  	[tilespmem:$0x2D40] =	vst v1  }
0x81: {  	v1 =	vld [tilespmem:s25+$0xFFFFFF60];
	_ =	sdelay $0x4  }
0x82: {  	v2 =	vand.u32 $0x3FFF, v1  }
0x83: {  	v1 =	vshra.s32 v1, $0xE;
	[tilespmem:$0x2C50] =	vst v2  }
0x84: {  	[tilespmem:$0x2D50] =	vst v1  }
0x85: {  	v1 =	vld [tilespmem:s25+$0xFFFFFF70];
	_ =	sdelay $0x4  }
0x86: {  	v2 =	vand.u32 $0x3FFF, v1  }
0x87: {  	v1 =	vshra.s32 v1, $0xE;
	[tilespmem:$0x2C60] =	vst v2  }
0x88: {  	[tilespmem:$0x2D60] =	vst v1  }
0x89: {  	v1 =	vld [tilespmem:s25+$0xFFFFFF80];
	_ =	sdelay $0x4  }
0x8a: {  	v2 =	vand.u32 $0x3FFF, v1  }
0x8b: {  	v1 =	vshra.s32 v1, $0xE;
	[tilespmem:$0x2C70] =	vst v2  }
0x8c: {  	[tilespmem:$0x2D70] =	vst v1  }
0x8d: {  	_ =	swait.ge [sflag:s17], $0x4000  }
0x8e: {  	[sflag:s17] =	ssyncset.done $0x0  }
0x8f: {  	[sflag:s17] =	ssyncadd.s32 $0xFFFFC000  }
0x90: {  	[spmem:s1] =	stream.indirect.scatter.add.f32 [tilespmem:s20], [sflag:$0x3], $0x80, s22, s15, $0xb8;
	[tilespmem:$0x1EE00] =	vst v63  }
0x91: {  	_ = 	snop  }
0x92: {  	[tilespmem:s14], [sflag:$0x1] =	stream.indirect.gather [hbm4b:s4+s15], $0x80, s16, s15, $0xb8;
	[tilespmem:$0x1EE00] =	vst v63  }
0x93: {  	_ =	swait.ge [sflag:s23], $0x4000  }
0x94: {  	[sflag:s23] =	ssyncset.done $0x0  }
0x95: {  	[sflag:s23] =	ssyncadd.s32 $0xFFFFC000  }
0x96: {  	v1 =	vld [tilespmem:s25+$0xFFFFFF90];
	_ =	sdelay $0x4  }
0x97: {  	v2 =	vand.u32 $0x3FFF, v1  }
0x98: {  	v1 =	vshra.s32 v1, $0xE;
	[tilespmem:$0x2C80] =	vst v2  }
0x99: {  	[tilespmem:$0x2D80] =	vst v1  }
0x9a: {  	v1 =	vld [tilespmem:s25+$0xFFFFFFA0];
	_ =	sdelay $0x4  }
0x9b: {  	v2 =	vand.u32 $0x3FFF, v1  }
0x9c: {  	v1 =	vshra.s32 v1, $0xE;
	[tilespmem:$0x2C90] =	vst v2  }
0x9d: {  	[tilespmem:$0x2D90] =	vst v1  }
0x9e: {  	v1 =	vld [tilespmem:s25+$0xFFFFFFB0];
	_ =	sdelay $0x4  }
0x9f: {  	v2 =	vand.u32 $0x3FFF, v1  }
0xa0: {  	v1 =	vshra.s32 v1, $0xE;
	[tilespmem:$0x2CA0] =	vst v2  }
0xa1: {  	[tilespmem:$0x2DA0] =	vst v1  }
0xa2: {  	v1 =	vld [tilespmem:s25+$0xFFFFFFC0];
	_ =	sdelay $0x4  }
0xa3: {  	v2 =	vand.u32 $0x3FFF, v1  }
0xa4: {  	v1 =	vshra.s32 v1, $0xE;
	[tilespmem:$0x2CB0] =	vst v2  }
0xa5: {  	[tilespmem:$0x2DB0] =	vst v1  }
0xa6: {  	v1 =	vld [tilespmem:s25+$0xFFFFFFD0];
	_ =	sdelay $0x4  }
0xa7: {  	v2 =	vand.u32 $0x3FFF, v1  }
0xa8: {  	v1 =	vshra.s32 v1, $0xE;
	[tilespmem:$0x2CC0] =	vst v2  }
0xa9: {  	[tilespmem:$0x2DC0] =	vst v1  }
0xaa: {  	v1 =	vld [tilespmem:s25+$0xFFFFFFE0];
	_ =	sdelay $0x4  }
0xab: {  	v2 =	vand.u32 $0x3FFF, v1  }
0xac: {  	v1 =	vshra.s32 v1, $0xE;
	[tilespmem:$0x2CD0] =	vst v2  }
0xad: {  	[tilespmem:$0x2DD0] =	vst v1  }
0xae: {  	s26 =	simm.s32 $0xBC0;
	v1 =	vld [tilespmem:s25+$0xFFFFFFF0]  }
.LBB2_4:
0xaf: {  	_ = 	snop  }
0xb0: {  	p0 =	sne.s32 s26, $0xA3C0;
	s28 =	smov.u32 s26;
	s26 =	sadd.s32 $0x400, s26  }
0xb1: {  	_ =	sdelay $0x1  }
0xb2: {  	v2 =	vand.u32 $0x3FFF, v1;
	v1 =	vshra.s32 v1, $0xE  }
0xb3: {  	[tilespmem:$0x2CE0] =	vst v2  }
0xb4: {  	[tilespmem:$0x2DE0] =	vst v1  }
0xb5: {  	v1 =	vld [tilespmem:s25+$0x0];
	_ =	sdelay $0x4  }
0xb6: {  	v2 =	vand.u32 $0x3FFF, v1;
	v1 =	vshra.s32 v1, $0xE  }
0xb7: {  	[tilespmem:$0x2CF0] =	vst v2  }
0xb8: {  	[tilespmem:$0x2DF0] =	vst v1  }
0xb9: {  	_ =	swait.ge [sflag:s17], $0x4000  }
0xba: {  	[sflag:s17] =	ssyncset.done $0x0  }
0xbb: {  	[sflag:s17] =	ssyncadd.s32 $0xFFFFC000  }
0xbc: {  	[spmem:s1] =	stream.indirect.scatter.add.f32 [tilespmem:s14], [sflag:$0x2], $0x80, s18, s15, $0xb8;
	[tilespmem:$0x1EE00] =	vst v63  }
0xbd: {  	_ = 	snop  }
0xbe: {  	[tilespmem:s20], [sflag:$0x1] =	stream.indirect.gather [hbm4b:s4+s15], $0x80, s19, s15, $0xb8;
	[tilespmem:$0x1EE00] =	vst v63  }
0xbf: {  	_ =	swait.ge [sflag:s21], $0x4000  }
0xc0: {  	[sflag:s21] =	ssyncset.done $0x0  }
0xc1: {  	s25 =	sshra.s32 s28, $0x2;
	[sflag:s21] =	ssyncadd.s32 $0xFFFFC000  }
0xc2: {  	v1 =	vld [tilespmem:s25+$0xFFFFFF10];
	_ =	sdelay $0x4  }
0xc3: {  	v2 =	vand.u32 $0x3FFF, v1;
	v1 =	vshra.s32 v1, $0xE  }
0xc4: {  	[tilespmem:$0x2C00] =	vst v2  }
0xc5: {  	[tilespmem:$0x2D00] =	vst v1  }
0xc6: {  	v1 =	vld [tilespmem:s25+$0xFFFFFF20];
	_ =	sdelay $0x4  }
0xc7: {  	v2 =	vand.u32 $0x3FFF, v1;
	v1 =	vshra.s32 v1, $0xE  }
0xc8: {  	[tilespmem:$0x2C10] =	vst v2  }
0xc9: {  	[tilespmem:$0x2D10] =	vst v1  }
0xca: {  	v1 =	vld [tilespmem:s25+$0xFFFFFF30];
	_ =	sdelay $0x4  }
0xcb: {  	v2 =	vand.u32 $0x3FFF, v1;
	v1 =	vshra.s32 v1, $0xE  }
0xcc: {  	[tilespmem:$0x2C20] =	vst v2  }
0xcd: {  	[tilespmem:$0x2D20] =	vst v1  }
0xce: {  	v1 =	vld [tilespmem:s25+$0xFFFFFF40];
	_ =	sdelay $0x4  }
0xcf: {  	v2 =	vand.u32 $0x3FFF, v1;
	v1 =	vshra.s32 v1, $0xE  }
0xd0: {  	[tilespmem:$0x2C30] =	vst v2  }
0xd1: {  	[tilespmem:$0x2D30] =	vst v1  }
0xd2: {  	v1 =	vld [tilespmem:s25+$0xFFFFFF50];
	_ =	sdelay $0x4  }
0xd3: {  	v2 =	vand.u32 $0x3FFF, v1;
	v1 =	vshra.s32 v1, $0xE  }
0xd4: {  	[tilespmem:$0x2C40] =	vst v2  }
0xd5: {  	[tilespmem:$0x2D40] =	vst v1  }
0xd6: {  	v1 =	vld [tilespmem:s25+$0xFFFFFF60];
	_ =	sdelay $0x4  }
0xd7: {  	v2 =	vand.u32 $0x3FFF, v1;
	v1 =	vshra.s32 v1, $0xE  }
0xd8: {  	[tilespmem:$0x2C50] =	vst v2  }
0xd9: {  	[tilespmem:$0x2D50] =	vst v1  }
0xda: {  	v1 =	vld [tilespmem:s25+$0xFFFFFF70];
	_ =	sdelay $0x4  }
0xdb: {  	v2 =	vand.u32 $0x3FFF, v1;
	v1 =	vshra.s32 v1, $0xE  }
0xdc: {  	[tilespmem:$0x2C60] =	vst v2  }
0xdd: {  	[tilespmem:$0x2D60] =	vst v1  }
0xde: {  	v1 =	vld [tilespmem:s25+$0xFFFFFF80];
	_ =	sdelay $0x4  }
0xdf: {  	v2 =	vand.u32 $0x3FFF, v1;
	v1 =	vshra.s32 v1, $0xE  }
0xe0: {  	[tilespmem:$0x2C70] =	vst v2  }
0xe1: {  	[tilespmem:$0x2D70] =	vst v1  }
0xe2: {  	_ =	swait.ge [sflag:s17], $0x4000  }
0xe3: {  	[sflag:s17] =	ssyncset.done $0x0  }
0xe4: {  	[sflag:s17] =	ssyncadd.s32 $0xFFFFC000  }
0xe5: {  	[spmem:s1] =	stream.indirect.scatter.add.f32 [tilespmem:s20], [sflag:$0x3], $0x80, s22, s15, $0xb8;
	[tilespmem:$0x1EE00] =	vst v63  }
0xe6: {  	_ = 	snop  }
0xe7: {  	[tilespmem:s14], [sflag:$0x1] =	stream.indirect.gather [hbm4b:s4+s15], $0x80, s16, s15, $0xb8;
	[tilespmem:$0x1EE00] =	vst v63  }
0xe8: {  	_ =	swait.ge [sflag:s23], $0x4000  }
0xe9: {  	[sflag:s23] =	ssyncset.done $0x0  }
0xea: {  	[sflag:s23] =	ssyncadd.s32 $0xFFFFC000  }
0xeb: {  	v1 =	vld [tilespmem:s25+$0xFFFFFF90];
	_ =	sdelay $0x4  }
0xec: {  	v2 =	vand.u32 $0x3FFF, v1;
	v1 =	vshra.s32 v1, $0xE  }
0xed: {  	[tilespmem:$0x2C80] =	vst v2  }
0xee: {  	[tilespmem:$0x2D80] =	vst v1  }
0xef: {  	v1 =	vld [tilespmem:s25+$0xFFFFFFA0];
	_ =	sdelay $0x4  }
0xf0: {  	v2 =	vand.u32 $0x3FFF, v1;
	v1 =	vshra.s32 v1, $0xE  }
0xf1: {  	[tilespmem:$0x2C90] =	vst v2  }
0xf2: {  	[tilespmem:$0x2D90] =	vst v1  }
0xf3: {  	v1 =	vld [tilespmem:s25+$0xFFFFFFB0];
	_ =	sdelay $0x4  }
0xf4: {  	v2 =	vand.u32 $0x3FFF, v1;
	v1 =	vshra.s32 v1, $0xE  }
0xf5: {  	[tilespmem:$0x2CA0] =	vst v2  }
0xf6: {  	[tilespmem:$0x2DA0] =	vst v1  }
0xf7: {  	v1 =	vld [tilespmem:s25+$0xFFFFFFC0];
	_ =	sdelay $0x4  }
0xf8: {  	v2 =	vand.u32 $0x3FFF, v1;
	v1 =	vshra.s32 v1, $0xE  }
0xf9: {  	[tilespmem:$0x2CB0] =	vst v2  }
0xfa: {  	[tilespmem:$0x2DB0] =	vst v1  }
0xfb: {  	v1 =	vld [tilespmem:s25+$0xFFFFFFD0];
	_ =	sdelay $0x4  }
0xfc: {  	v2 =	vand.u32 $0x3FFF, v1;
	v1 =	vshra.s32 v1, $0xE  }
0xfd: {  	[tilespmem:$0x2CC0] =	vst v2  }
0xfe: {  	[tilespmem:$0x2DC0] =	vst v1  }
0xff: {  	v1 =	vld [tilespmem:s25+$0xFFFFFFE0];
	_ =	sdelay $0x3  }
.Ltmp1:
0x100: {  	(pc) =	sbr.rel @p0 .LBB2_4-.Ltmp1, $4  }
0x101: {  	v2 =	vand.u32 $0x3FFF, v1;
	v1 =	vshra.s32 v1, $0xE  }
0x102: {  	[tilespmem:$0x2CD0] =	vst v2  }
0x103: {  	[tilespmem:$0x2DD0] =	vst v1  }
0x104: {  	v1 =	vld [tilespmem:s25+$0xFFFFFFF0]  }
0x105: {  	_ =	sdelay $0x3  }
0x106: {  	v2 =	vand.u32 $0x3FFF, v1  }
0x107: {  	v1 =	vshra.s32 v1, $0xE;
	[tilespmem:$0x2CE0] =	vst v2  }
0x108: {  	[tilespmem:$0x2DE0] =	vst v1  }
0x109: {  	v1 =	vld [tilespmem:s25+$0x0];
	_ =	sdelay $0x4  }
0x10a: {  	v2 =	vand.u32 $0x3FFF, v1  }
0x10b: {  	v1 =	vshra.s32 v1, $0xE;
	[tilespmem:$0x2CF0] =	vst v2  }
0x10c: {  	[tilespmem:$0x2DF0] =	vst v1  }
0x10d: {  	_ =	swait.ge [sflag:s17], $0x4000  }
0x10e: {  	s31 =	sshll.u32 s2, $0x6;
	s24 =	sadd.s32 $0x1, s24;
	[sflag:s17] =	ssyncset.done $0x0  }
0x10f: {  	s26 =	sshrl.u32 s6, $0x3;
	p0 =	sne.s32 s24, s8;
	[sflag:s17] =	ssyncadd.s32 $0xFFFFC000  }
.Ltmp2:
0x110: {  	s25 =	sor.u32 $0x1C04, s31;
	[bflag:$0x0] =	sbarrier.arrive $0xFFFF;
	(pc) =	sbr.rel @p0 .LBB2_1-.Ltmp2, $4  }
0x111: {  	[hbm:s7], [sflag:s25] =	dma.local [spmem:s26], $0x2800  }
0x112: {  	_ =	swait.ge [sflag:s13], $0x2800  }
0x113: {  	[sflag:s13] =	ssyncset.done $0x0  }
0x114: {  	[sflag:s13] =	ssyncadd.s32 $0xFFFFD800  }
0x115: {  	_ =	sfence.sel $0x180000  }
0x116: {  	[bflag:$0x0] =	sbarrier.arrive $0xFFFF  }
0x117: {  	p0 =	sne.s32 s2, $0x0;
	_ =	strace $0x9000004A  }
0x118: {  	s0 =	sadd.s32 @!p0 $0x100000, s0;
	[bflag:$0x2] =	sbarrier.arrive $0xFFFF  }
0x119: {  	[sflag:s0] =	ssyncadd.tile.s32 @!p0 $0x1;
	_ =	shalt  }
.Lfunc_end2:
_tile_overlayer_lowered:
.L_overlay_start_2:
0x11a: {  	(tag) =	ssettag $0x2  }
0x11b: {  	s0 =	rddreg [dreg:$0x0];
	s2 =	stileid.u32  }
0x11c: {  	s1 =	rddreg [dreg:$0x1];
	p0 =	sne.s32 s2, $0x0  }
0x11d: {  	s3 =	rddreg [dreg:$0x2];
	[bflag:$0x3] =	sbarrier.arrive $0xFFFF;
	s2 =	simm.s32 @!p0 $0x1C04  }
0x11e: {  	[timem:s3], [sflag:s2] =	dma.local @!p0 [hbm:s0], s1  }
0x11f: {  	s0 =	simm.s32 @!p0 $0x4  }
0x120: {  	_ =	swait.ge @!p0 [sflag:s0], s1  }
0x121: {  	s1 =	ssub.s32 @!p0 $0x0, s1;
	[sflag:s0] =	ssyncset.done @!p0 $0x0  }
0x122: {  	[sflag:s0] =	ssyncadd.s32 @!p0 s1  }
0x123: {  	[bflag:$0x3] =	sbarrier.arrive $0xFFFF  }
0x124: {  	_ =	shalt  }

// kernel: kernel.14.cloned.1.call-start
scs
__scs_entry_jumppad:
0x0: {  	(pc) =	sbr.rel $0x88, $3  }
0x1: {  	(tag) =	ssettag $0x0;
	lr =	simm.s32 $0x1  }
0x2: {  	[smem:$0x3F9B] =	sst lr;
	_ =	strace $0xD0000000  }
0x3: {  	_ = 	snop  }
0x4: {  	_ = 	snop  }
0x5: {  	_ = 	snop  }
0x6: {  	_ = 	snop  }
0x7: {  	_ = 	snop  }
__scs_overlays_trampoline_lowered:
0x8: {  	[smem:$0x3FAA] =	sst s0  }
0x9: {  	[smem:$0x3FAB] =	sst s1  }
0xa: {  	[smem:$0x3FAC] =	sst s2  }
0xb: {  	[smem:$0x3FAD] =	sst s3  }
0xc: {  	[smem:$0x3FAE] =	sst s4  }
0xd: {  	[smem:$0x3FAF] =	sst s5  }
0xe: {  	[smem:$0x3FB0] =	sst s6  }
0xf: {  	[smem:$0x3FB1] =	sst s7  }
0x10: {  	[smem:$0x3FB2] =	sst s8  }
0x11: {  	[smem:$0x3FB3] =	sst s9;
	s0 =	simm.s32 @!p0 $0x0  }
0x12: {  	s1 =	sld [smem:$0x3F99];
	s0 =	simm.s32 @p0 $0x1  }
0x13: {  	[smem:$0x3FB4] =	sst s0;
	s0 =	simm.s32 @!p1 $0x0  }
0x14: {  	s2 =	sld [smem:$0x3F98];
	s0 =	simm.s32 @p1 $0x1  }
0x15: {  	[smem:$0x3FB5] =	sst s0;
	s0 =	simm.s32 @!p2 $0x0  }
0x16: {  	s3 =	sld [smem:$0x3FDB];
	s0 =	simm.s32 @p2 $0x1  }
0x17: {  	s4 =	simm.s32 $0x1BF5;
	[smem:$0x3FB7] =	sst s0  }
0x18: {  	s0 =	sld [smem:$0x3F9A];
	_ =	swait.ge [sflag:s4], $0x0  }
0x19: {  	s7 =	sld [smem:$0x3F9B]  }
0x1a: {  	s8 =	sadd.s32 $0xFFFFE003, lr  }
0x1b: {  	s9 =	sadd.s32 $0xFFFFFEF7, lr;
	s5 =	simm.s32 $0xFFFFFFFF;
	p2 =	slt.u32 s8, $0xFFFFF086  }
0x1c: {  	p1 =	slt.u32 s9, $0xF7A;
	s5 =	simm.s32 @!p2 $0x0  }
0x1d: {  	s5 =	simm.s32 @p1 $0x1;
	p0 =	seq.s32 s7, s2  }
0x1e: {  	s7 =	smul.u32 @!p0 $0xF7A, s2;
	p2 =	seq.s32 @!p0 s5, $0x0  }
0x1f: {  	s9 =	smul.u32 $0xF7A, s1;
	s8 =	simm.s32 @!p0 $0x1BF5;
	p2 =	por !p2, p0  }
0x20: {  	[sflag:s8] =	ssyncset.s32 @!p0 $0xFFFFF086;
	s6 =	sadd.s32 @!p0 s3, s7;
	s7 =	simm.s32 @!p0 $0x108  }
0x21: {  	s3 =	sadd.s32 s3, s9;
	s6 =	sadd.s32 @!p0 $0x88, s6;
	s7 =	simm.s32 @p2 $0x1082  }
0x22: {  	[simem:s7], [sflag:s8] =	dma.local @!p0 [hbm:s6], $0xF7A  }
0x23: {  	s9 =	sor.u32 $0xD0000000, s2;
	s6 =	simm.s32 $0x108;
	_ =	swait.ge @!p0 [sflag:s8], $0x0  }
0x24: {  	s3 =	sadd.s32 $0x88, s3;
	s6 =	simm.s32 @!p1 $0x1082;
	[sflag:s4] =	ssyncset.s32 $0xFFFFF086  }
0x25: {  	[simem:s6], [sflag:s4] =	dma.local [hbm:s3], $0xF7A  }
0x26: {  	[smem:$0x3F9B] =	sst s1;
	(tag) =	ssettag s2;
	_ =	strace s9  }
0x27: {  	s1 =	sld [smem:$0x3FAB]  }
0x28: {  	s2 =	sld [smem:$0x3FAC]  }
0x29: {  	s4 =	sld [smem:$0x3FAE]  }
0x2a: {  	p0 =	seq.s32 s5, $0x0;
	s5 =	sld [smem:$0x3FAF]  }
0x2b: {  	s6 =	sld [smem:$0x3FB0]  }
0x2c: {  	s7 =	sld [smem:$0x3FB1]  }
0x2d: {  	s3 =	simm.s32 $0x108;
	s8 =	sld [smem:$0x3FB2]  }
0x2e: {  	s3 =	simm.s32 @!p0 $0x1082;
	s9 =	sld [smem:$0x3FB3]  }
0x2f: {  	lr =	sadd.s32 s0, s3;
	s0 =	sld [smem:$0x3FAA]  }
0x30: {  	s3 =	sld [smem:$0x3FAD]  }
0x31: {  	[smem:$0x3FB6] =	sst s10  }
0x32: {  	s10 =	sld [smem:$0x3FB4];
	_ =	sdelay $0x3  }
0x33: {  	p0 =	seq.s32 s10, $0x1;
	s10 =	sld [smem:$0x3FB6];
	_ =	sdelay $0x3  }
0x34: {  	[smem:$0x3FB6] =	sst s10  }
0x35: {  	s10 =	sld [smem:$0x3FB5];
	_ =	sdelay $0x3  }
0x36: {  	p1 =	seq.s32 s10, $0x1;
	s10 =	sld [smem:$0x3FB6];
	_ =	sdelay $0x3  }
0x37: {  	[smem:$0x3FB6] =	sst s10  }
0x38: {  	s10 =	sld [smem:$0x3FB7]  }
0x39: {  	_ = 	snop;
	(pc) =	sbr.ind lr, $3  }
0x3a: {  	_ = 	snop  }
0x3b: {  	_ = 	snop  }
0x3c: {  	p2 =	seq.s32 s10, $0x1;
	s10 =	sld [smem:$0x3FB6]  }
0x3d: {  	_ =	shalt  }
0x3e: {  	_ =	shalt  }
0x3f: {  	_ =	shalt  }
0x40: {  	_ =	shalt  }
0x41: {  	_ =	shalt  }
0x42: {  	_ =	shalt  }
0x43: {  	_ =	shalt  }
0x44: {  	_ =	shalt  }
0x45: {  	_ =	shalt  }
0x46: {  	_ =	shalt  }
0x47: {  	_ =	shalt  }
0x48: {  	_ =	shalt  }
0x49: {  	_ =	shalt  }
0x4a: {  	_ =	shalt  }
0x4b: {  	_ =	shalt  }
0x4c: {  	_ =	shalt  }
0x4d: {  	_ =	shalt  }
0x4e: {  	_ =	shalt  }
0x4f: {  	_ =	shalt  }
0x50: {  	_ =	shalt  }
0x51: {  	_ =	shalt  }
0x52: {  	_ =	shalt  }
0x53: {  	_ =	shalt  }
0x54: {  	_ =	shalt  }
0x55: {  	_ =	shalt  }
0x56: {  	_ =	shalt  }
0x57: {  	_ =	shalt  }
0x58: {  	_ =	shalt  }
0x59: {  	_ =	shalt  }
0x5a: {  	_ =	shalt  }
0x5b: {  	_ =	shalt  }
0x5c: {  	_ =	shalt  }
0x5d: {  	_ =	shalt  }
0x5e: {  	_ =	shalt  }
0x5f: {  	_ =	shalt  }
0x60: {  	_ =	shalt  }
0x61: {  	_ =	shalt  }
0x62: {  	_ =	shalt  }
0x63: {  	_ =	shalt  }
0x64: {  	_ =	shalt  }
0x65: {  	_ =	shalt  }
0x66: {  	_ =	shalt  }
0x67: {  	_ =	shalt  }
0x68: {  	_ =	shalt  }
0x69: {  	_ =	shalt  }
0x6a: {  	_ =	shalt  }
0x6b: {  	_ =	shalt  }
0x6c: {  	_ =	shalt  }
0x6d: {  	_ =	shalt  }
0x6e: {  	_ =	shalt  }
0x6f: {  	_ =	shalt  }
0x70: {  	_ =	shalt  }
0x71: {  	_ =	shalt  }
0x72: {  	_ =	shalt  }
0x73: {  	_ =	shalt  }
0x74: {  	_ =	shalt  }
0x75: {  	_ =	shalt  }
0x76: {  	_ =	shalt  }
0x77: {  	_ =	shalt  }
0x78: {  	_ =	shalt  }
0x79: {  	_ =	shalt  }
0x7a: {  	_ =	shalt  }
0x7b: {  	_ =	shalt  }
0x7c: {  	_ =	shalt  }
0x7d: {  	_ =	shalt  }
0x7e: {  	_ =	shalt  }
0x7f: {  	_ =	shalt  }
0x80: {  	_ =	shalt  }
0x81: {  	_ =	shalt  }
0x82: {  	_ =	shalt  }
0x83: {  	_ =	shalt  }
0x84: {  	_ =	shalt  }
0x85: {  	_ =	shalt  }
0x86: {  	_ =	shalt  }
0x87: {  	_ =	shalt  }
.Lfunc_end0:
.L_simem_size_0:
called_computation.2_lowered:
.L_overlay_start_0:
0x88: {  	s2 =	sld [smem:$0x3FD9]  }
0x89: {  	s3 =	sld [smem:$0x3FFE];
	_ =	sdelay $0x1  }
0x8a: {  	s1 =	srdreg.scid  }
0x8b: {  	s0 =	sand.u32 $0x1, s1  }
0x8c: {  	s17 =	sshll.u32 s0, $0xA;
	s2 =	sadd.s32 s3, s2  }
0x8d: {  	s2 =	sadd.s32 s2, s17  }
0x8e: {  	[smem:$0x3FC2] =	sst s2  }
0x8f: {  	_ = 	snop  }
0x90: {  	s2 =	sld [smem:$0x3FD0];
	(tm) =	ssettm $0x1  }
0x91: {  	s18 =	sld [smem:$0x3FFB];
	_ =	sdelay $0x3  }
0x92: {  	_ =	strace s18  }
0x93: {  	s3 =	sld [smem:$0x3FFC];
	_ =	sdelay $0x3  }
0x94: {  	_ =	strace s3  }
0x95: {  	s3 =	sld [smem:$0x3FFD];
	_ =	sdelay $0x3  }
0x96: {  	_ =	strace s3  }
0x97: {  	_ =	strace $0x8FFFFFFF  }
0x98: {  	s19 =	sld [smem:$0x3FDB];
	_ =	sdelay $0x1  }
0x99: {  	s4 =	simm.s32 $_scs_section_size  }
0x9a: {  	s5 =	simm.s32 $_size__tile_overlayer_lowered;
	s6 =	simm.s32 $_tile_overlayer_lowered  }
0x9b: {  	s22 =	simm.s32 $0x1BFF;
	s21 =	sshll.u32 s6, $0x1;
	s3 =	sadd.s32 s4, s19  }
0x9c: {  	s7 =	simm.s32 $0x0;
	s20 =	sshll.u32 s5, $0x1;
	s5 =	sadd.s32 s21, s3  }
0x9d: {  	[timem:s7], [sflag:s22] =	dma.local [hbm:s5], s20  }
0x9e: {  	_ =	swait.ge [sflag:s22], s20  }
0x9f: {  	s4 =	ssub.s32 $0x0, s20;
	[sflag:s22] =	ssyncset.done $0x0  }
0xa0: {  	[sflag:s22] =	ssyncadd.s32 s4;
	_ =	sdelay $0x1  }
0xa1: {  	s23 =	simm.s32 $0x1B8B  }
0xa2: {  	_ =	swait.ge [sflag:s23], $0x1  }
0xa3: {  	[sflag:s23] =	ssyncset.done $0x0  }
0xa4: {  	s25 =	simm.s32 $0x1B8E;
	s24 =	sld [smem:$0x3FFE];
	[sflag:s23] =	ssyncadd.s32 $0xFFFFFFFF  }
0xa5: {  	s26 =	simm.s32 $execute0_lowered;
	[smem:$0x3FD2] =	sst s25  }
0xa6: {  	s5 =	sshll.u32 s26, $0x1;
	_ =	strace $0x8000004C;
	[dreg:$0x1] =	wrdreg $0xFFFFFFFF  }
0xa7: {  	s28 =	simm.s32 $_size_execute0_lowered;
	s3 =	sadd.s32 s3, s5;
	[dreg:$0x0] =	wrdreg $0x0  }
0xa8: {  	s5 =	sshll.u32 s28, $0x1;
	[dreg:$0x2] =	wrdreg s3  }
0xa9: {  	[dreg:$0x3] =	wrdreg s5  }
0xaa: {  	[dreg:$0x4] =	wrdreg $0xC0  }
0xab: {  	_ =	task [dreg:s7], $0x5FFFF  }
0xac: {  	[dreg:$0x1] =	wrdreg $0xFFFFFFFF  }
0xad: {  	[dreg:$0x0] =	wrdreg $0x60  }
0xae: {  	[dreg:$0x2] =	wrdreg s2  }
0xaf: {  	[dreg:$0x3] =	wrdreg s24  }
0xb0: {  	[dreg:$0x4] =	wrdreg $0x6B000  }
0xb1: {  	[dreg:$0x5] =	wrdreg $0x9  }
0xb2: {  	_ =	task.clear_ibuf [dreg:s7], $0x6FFFF;
	_ =	strace $0x9000004C  }
0xb3: {  	s29 =	simm.s32 $0x9;
	_ =	strace $0x8000004E  }
0xb4: {  	_ =	swait.ge [sflag:s29], $0x1  }
0xb5: {  	[sflag:s29] =	ssyncadd.s32 $0xFFFFFFFF  }
0xb6: {  	_ =	strace $0x9000004E  }
0xb7: {  	_ =	sfence  }
0xb8: {  	s30 =	sld [smem:$0x0];
	_ =	sdelay $0x2  }
0xb9: {  	s31 =	sshll.u32 s1, $0xD;
	s1 =	sshrl.u32 s1, $0x2  }
0xba: {  	s3 =	sand.u32 $0x4000, s31;
	s1 =	sadd.s32 s1, s30  }
0xbb: {  	s0 =	sor.u32 s3, s0;
	s1 =	sshll.u32 s1, $0x11  }
0xbc: {  	s0 =	sor.u32 s1, s0  }
0xbd: {  	s0 =	sadd.s32 $0x8F2B, s0  }
0xbe: {  	[sflag:s0] =	ssyncadd.remote.s32 $0x1  }
0xbf: {  	_ =	sfence.sel $0xFFFF  }
0xc0: {  	[dreg:$0x0] =	wrdreg $0xFFFFFFFF;
	(pc) =	sbr.abs _section_cstart, $3  }
0xc1: {  	[dreg:$0x1] =	wrdreg $0xFFFFFFFF  }
0xc2: {  	_ =	task.clear_ibuf [dreg:s7], $0x2FFFF;
	_ =	strace $0x9FFFFFFF  }
0xc3: {  	(tm) =	ssettm $0x7FFFFFFF  }
tec
execute0_lowered:
.L_overlay_start_1:
0x0: {  	(tag) =	ssettag $0x1  }
0x1: {  	s1 =	rddreg [dreg:$0x0]  }
0x2: {  	s5 =	rddreg [dreg:$0x1]  }
0x3: {  	s3 =	rddreg [dreg:$0x2];
	s2 =	srdreg.scid  }
0x4: {  	s0 =	rddreg [dreg:$0x3];
	s4 =	simm.s32 $0x0;
	s13 =	simm.s32 $0x4  }
0x5: {  	s14 =	simm.s32 $0x2B00;
	s15 =	simm.s32 $0x80;
	s16 =	simm.s32 $0x2900  }
0x6: {  	s17 =	simm.s32 $0x1;
	s18 =	simm.s32 $0x2A00;
	s19 =	simm.s32 $0x2980  }
0x7: {  	s20 =	simm.s32 $0x4B00;
	s21 =	simm.s32 $0x2;
	s22 =	simm.s32 $0x2A80  }
0x8: {  	s23 =	simm.s32 $0x3;
	s6 =	sand.u32 $0x1, s2;
	s2 =	stileid.u32  }
0x9: {  	s25 =	simm.s32 $0x0;
	[smem:$0x7FF] =	sst s4;
	s7 =	smul.u32 $0xA0000, s6  }
0xa: {  	s8 =	sshll.u32 s2, $0x1;
	s9 =	smul.u32 $0xA000, s2;
	_ =	strace $0x8000004D  }
0xb: {  	s10 =	smul.u32 $0x28000, s2;
	s8 =	sor.u32 s6, s8;
	s6 =	ssub.s32 $0x2, s6  }
0xc: {  	s8 =	smul.u32 $0x520, s8;
	s7 =	sadd.s32 s9, s7;
	s30 =	sshrl.u32 s6, $0x1  }
0xd: {  	s31 =	sshrl.u32 s10, $0x2;
	s24 =	sadd.s32 s9, s3;
	s7 =	sshrl.u32 s7, $0x3  }
0xe: {  	s11 =	ssub.s32 s6, s30;
	s6 =	sadd.s32 s31, s3;
	s24 =	sshrl.u32 s24, $0x3  }
0xf: {  	s8 =	sadd.s32 s8, s5;
	s7 =	sadd.s32 s7, s5;
	s9 =	sadd.s32 $0x2000, s6  }
0x10: {  	s10 =	sadd.s32 $0x4000, s6;
	s12 =	sadd.s32 $0x8000, s6;
	s5 =	sadd.s32 $0x7A200, s8  }
0x11: {  	v0 =	vimm.f32 $0.0e+00;
	s7 =	sadd.s32 $0x2200, s7;
	s8 =	smax.u32 s11, $0x1;
	s11 =	sadd.s32 $0x6000, s6  }
.LBB2_1:
0x12: {  	[tilespmem:s4], [sflag:$0x4] =	stream.linear.gather [hbm4b:s5+s4], $0x2900, $0x38;
	[tilespmem:$0x10B00] =	vst v63  }
0x13: {  	_ =	swait.ge [sflag:s13], $0x2900  }
0x14: {  	[sflag:s13] =	ssyncset.done $0x0  }
0x15: {  	s28 =	simm.s32 $0x100;
	s26 =	simm.s32 $0x0;
	[sflag:s13] =	ssyncadd.s32 $0xFFFFD700  }
.LBB2_2:
0x16: {  	p0 =	sne.s32 s28, $0x7F00;
	[tilespmem:s26+$0x2B30] =	vst v0;
	s29 =	smov.u32 s28;
	s28 =	sadd.s32 $0x100, s28  }
.Ltmp0:
0x17: {  	[tilespmem:s26+$0x2B20] =	vst v0;
	(pc) =	sbr.rel @p0 .LBB2_2-.Ltmp0, $3  }
0x18: {  	[tilespmem:s26+$0x2B00] =	vst v0  }
0x19: {  	[tilespmem:s26+$0x2B10] =	vst v0;
	_ =	sdelay $0x1  }
0x1a: {  	s26 =	sshra.s32 s29, $0x2  }
0x1b: {  	[tilespmem:s26+$0x2B30] =	vst v0  }
0x1c: {  	[tilespmem:s26+$0x2B20] =	vst v0  }
0x1d: {  	[tilespmem:s26+$0x2B00] =	vst v0  }
0x1e: {  	[tilespmem:s26+$0x2B10] =	vst v0  }
0x1f: {  	[spmem:s6] =	stream.linear.scatter [tilespmem:s14], [sflag:$0x4], $0x2000, $0x38;
	[tilespmem:$0x10B00] =	vst v63  }
0x20: {  	_ =	swait.ge [sflag:s13], $0x2000  }
0x21: {  	[sflag:s13] =	ssyncset.done $0x0  }
0x22: {  	[sflag:s13] =	ssyncadd.s32 $0xFFFFE000  }
0x23: {  	[spmem:s9] =	stream.linear.scatter [tilespmem:s14], [sflag:$0x4], $0x2000, $0x38;
	[tilespmem:$0x10B00] =	vst v63  }
0x24: {  	_ =	swait.ge [sflag:s13], $0x2000  }
0x25: {  	[sflag:s13] =	ssyncset.done $0x0  }
0x26: {  	[sflag:s13] =	ssyncadd.s32 $0xFFFFE000  }
0x27: {  	[spmem:s10] =	stream.linear.scatter [tilespmem:s14], [sflag:$0x4], $0x2000, $0x38;
	[tilespmem:$0x10B00] =	vst v63  }
0x28: {  	_ =	swait.ge [sflag:s13], $0x2000  }
0x29: {  	[sflag:s13] =	ssyncset.done $0x0  }
0x2a: {  	[sflag:s13] =	ssyncadd.s32 $0xFFFFE000  }
0x2b: {  	[spmem:s11] =	stream.linear.scatter [tilespmem:s14], [sflag:$0x4], $0x2000, $0x38;
	[tilespmem:$0x10B00] =	vst v63  }
0x2c: {  	_ =	swait.ge [sflag:s13], $0x2000  }
0x2d: {  	[sflag:s13] =	ssyncset.done $0x0  }
0x2e: {  	[sflag:s13] =	ssyncadd.s32 $0xFFFFE000  }
0x2f: {  	[spmem:s12] =	stream.linear.scatter [tilespmem:s14], [sflag:$0x4], $0x2000, $0x38;
	[tilespmem:$0x10B00] =	vst v63  }
0x30: {  	_ =	swait.ge [sflag:s13], $0x2000  }
0x31: {  	[sflag:s13] =	ssyncset.done $0x0  }
0x32: {  	[sflag:s13] =	ssyncadd.s32 $0xFFFFE000  }
0x33: {  	[bflag:$0x0] =	sbarrier.arrive $0xFFFF  }
0x34: {  	v1 =	vld [tilespmem:$0x0];
	_ =	sdelay $0x1  }
0x35: {  	v2 =	vld [tilespmem:$0x10];
	_ =	sdelay $0x1  }
0x36: {  	v3 =	vld [tilespmem:$0x20]  }
0x37: {  	v4 =	vand.u32 $0x3FFF, v1  }
0x38: {  	v59 =	vld [tilespmem:$0x30];
	v1 =	vshra.s32 v1, $0xE;
	[tilespmem:$0x2900] =	vst v4  }
0x39: {  	[tilespmem:$0x2A00] =	vst v1;
	v1 =	vand.u32 $0x3FFF, v2  }
0x3a: {  	[tilespmem:$0x2910] =	vst v1;
	v1 =	vshra.s32 v2, $0xE;
	v2 =	vld [tilespmem:$0x40]  }
0x3b: {  	[tilespmem:$0x2A10] =	vst v1;
	v1 =	vand.u32 $0x3FFF, v3  }
0x3c: {  	[tilespmem:$0x2920] =	vst v1;
	v1 =	vshra.s32 v3, $0xE;
	v3 =	vld [tilespmem:$0x50]  }
0x3d: {  	[tilespmem:$0x2A20] =	vst v1;
	v1 =	vand.u32 $0x3FFF, v59  }
0x3e: {  	v60 =	vld [tilespmem:$0x60];
	[tilespmem:$0x2930] =	vst v1;
	v1 =	vshra.s32 v59, $0xE  }
0x3f: {  	[tilespmem:$0x2A30] =	vst v1;
	v1 =	vand.u32 $0x3FFF, v2  }
0x40: {  	[tilespmem:$0x2940] =	vst v1;
	v1 =	vshra.s32 v2, $0xE;
	v2 =	vld [tilespmem:$0x70]  }
0x41: {  	[tilespmem:$0x2A40] =	vst v1;
	v1 =	vand.u32 $0x3FFF, v3  }
0x42: {  	[tilespmem:$0x2950] =	vst v1;
	v1 =	vshra.s32 v3, $0xE  }
0x43: {  	[tilespmem:$0x2A50] =	vst v1;
	v1 =	vand.u32 $0x3FFF, v60  }
0x44: {  	[tilespmem:$0x2960] =	vst v1;
	v1 =	vshra.s32 v60, $0xE  }
0x45: {  	[tilespmem:$0x2A60] =	vst v1;
	v1 =	vand.u32 $0x3FFF, v2  }
0x46: {  	[tilespmem:$0x2970] =	vst v1;
	v1 =	vshra.s32 v2, $0xE  }
0x47: {  	[tilespmem:$0x2A70] =	vst v1  }
0x48: {  	[tilespmem:s14], [sflag:$0x1] =	stream.indirect.gather [hbm4b:s1+s15], $0x40, s16, s15, $0xb8;
	[tilespmem:$0x10B00] =	vst v63  }
0x49: {  	v1 =	vld [tilespmem:$0x80];
	_ =	sdelay $0x1  }
0x4a: {  	v2 =	vld [tilespmem:$0x90];
	_ =	sdelay $0x1  }
0x4b: {  	v3 =	vld [tilespmem:$0xA0]  }
0x4c: {  	v61 =	vand.u32 $0x3FFF, v1  }
0x4d: {  	v62 =	vld [tilespmem:$0xB0];
	v1 =	vshra.s32 v1, $0xE;
	[tilespmem:$0x2980] =	vst v61  }
0x4e: {  	[tilespmem:$0x2A80] =	vst v1;
	v1 =	vand.u32 $0x3FFF, v2  }
0x4f: {  	[tilespmem:$0x2990] =	vst v1;
	v1 =	vshra.s32 v2, $0xE;
	v2 =	vld [tilespmem:$0xC0]  }
0x50: {  	[tilespmem:$0x2A90] =	vst v1;
	v1 =	vand.u32 $0x3FFF, v3  }
0x51: {  	[tilespmem:$0x29A0] =	vst v1;
	v1 =	vshra.s32 v3, $0xE;
	v3 =	vld [tilespmem:$0xD0]  }
0x52: {  	[tilespmem:$0x2AA0] =	vst v1;
	v1 =	vand.u32 $0x3FFF, v62  }
0x53: {  	v63 =	vld [tilespmem:$0xE0];
	[tilespmem:$0x29B0] =	vst v1;
	v1 =	vshra.s32 v62, $0xE  }
0x54: {  	[tilespmem:$0x2AB0] =	vst v1;
	v1 =	vand.u32 $0x3FFF, v2  }
0x55: {  	[tilespmem:$0x29C0] =	vst v1;
	v1 =	vshra.s32 v2, $0xE;
	v2 =	vld [tilespmem:$0xF0]  }
0x56: {  	[tilespmem:$0x2AC0] =	vst v1;
	v1 =	vand.u32 $0x3FFF, v3  }
0x57: {  	[tilespmem:$0x29D0] =	vst v1;
	v1 =	vshra.s32 v3, $0xE  }
0x58: {  	[tilespmem:$0x2AD0] =	vst v1;
	v1 =	vand.u32 $0x3FFF, v63  }
0x59: {  	[tilespmem:$0x29E0] =	vst v1;
	v1 =	vshra.s32 v63, $0xE  }
0x5a: {  	[tilespmem:$0x2AE0] =	vst v1;
	v1 =	vand.u32 $0x3FFF, v2  }
0x5b: {  	[tilespmem:$0x29F0] =	vst v1;
	v1 =	vshra.s32 v2, $0xE  }
0x5c: {  	[tilespmem:$0x2AF0] =	vst v1  }
0x5d: {  	_ =	swait.ge [sflag:s17], $0x2000  }
0x5e: {  	[sflag:s17] =	ssyncset.done $0x0  }
0x5f: {  	[sflag:s17] =	ssyncadd.s32 $0xFFFFE000  }
0x60: {  	[spmem:s3] =	stream.indirect.scatter.add.f32 [tilespmem:s14], [sflag:$0x2], $0x40, s18, s15, $0xb8;
	[tilespmem:$0x10B00] =	vst v63  }
0x61: {  	_ = 	snop  }
0x62: {  	[tilespmem:s20], [sflag:$0x1] =	stream.indirect.gather [hbm4b:s1+s15], $0x40, s19, s15, $0xb8;
	[tilespmem:$0x10B00] =	vst v63  }
0x63: {  	_ =	swait.ge [sflag:s21], $0x2000  }
0x64: {  	[sflag:s21] =	ssyncset.done $0x0  }
0x65: {  	s26 =	simm.s32 $0x1F0;
	[sflag:s21] =	ssyncadd.s32 $0xFFFFE000  }
0x66: {  	v1 =	vld [tilespmem:s26+$0xFFFFFF10];
	_ =	sdelay $0x4  }
0x67: {  	v2 =	vand.u32 $0x3FFF, v1  }
0x68: {  	v1 =	vshra.s32 v1, $0xE;
	[tilespmem:$0x2900] =	vst v2  }
0x69: {  	[tilespmem:$0x2A00] =	vst v1  }
0x6a: {  	v1 =	vld [tilespmem:s26+$0xFFFFFF20];
	_ =	sdelay $0x4  }
0x6b: {  	v2 =	vand.u32 $0x3FFF, v1  }
0x6c: {  	v1 =	vshra.s32 v1, $0xE;
	[tilespmem:$0x2910] =	vst v2  }
0x6d: {  	[tilespmem:$0x2A10] =	vst v1  }
0x6e: {  	v1 =	vld [tilespmem:s26+$0xFFFFFF30];
	_ =	sdelay $0x4  }
0x6f: {  	v2 =	vand.u32 $0x3FFF, v1  }
0x70: {  	v1 =	vshra.s32 v1, $0xE;
	[tilespmem:$0x2920] =	vst v2  }
0x71: {  	[tilespmem:$0x2A20] =	vst v1  }
0x72: {  	v1 =	vld [tilespmem:s26+$0xFFFFFF40];
	_ =	sdelay $0x4  }
0x73: {  	v2 =	vand.u32 $0x3FFF, v1  }
0x74: {  	v1 =	vshra.s32 v1, $0xE;
	[tilespmem:$0x2930] =	vst v2  }
0x75: {  	[tilespmem:$0x2A30] =	vst v1  }
0x76: {  	v1 =	vld [tilespmem:s26+$0xFFFFFF50];
	_ =	sdelay $0x4  }
0x77: {  	v2 =	vand.u32 $0x3FFF, v1  }
0x78: {  	v1 =	vshra.s32 v1, $0xE;
	[tilespmem:$0x2940] =	vst v2  }
0x79: {  	[tilespmem:$0x2A40] =	vst v1  }
0x7a: {  	v1 =	vld [tilespmem:s26+$0xFFFFFF60];
	_ =	sdelay $0x4  }
0x7b: {  	v2 =	vand.u32 $0x3FFF, v1  }
0x7c: {  	v1 =	vshra.s32 v1, $0xE;
	[tilespmem:$0x2950] =	vst v2  }
0x7d: {  	[tilespmem:$0x2A50] =	vst v1  }
0x7e: {  	v1 =	vld [tilespmem:s26+$0xFFFFFF70];
	_ =	sdelay $0x4  }
0x7f: {  	v2 =	vand.u32 $0x3FFF, v1  }
0x80: {  	v1 =	vshra.s32 v1, $0xE;
	[tilespmem:$0x2960] =	vst v2  }
0x81: {  	[tilespmem:$0x2A60] =	vst v1  }
0x82: {  	v1 =	vld [tilespmem:s26+$0xFFFFFF80];
	_ =	sdelay $0x4  }
0x83: {  	v2 =	vand.u32 $0x3FFF, v1  }
0x84: {  	v1 =	vshra.s32 v1, $0xE;
	[tilespmem:$0x2970] =	vst v2  }
0x85: {  	[tilespmem:$0x2A70] =	vst v1  }
0x86: {  	_ =	swait.ge [sflag:s17], $0x2000  }
0x87: {  	[sflag:s17] =	ssyncset.done $0x0  }
0x88: {  	[sflag:s17] =	ssyncadd.s32 $0xFFFFE000  }
0x89: {  	[spmem:s3] =	stream.indirect.scatter.add.f32 [tilespmem:s20], [sflag:$0x3], $0x40, s22, s15, $0xb8;
	[tilespmem:$0x10B00] =	vst v63  }
0x8a: {  	_ = 	snop  }
0x8b: {  	[tilespmem:s14], [sflag:$0x1] =	stream.indirect.gather [hbm4b:s1+s15], $0x40, s16, s15, $0xb8;
	[tilespmem:$0x10B00] =	vst v63  }
0x8c: {  	_ =	swait.ge [sflag:s23], $0x2000  }
0x8d: {  	[sflag:s23] =	ssyncset.done $0x0  }
0x8e: {  	[sflag:s23] =	ssyncadd.s32 $0xFFFFE000  }
0x8f: {  	v1 =	vld [tilespmem:s26+$0xFFFFFF90];
	_ =	sdelay $0x4  }
0x90: {  	v2 =	vand.u32 $0x3FFF, v1  }
0x91: {  	v1 =	vshra.s32 v1, $0xE;
	[tilespmem:$0x2980] =	vst v2  }
0x92: {  	[tilespmem:$0x2A80] =	vst v1  }
0x93: {  	v1 =	vld [tilespmem:s26+$0xFFFFFFA0];
	_ =	sdelay $0x4  }
0x94: {  	v2 =	vand.u32 $0x3FFF, v1  }
0x95: {  	v1 =	vshra.s32 v1, $0xE;
	[tilespmem:$0x2990] =	vst v2  }
0x96: {  	[tilespmem:$0x2A90] =	vst v1  }
0x97: {  	v1 =	vld [tilespmem:s26+$0xFFFFFFB0];
	_ =	sdelay $0x4  }
0x98: {  	v2 =	vand.u32 $0x3FFF, v1  }
0x99: {  	v1 =	vshra.s32 v1, $0xE;
	[tilespmem:$0x29A0] =	vst v2  }
0x9a: {  	[tilespmem:$0x2AA0] =	vst v1  }
0x9b: {  	v1 =	vld [tilespmem:s26+$0xFFFFFFC0];
	_ =	sdelay $0x4  }
0x9c: {  	v2 =	vand.u32 $0x3FFF, v1  }
0x9d: {  	v1 =	vshra.s32 v1, $0xE;
	[tilespmem:$0x29B0] =	vst v2  }
0x9e: {  	[tilespmem:$0x2AB0] =	vst v1  }
0x9f: {  	v1 =	vld [tilespmem:s26+$0xFFFFFFD0];
	_ =	sdelay $0x4  }
0xa0: {  	v2 =	vand.u32 $0x3FFF, v1  }
0xa1: {  	v1 =	vshra.s32 v1, $0xE;
	[tilespmem:$0x29C0] =	vst v2  }
0xa2: {  	[tilespmem:$0x2AC0] =	vst v1  }
0xa3: {  	v1 =	vld [tilespmem:s26+$0xFFFFFFE0];
	_ =	sdelay $0x4  }
0xa4: {  	v2 =	vand.u32 $0x3FFF, v1  }
0xa5: {  	v1 =	vshra.s32 v1, $0xE;
	[tilespmem:$0x29D0] =	vst v2  }
0xa6: {  	[tilespmem:$0x2AD0] =	vst v1  }
0xa7: {  	s28 =	simm.s32 $0xBC0;
	v1 =	vld [tilespmem:s26+$0xFFFFFFF0]  }
.LBB2_4:
0xa8: {  	_ = 	snop  }
0xa9: {  	p0 =	sne.s32 s28, $0xA3C0;
	s29 =	smov.u32 s28;
	s28 =	sadd.s32 $0x400, s28  }
0xaa: {  	_ =	sdelay $0x1  }
0xab: {  	v2 =	vand.u32 $0x3FFF, v1;
	v1 =	vshra.s32 v1, $0xE  }
0xac: {  	[tilespmem:$0x29E0] =	vst v2  }
0xad: {  	[tilespmem:$0x2AE0] =	vst v1  }
0xae: {  	v1 =	vld [tilespmem:s26+$0x0];
	_ =	sdelay $0x4  }
0xaf: {  	v2 =	vand.u32 $0x3FFF, v1;
	v1 =	vshra.s32 v1, $0xE  }
0xb0: {  	[tilespmem:$0x29F0] =	vst v2  }
0xb1: {  	[tilespmem:$0x2AF0] =	vst v1  }
0xb2: {  	_ =	swait.ge [sflag:s17], $0x2000  }
0xb3: {  	[sflag:s17] =	ssyncset.done $0x0  }
0xb4: {  	[sflag:s17] =	ssyncadd.s32 $0xFFFFE000  }
0xb5: {  	[spmem:s3] =	stream.indirect.scatter.add.f32 [tilespmem:s14], [sflag:$0x2], $0x40, s18, s15, $0xb8;
	[tilespmem:$0x10B00] =	vst v63  }
0xb6: {  	_ = 	snop  }
0xb7: {  	[tilespmem:s20], [sflag:$0x1] =	stream.indirect.gather [hbm4b:s1+s15], $0x40, s19, s15, $0xb8;
	[tilespmem:$0x10B00] =	vst v63  }
0xb8: {  	_ =	swait.ge [sflag:s21], $0x2000  }
0xb9: {  	[sflag:s21] =	ssyncset.done $0x0  }
0xba: {  	s26 =	sshra.s32 s29, $0x2;
	[sflag:s21] =	ssyncadd.s32 $0xFFFFE000  }
0xbb: {  	v1 =	vld [tilespmem:s26+$0xFFFFFF10];
	_ =	sdelay $0x4  }
0xbc: {  	v2 =	vand.u32 $0x3FFF, v1;
	v1 =	vshra.s32 v1, $0xE  }
0xbd: {  	[tilespmem:$0x2900] =	vst v2  }
0xbe: {  	[tilespmem:$0x2A00] =	vst v1  }
0xbf: {  	v1 =	vld [tilespmem:s26+$0xFFFFFF20];
	_ =	sdelay $0x4  }
0xc0: {  	v2 =	vand.u32 $0x3FFF, v1;
	v1 =	vshra.s32 v1, $0xE  }
0xc1: {  	[tilespmem:$0x2910] =	vst v2  }
0xc2: {  	[tilespmem:$0x2A10] =	vst v1  }
0xc3: {  	v1 =	vld [tilespmem:s26+$0xFFFFFF30];
	_ =	sdelay $0x4  }
0xc4: {  	v2 =	vand.u32 $0x3FFF, v1;
	v1 =	vshra.s32 v1, $0xE  }
0xc5: {  	[tilespmem:$0x2920] =	vst v2  }
0xc6: {  	[tilespmem:$0x2A20] =	vst v1  }
0xc7: {  	v1 =	vld [tilespmem:s26+$0xFFFFFF40];
	_ =	sdelay $0x4  }
0xc8: {  	v2 =	vand.u32 $0x3FFF, v1;
	v1 =	vshra.s32 v1, $0xE  }
0xc9: {  	[tilespmem:$0x2930] =	vst v2  }
0xca: {  	[tilespmem:$0x2A30] =	vst v1  }
0xcb: {  	v1 =	vld [tilespmem:s26+$0xFFFFFF50];
	_ =	sdelay $0x4  }
0xcc: {  	v2 =	vand.u32 $0x3FFF, v1;
	v1 =	vshra.s32 v1, $0xE  }
0xcd: {  	[tilespmem:$0x2940] =	vst v2  }
0xce: {  	[tilespmem:$0x2A40] =	vst v1  }
0xcf: {  	v1 =	vld [tilespmem:s26+$0xFFFFFF60];
	_ =	sdelay $0x4  }
0xd0: {  	v2 =	vand.u32 $0x3FFF, v1;
	v1 =	vshra.s32 v1, $0xE  }
0xd1: {  	[tilespmem:$0x2950] =	vst v2  }
0xd2: {  	[tilespmem:$0x2A50] =	vst v1  }
0xd3: {  	v1 =	vld [tilespmem:s26+$0xFFFFFF70];
	_ =	sdelay $0x4  }
0xd4: {  	v2 =	vand.u32 $0x3FFF, v1;
	v1 =	vshra.s32 v1, $0xE  }
0xd5: {  	[tilespmem:$0x2960] =	vst v2  }
0xd6: {  	[tilespmem:$0x2A60] =	vst v1  }
0xd7: {  	v1 =	vld [tilespmem:s26+$0xFFFFFF80];
	_ =	sdelay $0x4  }
0xd8: {  	v2 =	vand.u32 $0x3FFF, v1;
	v1 =	vshra.s32 v1, $0xE  }
0xd9: {  	[tilespmem:$0x2970] =	vst v2  }
0xda: {  	[tilespmem:$0x2A70] =	vst v1  }
0xdb: {  	_ =	swait.ge [sflag:s17], $0x2000  }
0xdc: {  	[sflag:s17] =	ssyncset.done $0x0  }
0xdd: {  	[sflag:s17] =	ssyncadd.s32 $0xFFFFE000  }
0xde: {  	[spmem:s3] =	stream.indirect.scatter.add.f32 [tilespmem:s20], [sflag:$0x3], $0x40, s22, s15, $0xb8;
	[tilespmem:$0x10B00] =	vst v63  }
0xdf: {  	_ = 	snop  }
0xe0: {  	[tilespmem:s14], [sflag:$0x1] =	stream.indirect.gather [hbm4b:s1+s15], $0x40, s16, s15, $0xb8;
	[tilespmem:$0x10B00] =	vst v63  }
0xe1: {  	_ =	swait.ge [sflag:s23], $0x2000  }
0xe2: {  	[sflag:s23] =	ssyncset.done $0x0  }
0xe3: {  	[sflag:s23] =	ssyncadd.s32 $0xFFFFE000  }
0xe4: {  	v1 =	vld [tilespmem:s26+$0xFFFFFF90];
	_ =	sdelay $0x4  }
0xe5: {  	v2 =	vand.u32 $0x3FFF, v1;
	v1 =	vshra.s32 v1, $0xE  }
0xe6: {  	[tilespmem:$0x2980] =	vst v2  }
0xe7: {  	[tilespmem:$0x2A80] =	vst v1  }
0xe8: {  	v1 =	vld [tilespmem:s26+$0xFFFFFFA0];
	_ =	sdelay $0x4  }
0xe9: {  	v2 =	vand.u32 $0x3FFF, v1;
	v1 =	vshra.s32 v1, $0xE  }
0xea: {  	[tilespmem:$0x2990] =	vst v2  }
0xeb: {  	[tilespmem:$0x2A90] =	vst v1  }
0xec: {  	v1 =	vld [tilespmem:s26+$0xFFFFFFB0];
	_ =	sdelay $0x4  }
0xed: {  	v2 =	vand.u32 $0x3FFF, v1;
	v1 =	vshra.s32 v1, $0xE  }
0xee: {  	[tilespmem:$0x29A0] =	vst v2  }
0xef: {  	[tilespmem:$0x2AA0] =	vst v1  }
0xf0: {  	v1 =	vld [tilespmem:s26+$0xFFFFFFC0];
	_ =	sdelay $0x4  }
0xf1: {  	v2 =	vand.u32 $0x3FFF, v1;
	v1 =	vshra.s32 v1, $0xE  }
0xf2: {  	[tilespmem:$0x29B0] =	vst v2  }
0xf3: {  	[tilespmem:$0x2AB0] =	vst v1  }
0xf4: {  	v1 =	vld [tilespmem:s26+$0xFFFFFFD0];
	_ =	sdelay $0x4  }
0xf5: {  	v2 =	vand.u32 $0x3FFF, v1;
	v1 =	vshra.s32 v1, $0xE  }
0xf6: {  	[tilespmem:$0x29C0] =	vst v2  }
0xf7: {  	[tilespmem:$0x2AC0] =	vst v1  }
0xf8: {  	v1 =	vld [tilespmem:s26+$0xFFFFFFE0];
	_ =	sdelay $0x3  }
.Ltmp1:
0xf9: {  	(pc) =	sbr.rel @p0 .LBB2_4-.Ltmp1, $4  }
0xfa: {  	v2 =	vand.u32 $0x3FFF, v1;
	v1 =	vshra.s32 v1, $0xE  }
0xfb: {  	[tilespmem:$0x29D0] =	vst v2  }
0xfc: {  	[tilespmem:$0x2AD0] =	vst v1  }
0xfd: {  	v1 =	vld [tilespmem:s26+$0xFFFFFFF0]  }
0xfe: {  	_ =	sdelay $0x3  }
0xff: {  	v2 =	vand.u32 $0x3FFF, v1  }
0x100: {  	v1 =	vshra.s32 v1, $0xE;
	[tilespmem:$0x29E0] =	vst v2  }
0x101: {  	[tilespmem:$0x2AE0] =	vst v1  }
0x102: {  	v1 =	vld [tilespmem:s26+$0x0];
	_ =	sdelay $0x4  }
0x103: {  	v2 =	vand.u32 $0x3FFF, v1  }
0x104: {  	v1 =	vshra.s32 v1, $0xE;
	[tilespmem:$0x29F0] =	vst v2  }
0x105: {  	[tilespmem:$0x2AF0] =	vst v1  }
0x106: {  	_ =	swait.ge [sflag:s17], $0x2000  }
0x107: {  	s25 =	sadd.s32 $0x1, s25;
	[sflag:s17] =	ssyncset.done $0x0  }
0x108: {  	s31 =	sshll.u32 s2, $0x6;
	p0 =	sne.s32 s25, s8;
	[sflag:s17] =	ssyncadd.s32 $0xFFFFE000  }
.Ltmp2:
0x109: {  	s26 =	sor.u32 $0x1C04, s31;
	[bflag:$0x0] =	sbarrier.arrive $0xFFFF;
	(pc) =	sbr.rel @p0 .LBB2_1-.Ltmp2, $4  }
0x10a: {  	[hbm:s7], [sflag:s26] =	dma.local [spmem:s24], $0x1400  }
0x10b: {  	_ =	swait.ge [sflag:s13], $0x1400  }
0x10c: {  	[sflag:s13] =	ssyncset.done $0x0  }
0x10d: {  	[sflag:s13] =	ssyncadd.s32 $0xFFFFEC00  }
0x10e: {  	_ =	sfence.sel $0x180000  }
0x10f: {  	[bflag:$0x0] =	sbarrier.arrive $0xFFFF  }
0x110: {  	p0 =	sne.s32 s2, $0x0;
	_ =	strace $0x9000004D  }
0x111: {  	s0 =	sadd.s32 @!p0 $0x100000, s0;
	[bflag:$0x2] =	sbarrier.arrive $0xFFFF  }
0x112: {  	[sflag:s0] =	ssyncadd.tile.s32 @!p0 $0x1;
	_ =	shalt  }
.Lfunc_end2:
_tile_overlayer_lowered:
.L_overlay_start_2:
0x113: {  	(tag) =	ssettag $0x2  }
0x114: {  	s0 =	rddreg [dreg:$0x0];
	s2 =	stileid.u32  }
0x115: {  	s1 =	rddreg [dreg:$0x1];
	p0 =	sne.s32 s2, $0x0  }
0x116: {  	s3 =	rddreg [dreg:$0x2];
	[bflag:$0x3] =	sbarrier.arrive $0xFFFF;
	s2 =	simm.s32 @!p0 $0x1C04  }
0x117: {  	[timem:s3], [sflag:s2] =	dma.local @!p0 [hbm:s0], s1  }
0x118: {  	s0 =	simm.s32 @!p0 $0x4  }
0x119: {  	_ =	swait.ge @!p0 [sflag:s0], s1  }
0x11a: {  	s1 =	ssub.s32 @!p0 $0x0, s1;
	[sflag:s0] =	ssyncset.done @!p0 $0x0  }
0x11b: {  	[sflag:s0] =	ssyncadd.s32 @!p0 s1  }
0x11c: {  	[bflag:$0x3] =	sbarrier.arrive $0xFFFF  }
0x11d: {  	_ =	shalt  }

// kernel: kernel.8.cloned.1.call-start
scs
__scs_entry_jumppad:
0x0: {  	(pc) =	sbr.rel $0x88, $3  }
0x1: {  	(tag) =	ssettag $0x0;
	lr =	simm.s32 $0x1  }
0x2: {  	[smem:$0x3F9B] =	sst lr;
	_ =	strace $0xD0000000  }
0x3: {  	_ = 	snop  }
0x4: {  	_ = 	snop  }
0x5: {  	_ = 	snop  }
0x6: {  	_ = 	snop  }
0x7: {  	_ = 	snop  }
__scs_overlays_trampoline_lowered:
0x8: {  	[smem:$0x3FAA] =	sst s0  }
0x9: {  	[smem:$0x3FAB] =	sst s1  }
0xa: {  	[smem:$0x3FAC] =	sst s2  }
0xb: {  	[smem:$0x3FAD] =	sst s3  }
0xc: {  	[smem:$0x3FAE] =	sst s4  }
0xd: {  	[smem:$0x3FAF] =	sst s5  }
0xe: {  	[smem:$0x3FB0] =	sst s6  }
0xf: {  	[smem:$0x3FB1] =	sst s7  }
0x10: {  	[smem:$0x3FB2] =	sst s8  }
0x11: {  	[smem:$0x3FB3] =	sst s9;
	s0 =	simm.s32 @!p0 $0x0  }
0x12: {  	s1 =	sld [smem:$0x3F99];
	s0 =	simm.s32 @p0 $0x1  }
0x13: {  	[smem:$0x3FB4] =	sst s0;
	s0 =	simm.s32 @!p1 $0x0  }
0x14: {  	s2 =	sld [smem:$0x3F98];
	s0 =	simm.s32 @p1 $0x1  }
0x15: {  	[smem:$0x3FB5] =	sst s0;
	s0 =	simm.s32 @!p2 $0x0  }
0x16: {  	s3 =	sld [smem:$0x3FDB];
	s0 =	simm.s32 @p2 $0x1  }
0x17: {  	s4 =	simm.s32 $0x1BF5;
	[smem:$0x3FB7] =	sst s0  }
0x18: {  	s0 =	sld [smem:$0x3F9A];
	_ =	swait.ge [sflag:s4], $0x0  }
0x19: {  	s7 =	sld [smem:$0x3F9B]  }
0x1a: {  	s8 =	sadd.s32 $0xFFFFE003, lr  }
0x1b: {  	s9 =	sadd.s32 $0xFFFFFEF7, lr;
	s5 =	simm.s32 $0xFFFFFFFF;
	p2 =	slt.u32 s8, $0xFFFFF086  }
0x1c: {  	p1 =	slt.u32 s9, $0xF7A;
	s5 =	simm.s32 @!p2 $0x0  }
0x1d: {  	s5 =	simm.s32 @p1 $0x1;
	p0 =	seq.s32 s7, s2  }
0x1e: {  	s7 =	smul.u32 @!p0 $0xF7A, s2;
	p2 =	seq.s32 @!p0 s5, $0x0  }
0x1f: {  	s9 =	smul.u32 $0xF7A, s1;
	s8 =	simm.s32 @!p0 $0x1BF5;
	p2 =	por !p2, p0  }
0x20: {  	[sflag:s8] =	ssyncset.s32 @!p0 $0xFFFFF086;
	s6 =	sadd.s32 @!p0 s3, s7;
	s7 =	simm.s32 @!p0 $0x108  }
0x21: {  	s3 =	sadd.s32 s3, s9;
	s6 =	sadd.s32 @!p0 $0x88, s6;
	s7 =	simm.s32 @p2 $0x1082  }
0x22: {  	[simem:s7], [sflag:s8] =	dma.local @!p0 [hbm:s6], $0xF7A  }
0x23: {  	s9 =	sor.u32 $0xD0000000, s2;
	s6 =	simm.s32 $0x108;
	_ =	swait.ge @!p0 [sflag:s8], $0x0  }
0x24: {  	s3 =	sadd.s32 $0x88, s3;
	s6 =	simm.s32 @!p1 $0x1082;
	[sflag:s4] =	ssyncset.s32 $0xFFFFF086  }
0x25: {  	[simem:s6], [sflag:s4] =	dma.local [hbm:s3], $0xF7A  }
0x26: {  	[smem:$0x3F9B] =	sst s1;
	(tag) =	ssettag s2;
	_ =	strace s9  }
0x27: {  	s1 =	sld [smem:$0x3FAB]  }
0x28: {  	s2 =	sld [smem:$0x3FAC]  }
0x29: {  	s4 =	sld [smem:$0x3FAE]  }
0x2a: {  	p0 =	seq.s32 s5, $0x0;
	s5 =	sld [smem:$0x3FAF]  }
0x2b: {  	s6 =	sld [smem:$0x3FB0]  }
0x2c: {  	s7 =	sld [smem:$0x3FB1]  }
0x2d: {  	s3 =	simm.s32 $0x108;
	s8 =	sld [smem:$0x3FB2]  }
0x2e: {  	s3 =	simm.s32 @!p0 $0x1082;
	s9 =	sld [smem:$0x3FB3]  }
0x2f: {  	lr =	sadd.s32 s0, s3;
	s0 =	sld [smem:$0x3FAA]  }
0x30: {  	s3 =	sld [smem:$0x3FAD]  }
0x31: {  	[smem:$0x3FB6] =	sst s10  }
0x32: {  	s10 =	sld [smem:$0x3FB4];
	_ =	sdelay $0x3  }
0x33: {  	p0 =	seq.s32 s10, $0x1;
	s10 =	sld [smem:$0x3FB6];
	_ =	sdelay $0x3  }
0x34: {  	[smem:$0x3FB6] =	sst s10  }
0x35: {  	s10 =	sld [smem:$0x3FB5];
	_ =	sdelay $0x3  }
0x36: {  	p1 =	seq.s32 s10, $0x1;
	s10 =	sld [smem:$0x3FB6];
	_ =	sdelay $0x3  }
0x37: {  	[smem:$0x3FB6] =	sst s10  }
0x38: {  	s10 =	sld [smem:$0x3FB7]  }
0x39: {  	_ = 	snop;
	(pc) =	sbr.ind lr, $3  }
0x3a: {  	_ = 	snop  }
0x3b: {  	_ = 	snop  }
0x3c: {  	p2 =	seq.s32 s10, $0x1;
	s10 =	sld [smem:$0x3FB6]  }
0x3d: {  	_ =	shalt  }
0x3e: {  	_ =	shalt  }
0x3f: {  	_ =	shalt  }
0x40: {  	_ =	shalt  }
0x41: {  	_ =	shalt  }
0x42: {  	_ =	shalt  }
0x43: {  	_ =	shalt  }
0x44: {  	_ =	shalt  }
0x45: {  	_ =	shalt  }
0x46: {  	_ =	shalt  }
0x47: {  	_ =	shalt  }
0x48: {  	_ =	shalt  }
0x49: {  	_ =	shalt  }
0x4a: {  	_ =	shalt  }
0x4b: {  	_ =	shalt  }
0x4c: {  	_ =	shalt  }
0x4d: {  	_ =	shalt  }
0x4e: {  	_ =	shalt  }
0x4f: {  	_ =	shalt  }
0x50: {  	_ =	shalt  }
0x51: {  	_ =	shalt  }
0x52: {  	_ =	shalt  }
0x53: {  	_ =	shalt  }
0x54: {  	_ =	shalt  }
0x55: {  	_ =	shalt  }
0x56: {  	_ =	shalt  }
0x57: {  	_ =	shalt  }
0x58: {  	_ =	shalt  }
0x59: {  	_ =	shalt  }
0x5a: {  	_ =	shalt  }
0x5b: {  	_ =	shalt  }
0x5c: {  	_ =	shalt  }
0x5d: {  	_ =	shalt  }
0x5e: {  	_ =	shalt  }
0x5f: {  	_ =	shalt  }
0x60: {  	_ =	shalt  }
0x61: {  	_ =	shalt  }
0x62: {  	_ =	shalt  }
0x63: {  	_ =	shalt  }
0x64: {  	_ =	shalt  }
0x65: {  	_ =	shalt  }
0x66: {  	_ =	shalt  }
0x67: {  	_ =	shalt  }
0x68: {  	_ =	shalt  }
0x69: {  	_ =	shalt  }
0x6a: {  	_ =	shalt  }
0x6b: {  	_ =	shalt  }
0x6c: {  	_ =	shalt  }
0x6d: {  	_ =	shalt  }
0x6e: {  	_ =	shalt  }
0x6f: {  	_ =	shalt  }
0x70: {  	_ =	shalt  }
0x71: {  	_ =	shalt  }
0x72: {  	_ =	shalt  }
0x73: {  	_ =	shalt  }
0x74: {  	_ =	shalt  }
0x75: {  	_ =	shalt  }
0x76: {  	_ =	shalt  }
0x77: {  	_ =	shalt  }
0x78: {  	_ =	shalt  }
0x79: {  	_ =	shalt  }
0x7a: {  	_ =	shalt  }
0x7b: {  	_ =	shalt  }
0x7c: {  	_ =	shalt  }
0x7d: {  	_ =	shalt  }
0x7e: {  	_ =	shalt  }
0x7f: {  	_ =	shalt  }
0x80: {  	_ =	shalt  }
0x81: {  	_ =	shalt  }
0x82: {  	_ =	shalt  }
0x83: {  	_ =	shalt  }
0x84: {  	_ =	shalt  }
0x85: {  	_ =	shalt  }
0x86: {  	_ =	shalt  }
0x87: {  	_ =	shalt  }
.Lfunc_end0:
.L_simem_size_0:
called_computation_lowered:
.L_overlay_start_0:
0x88: {  	s2 =	sld [smem:$0x3FD9]  }
0x89: {  	s3 =	sld [smem:$0x3FFE];
	_ =	sdelay $0x1  }
0x8a: {  	s1 =	srdreg.scid  }
0x8b: {  	s0 =	sand.u32 $0x1, s1  }
0x8c: {  	s16 =	sshll.u32 s0, $0xA;
	s2 =	sadd.s32 s3, s2  }
0x8d: {  	s2 =	sadd.s32 s2, s16  }
0x8e: {  	[smem:$0x3FC2] =	sst s2  }
0x8f: {  	_ = 	snop  }
0x90: {  	(tm) =	ssettm $0x1  }
0x91: {  	s17 =	sld [smem:$0x3FFB];
	_ =	sdelay $0x3  }
0x92: {  	_ =	strace s17  }
0x93: {  	s2 =	sld [smem:$0x3FFC];
	_ =	sdelay $0x3  }
0x94: {  	_ =	strace s2  }
0x95: {  	s2 =	sld [smem:$0x3FFD];
	_ =	sdelay $0x3  }
0x96: {  	_ =	strace s2  }
0x97: {  	_ =	strace $0x8FFFFFFF  }
0x98: {  	s18 =	sld [smem:$0x3FDB];
	_ =	sdelay $0x1  }
0x99: {  	s19 =	simm.s32 $_scs_section_size  }
0x9a: {  	s4 =	simm.s32 $_size__tile_overlayer_lowered;
	s5 =	simm.s32 $_tile_overlayer_lowered  }
0x9b: {  	s22 =	simm.s32 $0x1BFF;
	s21 =	sshll.u32 s5, $0x1;
	s2 =	sadd.s32 s19, s18  }
0x9c: {  	s6 =	simm.s32 $0x0;
	s20 =	sshll.u32 s4, $0x1;
	s4 =	sadd.s32 s21, s2  }
0x9d: {  	[timem:s6], [sflag:s22] =	dma.local [hbm:s4], s20  }
0x9e: {  	_ =	swait.ge [sflag:s22], s20  }
0x9f: {  	s3 =	ssub.s32 $0x0, s20;
	[sflag:s22] =	ssyncset.done $0x0  }
0xa0: {  	[sflag:s22] =	ssyncadd.s32 s3;
	_ =	sdelay $0x1  }
0xa1: {  	s23 =	simm.s32 $0x1B8B  }
0xa2: {  	_ =	swait.ge [sflag:s23], $0x1  }
0xa3: {  	[sflag:s23] =	ssyncset.done $0x0  }
0xa4: {  	s25 =	simm.s32 $0x1B8E;
	s24 =	sld [smem:$0x3FFE];
	[sflag:s23] =	ssyncadd.s32 $0xFFFFFFFF  }
0xa5: {  	s26 =	simm.s32 $execute0_lowered;
	[smem:$0x3FD2] =	sst s25  }
0xa6: {  	s4 =	sshll.u32 s26, $0x1;
	_ =	strace $0x80000046;
	[dreg:$0x1] =	wrdreg $0xFFFFFFFF  }
0xa7: {  	s28 =	simm.s32 $_size_execute0_lowered;
	s2 =	sadd.s32 s2, s4;
	[dreg:$0x0] =	wrdreg $0x0  }
0xa8: {  	s4 =	sshll.u32 s28, $0x1;
	[dreg:$0x2] =	wrdreg s2  }
0xa9: {  	[dreg:$0x3] =	wrdreg s4  }
0xaa: {  	[dreg:$0x4] =	wrdreg $0xC0  }
0xab: {  	_ =	task [dreg:s6], $0x5FFFF  }
0xac: {  	[dreg:$0x1] =	wrdreg $0xFFFFFFFF  }
0xad: {  	[dreg:$0x0] =	wrdreg $0x60  }
0xae: {  	[dreg:$0x2] =	wrdreg s24  }
0xaf: {  	[dreg:$0x3] =	wrdreg $0x35000  }
0xb0: {  	[dreg:$0x4] =	wrdreg $0x9  }
0xb1: {  	_ =	task.clear_ibuf [dreg:s6], $0x5FFFF;
	_ =	strace $0x90000046  }
0xb2: {  	s29 =	simm.s32 $0x9;
	_ =	strace $0x80000048  }
0xb3: {  	_ =	swait.ge [sflag:s29], $0x1  }
0xb4: {  	[sflag:s29] =	ssyncadd.s32 $0xFFFFFFFF  }
0xb5: {  	_ =	strace $0x90000048  }
0xb6: {  	_ =	sfence  }
0xb7: {  	s30 =	sld [smem:$0x0];
	_ =	sdelay $0x2  }
0xb8: {  	s31 =	sshll.u32 s1, $0xD;
	s1 =	sshrl.u32 s1, $0x2  }
0xb9: {  	s3 =	sand.u32 $0x4000, s31;
	s1 =	sadd.s32 s1, s30  }
0xba: {  	s0 =	sor.u32 s3, s0;
	s1 =	sshll.u32 s1, $0x11  }
0xbb: {  	s0 =	sor.u32 s1, s0  }
0xbc: {  	s0 =	sadd.s32 $0x8F2B, s0  }
0xbd: {  	[sflag:s0] =	ssyncadd.remote.s32 $0x1  }
0xbe: {  	_ =	sfence.sel $0xFFFF  }
0xbf: {  	[dreg:$0x0] =	wrdreg $0xFFFFFFFF;
	(pc) =	sbr.abs _section_cstart, $3  }
0xc0: {  	[dreg:$0x1] =	wrdreg $0xFFFFFFFF  }
0xc1: {  	_ =	task.clear_ibuf [dreg:s6], $0x2FFFF;
	_ =	strace $0x9FFFFFFF  }
0xc2: {  	(tm) =	ssettm $0x7FFFFFFF  }
0xc3: {  	_ =	shalt  }
tec
execute0_lowered:
.L_overlay_start_1:
0x0: {  	(tag) =	ssettag $0x1  }
0x1: {  	s4 =	rddreg [dreg:$0x0];
	s0 =	srdreg.scid  }
0x2: {  	s2 =	rddreg [dreg:$0x1];
	s1 =	stileid.u32  }
0x3: {  	s3 =	simm.s32 $0x0;
	s17 =	simm.s32 $0x2;
	s18 =	simm.s32 $0x3100  }
0x4: {  	s19 =	simm.s32 $0x80;
	s20 =	simm.s32 $0x2900;
	s21 =	simm.s32 $0x1  }
0x5: {  	s24 =	simm.s32 $0x0;
	s5 =	sand.u32 $0x1, s0;
	s8 =	smul.u32 $0x2800, s1  }
0x6: {  	s0 =	rddreg [dreg:$0x2];
	s6 =	sshll.u32 s1, $0x1;
	s9 =	smul.u32 $0xA000, s1  }
0x7: {  	[smem:$0x7FF] =	sst s3;
	s22 =	sshll.u32 s1, $0x6;
	s7 =	smul.u32 $0x28000, s5  }
0x8: {  	s6 =	sor.u32 s5, s6;
	_ =	strace $0x80000047;
	s5 =	ssub.s32 $0x2, s5  }
0x9: {  	s22 =	sor.u32 $0x1C02, s22;
	s6 =	smul.u32 $0x520, s6;
	s31 =	sshrl.u32 s5, $0x1  }
0xa: {  	s9 =	sshrl.u32 s9, $0x2;
	s23 =	sadd.s32 s8, s2;
	s7 =	sadd.s32 s8, s7  }
0xb: {  	s10 =	ssub.s32 s5, s31;
	s5 =	sadd.s32 s9, s2;
	s23 =	sshrl.u32 s23, $0x3  }
0xc: {  	s6 =	sadd.s32 s6, s4;
	s7 =	sshrl.u32 s7, $0x3;
	s8 =	sadd.s32 $0x400, s5  }
0xd: {  	s9 =	sadd.s32 $0x800, s5;
	s11 =	sadd.s32 $0x1000, s5;
	s12 =	sadd.s32 $0x1400, s5  }
0xe: {  	s13 =	sadd.s32 $0x1800, s5;
	s14 =	sadd.s32 $0x1C00, s5;
	s15 =	sadd.s32 $0x2000, s5  }
0xf: {  	s16 =	sadd.s32 $0x2400, s5;
	s7 =	sadd.s32 s7, s4;
	s4 =	sadd.s32 $0x2200, s6  }
0x10: {  	v0 =	vimm.f32 $1.000000000e+00;
	v1 =	vimm.f32 $0.0e+00;
	s6 =	sadd.s32 $0xC600, s7;
	s7 =	smax.u32 s10, $0x1;
	s10 =	sadd.s32 $0xC00, s5  }
.LBB2_1:
0x11: {  	[tilespmem:s3], [sflag:$0x2] =	stream.linear.gather [hbm4b:s4+s3], $0x2900, $0x38;
	[tilespmem:$0x5D00] =	vst v63  }
0x12: {  	_ =	swait.ge [sflag:s17], $0x2900  }
0x13: {  	[sflag:s17] =	ssyncset.done $0x0  }
0x14: {  	[sflag:s17] =	ssyncadd.s32 $0xFFFFD700  }
0x15: {  	[tilespmem:$0x2900] =	vst v0  }
0x16: {  	[tilespmem:$0x2910] =	vst v0  }
0x17: {  	[tilespmem:$0x2920] =	vst v0  }
0x18: {  	[tilespmem:$0x2930] =	vst v0  }
0x19: {  	[tilespmem:$0x2940] =	vst v0  }
0x1a: {  	[tilespmem:$0x2950] =	vst v0  }
0x1b: {  	[tilespmem:$0x2960] =	vst v0  }
0x1c: {  	[tilespmem:$0x2970] =	vst v0  }
0x1d: {  	[tilespmem:$0x2980] =	vst v0  }
0x1e: {  	[tilespmem:$0x2990] =	vst v0  }
0x1f: {  	[tilespmem:$0x29A0] =	vst v0  }
0x20: {  	[tilespmem:$0x29B0] =	vst v0  }
0x21: {  	[tilespmem:$0x29C0] =	vst v0  }
0x22: {  	[tilespmem:$0x29D0] =	vst v0  }
0x23: {  	[tilespmem:$0x29E0] =	vst v0  }
0x24: {  	[tilespmem:$0x29F0] =	vst v0  }
0x25: {  	[tilespmem:$0x2A00] =	vst v0  }
0x26: {  	[tilespmem:$0x2A10] =	vst v0  }
0x27: {  	[tilespmem:$0x2A20] =	vst v0  }
0x28: {  	[tilespmem:$0x2A30] =	vst v0  }
0x29: {  	[tilespmem:$0x2A40] =	vst v0  }
0x2a: {  	[tilespmem:$0x2A50] =	vst v0  }
0x2b: {  	[tilespmem:$0x2A60] =	vst v0  }
0x2c: {  	[tilespmem:$0x2A70] =	vst v0  }
0x2d: {  	[tilespmem:$0x2A80] =	vst v0  }
0x2e: {  	[tilespmem:$0x2A90] =	vst v0  }
0x2f: {  	[tilespmem:$0x2AA0] =	vst v0  }
0x30: {  	[tilespmem:$0x2AB0] =	vst v0  }
0x31: {  	[tilespmem:$0x2AC0] =	vst v0  }
0x32: {  	[tilespmem:$0x2AD0] =	vst v0  }
0x33: {  	[tilespmem:$0x2AE0] =	vst v0  }
0x34: {  	[tilespmem:$0x2AF0] =	vst v0  }
0x35: {  	[tilespmem:$0x2B00] =	vst v0  }
0x36: {  	[tilespmem:$0x2B10] =	vst v0  }
0x37: {  	[tilespmem:$0x2B20] =	vst v0  }
0x38: {  	[tilespmem:$0x2B30] =	vst v0  }
0x39: {  	[tilespmem:$0x2B40] =	vst v0  }
0x3a: {  	[tilespmem:$0x2B50] =	vst v0  }
0x3b: {  	[tilespmem:$0x2B60] =	vst v0  }
0x3c: {  	[tilespmem:$0x2B70] =	vst v0  }
0x3d: {  	[tilespmem:$0x2B80] =	vst v0  }
0x3e: {  	[tilespmem:$0x2B90] =	vst v0  }
0x3f: {  	[tilespmem:$0x2BA0] =	vst v0  }
0x40: {  	[tilespmem:$0x2BB0] =	vst v0  }
0x41: {  	[tilespmem:$0x2BC0] =	vst v0  }
0x42: {  	[tilespmem:$0x2BD0] =	vst v0  }
0x43: {  	[tilespmem:$0x2BE0] =	vst v0  }
0x44: {  	[tilespmem:$0x2BF0] =	vst v0  }
0x45: {  	[tilespmem:$0x2C00] =	vst v0  }
0x46: {  	[tilespmem:$0x2C10] =	vst v0  }
0x47: {  	[tilespmem:$0x2C20] =	vst v0  }
0x48: {  	[tilespmem:$0x2C30] =	vst v0  }
0x49: {  	[tilespmem:$0x2C40] =	vst v0  }
0x4a: {  	[tilespmem:$0x2C50] =	vst v0  }
0x4b: {  	[tilespmem:$0x2C60] =	vst v0  }
0x4c: {  	[tilespmem:$0x2C70] =	vst v0  }
0x4d: {  	[tilespmem:$0x2C80] =	vst v0  }
0x4e: {  	[tilespmem:$0x2C90] =	vst v0  }
0x4f: {  	[tilespmem:$0x2CA0] =	vst v0  }
0x50: {  	[tilespmem:$0x2CB0] =	vst v0  }
0x51: {  	[tilespmem:$0x2CC0] =	vst v0  }
0x52: {  	[tilespmem:$0x2CD0] =	vst v0  }
0x53: {  	[tilespmem:$0x2CE0] =	vst v0  }
0x54: {  	[tilespmem:$0x2CF0] =	vst v0  }
0x55: {  	[tilespmem:$0x2D00] =	vst v0  }
0x56: {  	[tilespmem:$0x2D10] =	vst v0  }
0x57: {  	[tilespmem:$0x2D20] =	vst v0  }
0x58: {  	[tilespmem:$0x2D30] =	vst v0  }
0x59: {  	[tilespmem:$0x2D40] =	vst v0  }
0x5a: {  	[tilespmem:$0x2D50] =	vst v0  }
0x5b: {  	[tilespmem:$0x2D60] =	vst v0  }
0x5c: {  	[tilespmem:$0x2D70] =	vst v0  }
0x5d: {  	[tilespmem:$0x2D80] =	vst v0  }
0x5e: {  	[tilespmem:$0x2D90] =	vst v0  }
0x5f: {  	[tilespmem:$0x2DA0] =	vst v0  }
0x60: {  	[tilespmem:$0x2DB0] =	vst v0  }
0x61: {  	[tilespmem:$0x2DC0] =	vst v0  }
0x62: {  	[tilespmem:$0x2DD0] =	vst v0  }
0x63: {  	[tilespmem:$0x2DE0] =	vst v0  }
0x64: {  	[tilespmem:$0x2DF0] =	vst v0  }
0x65: {  	[tilespmem:$0x2E00] =	vst v0  }
0x66: {  	[tilespmem:$0x2E10] =	vst v0  }
0x67: {  	[tilespmem:$0x2E20] =	vst v0  }
0x68: {  	[tilespmem:$0x2E30] =	vst v0  }
0x69: {  	[tilespmem:$0x2E40] =	vst v0  }
0x6a: {  	[tilespmem:$0x2E50] =	vst v0  }
0x6b: {  	[tilespmem:$0x2E60] =	vst v0  }
0x6c: {  	[tilespmem:$0x2E70] =	vst v0  }
0x6d: {  	[tilespmem:$0x2E80] =	vst v0  }
0x6e: {  	[tilespmem:$0x2E90] =	vst v0  }
0x6f: {  	[tilespmem:$0x2EA0] =	vst v0  }
0x70: {  	[tilespmem:$0x2EB0] =	vst v0  }
0x71: {  	[tilespmem:$0x2EC0] =	vst v0  }
0x72: {  	[tilespmem:$0x2ED0] =	vst v0  }
0x73: {  	[tilespmem:$0x2EE0] =	vst v0  }
0x74: {  	[tilespmem:$0x2EF0] =	vst v0  }
0x75: {  	[tilespmem:$0x2F00] =	vst v0  }
0x76: {  	[tilespmem:$0x2F10] =	vst v0  }
0x77: {  	[tilespmem:$0x2F20] =	vst v0  }
0x78: {  	[tilespmem:$0x2F30] =	vst v0  }
0x79: {  	[tilespmem:$0x2F40] =	vst v0  }
0x7a: {  	[tilespmem:$0x2F50] =	vst v0  }
0x7b: {  	[tilespmem:$0x2F60] =	vst v0  }
0x7c: {  	[tilespmem:$0x2F70] =	vst v0  }
0x7d: {  	[tilespmem:$0x2F80] =	vst v0  }
0x7e: {  	[tilespmem:$0x2F90] =	vst v0  }
0x7f: {  	[tilespmem:$0x2FA0] =	vst v0  }
0x80: {  	[tilespmem:$0x2FB0] =	vst v0  }
0x81: {  	[tilespmem:$0x2FC0] =	vst v0  }
0x82: {  	[tilespmem:$0x2FD0] =	vst v0  }
0x83: {  	[tilespmem:$0x2FE0] =	vst v0  }
0x84: {  	[tilespmem:$0x2FF0] =	vst v0  }
0x85: {  	[tilespmem:$0x3000] =	vst v0  }
0x86: {  	[tilespmem:$0x3010] =	vst v0  }
0x87: {  	[tilespmem:$0x3020] =	vst v0  }
0x88: {  	[tilespmem:$0x3030] =	vst v0  }
0x89: {  	[tilespmem:$0x3040] =	vst v0  }
0x8a: {  	[tilespmem:$0x3050] =	vst v0  }
0x8b: {  	[tilespmem:$0x3060] =	vst v0  }
0x8c: {  	[tilespmem:$0x3070] =	vst v0  }
0x8d: {  	[tilespmem:$0x3080] =	vst v0  }
0x8e: {  	[tilespmem:$0x3090] =	vst v0  }
0x8f: {  	[tilespmem:$0x30A0] =	vst v0  }
0x90: {  	[tilespmem:$0x30B0] =	vst v0  }
0x91: {  	[tilespmem:$0x30C0] =	vst v0  }
0x92: {  	[tilespmem:$0x30D0] =	vst v0  }
0x93: {  	[tilespmem:$0x30E0] =	vst v0  }
0x94: {  	[tilespmem:$0x30F0] =	vst v0  }
0x95: {  	[tilespmem:$0x3100] =	vst v1  }
0x96: {  	[tilespmem:$0x3110] =	vst v1  }
0x97: {  	[tilespmem:$0x3120] =	vst v1  }
0x98: {  	[tilespmem:$0x3130] =	vst v1  }
0x99: {  	[tilespmem:$0x3140] =	vst v1  }
0x9a: {  	[tilespmem:$0x3150] =	vst v1  }
0x9b: {  	[tilespmem:$0x3160] =	vst v1  }
0x9c: {  	[tilespmem:$0x3170] =	vst v1  }
0x9d: {  	[tilespmem:$0x3180] =	vst v1  }
0x9e: {  	[tilespmem:$0x3190] =	vst v1  }
0x9f: {  	[tilespmem:$0x31A0] =	vst v1  }
0xa0: {  	[tilespmem:$0x31B0] =	vst v1  }
0xa1: {  	[tilespmem:$0x31C0] =	vst v1  }
0xa2: {  	[tilespmem:$0x31D0] =	vst v1  }
0xa3: {  	[tilespmem:$0x31E0] =	vst v1  }
0xa4: {  	[tilespmem:$0x31F0] =	vst v1  }
0xa5: {  	[tilespmem:$0x3200] =	vst v1  }
0xa6: {  	[tilespmem:$0x3210] =	vst v1  }
0xa7: {  	[tilespmem:$0x3220] =	vst v1  }
0xa8: {  	[tilespmem:$0x3230] =	vst v1  }
0xa9: {  	[tilespmem:$0x3240] =	vst v1  }
0xaa: {  	[tilespmem:$0x3250] =	vst v1  }
0xab: {  	[tilespmem:$0x3260] =	vst v1  }
0xac: {  	[tilespmem:$0x3270] =	vst v1  }
0xad: {  	[tilespmem:$0x3280] =	vst v1  }
0xae: {  	[tilespmem:$0x3290] =	vst v1  }
0xaf: {  	[tilespmem:$0x32A0] =	vst v1  }
0xb0: {  	[tilespmem:$0x32B0] =	vst v1  }
0xb1: {  	[tilespmem:$0x32C0] =	vst v1  }
0xb2: {  	[tilespmem:$0x32D0] =	vst v1  }
0xb3: {  	[tilespmem:$0x32E0] =	vst v1  }
0xb4: {  	[tilespmem:$0x32F0] =	vst v1  }
0xb5: {  	[tilespmem:$0x3300] =	vst v1  }
0xb6: {  	[tilespmem:$0x3310] =	vst v1  }
0xb7: {  	[tilespmem:$0x3320] =	vst v1  }
0xb8: {  	[tilespmem:$0x3330] =	vst v1  }
0xb9: {  	[tilespmem:$0x3340] =	vst v1  }
0xba: {  	[tilespmem:$0x3350] =	vst v1  }
0xbb: {  	[tilespmem:$0x3360] =	vst v1  }
0xbc: {  	[tilespmem:$0x3370] =	vst v1  }
0xbd: {  	[tilespmem:$0x3380] =	vst v1  }
0xbe: {  	[tilespmem:$0x3390] =	vst v1  }
0xbf: {  	[tilespmem:$0x33A0] =	vst v1  }
0xc0: {  	[tilespmem:$0x33B0] =	vst v1  }
0xc1: {  	[tilespmem:$0x33C0] =	vst v1  }
0xc2: {  	[tilespmem:$0x33D0] =	vst v1  }
0xc3: {  	[tilespmem:$0x33E0] =	vst v1  }
0xc4: {  	[tilespmem:$0x33F0] =	vst v1  }
0xc5: {  	[tilespmem:$0x3400] =	vst v1  }
0xc6: {  	[tilespmem:$0x3410] =	vst v1  }
0xc7: {  	[tilespmem:$0x3420] =	vst v1  }
0xc8: {  	[tilespmem:$0x3430] =	vst v1  }
0xc9: {  	[tilespmem:$0x3440] =	vst v1  }
0xca: {  	[tilespmem:$0x3450] =	vst v1  }
0xcb: {  	[tilespmem:$0x3460] =	vst v1  }
0xcc: {  	[tilespmem:$0x3470] =	vst v1  }
0xcd: {  	[tilespmem:$0x3480] =	vst v1  }
0xce: {  	[tilespmem:$0x3490] =	vst v1  }
0xcf: {  	[tilespmem:$0x34A0] =	vst v1  }
0xd0: {  	[tilespmem:$0x34B0] =	vst v1  }
0xd1: {  	[tilespmem:$0x34C0] =	vst v1  }
0xd2: {  	[tilespmem:$0x34D0] =	vst v1  }
0xd3: {  	[tilespmem:$0x34E0] =	vst v1  }
0xd4: {  	[tilespmem:$0x34F0] =	vst v1  }
0xd5: {  	[spmem:s5] =	stream.linear.scatter [tilespmem:s18], [sflag:$0x2], $0x400, $0x38;
	[tilespmem:$0x5D00] =	vst v63  }
0xd6: {  	_ =	swait.ge [sflag:s17], $0x400  }
0xd7: {  	[sflag:s17] =	ssyncset.done $0x0  }
0xd8: {  	[sflag:s17] =	ssyncadd.s32 $0xFFFFFC00  }
0xd9: {  	[spmem:s8] =	stream.linear.scatter [tilespmem:s18], [sflag:$0x2], $0x400, $0x38;
	[tilespmem:$0x5D00] =	vst v63  }
0xda: {  	_ =	swait.ge [sflag:s17], $0x400  }
0xdb: {  	[sflag:s17] =	ssyncset.done $0x0  }
0xdc: {  	[sflag:s17] =	ssyncadd.s32 $0xFFFFFC00  }
0xdd: {  	[spmem:s9] =	stream.linear.scatter [tilespmem:s18], [sflag:$0x2], $0x400, $0x38;
	[tilespmem:$0x5D00] =	vst v63  }
0xde: {  	_ =	swait.ge [sflag:s17], $0x400  }
0xdf: {  	[sflag:s17] =	ssyncset.done $0x0  }
0xe0: {  	[sflag:s17] =	ssyncadd.s32 $0xFFFFFC00  }
0xe1: {  	[spmem:s10] =	stream.linear.scatter [tilespmem:s18], [sflag:$0x2], $0x400, $0x38;
	[tilespmem:$0x5D00] =	vst v63  }
0xe2: {  	_ =	swait.ge [sflag:s17], $0x400  }
0xe3: {  	[sflag:s17] =	ssyncset.done $0x0  }
0xe4: {  	[sflag:s17] =	ssyncadd.s32 $0xFFFFFC00  }
0xe5: {  	[spmem:s11] =	stream.linear.scatter [tilespmem:s18], [sflag:$0x2], $0x400, $0x38;
	[tilespmem:$0x5D00] =	vst v63  }
0xe6: {  	_ =	swait.ge [sflag:s17], $0x400  }
0xe7: {  	[sflag:s17] =	ssyncset.done $0x0  }
0xe8: {  	[sflag:s17] =	ssyncadd.s32 $0xFFFFFC00  }
0xe9: {  	[spmem:s12] =	stream.linear.scatter [tilespmem:s18], [sflag:$0x2], $0x400, $0x38;
	[tilespmem:$0x5D00] =	vst v63  }
0xea: {  	_ =	swait.ge [sflag:s17], $0x400  }
0xeb: {  	[sflag:s17] =	ssyncset.done $0x0  }
0xec: {  	[sflag:s17] =	ssyncadd.s32 $0xFFFFFC00  }
0xed: {  	[spmem:s13] =	stream.linear.scatter [tilespmem:s18], [sflag:$0x2], $0x400, $0x38;
	[tilespmem:$0x5D00] =	vst v63  }
0xee: {  	_ =	swait.ge [sflag:s17], $0x400  }
0xef: {  	[sflag:s17] =	ssyncset.done $0x0  }
0xf0: {  	[sflag:s17] =	ssyncadd.s32 $0xFFFFFC00  }
0xf1: {  	[spmem:s14] =	stream.linear.scatter [tilespmem:s18], [sflag:$0x2], $0x400, $0x38;
	[tilespmem:$0x5D00] =	vst v63  }
0xf2: {  	_ =	swait.ge [sflag:s17], $0x400  }
0xf3: {  	[sflag:s17] =	ssyncset.done $0x0  }
0xf4: {  	[sflag:s17] =	ssyncadd.s32 $0xFFFFFC00  }
0xf5: {  	[spmem:s15] =	stream.linear.scatter [tilespmem:s18], [sflag:$0x2], $0x400, $0x38;
	[tilespmem:$0x5D00] =	vst v63  }
0xf6: {  	_ =	swait.ge [sflag:s17], $0x400  }
0xf7: {  	[sflag:s17] =	ssyncset.done $0x0  }
0xf8: {  	[sflag:s17] =	ssyncadd.s32 $0xFFFFFC00  }
0xf9: {  	[spmem:s16] =	stream.linear.scatter [tilespmem:s18], [sflag:$0x2], $0x400, $0x38;
	[tilespmem:$0x5D00] =	vst v63  }
0xfa: {  	_ =	swait.ge [sflag:s17], $0x400  }
0xfb: {  	[sflag:s17] =	ssyncset.done $0x0  }
0xfc: {  	[sflag:s17] =	ssyncadd.s32 $0xFFFFFC00  }
0xfd: {  	[bflag:$0x0] =	sbarrier.arrive $0xFFFF  }
0xfe: {  	[spmem:s2] =	stream.indirect.scatter.add.f32 [tilespmem:s20], [sflag:$0x1], $0x10, s3, s19, $0xb8;
	[tilespmem:$0x5D00] =	vst v63  }
0xff: {  	s25 =	simm.s32 $0x80  }
0x100: {  	[spmem:s2] =	stream.indirect.scatter.add.f32 [tilespmem:s20], [sflag:$0x1], $0x10, s25, s19, $0xb8;
	[tilespmem:$0x5D00] =	vst v63  }
0x101: {  	_ =	swait.ge [sflag:s21], $0x800  }
0x102: {  	s25 =	simm.s32 $0x400;
	[sflag:s21] =	ssyncset.done $0x0  }
.LBB2_2:
0x103: {  	s26 =	sshra.s32 s25, $0x2;
	[sflag:s21] =	ssyncadd.s32 $0xFFFFF800;
	p0 =	sne.s32 s25, $0x9E00  }
0x104: {  	[spmem:s2] =	stream.indirect.scatter.add.f32 [tilespmem:s20], [sflag:$0x1], $0x10, s26, s19, $0xb8;
	[tilespmem:$0x5D00] =	vst v63  }
.Ltmp0:
0x105: {  	_ = 	snop;
	(pc) =	sbr.rel @p0 .LBB2_2-.Ltmp0, $4  }
0x106: {  	_ = 	snop  }
0x107: {  	s25 =	sadd.s32 $0x200, s25  }
0x108: {  	_ =	swait.ge [sflag:s21], $0x800  }
0x109: {  	[sflag:s21] =	ssyncset.done $0x0  }
0x10a: {  	[sflag:s21] =	ssyncadd.s32 $0xFFFFF800  }
0x10b: {  	_ =	swait.ge [sflag:s21], $0x800  }
0x10c: {  	s24 =	sadd.s32 $0x1, s24;
	[sflag:s21] =	ssyncset.done $0x0  }
0x10d: {  	p0 =	sne.s32 s24, s7;
	[sflag:s21] =	ssyncadd.s32 $0xFFFFF800  }
.Ltmp1:
0x10e: {  	[bflag:$0x0] =	sbarrier.arrive $0xFFFF;
	(pc) =	sbr.rel @p0 .LBB2_1-.Ltmp1, $4  }
0x10f: {  	[hbm:s6], [sflag:s22] =	dma.local [spmem:s23], $0x500  }
0x110: {  	_ =	swait.ge [sflag:s17], $0x500  }
0x111: {  	[sflag:s17] =	ssyncset.done $0x0  }
0x112: {  	[sflag:s17] =	ssyncadd.s32 $0xFFFFFB00  }
0x113: {  	_ =	sfence.sel $0x180000  }
0x114: {  	[bflag:$0x0] =	sbarrier.arrive $0xFFFF  }
0x115: {  	p0 =	sne.s32 s1, $0x0;
	_ =	strace $0x90000047  }
0x116: {  	s0 =	sadd.s32 @!p0 $0x100000, s0;
	[bflag:$0x2] =	sbarrier.arrive $0xFFFF  }
0x117: {  	[sflag:s0] =	ssyncadd.tile.s32 @!p0 $0x1;
	_ =	shalt  }
.Lfunc_end2:
_tile_overlayer_lowered:
.L_overlay_start_2:
0x118: {  	(tag) =	ssettag $0x2  }
0x119: {  	s0 =	rddreg [dreg:$0x0];
	s2 =	stileid.u32  }
0x11a: {  	s1 =	rddreg [dreg:$0x1];
	p0 =	sne.s32 s2, $0x0  }
0x11b: {  	s3 =	rddreg [dreg:$0x2];
	[bflag:$0x3] =	sbarrier.arrive $0xFFFF;
	s2 =	simm.s32 @!p0 $0x1C02  }
0x11c: {  	[timem:s3], [sflag:s2] =	dma.local @!p0 [hbm:s0], s1  }
0x11d: {  	s0 =	simm.s32 @!p0 $0x2  }
0x11e: {  	_ =	swait.ge @!p0 [sflag:s0], s1  }
0x11f: {  	s1 =	ssub.s32 @!p0 $0x0, s1;
	[sflag:s0] =	ssyncset.done @!p0 $0x0  }
0x120: {  	[sflag:s0] =	ssyncadd.s32 @!p0 s1  }
0x121: {  	[bflag:$0x3] =	sbarrier.arrive $0xFFFF  }
0x122: {  	_ =	shalt  }

</sc_bundles>
